<compile_context>
chip_gen: v7x
topology: tpu7x:2x2x1
jax: 0.10.2.dev20260603
libtpu: 0.0.44.dev20260713+nightly
codegen_flags: <defaults>
</compile_context>

<pallas_src>
import functools

import jax
from jax import lax
from jax.experimental import pallas as pl
from jax.experimental.pallas import tpu as pltpu
from jax.experimental.pallas import tpu_sc as plsc


_CB = 32
_NBUF = 3


def _sc_body(w_hbm, o_hbm, bufs, in_sems, out_sems, *, bsz, dim, cb,
             rows_per_w, nchunks, nbuf, num_subcores):
    c = lax.axis_index("c")
    s = lax.axis_index("s")
    wid = c * num_subcores + s
    base = wid * rows_per_w

    def in_copy(k):
        sl = k % nbuf
        return pltpu.make_async_copy(
            w_hbm.at[pl.ds(base + k * cb, cb), :], bufs.at[sl],
            in_sems.at[sl])

    def out_copy(k, b):
        sl = k % nbuf
        return pltpu.make_async_copy(
            bufs.at[sl],
            o_hbm.at[pl.ds(base + k * cb, cb), b, :],
            out_sems.at[sl, b])

    for k in range(min(nbuf, nchunks)):
        in_copy(k).start()
    for k in range(nchunks):
        in_copy(k).wait()
        for b in range(bsz):
            out_copy(k, b).start()
        j = k - (nbuf - 1)
        if j >= 0:
            for b in range(bsz):
                out_copy(j, b).wait()
            if j + nbuf < nchunks:
                in_copy(j + nbuf).start()
    for j in range(max(0, nchunks - nbuf + 1), nchunks):
        for b in range(bsz):
            out_copy(j, b).wait()


def kernel(input, weights):
    seq_len, bsz = input.shape
    init_size, dim = weights.shape
    info = plsc.get_sparse_core_info()
    nw = info.num_cores * info.num_subcores
    rows_per_w = seq_len // nw
    cb = _CB if rows_per_w % _CB == 0 else rows_per_w
    nchunks = rows_per_w // cb
    nbuf = min(_NBUF, nchunks)
    mesh = plsc.VectorSubcoreMesh(core_axis_name="c", subcore_axis_name="s")
    body = functools.partial(
        _sc_body, bsz=bsz, dim=dim, cb=cb, rows_per_w=rows_per_w,
        nchunks=nchunks, nbuf=nbuf, num_subcores=info.num_subcores)
    return pl.kernel(
        body,
        out_type=jax.ShapeDtypeStruct((seq_len, bsz, dim), weights.dtype),
        mesh=mesh,
        scratch_types=[
            pltpu.VMEM((nbuf, cb, dim), weights.dtype),
            pltpu.SemaphoreType.DMA((nbuf,)),
            pltpu.SemaphoreType.DMA((nbuf, bsz)),
        ],
    )(weights[:seq_len])

# --- scband reference (transcript-rebuilt; emitter-appended) ---
"""Pipeline reference for scband-learned-positional-embedding-67912022884595 (READ-ONLY COPY).

The authoritative reference and input builder live on the scoring server;
editing this copy changes nothing except your own understanding.
"""

import jax, jax.numpy as jnp
import numpy as np

SEQ_LEN = 8192
BSZ = 4
EMBED_DIM = 1024
INIT_SIZE = 8192

def setup_inputs(seed: int = 0) -> dict:
    key = jax.random.key(seed)
    k1, k2 = jax.random.split(key)
    inp = jax.random.randint(k1, (SEQ_LEN, BSZ), 0, 1000, dtype=jnp.int64) if jax.config.jax_enable_x64 else jax.random.randint(k1, (SEQ_LEN, BSZ), 0, 1000, dtype=jnp.int32)
    weights = jax.random.normal(k2, (INIT_SIZE, EMBED_DIM), dtype=jnp.float32) * 0.02
    return {"input": inp, "weights": weights}

def reference(input, weights):
    # Input is expected to be of size [seq_len x bsz]; only its shape is used.
    seq_len, bsz = input.shape
    offset = 0
    positions = offset + jnp.arange(seq_len)
    emb = jnp.take(weights, positions, axis=0)            # [seq_len, embedding_dim]
    res = jnp.broadcast_to(emb[:, None, :], (seq_len, bsz, emb.shape[-1]))  # [seq_len, bsz, dim]
    return res

if __name__ == "__main__":
    import jax
    _d = setup_inputs()
    print(jax.jit(kernel)(*tuple(_d.values())))

</pallas_src>

<mosaic_0001>
#map = affine_map<(d0, d1) -> (0, 0)>
#map1 = affine_map<(d0, d1) -> (0, 0, 0)>
module attributes {stable_mosaic.version = 14 : i64} {
  func.func @_sc_body(%arg0: i32, %arg1: i32, %arg2: memref<8192x1024xf32, #tpu.memory_space<hbm>>, %arg3: memref<8192x4x1024xf32, #tpu.memory_space<hbm>>, %arg4: memref<3x32x1024xf32, #tpu.memory_space<vmem>>, %arg5: memref<3x!tpu.dma_semaphore, #tpu.memory_space<semaphore_mem>>, %arg6: memref<3x4x!tpu.dma_semaphore, #tpu.memory_space<semaphore_mem>>) attributes {dimension_semantics = [#tpu.dimension_semantics<core_parallel>, #tpu.dimension_semantics<subcore_parallel>], iteration_bounds = array<i64: 2, 16>, scalar_prefetch = 0 : i64, scratch_operands = 3 : i64, tpu.core_type = #tpu.core_type<sc_vector_subcore>, window_params = [{transform_indices = #map}, {transform_indices = #map1}]} {
    %mul3A = arith.constant 16 : i32
    %mul3A_0 = arith.muli %arg0, %mul3A : i32
    %add3A = arith.addi %mul3A_0, %arg1 : i32
    %mul3A_1 = arith.constant 256 : i32
    %mul3A_2 = arith.muli %add3A, %mul3A_1 : i32
    %add3A_3 = arith.constant 0 : i32
    %add3A_4 = arith.addi %mul3A_2, %add3A_3 : i32
    %dma_start3A = arith.constant 0 : i32
    %dma_start3A_5 = arith.constant 0 : i32
    %dma_start3A_6 = arith.constant 0 : i32
    %dma_start3A_7 = arith.constant 0 : i32
    %dma_start3A_8 = tpu.memref_slice %arg4[%dma_start3A, %dma_start3A_6, %dma_start3A_7] : memref<3x32x1024xf32, #tpu.memory_space<vmem>> -> memref<1x32x1024xf32, #tpu.memory_space<vmem>>
    %dma_start3A_9 = tpu.memref_squeeze %dma_start3A_8 : memref<1x32x1024xf32, #tpu.memory_space<vmem>> -> memref<32x1024xf32, #tpu.memory_space<vmem>>
    %dma_start3A_10 = arith.constant 0 : i32
    %dma_start3A_11 = tpu.memref_slice %arg2[%add3A_4, %dma_start3A_10] : memref<8192x1024xf32, #tpu.memory_space<hbm>> -> memref<32x1024xf32, #tpu.memory_space<hbm>>
    %dma_start3A_12 = tpu.memref_slice %arg5[%dma_start3A_5] : memref<3x!tpu.dma_semaphore, #tpu.memory_space<semaphore_mem>> -> memref<1x!tpu.dma_semaphore, #tpu.memory_space<semaphore_mem>>
    %dma_start3A_13 = tpu.memref_squeeze %dma_start3A_12 : memref<1x!tpu.dma_semaphore, #tpu.memory_space<semaphore_mem>> -> memref<!tpu.dma_semaphore, #tpu.memory_space<semaphore_mem>>
    %dma_start3A_14 = arith.constant 0 : i32
    %dma_start3A_15 = arith.constant 0 : i32
    %dma_start3A_16 = tpu.memref_slice %arg4[%dma_start3A, %dma_start3A_14, %dma_start3A_15] : memref<3x32x1024xf32, #tpu.memory_space<vmem>> -> memref<1x32x1024xf32, #tpu.memory_space<vmem>>
    %dma_start3A_17 = tpu.memref_squeeze %dma_start3A_16 : memref<1x32x1024xf32, #tpu.memory_space<vmem>> -> memref<32x1024xf32, #tpu.memory_space<vmem>>
    %dma_start3A_18 = arith.constant 0 : i32
    %dma_start3A_19 = tpu.memref_slice %arg2[%add3A_4, %dma_start3A_18] : memref<8192x1024xf32, #tpu.memory_space<hbm>> -> memref<32x1024xf32, #tpu.memory_space<hbm>>
    tpu.enqueue_dma source(%dma_start3A_19 : memref<32x1024xf32, #tpu.memory_space<hbm>>) target(%dma_start3A_17 : memref<32x1024xf32, #tpu.memory_space<vmem>>) target_semaphore(%dma_start3A_13 : memref<!tpu.dma_semaphore, #tpu.memory_space<semaphore_mem>>)
    %add3A_20 = arith.constant 32 : i32
    %add3A_21 = arith.addi %mul3A_2, %add3A_20 : i32
    %dma_start3A_22 = arith.constant 1 : i32
    %dma_start3A_23 = arith.constant 1 : i32
    %dma_start3A_24 = arith.constant 0 : i32
    %dma_start3A_25 = arith.constant 0 : i32
    %dma_start3A_26 = tpu.memref_slice %arg4[%dma_start3A_22, %dma_start3A_24, %dma_start3A_25] : memref<3x32x1024xf32, #tpu.memory_space<vmem>> -> memref<1x32x1024xf32, #tpu.memory_space<vmem>>
    %dma_start3A_27 = tpu.memref_squeeze %dma_start3A_26 : memref<1x32x1024xf32, #tpu.memory_space<vmem>> -> memref<32x1024xf32, #tpu.memory_space<vmem>>
    %dma_start3A_28 = arith.constant 0 : i32
    %dma_start3A_29 = tpu.memref_slice %arg2[%add3A_21, %dma_start3A_28] : memref<8192x1024xf32, #tpu.memory_space<hbm>> -> memref<32x1024xf32, #tpu.memory_space<hbm>>
    %dma_start3A_30 = tpu.memref_slice %arg5[%dma_start3A_23] : memref<3x!tpu.dma_semaphore, #tpu.memory_space<semaphore_mem>> -> memref<1x!tpu.dma_semaphore, #tpu.memory_space<semaphore_mem>>
    %dma_start3A_31 = tpu.memref_squeeze %dma_start3A_30 : memref<1x!tpu.dma_semaphore, #tpu.memory_space<semaphore_mem>> -> memref<!tpu.dma_semaphore, #tpu.memory_space<semaphore_mem>>
    %dma_start3A_32 = arith.constant 0 : i32
    %dma_start3A_33 = arith.constant 0 : i32
    %dma_start3A_34 = tpu.memref_slice %arg4[%dma_start3A_22, %dma_start3A_32, %dma_start3A_33] : memref<3x32x1024xf32, #tpu.memory_space<vmem>> -> memref<1x32x1024xf32, #tpu.memory_space<vmem>>
    %dma_start3A_35 = tpu.memref_squeeze %dma_start3A_34 : memref<1x32x1024xf32, #tpu.memory_space<vmem>> -> memref<32x1024xf32, #tpu.memory_space<vmem>>
    %dma_start3A_36 = arith.constant 0 : i32
    %dma_start3A_37 = tpu.memref_slice %arg2[%add3A_21, %dma_start3A_36] : memref<8192x1024xf32, #tpu.memory_space<hbm>> -> memref<32x1024xf32, #tpu.memory_space<hbm>>
    tpu.enqueue_dma source(%dma_start3A_37 : memref<32x1024xf32, #tpu.memory_space<hbm>>) target(%dma_start3A_35 : memref<32x1024xf32, #tpu.memory_space<vmem>>) target_semaphore(%dma_start3A_31 : memref<!tpu.dma_semaphore, #tpu.memory_space<semaphore_mem>>)
    %add3A_38 = arith.constant 64 : i32
    %add3A_39 = arith.addi %mul3A_2, %add3A_38 : i32
    %dma_start3A_40 = arith.constant 2 : i32
    %dma_start3A_41 = arith.constant 2 : i32
    %dma_start3A_42 = arith.constant 0 : i32
    %dma_start3A_43 = arith.constant 0 : i32
    %dma_start3A_44 = tpu.memref_slice %arg4[%dma_start3A_40, %dma_start3A_42, %dma_start3A_43] : memref<3x32x1024xf32, #tpu.memory_space<vmem>> -> memref<1x32x1024xf32, #tpu.memory_space<vmem>>
    %dma_start3A_45 = tpu.memref_squeeze %dma_start3A_44 : memref<1x32x1024xf32, #tpu.memory_space<vmem>> -> memref<32x1024xf32, #tpu.memory_space<vmem>>
    %dma_start3A_46 = arith.constant 0 : i32
    %dma_start3A_47 = tpu.memref_slice %arg2[%add3A_39, %dma_start3A_46] : memref<8192x1024xf32, #tpu.memory_space<hbm>> -> memref<32x1024xf32, #tpu.memory_space<hbm>>
    %dma_start3A_48 = tpu.memref_slice %arg5[%dma_start3A_41] : memref<3x!tpu.dma_semaphore, #tpu.memory_space<semaphore_mem>> -> memref<1x!tpu.dma_semaphore, #tpu.memory_space<semaphore_mem>>
    %dma_start3A_49 = tpu.memref_squeeze %dma_start3A_48 : memref<1x!tpu.dma_semaphore, #tpu.memory_space<semaphore_mem>> -> memref<!tpu.dma_semaphore, #tpu.memory_space<semaphore_mem>>
    %dma_start3A_50 = arith.constant 0 : i32
    %dma_start3A_51 = arith.constant 0 : i32
    %dma_start3A_52 = tpu.memref_slice %arg4[%dma_start3A_40, %dma_start3A_50, %dma_start3A_51] : memref<3x32x1024xf32, #tpu.memory_space<vmem>> -> memref<1x32x1024xf32, #tpu.memory_space<vmem>>
    %dma_start3A_53 = tpu.memref_squeeze %dma_start3A_52 : memref<1x32x1024xf32, #tpu.memory_space<vmem>> -> memref<32x1024xf32, #tpu.memory_space<vmem>>
    %dma_start3A_54 = arith.constant 0 : i32
    %dma_start3A_55 = tpu.memref_slice %arg2[%add3A_39, %dma_start3A_54] : memref<8192x1024xf32, #tpu.memory_space<hbm>> -> memref<32x1024xf32, #tpu.memory_space<hbm>>
    tpu.enqueue_dma source(%dma_start3A_55 : memref<32x1024xf32, #tpu.memory_space<hbm>>) target(%dma_start3A_53 : memref<32x1024xf32, #tpu.memory_space<vmem>>) target_semaphore(%dma_start3A_49 : memref<!tpu.dma_semaphore, #tpu.memory_space<semaphore_mem>>)
    %add3A_56 = arith.constant 0 : i32
    %add3A_57 = arith.addi %mul3A_2, %add3A_56 : i32
    %dma_wait3A = arith.constant 0 : i32
    %dma_wait3A_58 = arith.constant 0 : i32
    %dma_wait3A_59 = arith.constant 0 : i32
    %dma_wait3A_60 = arith.constant 0 : i32
    %dma_wait3A_61 = tpu.memref_slice %arg4[%dma_wait3A, %dma_wait3A_59, %dma_wait3A_60] : memref<3x32x1024xf32, #tpu.memory_space<vmem>> -> memref<1x32x1024xf32, #tpu.memory_space<vmem>>
    %dma_wait3A_62 = tpu.memref_squeeze %dma_wait3A_61 : memref<1x32x1024xf32, #tpu.memory_space<vmem>> -> memref<32x1024xf32, #tpu.memory_space<vmem>>
    %dma_wait3A_63 = arith.constant 0 : i32
    %dma_wait3A_64 = tpu.memref_slice %arg2[%add3A_57, %dma_wait3A_63] : memref<8192x1024xf32, #tpu.memory_space<hbm>> -> memref<32x1024xf32, #tpu.memory_space<hbm>>
    %dma_wait3A_65 = tpu.memref_slice %arg5[%dma_wait3A_58] : memref<3x!tpu.dma_semaphore, #tpu.memory_space<semaphore_mem>> -> memref<1x!tpu.dma_semaphore, #tpu.memory_space<semaphore_mem>>
    %dma_wait3A_66 = tpu.memref_squeeze %dma_wait3A_65 : memref<1x!tpu.dma_semaphore, #tpu.memory_space<semaphore_mem>> -> memref<!tpu.dma_semaphore, #tpu.memory_space<semaphore_mem>>
    %dma_wait3A_67 = arith.constant 0 : i32
    %dma_wait3A_68 = arith.constant 0 : i32
    %dma_wait3A_69 = tpu.memref_slice %arg4[%dma_wait3A, %dma_wait3A_67, %dma_wait3A_68] : memref<3x32x1024xf32, #tpu.memory_space<vmem>> -> memref<1x32x1024xf32, #tpu.memory_space<vmem>>
    %dma_wait3A_70 = tpu.memref_squeeze %dma_wait3A_69 : memref<1x32x1024xf32, #tpu.memory_space<vmem>> -> memref<32x1024xf32, #tpu.memory_space<vmem>>
    %dma_wait3A_71 = arith.constant 0 : i32
    %dma_wait3A_72 = tpu.memref_slice %arg2[%add3A_57, %dma_wait3A_71] : memref<8192x1024xf32, #tpu.memory_space<hbm>> -> memref<32x1024xf32, #tpu.memory_space<hbm>>
    tpu.wait_dma2 semaphore(%dma_wait3A_66 : memref<!tpu.dma_semaphore, #tpu.memory_space<semaphore_mem>>) src(%dma_wait3A_72 : memref<32x1024xf32, #tpu.memory_space<hbm>>) dst(%dma_wait3A_70 : memref<32x1024xf32, #tpu.memory_space<vmem>>)
    %add3A_73 = arith.constant 0 : i32
    %add3A_74 = arith.addi %mul3A_2, %add3A_73 : i32
    %dma_start3A_75 = arith.constant 0 : i32
    %dma_start3A_76 = arith.constant 0 : i32
    %dma_start3A_77 = arith.constant 0 : i32
    %dma_start3A_78 = arith.constant 0 : i32
    %dma_start3A_79 = arith.constant 0 : i32
    %dma_start3A_80 = arith.constant 0 : i32
    %dma_start3A_81 = tpu.memref_slice %arg4[%dma_start3A_75, %dma_start3A_79, %dma_start3A_80] : memref<3x32x1024xf32, #tpu.memory_space<vmem>> -> memref<1x32x1024xf32, #tpu.memory_space<vmem>>
    %dma_start3A_82 = tpu.memref_squeeze %dma_start3A_81 : memref<1x32x1024xf32, #tpu.memory_space<vmem>> -> memref<32x1024xf32, #tpu.memory_space<vmem>>
    %dma_start3A_83 = arith.constant 0 : i32
    %dma_start3A_84 = tpu.memref_slice %arg3[%add3A_74, %dma_start3A_76, %dma_start3A_83] : memref<8192x4x1024xf32, #tpu.memory_space<hbm>> -> memref<32x1x1024xf32, #tpu.memory_space<hbm>>
    %dma_start3A_85 = tpu.memref_squeeze %dma_start3A_84 : memref<32x1x1024xf32, #tpu.memory_space<hbm>> -> memref<32x1024xf32, #tpu.memory_space<hbm>>
    %dma_start3A_86 = tpu.memref_slice %arg6[%dma_start3A_77, %dma_start3A_78] : memref<3x4x!tpu.dma_semaphore, #tpu.memory_space<semaphore_mem>> -> memref<1x1x!tpu.dma_semaphore, #tpu.memory_space<semaphore_mem>>
    %dma_start3A_87 = tpu.memref_squeeze %dma_start3A_86 : memref<1x1x!tpu.dma_semaphore, #tpu.memory_space<semaphore_mem>> -> memref<!tpu.dma_semaphore, #tpu.memory_space<semaphore_mem>>
    %dma_start3A_88 = arith.constant 0 : i32
    %dma_start3A_89 = tpu.memref_slice %arg3[%add3A_74, %dma_start3A_76, %dma_start3A_88] : memref<8192x4x1024xf32, #tpu.memory_space<hbm>> -> memref<32x1x1024xf32, #tpu.memory_space<hbm>>
    %dma_start3A_90 = tpu.memref_squeeze %dma_start3A_89 : memref<32x1x1024xf32, #tpu.memory_space<hbm>> -> memref<32x1024xf32, #tpu.memory_space<hbm>>
    %dma_start3A_91 = arith.constant 0 : i32
    %dma_start3A_92 = arith.constant 0 : i32
    %dma_start3A_93 = tpu.memref_slice %arg4[%dma_start3A_75, %dma_start3A_91, %dma_start3A_92] : memref<3x32x1024xf32, #tpu.memory_space<vmem>> -> memref<1x32x1024xf32, #tpu.memory_space<vmem>>
    %dma_start3A_94 = tpu.memref_squeeze %dma_start3A_93 : memref<1x32x1024xf32, #tpu.memory_space<vmem>> -> memref<32x1024xf32, #tpu.memory_space<vmem>>
    tpu.enqueue_dma source(%dma_start3A_94 : memref<32x1024xf32, #tpu.memory_space<vmem>>) target(%dma_start3A_90 : memref<32x1024xf32, #tpu.memory_space<hbm>>) target_semaphore(%dma_start3A_87 : memref<!tpu.dma_semaphore, #tpu.memory_space<semaphore_mem>>)
    %add3A_95 = arith.constant 0 : i32
    %add3A_96 = arith.addi %mul3A_2, %add3A_95 : i32
    %dma_start3A_97 = arith.constant 0 : i32
    %dma_start3A_98 = arith.constant 1 : i32
    %dma_start3A_99 = arith.constant 0 : i32
    %dma_start3A_100 = arith.constant 1 : i32
    %dma_start3A_101 = arith.constant 0 : i32
    %dma_start3A_102 = arith.constant 0 : i32
    %dma_start3A_103 = tpu.memref_slice %arg4[%dma_start3A_97, %dma_start3A_101, %dma_start3A_102] : memref<3x32x1024xf32, #tpu.memory_space<vmem>> -> memref<1x32x1024xf32, #tpu.memory_space<vmem>>
    %dma_start3A_104 = tpu.memref_squeeze %dma_start3A_103 : memref<1x32x1024xf32, #tpu.memory_space<vmem>> -> memref<32x1024xf32, #tpu.memory_space<vmem>>
    %dma_start3A_105 = arith.constant 0 : i32
    %dma_start3A_106 = tpu.memref_slice %arg3[%add3A_96, %dma_start3A_98, %dma_start3A_105] : memref<8192x4x1024xf32, #tpu.memory_space<hbm>> -> memref<32x1x1024xf32, #tpu.memory_space<hbm>>
    %dma_start3A_107 = tpu.memref_squeeze %dma_start3A_106 : memref<32x1x1024xf32, #tpu.memory_space<hbm>> -> memref<32x1024xf32, #tpu.memory_space<hbm>>
    %dma_start3A_108 = tpu.memref_slice %arg6[%dma_start3A_99, %dma_start3A_100] : memref<3x4x!tpu.dma_semaphore, #tpu.memory_space<semaphore_mem>> -> memref<1x1x!tpu.dma_semaphore, #tpu.memory_space<semaphore_mem>>
    %dma_start3A_109 = tpu.memref_squeeze %dma_start3A_108 : memref<1x1x!tpu.dma_semaphore, #tpu.memory_space<semaphore_mem>> -> memref<!tpu.dma_semaphore, #tpu.memory_space<semaphore_mem>>
    %dma_start3A_110 = arith.constant 0 : i32
    %dma_start3A_111 = tpu.memref_slice %arg3[%add3A_96, %dma_start3A_98, %dma_start3A_110] : memref<8192x4x1024xf32, #tpu.memory_space<hbm>> -> memref<32x1x1024xf32, #tpu.memory_space<hbm>>
    %dma_start3A_112 = tpu.memref_squeeze %dma_start3A_111 : memref<32x1x1024xf32, #tpu.memory_space<hbm>> -> memref<32x1024xf32, #tpu.memory_space<hbm>>
    %dma_start3A_113 = arith.constant 0 : i32
    %dma_start3A_114 = arith.constant 0 : i32
    %dma_start3A_115 = tpu.memref_slice %arg4[%dma_start3A_97, %dma_start3A_113, %dma_start3A_114] : memref<3x32x1024xf32, #tpu.memory_space<vmem>> -> memref<1x32x1024xf32, #tpu.memory_space<vmem>>
    %dma_start3A_116 = tpu.memref_squeeze %dma_start3A_115 : memref<1x32x1024xf32, #tpu.memory_space<vmem>> -> memref<32x1024xf32, #tpu.memory_space<vmem>>
    tpu.enqueue_dma source(%dma_start3A_116 : memref<32x1024xf32, #tpu.memory_space<vmem>>) target(%dma_start3A_112 : memref<32x1024xf32, #tpu.memory_space<hbm>>) target_semaphore(%dma_start3A_109 : memref<!tpu.dma_semaphore, #tpu.memory_space<semaphore_mem>>)
    %add3A_117 = arith.constant 0 : i32
    %add3A_118 = arith.addi %mul3A_2, %add3A_117 : i32
    %dma_start3A_119 = arith.constant 0 : i32
    %dma_start3A_120 = arith.constant 2 : i32
    %dma_start3A_121 = arith.constant 0 : i32
    %dma_start3A_122 = arith.constant 2 : i32
    %dma_start3A_123 = arith.constant 0 : i32
    %dma_start3A_124 = arith.constant 0 : i32
    %dma_start3A_125 = tpu.memref_slice %arg4[%dma_start3A_119, %dma_start3A_123, %dma_start3A_124] : memref<3x32x1024xf32, #tpu.memory_space<vmem>> -> memref<1x32x1024xf32, #tpu.memory_space<vmem>>
    %dma_start3A_126 = tpu.memref_squeeze %dma_start3A_125 : memref<1x32x1024xf32, #tpu.memory_space<vmem>> -> memref<32x1024xf32, #tpu.memory_space<vmem>>
    %dma_start3A_127 = arith.constant 0 : i32
    %dma_start3A_128 = tpu.memref_slice %arg3[%add3A_118, %dma_start3A_120, %dma_start3A_127] : memref<8192x4x1024xf32, #tpu.memory_space<hbm>> -> memref<32x1x1024xf32, #tpu.memory_space<hbm>>
    %dma_start3A_129 = tpu.memref_squeeze %dma_start3A_128 : memref<32x1x1024xf32, #tpu.memory_space<hbm>> -> memref<32x1024xf32, #tpu.memory_space<hbm>>
    %dma_start3A_130 = tpu.memref_slice %arg6[%dma_start3A_121, %dma_start3A_122] : memref<3x4x!tpu.dma_semaphore, #tpu.memory_space<semaphore_mem>> -> memref<1x1x!tpu.dma_semaphore, #tpu.memory_space<semaphore_mem>>
    %dma_start3A_131 = tpu.memref_squeeze %dma_start3A_130 : memref<1x1x!tpu.dma_semaphore, #tpu.memory_space<semaphore_mem>> -> memref<!tpu.dma_semaphore, #tpu.memory_space<semaphore_mem>>
    %dma_start3A_132 = arith.constant 0 : i32
    %dma_start3A_133 = tpu.memref_slice %arg3[%add3A_118, %dma_start3A_120, %dma_start3A_132] : memref<8192x4x1024xf32, #tpu.memory_space<hbm>> -> memref<32x1x1024xf32, #tpu.memory_space<hbm>>
    %dma_start3A_134 = tpu.memref_squeeze %dma_start3A_133 : memref<32x1x1024xf32, #tpu.memory_space<hbm>> -> memref<32x1024xf32, #tpu.memory_space<hbm>>
    %dma_start3A_135 = arith.constant 0 : i32
    %dma_start3A_136 = arith.constant 0 : i32
    %dma_start3A_137 = tpu.memref_slice %arg4[%dma_start3A_119, %dma_start3A_135, %dma_start3A_136] : memref<3x32x1024xf32, #tpu.memory_space<vmem>> -> memref<1x32x1024xf32, #tpu.memory_space<vmem>>
    %dma_start3A_138 = tpu.memref_squeeze %dma_start3A_137 : memref<1x32x1024xf32, #tpu.memory_space<vmem>> -> memref<32x1024xf32, #tpu.memory_space<vmem>>
    tpu.enqueue_dma source(%dma_start3A_138 : memref<32x1024xf32, #tpu.memory_space<vmem>>) target(%dma_start3A_134 : memref<32x1024xf32, #tpu.memory_space<hbm>>) target_semaphore(%dma_start3A_131 : memref<!tpu.dma_semaphore, #tpu.memory_space<semaphore_mem>>)
    %add3A_139 = arith.constant 0 : i32
    %add3A_140 = arith.addi %mul3A_2, %add3A_139 : i32
    %dma_start3A_141 = arith.constant 0 : i32
    %dma_start3A_142 = arith.constant 3 : i32
    %dma_start3A_143 = arith.constant 0 : i32
    %dma_start3A_144 = arith.constant 3 : i32
    %dma_start3A_145 = arith.constant 0 : i32
    %dma_start3A_146 = arith.constant 0 : i32
    %dma_start3A_147 = tpu.memref_slice %arg4[%dma_start3A_141, %dma_start3A_145, %dma_start3A_146] : memref<3x32x1024xf32, #tpu.memory_space<vmem>> -> memref<1x32x1024xf32, #tpu.memory_space<vmem>>
    %dma_start3A_148 = tpu.memref_squeeze %dma_start3A_147 : memref<1x32x1024xf32, #tpu.memory_space<vmem>> -> memref<32x1024xf32, #tpu.memory_space<vmem>>
    %dma_start3A_149 = arith.constant 0 : i32
    %dma_start3A_150 = tpu.memref_slice %arg3[%add3A_140, %dma_start3A_142, %dma_start3A_149] : memref<8192x4x1024xf32, #tpu.memory_space<hbm>> -> memref<32x1x1024xf32, #tpu.memory_space<hbm>>
    %dma_start3A_151 = tpu.memref_squeeze %dma_start3A_150 : memref<32x1x1024xf32, #tpu.memory_space<hbm>> -> memref<32x1024xf32, #tpu.memory_space<hbm>>
    %dma_start3A_152 = tpu.memref_slice %arg6[%dma_start3A_143, %dma_start3A_144] : memref<3x4x!tpu.dma_semaphore, #tpu.memory_space<semaphore_mem>> -> memref<1x1x!tpu.dma_semaphore, #tpu.memory_space<semaphore_mem>>
    %dma_start3A_153 = tpu.memref_squeeze %dma_start3A_152 : memref<1x1x!tpu.dma_semaphore, #tpu.memory_space<semaphore_mem>> -> memref<!tpu.dma_semaphore, #tpu.memory_space<semaphore_mem>>
    %dma_start3A_154 = arith.constant 0 : i32
    %dma_start3A_155 = tpu.memref_slice %arg3[%add3A_140, %dma_start3A_142, %dma_start3A_154] : memref<8192x4x1024xf32, #tpu.memory_space<hbm>> -> memref<32x1x1024xf32, #tpu.memory_space<hbm>>
    %dma_start3A_156 = tpu.memref_squeeze %dma_start3A_155 : memref<32x1x1024xf32, #tpu.memory_space<hbm>> -> memref<32x1024xf32, #tpu.memory_space<hbm>>
    %dma_start3A_157 = arith.constant 0 : i32
    %dma_start3A_158 = arith.constant 0 : i32
    %dma_start3A_159 = tpu.memref_slice %arg4[%dma_start3A_141, %dma_start3A_157, %dma_start3A_158] : memref<3x32x1024xf32, #tpu.memory_space<vmem>> -> memref<1x32x1024xf32, #tpu.memory_space<vmem>>
    %dma_start3A_160 = tpu.memref_squeeze %dma_start3A_159 : memref<1x32x1024xf32, #tpu.memory_space<vmem>> -> memref<32x1024xf32, #tpu.memory_space<vmem>>
    tpu.enqueue_dma source(%dma_start3A_160 : memref<32x1024xf32, #tpu.memory_space<vmem>>) target(%dma_start3A_156 : memref<32x1024xf32, #tpu.memory_space<hbm>>) target_semaphore(%dma_start3A_153 : memref<!tpu.dma_semaphore, #tpu.memory_space<semaphore_mem>>)
    %add3A_161 = arith.constant 32 : i32
    %add3A_162 = arith.addi %mul3A_2, %add3A_161 : i32
    %dma_wait3A_163 = arith.constant 1 : i32
    %dma_wait3A_164 = arith.constant 1 : i32
    %dma_wait3A_165 = arith.constant 0 : i32
    %dma_wait3A_166 = arith.constant 0 : i32
    %dma_wait3A_167 = tpu.memref_slice %arg4[%dma_wait3A_163, %dma_wait3A_165, %dma_wait3A_166] : memref<3x32x1024xf32, #tpu.memory_space<vmem>> -> memref<1x32x1024xf32, #tpu.memory_space<vmem>>
    %dma_wait3A_168 = tpu.memref_squeeze %dma_wait3A_167 : memref<1x32x1024xf32, #tpu.memory_space<vmem>> -> memref<32x1024xf32, #tpu.memory_space<vmem>>
    %dma_wait3A_169 = arith.constant 0 : i32
    %dma_wait3A_170 = tpu.memref_slice %arg2[%add3A_162, %dma_wait3A_169] : memref<8192x1024xf32, #tpu.memory_space<hbm>> -> memref<32x1024xf32, #tpu.memory_space<hbm>>
    %dma_wait3A_171 = tpu.memref_slice %arg5[%dma_wait3A_164] : memref<3x!tpu.dma_semaphore, #tpu.memory_space<semaphore_mem>> -> memref<1x!tpu.dma_semaphore, #tpu.memory_space<semaphore_mem>>
    %dma_wait3A_172 = tpu.memref_squeeze %dma_wait3A_171 : memref<1x!tpu.dma_semaphore, #tpu.memory_space<semaphore_mem>> -> memref<!tpu.dma_semaphore, #tpu.memory_space<semaphore_mem>>
    %dma_wait3A_173 = arith.constant 0 : i32
    %dma_wait3A_174 = arith.constant 0 : i32
    %dma_wait3A_175 = tpu.memref_slice %arg4[%dma_wait3A_163, %dma_wait3A_173, %dma_wait3A_174] : memref<3x32x1024xf32, #tpu.memory_space<vmem>> -> memref<1x32x1024xf32, #tpu.memory_space<vmem>>
    %dma_wait3A_176 = tpu.memref_squeeze %dma_wait3A_175 : memref<1x32x1024xf32, #tpu.memory_space<vmem>> -> memref<32x1024xf32, #tpu.memory_space<vmem>>
    %dma_wait3A_177 = arith.constant 0 : i32
    %dma_wait3A_178 = tpu.memref_slice %arg2[%add3A_162, %dma_wait3A_177] : memref<8192x1024xf32, #tpu.memory_space<hbm>> -> memref<32x1024xf32, #tpu.memory_space<hbm>>
    tpu.wait_dma2 semaphore(%dma_wait3A_172 : memref<!tpu.dma_semaphore, #tpu.memory_space<semaphore_mem>>) src(%dma_wait3A_178 : memref<32x1024xf32, #tpu.memory_space<hbm>>) dst(%dma_wait3A_176 : memref<32x1024xf32, #tpu.memory_space<vmem>>)
    %add3A_179 = arith.constant 32 : i32
    %add3A_180 = arith.addi %mul3A_2, %add3A_179 : i32
    %dma_start3A_181 = arith.constant 1 : i32
    %dma_start3A_182 = arith.constant 0 : i32
    %dma_start3A_183 = arith.constant 1 : i32
    %dma_start3A_184 = arith.constant 0 : i32
    %dma_start3A_185 = arith.constant 0 : i32
    %dma_start3A_186 = arith.constant 0 : i32
    %dma_start3A_187 = tpu.memref_slice %arg4[%dma_start3A_181, %dma_start3A_185, %dma_start3A_186] : memref<3x32x1024xf32, #tpu.memory_space<vmem>> -> memref<1x32x1024xf32, #tpu.memory_space<vmem>>
    %dma_start3A_188 = tpu.memref_squeeze %dma_start3A_187 : memref<1x32x1024xf32, #tpu.memory_space<vmem>> -> memref<32x1024xf32, #tpu.memory_space<vmem>>
    %dma_start3A_189 = arith.constant 0 : i32
    %dma_start3A_190 = tpu.memref_slice %arg3[%add3A_180, %dma_start3A_182, %dma_start3A_189] : memref<8192x4x1024xf32, #tpu.memory_space<hbm>> -> memref<32x1x1024xf32, #tpu.memory_space<hbm>>
    %dma_start3A_191 = tpu.memref_squeeze %dma_start3A_190 : memref<32x1x1024xf32, #tpu.memory_space<hbm>> -> memref<32x1024xf32, #tpu.memory_space<hbm>>
    %dma_start3A_192 = tpu.memref_slice %arg6[%dma_start3A_183, %dma_start3A_184] : memref<3x4x!tpu.dma_semaphore, #tpu.memory_space<semaphore_mem>> -> memref<1x1x!tpu.dma_semaphore, #tpu.memory_space<semaphore_mem>>
    %dma_start3A_193 = tpu.memref_squeeze %dma_start3A_192 : memref<1x1x!tpu.dma_semaphore, #tpu.memory_space<semaphore_mem>> -> memref<!tpu.dma_semaphore, #tpu.memory_space<semaphore_mem>>
    %dma_start3A_194 = arith.constant 0 : i32
    %dma_start3A_195 = tpu.memref_slice %arg3[%add3A_180, %dma_start3A_182, %dma_start3A_194] : memref<8192x4x1024xf32, #tpu.memory_space<hbm>> -> memref<32x1x1024xf32, #tpu.memory_space<hbm>>
    %dma_start3A_196 = tpu.memref_squeeze %dma_start3A_195 : memref<32x1x1024xf32, #tpu.memory_space<hbm>> -> memref<32x1024xf32, #tpu.memory_space<hbm>>
    %dma_start3A_197 = arith.constant 0 : i32
    %dma_start3A_198 = arith.constant 0 : i32
    %dma_start3A_199 = tpu.memref_slice %arg4[%dma_start3A_181, %dma_start3A_197, %dma_start3A_198] : memref<3x32x1024xf32, #tpu.memory_space<vmem>> -> memref<1x32x1024xf32, #tpu.memory_space<vmem>>
    %dma_start3A_200 = tpu.memref_squeeze %dma_start3A_199 : memref<1x32x1024xf32, #tpu.memory_space<vmem>> -> memref<32x1024xf32, #tpu.memory_space<vmem>>
    tpu.enqueue_dma source(%dma_start3A_200 : memref<32x1024xf32, #tpu.memory_space<vmem>>) target(%dma_start3A_196 : memref<32x1024xf32, #tpu.memory_space<hbm>>) target_semaphore(%dma_start3A_193 : memref<!tpu.dma_semaphore, #tpu.memory_space<semaphore_mem>>)
    %add3A_201 = arith.constant 32 : i32
    %add3A_202 = arith.addi %mul3A_2, %add3A_201 : i32
    %dma_start3A_203 = arith.constant 1 : i32
    %dma_start3A_204 = arith.constant 1 : i32
    %dma_start3A_205 = arith.constant 1 : i32
    %dma_start3A_206 = arith.constant 1 : i32
    %dma_start3A_207 = arith.constant 0 : i32
    %dma_start3A_208 = arith.constant 0 : i32
    %dma_start3A_209 = tpu.memref_slice %arg4[%dma_start3A_203, %dma_start3A_207, %dma_start3A_208] : memref<3x32x1024xf32, #tpu.memory_space<vmem>> -> memref<1x32x1024xf32, #tpu.memory_space<vmem>>
    %dma_start3A_210 = tpu.memref_squeeze %dma_start3A_209 : memref<1x32x1024xf32, #tpu.memory_space<vmem>> -> memref<32x1024xf32, #tpu.memory_space<vmem>>
    %dma_start3A_211 = arith.constant 0 : i32
    %dma_start3A_212 = tpu.memref_slice %arg3[%add3A_202, %dma_start3A_204, %dma_start3A_211] : memref<8192x4x1024xf32, #tpu.memory_space<hbm>> -> memref<32x1x1024xf32, #tpu.memory_space<hbm>>
    %dma_start3A_213 = tpu.memref_squeeze %dma_start3A_212 : memref<32x1x1024xf32, #tpu.memory_space<hbm>> -> memref<32x1024xf32, #tpu.memory_space<hbm>>
    %dma_start3A_214 = tpu.memref_slice %arg6[%dma_start3A_205, %dma_start3A_206] : memref<3x4x!tpu.dma_semaphore, #tpu.memory_space<semaphore_mem>> -> memref<1x1x!tpu.dma_semaphore, #tpu.memory_space<semaphore_mem>>
    %dma_start3A_215 = tpu.memref_squeeze %dma_start3A_214 : memref<1x1x!tpu.dma_semaphore, #tpu.memory_space<semaphore_mem>> -> memref<!tpu.dma_semaphore, #tpu.memory_space<semaphore_mem>>
    %dma_start3A_216 = arith.constant 0 : i32
    %dma_start3A_217 = tpu.memref_slice %arg3[%add3A_202, %dma_start3A_204, %dma_start3A_216] : memref<8192x4x1024xf32, #tpu.memory_space<hbm>> -> memref<32x1x1024xf32, #tpu.memory_space<hbm>>
    %dma_start3A_218 = tpu.memref_squeeze %dma_start3A_217 : memref<32x1x1024xf32, #tpu.memory_space<hbm>> -> memref<32x1024xf32, #tpu.memory_space<hbm>>
    %dma_start3A_219 = arith.constant 0 : i32
    %dma_start3A_220 = arith.constant 0 : i32
    %dma_start3A_221 = tpu.memref_slice %arg4[%dma_start3A_203, %dma_start3A_219, %dma_start3A_220] : memref<3x32x1024xf32, #tpu.memory_space<vmem>> -> memref<1x32x1024xf32, #tpu.memory_space<vmem>>
    %dma_start3A_222 = tpu.memref_squeeze %dma_start3A_221 : memref<1x32x1024xf32, #tpu.memory_space<vmem>> -> memref<32x1024xf32, #tpu.memory_space<vmem>>
    tpu.enqueue_dma source(%dma_start3A_222 : memref<32x1024xf32, #tpu.memory_space<vmem>>) target(%dma_start3A_218 : memref<32x1024xf32, #tpu.memory_space<hbm>>) target_semaphore(%dma_start3A_215 : memref<!tpu.dma_semaphore, #tpu.memory_space<semaphore_mem>>)
    %add3A_223 = arith.constant 32 : i32
    %add3A_224 = arith.addi %mul3A_2, %add3A_223 : i32
    %dma_start3A_225 = arith.constant 1 : i32
    %dma_start3A_226 = arith.constant 2 : i32
    %dma_start3A_227 = arith.constant 1 : i32
    %dma_start3A_228 = arith.constant 2 : i32
    %dma_start3A_229 = arith.constant 0 : i32
    %dma_start3A_230 = arith.constant 0 : i32
    %dma_start3A_231 = tpu.memref_slice %arg4[%dma_start3A_225, %dma_start3A_229, %dma_start3A_230] : memref<3x32x1024xf32, #tpu.memory_space<vmem>> -> memref<1x32x1024xf32, #tpu.memory_space<vmem>>
    %dma_start3A_232 = tpu.memref_squeeze %dma_start3A_231 : memref<1x32x1024xf32, #tpu.memory_space<vmem>> -> memref<32x1024xf32, #tpu.memory_space<vmem>>
    %dma_start3A_233 = arith.constant 0 : i32
    %dma_start3A_234 = tpu.memref_slice %arg3[%add3A_224, %dma_start3A_226, %dma_start3A_233] : memref<8192x4x1024xf32, #tpu.memory_space<hbm>> -> memref<32x1x1024xf32, #tpu.memory_space<hbm>>
    %dma_start3A_235 = tpu.memref_squeeze %dma_start3A_234 : memref<32x1x1024xf32, #tpu.memory_space<hbm>> -> memref<32x1024xf32, #tpu.memory_space<hbm>>
    %dma_start3A_236 = tpu.memref_slice %arg6[%dma_start3A_227, %dma_start3A_228] : memref<3x4x!tpu.dma_semaphore, #tpu.memory_space<semaphore_mem>> -> memref<1x1x!tpu.dma_semaphore, #tpu.memory_space<semaphore_mem>>
    %dma_start3A_237 = tpu.memref_squeeze %dma_start3A_236 : memref<1x1x!tpu.dma_semaphore, #tpu.memory_space<semaphore_mem>> -> memref<!tpu.dma_semaphore, #tpu.memory_space<semaphore_mem>>
    %dma_start3A_238 = arith.constant 0 : i32
    %dma_start3A_239 = tpu.memref_slice %arg3[%add3A_224, %dma_start3A_226, %dma_start3A_238] : memref<8192x4x1024xf32, #tpu.memory_space<hbm>> -> memref<32x1x1024xf32, #tpu.memory_space<hbm>>
    %dma_start3A_240 = tpu.memref_squeeze %dma_start3A_239 : memref<32x1x1024xf32, #tpu.memory_space<hbm>> -> memref<32x1024xf32, #tpu.memory_space<hbm>>
    %dma_start3A_241 = arith.constant 0 : i32
    %dma_start3A_242 = arith.constant 0 : i32
    %dma_start3A_243 = tpu.memref_slice %arg4[%dma_start3A_225, %dma_start3A_241, %dma_start3A_242] : memref<3x32x1024xf32, #tpu.memory_space<vmem>> -> memref<1x32x1024xf32, #tpu.memory_space<vmem>>
    %dma_start3A_244 = tpu.memref_squeeze %dma_start3A_243 : memref<1x32x1024xf32, #tpu.memory_space<vmem>> -> memref<32x1024xf32, #tpu.memory_space<vmem>>
    tpu.enqueue_dma source(%dma_start3A_244 : memref<32x1024xf32, #tpu.memory_space<vmem>>) target(%dma_start3A_240 : memref<32x1024xf32, #tpu.memory_space<hbm>>) target_semaphore(%dma_start3A_237 : memref<!tpu.dma_semaphore, #tpu.memory_space<semaphore_mem>>)
    %add3A_245 = arith.constant 32 : i32
    %add3A_246 = arith.addi %mul3A_2, %add3A_245 : i32
    %dma_start3A_247 = arith.constant 1 : i32
    %dma_start3A_248 = arith.constant 3 : i32
    %dma_start3A_249 = arith.constant 1 : i32
    %dma_start3A_250 = arith.constant 3 : i32
    %dma_start3A_251 = arith.constant 0 : i32
    %dma_start3A_252 = arith.constant 0 : i32
    %dma_start3A_253 = tpu.memref_slice %arg4[%dma_start3A_247, %dma_start3A_251, %dma_start3A_252] : memref<3x32x1024xf32, #tpu.memory_space<vmem>> -> memref<1x32x1024xf32, #tpu.memory_space<vmem>>
    %dma_start3A_254 = tpu.memref_squeeze %dma_start3A_253 : memref<1x32x1024xf32, #tpu.memory_space<vmem>> -> memref<32x1024xf32, #tpu.memory_space<vmem>>
    %dma_start3A_255 = arith.constant 0 : i32
    %dma_start3A_256 = tpu.memref_slice %arg3[%add3A_246, %dma_start3A_248, %dma_start3A_255] : memref<8192x4x1024xf32, #tpu.memory_space<hbm>> -> memref<32x1x1024xf32, #tpu.memory_space<hbm>>
    %dma_start3A_257 = tpu.memref_squeeze %dma_start3A_256 : memref<32x1x1024xf32, #tpu.memory_space<hbm>> -> memref<32x1024xf32, #tpu.memory_space<hbm>>
    %dma_start3A_258 = tpu.memref_slice %arg6[%dma_start3A_249, %dma_start3A_250] : memref<3x4x!tpu.dma_semaphore, #tpu.memory_space<semaphore_mem>> -> memref<1x1x!tpu.dma_semaphore, #tpu.memory_space<semaphore_mem>>
    %dma_start3A_259 = tpu.memref_squeeze %dma_start3A_258 : memref<1x1x!tpu.dma_semaphore, #tpu.memory_space<semaphore_mem>> -> memref<!tpu.dma_semaphore, #tpu.memory_space<semaphore_mem>>
    %dma_start3A_260 = arith.constant 0 : i32
    %dma_start3A_261 = tpu.memref_slice %arg3[%add3A_246, %dma_start3A_248, %dma_start3A_260] : memref<8192x4x1024xf32, #tpu.memory_space<hbm>> -> memref<32x1x1024xf32, #tpu.memory_space<hbm>>
    %dma_start3A_262 = tpu.memref_squeeze %dma_start3A_261 : memref<32x1x1024xf32, #tpu.memory_space<hbm>> -> memref<32x1024xf32, #tpu.memory_space<hbm>>
    %dma_start3A_263 = arith.constant 0 : i32
    %dma_start3A_264 = arith.constant 0 : i32
    %dma_start3A_265 = tpu.memref_slice %arg4[%dma_start3A_247, %dma_start3A_263, %dma_start3A_264] : memref<3x32x1024xf32, #tpu.memory_space<vmem>> -> memref<1x32x1024xf32, #tpu.memory_space<vmem>>
    %dma_start3A_266 = tpu.memref_squeeze %dma_start3A_265 : memref<1x32x1024xf32, #tpu.memory_space<vmem>> -> memref<32x1024xf32, #tpu.memory_space<vmem>>
    tpu.enqueue_dma source(%dma_start3A_266 : memref<32x1024xf32, #tpu.memory_space<vmem>>) target(%dma_start3A_262 : memref<32x1024xf32, #tpu.memory_space<hbm>>) target_semaphore(%dma_start3A_259 : memref<!tpu.dma_semaphore, #tpu.memory_space<semaphore_mem>>)
    %add3A_267 = arith.constant 64 : i32
    %add3A_268 = arith.addi %mul3A_2, %add3A_267 : i32
    %dma_wait3A_269 = arith.constant 2 : i32
    %dma_wait3A_270 = arith.constant 2 : i32
    %dma_wait3A_271 = arith.constant 0 : i32
    %dma_wait3A_272 = arith.constant 0 : i32
    %dma_wait3A_273 = tpu.memref_slice %arg4[%dma_wait3A_269, %dma_wait3A_271, %dma_wait3A_272] : memref<3x32x1024xf32, #tpu.memory_space<vmem>> -> memref<1x32x1024xf32, #tpu.memory_space<vmem>>
    %dma_wait3A_274 = tpu.memref_squeeze %dma_wait3A_273 : memref<1x32x1024xf32, #tpu.memory_space<vmem>> -> memref<32x1024xf32, #tpu.memory_space<vmem>>
    %dma_wait3A_275 = arith.constant 0 : i32
    %dma_wait3A_276 = tpu.memref_slice %arg2[%add3A_268, %dma_wait3A_275] : memref<8192x1024xf32, #tpu.memory_space<hbm>> -> memref<32x1024xf32, #tpu.memory_space<hbm>>
    %dma_wait3A_277 = tpu.memref_slice %arg5[%dma_wait3A_270] : memref<3x!tpu.dma_semaphore, #tpu.memory_space<semaphore_mem>> -> memref<1x!tpu.dma_semaphore, #tpu.memory_space<semaphore_mem>>
    %dma_wait3A_278 = tpu.memref_squeeze %dma_wait3A_277 : memref<1x!tpu.dma_semaphore, #tpu.memory_space<semaphore_mem>> -> memref<!tpu.dma_semaphore, #tpu.memory_space<semaphore_mem>>
    %dma_wait3A_279 = arith.constant 0 : i32
    %dma_wait3A_280 = arith.constant 0 : i32
    %dma_wait3A_281 = tpu.memref_slice %arg4[%dma_wait3A_269, %dma_wait3A_279, %dma_wait3A_280] : memref<3x32x1024xf32, #tpu.memory_space<vmem>> -> memref<1x32x1024xf32, #tpu.memory_space<vmem>>
    %dma_wait3A_282 = tpu.memref_squeeze %dma_wait3A_281 : memref<1x32x1024xf32, #tpu.memory_space<vmem>> -> memref<32x1024xf32, #tpu.memory_space<vmem>>
    %dma_wait3A_283 = arith.constant 0 : i32
    %dma_wait3A_284 = tpu.memref_slice %arg2[%add3A_268, %dma_wait3A_283] : memref<8192x1024xf32, #tpu.memory_space<hbm>> -> memref<32x1024xf32, #tpu.memory_space<hbm>>
    tpu.wait_dma2 semaphore(%dma_wait3A_278 : memref<!tpu.dma_semaphore, #tpu.memory_space<semaphore_mem>>) src(%dma_wait3A_284 : memref<32x1024xf32, #tpu.memory_space<hbm>>) dst(%dma_wait3A_282 : memref<32x1024xf32, #tpu.memory_space<vmem>>)
    %add3A_285 = arith.constant 64 : i32
    %add3A_286 = arith.addi %mul3A_2, %add3A_285 : i32
    %dma_start3A_287 = arith.constant 2 : i32
    %dma_start3A_288 = arith.constant 0 : i32
    %dma_start3A_289 = arith.constant 2 : i32
    %dma_start3A_290 = arith.constant 0 : i32
    %dma_start3A_291 = arith.constant 0 : i32
    %dma_start3A_292 = arith.constant 0 : i32
    %dma_start3A_293 = tpu.memref_slice %arg4[%dma_start3A_287, %dma_start3A_291, %dma_start3A_292] : memref<3x32x1024xf32, #tpu.memory_space<vmem>> -> memref<1x32x1024xf32, #tpu.memory_space<vmem>>
    %dma_start3A_294 = tpu.memref_squeeze %dma_start3A_293 : memref<1x32x1024xf32, #tpu.memory_space<vmem>> -> memref<32x1024xf32, #tpu.memory_space<vmem>>
    %dma_start3A_295 = arith.constant 0 : i32
    %dma_start3A_296 = tpu.memref_slice %arg3[%add3A_286, %dma_start3A_288, %dma_start3A_295] : memref<8192x4x1024xf32, #tpu.memory_space<hbm>> -> memref<32x1x1024xf32, #tpu.memory_space<hbm>>
    %dma_start3A_297 = tpu.memref_squeeze %dma_start3A_296 : memref<32x1x1024xf32, #tpu.memory_space<hbm>> -> memref<32x1024xf32, #tpu.memory_space<hbm>>
    %dma_start3A_298 = tpu.memref_slice %arg6[%dma_start3A_289, %dma_start3A_290] : memref<3x4x!tpu.dma_semaphore, #tpu.memory_space<semaphore_mem>> -> memref<1x1x!tpu.dma_semaphore, #tpu.memory_space<semaphore_mem>>
    %dma_start3A_299 = tpu.memref_squeeze %dma_start3A_298 : memref<1x1x!tpu.dma_semaphore, #tpu.memory_space<semaphore_mem>> -> memref<!tpu.dma_semaphore, #tpu.memory_space<semaphore_mem>>
    %dma_start3A_300 = arith.constant 0 : i32
    %dma_start3A_301 = tpu.memref_slice %arg3[%add3A_286, %dma_start3A_288, %dma_start3A_300] : memref<8192x4x1024xf32, #tpu.memory_space<hbm>> -> memref<32x1x1024xf32, #tpu.memory_space<hbm>>
    %dma_start3A_302 = tpu.memref_squeeze %dma_start3A_301 : memref<32x1x1024xf32, #tpu.memory_space<hbm>> -> memref<32x1024xf32, #tpu.memory_space<hbm>>
    %dma_start3A_303 = arith.constant 0 : i32
    %dma_start3A_304 = arith.constant 0 : i32
    %dma_start3A_305 = tpu.memref_slice %arg4[%dma_start3A_287, %dma_start3A_303, %dma_start3A_304] : memref<3x32x1024xf32, #tpu.memory_space<vmem>> -> memref<1x32x1024xf32, #tpu.memory_space<vmem>>
    %dma_start3A_306 = tpu.memref_squeeze %dma_start3A_305 : memref<1x32x1024xf32, #tpu.memory_space<vmem>> -> memref<32x1024xf32, #tpu.memory_space<vmem>>
    tpu.enqueue_dma source(%dma_start3A_306 : memref<32x1024xf32, #tpu.memory_space<vmem>>) target(%dma_start3A_302 : memref<32x1024xf32, #tpu.memory_space<hbm>>) target_semaphore(%dma_start3A_299 : memref<!tpu.dma_semaphore, #tpu.memory_space<semaphore_mem>>)
    %add3A_307 = arith.constant 64 : i32
    %add3A_308 = arith.addi %mul3A_2, %add3A_307 : i32
    %dma_start3A_309 = arith.constant 2 : i32
    %dma_start3A_310 = arith.constant 1 : i32
    %dma_start3A_311 = arith.constant 2 : i32
    %dma_start3A_312 = arith.constant 1 : i32
    %dma_start3A_313 = arith.constant 0 : i32
    %dma_start3A_314 = arith.constant 0 : i32
    %dma_start3A_315 = tpu.memref_slice %arg4[%dma_start3A_309, %dma_start3A_313, %dma_start3A_314] : memref<3x32x1024xf32, #tpu.memory_space<vmem>> -> memref<1x32x1024xf32, #tpu.memory_space<vmem>>
    %dma_start3A_316 = tpu.memref_squeeze %dma_start3A_315 : memref<1x32x1024xf32, #tpu.memory_space<vmem>> -> memref<32x1024xf32, #tpu.memory_space<vmem>>
    %dma_start3A_317 = arith.constant 0 : i32
    %dma_start3A_318 = tpu.memref_slice %arg3[%add3A_308, %dma_start3A_310, %dma_start3A_317] : memref<8192x4x1024xf32, #tpu.memory_space<hbm>> -> memref<32x1x1024xf32, #tpu.memory_space<hbm>>
    %dma_start3A_319 = tpu.memref_squeeze %dma_start3A_318 : memref<32x1x1024xf32, #tpu.memory_space<hbm>> -> memref<32x1024xf32, #tpu.memory_space<hbm>>
    %dma_start3A_320 = tpu.memref_slice %arg6[%dma_start3A_311, %dma_start3A_312] : memref<3x4x!tpu.dma_semaphore, #tpu.memory_space<semaphore_mem>> -> memref<1x1x!tpu.dma_semaphore, #tpu.memory_space<semaphore_mem>>
    %dma_start3A_321 = tpu.memref_squeeze %dma_start3A_320 : memref<1x1x!tpu.dma_semaphore, #tpu.memory_space<semaphore_mem>> -> memref<!tpu.dma_semaphore, #tpu.memory_space<semaphore_mem>>
    %dma_start3A_322 = arith.constant 0 : i32
    %dma_start3A_323 = tpu.memref_slice %arg3[%add3A_308, %dma_start3A_310, %dma_start3A_322] : memref<8192x4x1024xf32, #tpu.memory_space<hbm>> -> memref<32x1x1024xf32, #tpu.memory_space<hbm>>
    %dma_start3A_324 = tpu.memref_squeeze %dma_start3A_323 : memref<32x1x1024xf32, #tpu.memory_space<hbm>> -> memref<32x1024xf32, #tpu.memory_space<hbm>>
    %dma_start3A_325 = arith.constant 0 : i32
    %dma_start3A_326 = arith.constant 0 : i32
    %dma_start3A_327 = tpu.memref_slice %arg4[%dma_start3A_309, %dma_start3A_325, %dma_start3A_326] : memref<3x32x1024xf32, #tpu.memory_space<vmem>> -> memref<1x32x1024xf32, #tpu.memory_space<vmem>>
    %dma_start3A_328 = tpu.memref_squeeze %dma_start3A_327 : memref<1x32x1024xf32, #tpu.memory_space<vmem>> -> memref<32x1024xf32, #tpu.memory_space<vmem>>
    tpu.enqueue_dma source(%dma_start3A_328 : memref<32x1024xf32, #tpu.memory_space<vmem>>) target(%dma_start3A_324 : memref<32x1024xf32, #tpu.memory_space<hbm>>) target_semaphore(%dma_start3A_321 : memref<!tpu.dma_semaphore, #tpu.memory_space<semaphore_mem>>)
    %add3A_329 = arith.constant 64 : i32
    %add3A_330 = arith.addi %mul3A_2, %add3A_329 : i32
    %dma_start3A_331 = arith.constant 2 : i32
    %dma_start3A_332 = arith.constant 2 : i32
    %dma_start3A_333 = arith.constant 2 : i32
    %dma_start3A_334 = arith.constant 2 : i32
    %dma_start3A_335 = arith.constant 0 : i32
    %dma_start3A_336 = arith.constant 0 : i32
    %dma_start3A_337 = tpu.memref_slice %arg4[%dma_start3A_331, %dma_start3A_335, %dma_start3A_336] : memref<3x32x1024xf32, #tpu.memory_space<vmem>> -> memref<1x32x1024xf32, #tpu.memory_space<vmem>>
    %dma_start3A_338 = tpu.memref_squeeze %dma_start3A_337 : memref<1x32x1024xf32, #tpu.memory_space<vmem>> -> memref<32x1024xf32, #tpu.memory_space<vmem>>
    %dma_start3A_339 = arith.constant 0 : i32
    %dma_start3A_340 = tpu.memref_slice %arg3[%add3A_330, %dma_start3A_332, %dma_start3A_339] : memref<8192x4x1024xf32, #tpu.memory_space<hbm>> -> memref<32x1x1024xf32, #tpu.memory_space<hbm>>
    %dma_start3A_341 = tpu.memref_squeeze %dma_start3A_340 : memref<32x1x1024xf32, #tpu.memory_space<hbm>> -> memref<32x1024xf32, #tpu.memory_space<hbm>>
    %dma_start3A_342 = tpu.memref_slice %arg6[%dma_start3A_333, %dma_start3A_334] : memref<3x4x!tpu.dma_semaphore, #tpu.memory_space<semaphore_mem>> -> memref<1x1x!tpu.dma_semaphore, #tpu.memory_space<semaphore_mem>>
    %dma_start3A_343 = tpu.memref_squeeze %dma_start3A_342 : memref<1x1x!tpu.dma_semaphore, #tpu.memory_space<semaphore_mem>> -> memref<!tpu.dma_semaphore, #tpu.memory_space<semaphore_mem>>
    %dma_start3A_344 = arith.constant 0 : i32
    %dma_start3A_345 = tpu.memref_slice %arg3[%add3A_330, %dma_start3A_332, %dma_start3A_344] : memref<8192x4x1024xf32, #tpu.memory_space<hbm>> -> memref<32x1x1024xf32, #tpu.memory_space<hbm>>
    %dma_start3A_346 = tpu.memref_squeeze %dma_start3A_345 : memref<32x1x1024xf32, #tpu.memory_space<hbm>> -> memref<32x1024xf32, #tpu.memory_space<hbm>>
    %dma_start3A_347 = arith.constant 0 : i32
    %dma_start3A_348 = arith.constant 0 : i32
    %dma_start3A_349 = tpu.memref_slice %arg4[%dma_start3A_331, %dma_start3A_347, %dma_start3A_348] : memref<3x32x1024xf32, #tpu.memory_space<vmem>> -> memref<1x32x1024xf32, #tpu.memory_space<vmem>>
    %dma_start3A_350 = tpu.memref_squeeze %dma_start3A_349 : memref<1x32x1024xf32, #tpu.memory_space<vmem>> -> memref<32x1024xf32, #tpu.memory_space<vmem>>
    tpu.enqueue_dma source(%dma_start3A_350 : memref<32x1024xf32, #tpu.memory_space<vmem>>) target(%dma_start3A_346 : memref<32x1024xf32, #tpu.memory_space<hbm>>) target_semaphore(%dma_start3A_343 : memref<!tpu.dma_semaphore, #tpu.memory_space<semaphore_mem>>)
    %add3A_351 = arith.constant 64 : i32
    %add3A_352 = arith.addi %mul3A_2, %add3A_351 : i32
    %dma_start3A_353 = arith.constant 2 : i32
    %dma_start3A_354 = arith.constant 3 : i32
    %dma_start3A_355 = arith.constant 2 : i32
    %dma_start3A_356 = arith.constant 3 : i32
    %dma_start3A_357 = arith.constant 0 : i32
    %dma_start3A_358 = arith.constant 0 : i32
    %dma_start3A_359 = tpu.memref_slice %arg4[%dma_start3A_353, %dma_start3A_357, %dma_start3A_358] : memref<3x32x1024xf32, #tpu.memory_space<vmem>> -> memref<1x32x1024xf32, #tpu.memory_space<vmem>>
    %dma_start3A_360 = tpu.memref_squeeze %dma_start3A_359 : memref<1x32x1024xf32, #tpu.memory_space<vmem>> -> memref<32x1024xf32, #tpu.memory_space<vmem>>
    %dma_start3A_361 = arith.constant 0 : i32
    %dma_start3A_362 = tpu.memref_slice %arg3[%add3A_352, %dma_start3A_354, %dma_start3A_361] : memref<8192x4x1024xf32, #tpu.memory_space<hbm>> -> memref<32x1x1024xf32, #tpu.memory_space<hbm>>
    %dma_start3A_363 = tpu.memref_squeeze %dma_start3A_362 : memref<32x1x1024xf32, #tpu.memory_space<hbm>> -> memref<32x1024xf32, #tpu.memory_space<hbm>>
    %dma_start3A_364 = tpu.memref_slice %arg6[%dma_start3A_355, %dma_start3A_356] : memref<3x4x!tpu.dma_semaphore, #tpu.memory_space<semaphore_mem>> -> memref<1x1x!tpu.dma_semaphore, #tpu.memory_space<semaphore_mem>>
    %dma_start3A_365 = tpu.memref_squeeze %dma_start3A_364 : memref<1x1x!tpu.dma_semaphore, #tpu.memory_space<semaphore_mem>> -> memref<!tpu.dma_semaphore, #tpu.memory_space<semaphore_mem>>
    %dma_start3A_366 = arith.constant 0 : i32
    %dma_start3A_367 = tpu.memref_slice %arg3[%add3A_352, %dma_start3A_354, %dma_start3A_366] : memref<8192x4x1024xf32, #tpu.memory_space<hbm>> -> memref<32x1x1024xf32, #tpu.memory_space<hbm>>
    %dma_start3A_368 = tpu.memref_squeeze %dma_start3A_367 : memref<32x1x1024xf32, #tpu.memory_space<hbm>> -> memref<32x1024xf32, #tpu.memory_space<hbm>>
    %dma_start3A_369 = arith.constant 0 : i32
    %dma_start3A_370 = arith.constant 0 : i32
    %dma_start3A_371 = tpu.memref_slice %arg4[%dma_start3A_353, %dma_start3A_369, %dma_start3A_370] : memref<3x32x1024xf32, #tpu.memory_space<vmem>> -> memref<1x32x1024xf32, #tpu.memory_space<vmem>>
    %dma_start3A_372 = tpu.memref_squeeze %dma_start3A_371 : memref<1x32x1024xf32, #tpu.memory_space<vmem>> -> memref<32x1024xf32, #tpu.memory_space<vmem>>
    tpu.enqueue_dma source(%dma_start3A_372 : memref<32x1024xf32, #tpu.memory_space<vmem>>) target(%dma_start3A_368 : memref<32x1024xf32, #tpu.memory_space<hbm>>) target_semaphore(%dma_start3A_365 : memref<!tpu.dma_semaphore, #tpu.memory_space<semaphore_mem>>)
    %add3A_373 = arith.constant 0 : i32
    %add3A_374 = arith.addi %mul3A_2, %add3A_373 : i32
    %dma_wait3A_375 = arith.constant 0 : i32
    %dma_wait3A_376 = arith.constant 0 : i32
    %dma_wait3A_377 = arith.constant 0 : i32
    %dma_wait3A_378 = arith.constant 0 : i32
    %dma_wait3A_379 = arith.constant 0 : i32
    %dma_wait3A_380 = arith.constant 0 : i32
    %dma_wait3A_381 = tpu.memref_slice %arg4[%dma_wait3A_375, %dma_wait3A_379, %dma_wait3A_380] : memref<3x32x1024xf32, #tpu.memory_space<vmem>> -> memref<1x32x1024xf32, #tpu.memory_space<vmem>>
    %dma_wait3A_382 = tpu.memref_squeeze %dma_wait3A_381 : memref<1x32x1024xf32, #tpu.memory_space<vmem>> -> memref<32x1024xf32, #tpu.memory_space<vmem>>
    %dma_wait3A_383 = arith.constant 0 : i32
    %dma_wait3A_384 = tpu.memref_slice %arg3[%add3A_374, %dma_wait3A_376, %dma_wait3A_383] : memref<8192x4x1024xf32, #tpu.memory_space<hbm>> -> memref<32x1x1024xf32, #tpu.memory_space<hbm>>
    %dma_wait3A_385 = tpu.memref_squeeze %dma_wait3A_384 : memref<32x1x1024xf32, #tpu.memory_space<hbm>> -> memref<32x1024xf32, #tpu.memory_space<hbm>>
    %dma_wait3A_386 = tpu.memref_slice %arg6[%dma_wait3A_377, %dma_wait3A_378] : memref<3x4x!tpu.dma_semaphore, #tpu.memory_space<semaphore_mem>> -> memref<1x1x!tpu.dma_semaphore, #tpu.memory_space<semaphore_mem>>
    %dma_wait3A_387 = tpu.memref_squeeze %dma_wait3A_386 : memref<1x1x!tpu.dma_semaphore, #tpu.memory_space<semaphore_mem>> -> memref<!tpu.dma_semaphore, #tpu.memory_space<semaphore_mem>>
    %dma_wait3A_388 = arith.constant 0 : i32
    %dma_wait3A_389 = tpu.memref_slice %arg3[%add3A_374, %dma_wait3A_376, %dma_wait3A_388] : memref<8192x4x1024xf32, #tpu.memory_space<hbm>> -> memref<32x1x1024xf32, #tpu.memory_space<hbm>>
    %dma_wait3A_390 = tpu.memref_squeeze %dma_wait3A_389 : memref<32x1x1024xf32, #tpu.memory_space<hbm>> -> memref<32x1024xf32, #tpu.memory_space<hbm>>
    %dma_wait3A_391 = arith.constant 0 : i32
    %dma_wait3A_392 = arith.constant 0 : i32
    %dma_wait3A_393 = tpu.memref_slice %arg4[%dma_wait3A_375, %dma_wait3A_391, %dma_wait3A_392] : memref<3x32x1024xf32, #tpu.memory_space<vmem>> -> memref<1x32x1024xf32, #tpu.memory_space<vmem>>
    %dma_wait3A_394 = tpu.memref_squeeze %dma_wait3A_393 : memref<1x32x1024xf32, #tpu.memory_space<vmem>> -> memref<32x1024xf32, #tpu.memory_space<vmem>>
    tpu.wait_dma2 semaphore(%dma_wait3A_387 : memref<!tpu.dma_semaphore, #tpu.memory_space<semaphore_mem>>) src(%dma_wait3A_394 : memref<32x1024xf32, #tpu.memory_space<vmem>>) dst(%dma_wait3A_390 : memref<32x1024xf32, #tpu.memory_space<hbm>>)
    %add3A_395 = arith.constant 0 : i32
    %add3A_396 = arith.addi %mul3A_2, %add3A_395 : i32
    %dma_wait3A_397 = arith.constant 0 : i32
    %dma_wait3A_398 = arith.constant 1 : i32
    %dma_wait3A_399 = arith.constant 0 : i32
    %dma_wait3A_400 = arith.constant 1 : i32
    %dma_wait3A_401 = arith.constant 0 : i32
    %dma_wait3A_402 = arith.constant 0 : i32
    %dma_wait3A_403 = tpu.memref_slice %arg4[%dma_wait3A_397, %dma_wait3A_401, %dma_wait3A_402] : memref<3x32x1024xf32, #tpu.memory_space<vmem>> -> memref<1x32x1024xf32, #tpu.memory_space<vmem>>
    %dma_wait3A_404 = tpu.memref_squeeze %dma_wait3A_403 : memref<1x32x1024xf32, #tpu.memory_space<vmem>> -> memref<32x1024xf32, #tpu.memory_space<vmem>>
    %dma_wait3A_405 = arith.constant 0 : i32
    %dma_wait3A_406 = tpu.memref_slice %arg3[%add3A_396, %dma_wait3A_398, %dma_wait3A_405] : memref<8192x4x1024xf32, #tpu.memory_space<hbm>> -> memref<32x1x1024xf32, #tpu.memory_space<hbm>>
    %dma_wait3A_407 = tpu.memref_squeeze %dma_wait3A_406 : memref<32x1x1024xf32, #tpu.memory_space<hbm>> -> memref<32x1024xf32, #tpu.memory_space<hbm>>
    %dma_wait3A_408 = tpu.memref_slice %arg6[%dma_wait3A_399, %dma_wait3A_400] : memref<3x4x!tpu.dma_semaphore, #tpu.memory_space<semaphore_mem>> -> memref<1x1x!tpu.dma_semaphore, #tpu.memory_space<semaphore_mem>>
    %dma_wait3A_409 = tpu.memref_squeeze %dma_wait3A_408 : memref<1x1x!tpu.dma_semaphore, #tpu.memory_space<semaphore_mem>> -> memref<!tpu.dma_semaphore, #tpu.memory_space<semaphore_mem>>
    %dma_wait3A_410 = arith.constant 0 : i32
    %dma_wait3A_411 = tpu.memref_slice %arg3[%add3A_396, %dma_wait3A_398, %dma_wait3A_410] : memref<8192x4x1024xf32, #tpu.memory_space<hbm>> -> memref<32x1x1024xf32, #tpu.memory_space<hbm>>
    %dma_wait3A_412 = tpu.memref_squeeze %dma_wait3A_411 : memref<32x1x1024xf32, #tpu.memory_space<hbm>> -> memref<32x1024xf32, #tpu.memory_space<hbm>>
    %dma_wait3A_413 = arith.constant 0 : i32
    %dma_wait3A_414 = arith.constant 0 : i32
    %dma_wait3A_415 = tpu.memref_slice %arg4[%dma_wait3A_397, %dma_wait3A_413, %dma_wait3A_414] : memref<3x32x1024xf32, #tpu.memory_space<vmem>> -> memref<1x32x1024xf32, #tpu.memory_space<vmem>>
    %dma_wait3A_416 = tpu.memref_squeeze %dma_wait3A_415 : memref<1x32x1024xf32, #tpu.memory_space<vmem>> -> memref<32x1024xf32, #tpu.memory_space<vmem>>
    tpu.wait_dma2 semaphore(%dma_wait3A_409 : memref<!tpu.dma_semaphore, #tpu.memory_space<semaphore_mem>>) src(%dma_wait3A_416 : memref<32x1024xf32, #tpu.memory_space<vmem>>) dst(%dma_wait3A_412 : memref<32x1024xf32, #tpu.memory_space<hbm>>)
    %add3A_417 = arith.constant 0 : i32
    %add3A_418 = arith.addi %mul3A_2, %add3A_417 : i32
    %dma_wait3A_419 = arith.constant 0 : i32
    %dma_wait3A_420 = arith.constant 2 : i32
    %dma_wait3A_421 = arith.constant 0 : i32
    %dma_wait3A_422 = arith.constant 2 : i32
    %dma_wait3A_423 = arith.constant 0 : i32
    %dma_wait3A_424 = arith.constant 0 : i32
    %dma_wait3A_425 = tpu.memref_slice %arg4[%dma_wait3A_419, %dma_wait3A_423, %dma_wait3A_424] : memref<3x32x1024xf32, #tpu.memory_space<vmem>> -> memref<1x32x1024xf32, #tpu.memory_space<vmem>>
    %dma_wait3A_426 = tpu.memref_squeeze %dma_wait3A_425 : memref<1x32x1024xf32, #tpu.memory_space<vmem>> -> memref<32x1024xf32, #tpu.memory_space<vmem>>
    %dma_wait3A_427 = arith.constant 0 : i32
    %dma_wait3A_428 = tpu.memref_slice %arg3[%add3A_418, %dma_wait3A_420, %dma_wait3A_427] : memref<8192x4x1024xf32, #tpu.memory_space<hbm>> -> memref<32x1x1024xf32, #tpu.memory_space<hbm>>
    %dma_wait3A_429 = tpu.memref_squeeze %dma_wait3A_428 : memref<32x1x1024xf32, #tpu.memory_space<hbm>> -> memref<32x1024xf32, #tpu.memory_space<hbm>>
    %dma_wait3A_430 = tpu.memref_slice %arg6[%dma_wait3A_421, %dma_wait3A_422] : memref<3x4x!tpu.dma_semaphore, #tpu.memory_space<semaphore_mem>> -> memref<1x1x!tpu.dma_semaphore, #tpu.memory_space<semaphore_mem>>
    %dma_wait3A_431 = tpu.memref_squeeze %dma_wait3A_430 : memref<1x1x!tpu.dma_semaphore, #tpu.memory_space<semaphore_mem>> -> memref<!tpu.dma_semaphore, #tpu.memory_space<semaphore_mem>>
    %dma_wait3A_432 = arith.constant 0 : i32
    %dma_wait3A_433 = tpu.memref_slice %arg3[%add3A_418, %dma_wait3A_420, %dma_wait3A_432] : memref<8192x4x1024xf32, #tpu.memory_space<hbm>> -> memref<32x1x1024xf32, #tpu.memory_space<hbm>>
    %dma_wait3A_434 = tpu.memref_squeeze %dma_wait3A_433 : memref<32x1x1024xf32, #tpu.memory_space<hbm>> -> memref<32x1024xf32, #tpu.memory_space<hbm>>
    %dma_wait3A_435 = arith.constant 0 : i32
    %dma_wait3A_436 = arith.constant 0 : i32
    %dma_wait3A_437 = tpu.memref_slice %arg4[%dma_wait3A_419, %dma_wait3A_435, %dma_wait3A_436] : memref<3x32x1024xf32, #tpu.memory_space<vmem>> -> memref<1x32x1024xf32, #tpu.memory_space<vmem>>
    %dma_wait3A_438 = tpu.memref_squeeze %dma_wait3A_437 : memref<1x32x1024xf32, #tpu.memory_space<vmem>> -> memref<32x1024xf32, #tpu.memory_space<vmem>>
    tpu.wait_dma2 semaphore(%dma_wait3A_431 : memref<!tpu.dma_semaphore, #tpu.memory_space<semaphore_mem>>) src(%dma_wait3A_438 : memref<32x1024xf32, #tpu.memory_space<vmem>>) dst(%dma_wait3A_434 : memref<32x1024xf32, #tpu.memory_space<hbm>>)
    %add3A_439 = arith.constant 0 : i32
    %add3A_440 = arith.addi %mul3A_2, %add3A_439 : i32
    %dma_wait3A_441 = arith.constant 0 : i32
    %dma_wait3A_442 = arith.constant 3 : i32
    %dma_wait3A_443 = arith.constant 0 : i32
    %dma_wait3A_444 = arith.constant 3 : i32
    %dma_wait3A_445 = arith.constant 0 : i32
    %dma_wait3A_446 = arith.constant 0 : i32
    %dma_wait3A_447 = tpu.memref_slice %arg4[%dma_wait3A_441, %dma_wait3A_445, %dma_wait3A_446] : memref<3x32x1024xf32, #tpu.memory_space<vmem>> -> memref<1x32x1024xf32, #tpu.memory_space<vmem>>
    %dma_wait3A_448 = tpu.memref_squeeze %dma_wait3A_447 : memref<1x32x1024xf32, #tpu.memory_space<vmem>> -> memref<32x1024xf32, #tpu.memory_space<vmem>>
    %dma_wait3A_449 = arith.constant 0 : i32
    %dma_wait3A_450 = tpu.memref_slice %arg3[%add3A_440, %dma_wait3A_442, %dma_wait3A_449] : memref<8192x4x1024xf32, #tpu.memory_space<hbm>> -> memref<32x1x1024xf32, #tpu.memory_space<hbm>>
    %dma_wait3A_451 = tpu.memref_squeeze %dma_wait3A_450 : memref<32x1x1024xf32, #tpu.memory_space<hbm>> -> memref<32x1024xf32, #tpu.memory_space<hbm>>
    %dma_wait3A_452 = tpu.memref_slice %arg6[%dma_wait3A_443, %dma_wait3A_444] : memref<3x4x!tpu.dma_semaphore, #tpu.memory_space<semaphore_mem>> -> memref<1x1x!tpu.dma_semaphore, #tpu.memory_space<semaphore_mem>>
    %dma_wait3A_453 = tpu.memref_squeeze %dma_wait3A_452 : memref<1x1x!tpu.dma_semaphore, #tpu.memory_space<semaphore_mem>> -> memref<!tpu.dma_semaphore, #tpu.memory_space<semaphore_mem>>
    %dma_wait3A_454 = arith.constant 0 : i32
    %dma_wait3A_455 = tpu.memref_slice %arg3[%add3A_440, %dma_wait3A_442, %dma_wait3A_454] : memref<8192x4x1024xf32, #tpu.memory_space<hbm>> -> memref<32x1x1024xf32, #tpu.memory_space<hbm>>
    %dma_wait3A_456 = tpu.memref_squeeze %dma_wait3A_455 : memref<32x1x1024xf32, #tpu.memory_space<hbm>> -> memref<32x1024xf32, #tpu.memory_space<hbm>>
    %dma_wait3A_457 = arith.constant 0 : i32
    %dma_wait3A_458 = arith.constant 0 : i32
    %dma_wait3A_459 = tpu.memref_slice %arg4[%dma_wait3A_441, %dma_wait3A_457, %dma_wait3A_458] : memref<3x32x1024xf32, #tpu.memory_space<vmem>> -> memref<1x32x1024xf32, #tpu.memory_space<vmem>>
    %dma_wait3A_460 = tpu.memref_squeeze %dma_wait3A_459 : memref<1x32x1024xf32, #tpu.memory_space<vmem>> -> memref<32x1024xf32, #tpu.memory_space<vmem>>
    tpu.wait_dma2 semaphore(%dma_wait3A_453 : memref<!tpu.dma_semaphore, #tpu.memory_space<semaphore_mem>>) src(%dma_wait3A_460 : memref<32x1024xf32, #tpu.memory_space<vmem>>) dst(%dma_wait3A_456 : memref<32x1024xf32, #tpu.memory_space<hbm>>)
    %add3A_461 = arith.constant 96 : i32
    %add3A_462 = arith.addi %mul3A_2, %add3A_461 : i32
    %dma_start3A_463 = arith.constant 0 : i32
    %dma_start3A_464 = arith.constant 0 : i32
    %dma_start3A_465 = arith.constant 0 : i32
    %dma_start3A_466 = arith.constant 0 : i32
    %dma_start3A_467 = tpu.memref_slice %arg4[%dma_start3A_463, %dma_start3A_465, %dma_start3A_466] : memref<3x32x1024xf32, #tpu.memory_space<vmem>> -> memref<1x32x1024xf32, #tpu.memory_space<vmem>>
    %dma_start3A_468 = tpu.memref_squeeze %dma_start3A_467 : memref<1x32x1024xf32, #tpu.memory_space<vmem>> -> memref<32x1024xf32, #tpu.memory_space<vmem>>
    %dma_start3A_469 = arith.constant 0 : i32
    %dma_start3A_470 = tpu.memref_slice %arg2[%add3A_462, %dma_start3A_469] : memref<8192x1024xf32, #tpu.memory_space<hbm>> -> memref<32x1024xf32, #tpu.memory_space<hbm>>
    %dma_start3A_471 = tpu.memref_slice %arg5[%dma_start3A_464] : memref<3x!tpu.dma_semaphore, #tpu.memory_space<semaphore_mem>> -> memref<1x!tpu.dma_semaphore, #tpu.memory_space<semaphore_mem>>
    %dma_start3A_472 = tpu.memref_squeeze %dma_start3A_471 : memref<1x!tpu.dma_semaphore, #tpu.memory_space<semaphore_mem>> -> memref<!tpu.dma_semaphore, #tpu.memory_space<semaphore_mem>>
    %dma_start3A_473 = arith.constant 0 : i32
    %dma_start3A_474 = arith.constant 0 : i32
    %dma_start3A_475 = tpu.memref_slice %arg4[%dma_start3A_463, %dma_start3A_473, %dma_start3A_474] : memref<3x32x1024xf32, #tpu.memory_space<vmem>> -> memref<1x32x1024xf32, #tpu.memory_space<vmem>>
    %dma_start3A_476 = tpu.memref_squeeze %dma_start3A_475 : memref<1x32x1024xf32, #tpu.memory_space<vmem>> -> memref<32x1024xf32, #tpu.memory_space<vmem>>
    %dma_start3A_477 = arith.constant 0 : i32
    %dma_start3A_478 = tpu.memref_slice %arg2[%add3A_462, %dma_start3A_477] : memref<8192x1024xf32, #tpu.memory_space<hbm>> -> memref<32x1024xf32, #tpu.memory_space<hbm>>
    tpu.enqueue_dma source(%dma_start3A_478 : memref<32x1024xf32, #tpu.memory_space<hbm>>) target(%dma_start3A_476 : memref<32x1024xf32, #tpu.memory_space<vmem>>) target_semaphore(%dma_start3A_472 : memref<!tpu.dma_semaphore, #tpu.memory_space<semaphore_mem>>)
    %add3A_479 = arith.constant 96 : i32
    %add3A_480 = arith.addi %mul3A_2, %add3A_479 : i32
    %dma_wait3A_481 = arith.constant 0 : i32
    %dma_wait3A_482 = arith.constant 0 : i32
    %dma_wait3A_483 = arith.constant 0 : i32
    %dma_wait3A_484 = arith.constant 0 : i32
    %dma_wait3A_485 = tpu.memref_slice %arg4[%dma_wait3A_481, %dma_wait3A_483, %dma_wait3A_484] : memref<3x32x1024xf32, #tpu.memory_space<vmem>> -> memref<1x32x1024xf32, #tpu.memory_space<vmem>>
    %dma_wait3A_486 = tpu.memref_squeeze %dma_wait3A_485 : memref<1x32x1024xf32, #tpu.memory_space<vmem>> -> memref<32x1024xf32, #tpu.memory_space<vmem>>
    %dma_wait3A_487 = arith.constant 0 : i32
    %dma_wait3A_488 = tpu.memref_slice %arg2[%add3A_480, %dma_wait3A_487] : memref<8192x1024xf32, #tpu.memory_space<hbm>> -> memref<32x1024xf32, #tpu.memory_space<hbm>>
    %dma_wait3A_489 = tpu.memref_slice %arg5[%dma_wait3A_482] : memref<3x!tpu.dma_semaphore, #tpu.memory_space<semaphore_mem>> -> memref<1x!tpu.dma_semaphore, #tpu.memory_space<semaphore_mem>>
    %dma_wait3A_490 = tpu.memref_squeeze %dma_wait3A_489 : memref<1x!tpu.dma_semaphore, #tpu.memory_space<semaphore_mem>> -> memref<!tpu.dma_semaphore, #tpu.memory_space<semaphore_mem>>
    %dma_wait3A_491 = arith.constant 0 : i32
    %dma_wait3A_492 = arith.constant 0 : i32
    %dma_wait3A_493 = tpu.memref_slice %arg4[%dma_wait3A_481, %dma_wait3A_491, %dma_wait3A_492] : memref<3x32x1024xf32, #tpu.memory_space<vmem>> -> memref<1x32x1024xf32, #tpu.memory_space<vmem>>
    %dma_wait3A_494 = tpu.memref_squeeze %dma_wait3A_493 : memref<1x32x1024xf32, #tpu.memory_space<vmem>> -> memref<32x1024xf32, #tpu.memory_space<vmem>>
    %dma_wait3A_495 = arith.constant 0 : i32
    %dma_wait3A_496 = tpu.memref_slice %arg2[%add3A_480, %dma_wait3A_495] : memref<8192x1024xf32, #tpu.memory_space<hbm>> -> memref<32x1024xf32, #tpu.memory_space<hbm>>
    tpu.wait_dma2 semaphore(%dma_wait3A_490 : memref<!tpu.dma_semaphore, #tpu.memory_space<semaphore_mem>>) src(%dma_wait3A_496 : memref<32x1024xf32, #tpu.memory_space<hbm>>) dst(%dma_wait3A_494 : memref<32x1024xf32, #tpu.memory_space<vmem>>)
    %add3A_497 = arith.constant 96 : i32
    %add3A_498 = arith.addi %mul3A_2, %add3A_497 : i32
    %dma_start3A_499 = arith.constant 0 : i32
    %dma_start3A_500 = arith.constant 0 : i32
    %dma_start3A_501 = arith.constant 0 : i32
    %dma_start3A_502 = arith.constant 0 : i32
    %dma_start3A_503 = arith.constant 0 : i32
    %dma_start3A_504 = arith.constant 0 : i32
    %dma_start3A_505 = tpu.memref_slice %arg4[%dma_start3A_499, %dma_start3A_503, %dma_start3A_504] : memref<3x32x1024xf32, #tpu.memory_space<vmem>> -> memref<1x32x1024xf32, #tpu.memory_space<vmem>>
    %dma_start3A_506 = tpu.memref_squeeze %dma_start3A_505 : memref<1x32x1024xf32, #tpu.memory_space<vmem>> -> memref<32x1024xf32, #tpu.memory_space<vmem>>
    %dma_start3A_507 = arith.constant 0 : i32
    %dma_start3A_508 = tpu.memref_slice %arg3[%add3A_498, %dma_start3A_500, %dma_start3A_507] : memref<8192x4x1024xf32, #tpu.memory_space<hbm>> -> memref<32x1x1024xf32, #tpu.memory_space<hbm>>
    %dma_start3A_509 = tpu.memref_squeeze %dma_start3A_508 : memref<32x1x1024xf32, #tpu.memory_space<hbm>> -> memref<32x1024xf32, #tpu.memory_space<hbm>>
    %dma_start3A_510 = tpu.memref_slice %arg6[%dma_start3A_501, %dma_start3A_502] : memref<3x4x!tpu.dma_semaphore, #tpu.memory_space<semaphore_mem>> -> memref<1x1x!tpu.dma_semaphore, #tpu.memory_space<semaphore_mem>>
    %dma_start3A_511 = tpu.memref_squeeze %dma_start3A_510 : memref<1x1x!tpu.dma_semaphore, #tpu.memory_space<semaphore_mem>> -> memref<!tpu.dma_semaphore, #tpu.memory_space<semaphore_mem>>
    %dma_start3A_512 = arith.constant 0 : i32
    %dma_start3A_513 = tpu.memref_slice %arg3[%add3A_498, %dma_start3A_500, %dma_start3A_512] : memref<8192x4x1024xf32, #tpu.memory_space<hbm>> -> memref<32x1x1024xf32, #tpu.memory_space<hbm>>
    %dma_start3A_514 = tpu.memref_squeeze %dma_start3A_513 : memref<32x1x1024xf32, #tpu.memory_space<hbm>> -> memref<32x1024xf32, #tpu.memory_space<hbm>>
    %dma_start3A_515 = arith.constant 0 : i32
    %dma_start3A_516 = arith.constant 0 : i32
    %dma_start3A_517 = tpu.memref_slice %arg4[%dma_start3A_499, %dma_start3A_515, %dma_start3A_516] : memref<3x32x1024xf32, #tpu.memory_space<vmem>> -> memref<1x32x1024xf32, #tpu.memory_space<vmem>>
    %dma_start3A_518 = tpu.memref_squeeze %dma_start3A_517 : memref<1x32x1024xf32, #tpu.memory_space<vmem>> -> memref<32x1024xf32, #tpu.memory_space<vmem>>
    tpu.enqueue_dma source(%dma_start3A_518 : memref<32x1024xf32, #tpu.memory_space<vmem>>) target(%dma_start3A_514 : memref<32x1024xf32, #tpu.memory_space<hbm>>) target_semaphore(%dma_start3A_511 : memref<!tpu.dma_semaphore, #tpu.memory_space<semaphore_mem>>)
    %add3A_519 = arith.constant 96 : i32
    %add3A_520 = arith.addi %mul3A_2, %add3A_519 : i32
    %dma_start3A_521 = arith.constant 0 : i32
    %dma_start3A_522 = arith.constant 1 : i32
    %dma_start3A_523 = arith.constant 0 : i32
    %dma_start3A_524 = arith.constant 1 : i32
    %dma_start3A_525 = arith.constant 0 : i32
    %dma_start3A_526 = arith.constant 0 : i32
    %dma_start3A_527 = tpu.memref_slice %arg4[%dma_start3A_521, %dma_start3A_525, %dma_start3A_526] : memref<3x32x1024xf32, #tpu.memory_space<vmem>> -> memref<1x32x1024xf32, #tpu.memory_space<vmem>>
    %dma_start3A_528 = tpu.memref_squeeze %dma_start3A_527 : memref<1x32x1024xf32, #tpu.memory_space<vmem>> -> memref<32x1024xf32, #tpu.memory_space<vmem>>
    %dma_start3A_529 = arith.constant 0 : i32
    %dma_start3A_530 = tpu.memref_slice %arg3[%add3A_520, %dma_start3A_522, %dma_start3A_529] : memref<8192x4x1024xf32, #tpu.memory_space<hbm>> -> memref<32x1x1024xf32, #tpu.memory_space<hbm>>
    %dma_start3A_531 = tpu.memref_squeeze %dma_start3A_530 : memref<32x1x1024xf32, #tpu.memory_space<hbm>> -> memref<32x1024xf32, #tpu.memory_space<hbm>>
    %dma_start3A_532 = tpu.memref_slice %arg6[%dma_start3A_523, %dma_start3A_524] : memref<3x4x!tpu.dma_semaphore, #tpu.memory_space<semaphore_mem>> -> memref<1x1x!tpu.dma_semaphore, #tpu.memory_space<semaphore_mem>>
    %dma_start3A_533 = tpu.memref_squeeze %dma_start3A_532 : memref<1x1x!tpu.dma_semaphore, #tpu.memory_space<semaphore_mem>> -> memref<!tpu.dma_semaphore, #tpu.memory_space<semaphore_mem>>
    %dma_start3A_534 = arith.constant 0 : i32
    %dma_start3A_535 = tpu.memref_slice %arg3[%add3A_520, %dma_start3A_522, %dma_start3A_534] : memref<8192x4x1024xf32, #tpu.memory_space<hbm>> -> memref<32x1x1024xf32, #tpu.memory_space<hbm>>
    %dma_start3A_536 = tpu.memref_squeeze %dma_start3A_535 : memref<32x1x1024xf32, #tpu.memory_space<hbm>> -> memref<32x1024xf32, #tpu.memory_space<hbm>>
    %dma_start3A_537 = arith.constant 0 : i32
    %dma_start3A_538 = arith.constant 0 : i32
    %dma_start3A_539 = tpu.memref_slice %arg4[%dma_start3A_521, %dma_start3A_537, %dma_start3A_538] : memref<3x32x1024xf32, #tpu.memory_space<vmem>> -> memref<1x32x1024xf32, #tpu.memory_space<vmem>>
    %dma_start3A_540 = tpu.memref_squeeze %dma_start3A_539 : memref<1x32x1024xf32, #tpu.memory_space<vmem>> -> memref<32x1024xf32, #tpu.memory_space<vmem>>
    tpu.enqueue_dma source(%dma_start3A_540 : memref<32x1024xf32, #tpu.memory_space<vmem>>) target(%dma_start3A_536 : memref<32x1024xf32, #tpu.memory_space<hbm>>) target_semaphore(%dma_start3A_533 : memref<!tpu.dma_semaphore, #tpu.memory_space<semaphore_mem>>)
    %add3A_541 = arith.constant 96 : i32
    %add3A_542 = arith.addi %mul3A_2, %add3A_541 : i32
    %dma_start3A_543 = arith.constant 0 : i32
    %dma_start3A_544 = arith.constant 2 : i32
    %dma_start3A_545 = arith.constant 0 : i32
    %dma_start3A_546 = arith.constant 2 : i32
    %dma_start3A_547 = arith.constant 0 : i32
    %dma_start3A_548 = arith.constant 0 : i32
    %dma_start3A_549 = tpu.memref_slice %arg4[%dma_start3A_543, %dma_start3A_547, %dma_start3A_548] : memref<3x32x1024xf32, #tpu.memory_space<vmem>> -> memref<1x32x1024xf32, #tpu.memory_space<vmem>>
    %dma_start3A_550 = tpu.memref_squeeze %dma_start3A_549 : memref<1x32x1024xf32, #tpu.memory_space<vmem>> -> memref<32x1024xf32, #tpu.memory_space<vmem>>
    %dma_start3A_551 = arith.constant 0 : i32
    %dma_start3A_552 = tpu.memref_slice %arg3[%add3A_542, %dma_start3A_544, %dma_start3A_551] : memref<8192x4x1024xf32, #tpu.memory_space<hbm>> -> memref<32x1x1024xf32, #tpu.memory_space<hbm>>
    %dma_start3A_553 = tpu.memref_squeeze %dma_start3A_552 : memref<32x1x1024xf32, #tpu.memory_space<hbm>> -> memref<32x1024xf32, #tpu.memory_space<hbm>>
    %dma_start3A_554 = tpu.memref_slice %arg6[%dma_start3A_545, %dma_start3A_546] : memref<3x4x!tpu.dma_semaphore, #tpu.memory_space<semaphore_mem>> -> memref<1x1x!tpu.dma_semaphore, #tpu.memory_space<semaphore_mem>>
    %dma_start3A_555 = tpu.memref_squeeze %dma_start3A_554 : memref<1x1x!tpu.dma_semaphore, #tpu.memory_space<semaphore_mem>> -> memref<!tpu.dma_semaphore, #tpu.memory_space<semaphore_mem>>
    %dma_start3A_556 = arith.constant 0 : i32
    %dma_start3A_557 = tpu.memref_slice %arg3[%add3A_542, %dma_start3A_544, %dma_start3A_556] : memref<8192x4x1024xf32, #tpu.memory_space<hbm>> -> memref<32x1x1024xf32, #tpu.memory_space<hbm>>
    %dma_start3A_558 = tpu.memref_squeeze %dma_start3A_557 : memref<32x1x1024xf32, #tpu.memory_space<hbm>> -> memref<32x1024xf32, #tpu.memory_space<hbm>>
    %dma_start3A_559 = arith.constant 0 : i32
    %dma_start3A_560 = arith.constant 0 : i32
    %dma_start3A_561 = tpu.memref_slice %arg4[%dma_start3A_543, %dma_start3A_559, %dma_start3A_560] : memref<3x32x1024xf32, #tpu.memory_space<vmem>> -> memref<1x32x1024xf32, #tpu.memory_space<vmem>>
    %dma_start3A_562 = tpu.memref_squeeze %dma_start3A_561 : memref<1x32x1024xf32, #tpu.memory_space<vmem>> -> memref<32x1024xf32, #tpu.memory_space<vmem>>
    tpu.enqueue_dma source(%dma_start3A_562 : memref<32x1024xf32, #tpu.memory_space<vmem>>) target(%dma_start3A_558 : memref<32x1024xf32, #tpu.memory_space<hbm>>) target_semaphore(%dma_start3A_555 : memref<!tpu.dma_semaphore, #tpu.memory_space<semaphore_mem>>)
    %add3A_563 = arith.constant 96 : i32
    %add3A_564 = arith.addi %mul3A_2, %add3A_563 : i32
    %dma_start3A_565 = arith.constant 0 : i32
    %dma_start3A_566 = arith.constant 3 : i32
    %dma_start3A_567 = arith.constant 0 : i32
    %dma_start3A_568 = arith.constant 3 : i32
    %dma_start3A_569 = arith.constant 0 : i32
    %dma_start3A_570 = arith.constant 0 : i32
    %dma_start3A_571 = tpu.memref_slice %arg4[%dma_start3A_565, %dma_start3A_569, %dma_start3A_570] : memref<3x32x1024xf32, #tpu.memory_space<vmem>> -> memref<1x32x1024xf32, #tpu.memory_space<vmem>>
    %dma_start3A_572 = tpu.memref_squeeze %dma_start3A_571 : memref<1x32x1024xf32, #tpu.memory_space<vmem>> -> memref<32x1024xf32, #tpu.memory_space<vmem>>
    %dma_start3A_573 = arith.constant 0 : i32
    %dma_start3A_574 = tpu.memref_slice %arg3[%add3A_564, %dma_start3A_566, %dma_start3A_573] : memref<8192x4x1024xf32, #tpu.memory_space<hbm>> -> memref<32x1x1024xf32, #tpu.memory_space<hbm>>
    %dma_start3A_575 = tpu.memref_squeeze %dma_start3A_574 : memref<32x1x1024xf32, #tpu.memory_space<hbm>> -> memref<32x1024xf32, #tpu.memory_space<hbm>>
    %dma_start3A_576 = tpu.memref_slice %arg6[%dma_start3A_567, %dma_start3A_568] : memref<3x4x!tpu.dma_semaphore, #tpu.memory_space<semaphore_mem>> -> memref<1x1x!tpu.dma_semaphore, #tpu.memory_space<semaphore_mem>>
    %dma_start3A_577 = tpu.memref_squeeze %dma_start3A_576 : memref<1x1x!tpu.dma_semaphore, #tpu.memory_space<semaphore_mem>> -> memref<!tpu.dma_semaphore, #tpu.memory_space<semaphore_mem>>
    %dma_start3A_578 = arith.constant 0 : i32
    %dma_start3A_579 = tpu.memref_slice %arg3[%add3A_564, %dma_start3A_566, %dma_start3A_578] : memref<8192x4x1024xf32, #tpu.memory_space<hbm>> -> memref<32x1x1024xf32, #tpu.memory_space<hbm>>
    %dma_start3A_580 = tpu.memref_squeeze %dma_start3A_579 : memref<32x1x1024xf32, #tpu.memory_space<hbm>> -> memref<32x1024xf32, #tpu.memory_space<hbm>>
    %dma_start3A_581 = arith.constant 0 : i32
    %dma_start3A_582 = arith.constant 0 : i32
    %dma_start3A_583 = tpu.memref_slice %arg4[%dma_start3A_565, %dma_start3A_581, %dma_start3A_582] : memref<3x32x1024xf32, #tpu.memory_space<vmem>> -> memref<1x32x1024xf32, #tpu.memory_space<vmem>>
    %dma_start3A_584 = tpu.memref_squeeze %dma_start3A_583 : memref<1x32x1024xf32, #tpu.memory_space<vmem>> -> memref<32x1024xf32, #tpu.memory_space<vmem>>
    tpu.enqueue_dma source(%dma_start3A_584 : memref<32x1024xf32, #tpu.memory_space<vmem>>) target(%dma_start3A_580 : memref<32x1024xf32, #tpu.memory_space<hbm>>) target_semaphore(%dma_start3A_577 : memref<!tpu.dma_semaphore, #tpu.memory_space<semaphore_mem>>)
    %add3A_585 = arith.constant 32 : i32
    %add3A_586 = arith.addi %mul3A_2, %add3A_585 : i32
    %dma_wait3A_587 = arith.constant 1 : i32
    %dma_wait3A_588 = arith.constant 0 : i32
    %dma_wait3A_589 = arith.constant 1 : i32
    %dma_wait3A_590 = arith.constant 0 : i32
    %dma_wait3A_591 = arith.constant 0 : i32
    %dma_wait3A_592 = arith.constant 0 : i32
    %dma_wait3A_593 = tpu.memref_slice %arg4[%dma_wait3A_587, %dma_wait3A_591, %dma_wait3A_592] : memref<3x32x1024xf32, #tpu.memory_space<vmem>> -> memref<1x32x1024xf32, #tpu.memory_space<vmem>>
    %dma_wait3A_594 = tpu.memref_squeeze %dma_wait3A_593 : memref<1x32x1024xf32, #tpu.memory_space<vmem>> -> memref<32x1024xf32, #tpu.memory_space<vmem>>
    %dma_wait3A_595 = arith.constant 0 : i32
    %dma_wait3A_596 = tpu.memref_slice %arg3[%add3A_586, %dma_wait3A_588, %dma_wait3A_595] : memref<8192x4x1024xf32, #tpu.memory_space<hbm>> -> memref<32x1x1024xf32, #tpu.memory_space<hbm>>
    %dma_wait3A_597 = tpu.memref_squeeze %dma_wait3A_596 : memref<32x1x1024xf32, #tpu.memory_space<hbm>> -> memref<32x1024xf32, #tpu.memory_space<hbm>>
    %dma_wait3A_598 = tpu.memref_slice %arg6[%dma_wait3A_589, %dma_wait3A_590] : memref<3x4x!tpu.dma_semaphore, #tpu.memory_space<semaphore_mem>> -> memref<1x1x!tpu.dma_semaphore, #tpu.memory_space<semaphore_mem>>
    %dma_wait3A_599 = tpu.memref_squeeze %dma_wait3A_598 : memref<1x1x!tpu.dma_semaphore, #tpu.memory_space<semaphore_mem>> -> memref<!tpu.dma_semaphore, #tpu.memory_space<semaphore_mem>>
    %dma_wait3A_600 = arith.constant 0 : i32
    %dma_wait3A_601 = tpu.memref_slice %arg3[%add3A_586, %dma_wait3A_588, %dma_wait3A_600] : memref<8192x4x1024xf32, #tpu.memory_space<hbm>> -> memref<32x1x1024xf32, #tpu.memory_space<hbm>>
    %dma_wait3A_602 = tpu.memref_squeeze %dma_wait3A_601 : memref<32x1x1024xf32, #tpu.memory_space<hbm>> -> memref<32x1024xf32, #tpu.memory_space<hbm>>
    %dma_wait3A_603 = arith.constant 0 : i32
    %dma_wait3A_604 = arith.constant 0 : i32
    %dma_wait3A_605 = tpu.memref_slice %arg4[%dma_wait3A_587, %dma_wait3A_603, %dma_wait3A_604] : memref<3x32x1024xf32, #tpu.memory_space<vmem>> -> memref<1x32x1024xf32, #tpu.memory_space<vmem>>
    %dma_wait3A_606 = tpu.memref_squeeze %dma_wait3A_605 : memref<1x32x1024xf32, #tpu.memory_space<vmem>> -> memref<32x1024xf32, #tpu.memory_space<vmem>>
    tpu.wait_dma2 semaphore(%dma_wait3A_599 : memref<!tpu.dma_semaphore, #tpu.memory_space<semaphore_mem>>) src(%dma_wait3A_606 : memref<32x1024xf32, #tpu.memory_space<vmem>>) dst(%dma_wait3A_602 : memref<32x1024xf32, #tpu.memory_space<hbm>>)
    %add3A_607 = arith.constant 32 : i32
    %add3A_608 = arith.addi %mul3A_2, %add3A_607 : i32
    %dma_wait3A_609 = arith.constant 1 : i32
    %dma_wait3A_610 = arith.constant 1 : i32
    %dma_wait3A_611 = arith.constant 1 : i32
    %dma_wait3A_612 = arith.constant 1 : i32
    %dma_wait3A_613 = arith.constant 0 : i32
    %dma_wait3A_614 = arith.constant 0 : i32
    %dma_wait3A_615 = tpu.memref_slice %arg4[%dma_wait3A_609, %dma_wait3A_613, %dma_wait3A_614] : memref<3x32x1024xf32, #tpu.memory_space<vmem>> -> memref<1x32x1024xf32, #tpu.memory_space<vmem>>
    %dma_wait3A_616 = tpu.memref_squeeze %dma_wait3A_615 : memref<1x32x1024xf32, #tpu.memory_space<vmem>> -> memref<32x1024xf32, #tpu.memory_space<vmem>>
    %dma_wait3A_617 = arith.constant 0 : i32
    %dma_wait3A_618 = tpu.memref_slice %arg3[%add3A_608, %dma_wait3A_610, %dma_wait3A_617] : memref<8192x4x1024xf32, #tpu.memory_space<hbm>> -> memref<32x1x1024xf32, #tpu.memory_space<hbm>>
    %dma_wait3A_619 = tpu.memref_squeeze %dma_wait3A_618 : memref<32x1x1024xf32, #tpu.memory_space<hbm>> -> memref<32x1024xf32, #tpu.memory_space<hbm>>
    %dma_wait3A_620 = tpu.memref_slice %arg6[%dma_wait3A_611, %dma_wait3A_612] : memref<3x4x!tpu.dma_semaphore, #tpu.memory_space<semaphore_mem>> -> memref<1x1x!tpu.dma_semaphore, #tpu.memory_space<semaphore_mem>>
    %dma_wait3A_621 = tpu.memref_squeeze %dma_wait3A_620 : memref<1x1x!tpu.dma_semaphore, #tpu.memory_space<semaphore_mem>> -> memref<!tpu.dma_semaphore, #tpu.memory_space<semaphore_mem>>
    %dma_wait3A_622 = arith.constant 0 : i32
    %dma_wait3A_623 = tpu.memref_slice %arg3[%add3A_608, %dma_wait3A_610, %dma_wait3A_622] : memref<8192x4x1024xf32, #tpu.memory_space<hbm>> -> memref<32x1x1024xf32, #tpu.memory_space<hbm>>
    %dma_wait3A_624 = tpu.memref_squeeze %dma_wait3A_623 : memref<32x1x1024xf32, #tpu.memory_space<hbm>> -> memref<32x1024xf32, #tpu.memory_space<hbm>>
    %dma_wait3A_625 = arith.constant 0 : i32
    %dma_wait3A_626 = arith.constant 0 : i32
    %dma_wait3A_627 = tpu.memref_slice %arg4[%dma_wait3A_609, %dma_wait3A_625, %dma_wait3A_626] : memref<3x32x1024xf32, #tpu.memory_space<vmem>> -> memref<1x32x1024xf32, #tpu.memory_space<vmem>>
    %dma_wait3A_628 = tpu.memref_squeeze %dma_wait3A_627 : memref<1x32x1024xf32, #tpu.memory_space<vmem>> -> memref<32x1024xf32, #tpu.memory_space<vmem>>
    tpu.wait_dma2 semaphore(%dma_wait3A_621 : memref<!tpu.dma_semaphore, #tpu.memory_space<semaphore_mem>>) src(%dma_wait3A_628 : memref<32x1024xf32, #tpu.memory_space<vmem>>) dst(%dma_wait3A_624 : memref<32x1024xf32, #tpu.memory_space<hbm>>)
    %add3A_629 = arith.constant 32 : i32
    %add3A_630 = arith.addi %mul3A_2, %add3A_629 : i32
    %dma_wait3A_631 = arith.constant 1 : i32
    %dma_wait3A_632 = arith.constant 2 : i32
    %dma_wait3A_633 = arith.constant 1 : i32
    %dma_wait3A_634 = arith.constant 2 : i32
    %dma_wait3A_635 = arith.constant 0 : i32
    %dma_wait3A_636 = arith.constant 0 : i32
    %dma_wait3A_637 = tpu.memref_slice %arg4[%dma_wait3A_631, %dma_wait3A_635, %dma_wait3A_636] : memref<3x32x1024xf32, #tpu.memory_space<vmem>> -> memref<1x32x1024xf32, #tpu.memory_space<vmem>>
    %dma_wait3A_638 = tpu.memref_squeeze %dma_wait3A_637 : memref<1x32x1024xf32, #tpu.memory_space<vmem>> -> memref<32x1024xf32, #tpu.memory_space<vmem>>
    %dma_wait3A_639 = arith.constant 0 : i32
    %dma_wait3A_640 = tpu.memref_slice %arg3[%add3A_630, %dma_wait3A_632, %dma_wait3A_639] : memref<8192x4x1024xf32, #tpu.memory_space<hbm>> -> memref<32x1x1024xf32, #tpu.memory_space<hbm>>
    %dma_wait3A_641 = tpu.memref_squeeze %dma_wait3A_640 : memref<32x1x1024xf32, #tpu.memory_space<hbm>> -> memref<32x1024xf32, #tpu.memory_space<hbm>>
    %dma_wait3A_642 = tpu.memref_slice %arg6[%dma_wait3A_633, %dma_wait3A_634] : memref<3x4x!tpu.dma_semaphore, #tpu.memory_space<semaphore_mem>> -> memref<1x1x!tpu.dma_semaphore, #tpu.memory_space<semaphore_mem>>
    %dma_wait3A_643 = tpu.memref_squeeze %dma_wait3A_642 : memref<1x1x!tpu.dma_semaphore, #tpu.memory_space<semaphore_mem>> -> memref<!tpu.dma_semaphore, #tpu.memory_space<semaphore_mem>>
    %dma_wait3A_644 = arith.constant 0 : i32
    %dma_wait3A_645 = tpu.memref_slice %arg3[%add3A_630, %dma_wait3A_632, %dma_wait3A_644] : memref<8192x4x1024xf32, #tpu.memory_space<hbm>> -> memref<32x1x1024xf32, #tpu.memory_space<hbm>>
    %dma_wait3A_646 = tpu.memref_squeeze %dma_wait3A_645 : memref<32x1x1024xf32, #tpu.memory_space<hbm>> -> memref<32x1024xf32, #tpu.memory_space<hbm>>
    %dma_wait3A_647 = arith.constant 0 : i32
    %dma_wait3A_648 = arith.constant 0 : i32
    %dma_wait3A_649 = tpu.memref_slice %arg4[%dma_wait3A_631, %dma_wait3A_647, %dma_wait3A_648] : memref<3x32x1024xf32, #tpu.memory_space<vmem>> -> memref<1x32x1024xf32, #tpu.memory_space<vmem>>
    %dma_wait3A_650 = tpu.memref_squeeze %dma_wait3A_649 : memref<1x32x1024xf32, #tpu.memory_space<vmem>> -> memref<32x1024xf32, #tpu.memory_space<vmem>>
    tpu.wait_dma2 semaphore(%dma_wait3A_643 : memref<!tpu.dma_semaphore, #tpu.memory_space<semaphore_mem>>) src(%dma_wait3A_650 : memref<32x1024xf32, #tpu.memory_space<vmem>>) dst(%dma_wait3A_646 : memref<32x1024xf32, #tpu.memory_space<hbm>>)
    %add3A_651 = arith.constant 32 : i32
    %add3A_652 = arith.addi %mul3A_2, %add3A_651 : i32
    %dma_wait3A_653 = arith.constant 1 : i32
    %dma_wait3A_654 = arith.constant 3 : i32
    %dma_wait3A_655 = arith.constant 1 : i32
    %dma_wait3A_656 = arith.constant 3 : i32
    %dma_wait3A_657 = arith.constant 0 : i32
    %dma_wait3A_658 = arith.constant 0 : i32
    %dma_wait3A_659 = tpu.memref_slice %arg4[%dma_wait3A_653, %dma_wait3A_657, %dma_wait3A_658] : memref<3x32x1024xf32, #tpu.memory_space<vmem>> -> memref<1x32x1024xf32, #tpu.memory_space<vmem>>
    %dma_wait3A_660 = tpu.memref_squeeze %dma_wait3A_659 : memref<1x32x1024xf32, #tpu.memory_space<vmem>> -> memref<32x1024xf32, #tpu.memory_space<vmem>>
    %dma_wait3A_661 = arith.constant 0 : i32
    %dma_wait3A_662 = tpu.memref_slice %arg3[%add3A_652, %dma_wait3A_654, %dma_wait3A_661] : memref<8192x4x1024xf32, #tpu.memory_space<hbm>> -> memref<32x1x1024xf32, #tpu.memory_space<hbm>>
    %dma_wait3A_663 = tpu.memref_squeeze %dma_wait3A_662 : memref<32x1x1024xf32, #tpu.memory_space<hbm>> -> memref<32x1024xf32, #tpu.memory_space<hbm>>
    %dma_wait3A_664 = tpu.memref_slice %arg6[%dma_wait3A_655, %dma_wait3A_656] : memref<3x4x!tpu.dma_semaphore, #tpu.memory_space<semaphore_mem>> -> memref<1x1x!tpu.dma_semaphore, #tpu.memory_space<semaphore_mem>>
    %dma_wait3A_665 = tpu.memref_squeeze %dma_wait3A_664 : memref<1x1x!tpu.dma_semaphore, #tpu.memory_space<semaphore_mem>> -> memref<!tpu.dma_semaphore, #tpu.memory_space<semaphore_mem>>
    %dma_wait3A_666 = arith.constant 0 : i32
    %dma_wait3A_667 = tpu.memref_slice %arg3[%add3A_652, %dma_wait3A_654, %dma_wait3A_666] : memref<8192x4x1024xf32, #tpu.memory_space<hbm>> -> memref<32x1x1024xf32, #tpu.memory_space<hbm>>
    %dma_wait3A_668 = tpu.memref_squeeze %dma_wait3A_667 : memref<32x1x1024xf32, #tpu.memory_space<hbm>> -> memref<32x1024xf32, #tpu.memory_space<hbm>>
    %dma_wait3A_669 = arith.constant 0 : i32
    %dma_wait3A_670 = arith.constant 0 : i32
    %dma_wait3A_671 = tpu.memref_slice %arg4[%dma_wait3A_653, %dma_wait3A_669, %dma_wait3A_670] : memref<3x32x1024xf32, #tpu.memory_space<vmem>> -> memref<1x32x1024xf32, #tpu.memory_space<vmem>>
    %dma_wait3A_672 = tpu.memref_squeeze %dma_wait3A_671 : memref<1x32x1024xf32, #tpu.memory_space<vmem>> -> memref<32x1024xf32, #tpu.memory_space<vmem>>
    tpu.wait_dma2 semaphore(%dma_wait3A_665 : memref<!tpu.dma_semaphore, #tpu.memory_space<semaphore_mem>>) src(%dma_wait3A_672 : memref<32x1024xf32, #tpu.memory_space<vmem>>) dst(%dma_wait3A_668 : memref<32x1024xf32, #tpu.memory_space<hbm>>)
    %add3A_673 = arith.constant 128 : i32
    %add3A_674 = arith.addi %mul3A_2, %add3A_673 : i32
    %dma_start3A_675 = arith.constant 1 : i32
    %dma_start3A_676 = arith.constant 1 : i32
    %dma_start3A_677 = arith.constant 0 : i32
    %dma_start3A_678 = arith.constant 0 : i32
    %dma_start3A_679 = tpu.memref_slice %arg4[%dma_start3A_675, %dma_start3A_677, %dma_start3A_678] : memref<3x32x1024xf32, #tpu.memory_space<vmem>> -> memref<1x32x1024xf32, #tpu.memory_space<vmem>>
    %dma_start3A_680 = tpu.memref_squeeze %dma_start3A_679 : memref<1x32x1024xf32, #tpu.memory_space<vmem>> -> memref<32x1024xf32, #tpu.memory_space<vmem>>
    %dma_start3A_681 = arith.constant 0 : i32
    %dma_start3A_682 = tpu.memref_slice %arg2[%add3A_674, %dma_start3A_681] : memref<8192x1024xf32, #tpu.memory_space<hbm>> -> memref<32x1024xf32, #tpu.memory_space<hbm>>
    %dma_start3A_683 = tpu.memref_slice %arg5[%dma_start3A_676] : memref<3x!tpu.dma_semaphore, #tpu.memory_space<semaphore_mem>> -> memref<1x!tpu.dma_semaphore, #tpu.memory_space<semaphore_mem>>
    %dma_start3A_684 = tpu.memref_squeeze %dma_start3A_683 : memref<1x!tpu.dma_semaphore, #tpu.memory_space<semaphore_mem>> -> memref<!tpu.dma_semaphore, #tpu.memory_space<semaphore_mem>>
    %dma_start3A_685 = arith.constant 0 : i32
    %dma_start3A_686 = arith.constant 0 : i32
    %dma_start3A_687 = tpu.memref_slice %arg4[%dma_start3A_675, %dma_start3A_685, %dma_start3A_686] : memref<3x32x1024xf32, #tpu.memory_space<vmem>> -> memref<1x32x1024xf32, #tpu.memory_space<vmem>>
    %dma_start3A_688 = tpu.memref_squeeze %dma_start3A_687 : memref<1x32x1024xf32, #tpu.memory_space<vmem>> -> memref<32x1024xf32, #tpu.memory_space<vmem>>
    %dma_start3A_689 = arith.constant 0 : i32
    %dma_start3A_690 = tpu.memref_slice %arg2[%add3A_674, %dma_start3A_689] : memref<8192x1024xf32, #tpu.memory_space<hbm>> -> memref<32x1024xf32, #tpu.memory_space<hbm>>
    tpu.enqueue_dma source(%dma_start3A_690 : memref<32x1024xf32, #tpu.memory_space<hbm>>) target(%dma_start3A_688 : memref<32x1024xf32, #tpu.memory_space<vmem>>) target_semaphore(%dma_start3A_684 : memref<!tpu.dma_semaphore, #tpu.memory_space<semaphore_mem>>)
    %add3A_691 = arith.constant 128 : i32
    %add3A_692 = arith.addi %mul3A_2, %add3A_691 : i32
    %dma_wait3A_693 = arith.constant 1 : i32
    %dma_wait3A_694 = arith.constant 1 : i32
    %dma_wait3A_695 = arith.constant 0 : i32
    %dma_wait3A_696 = arith.constant 0 : i32
    %dma_wait3A_697 = tpu.memref_slice %arg4[%dma_wait3A_693, %dma_wait3A_695, %dma_wait3A_696] : memref<3x32x1024xf32, #tpu.memory_space<vmem>> -> memref<1x32x1024xf32, #tpu.memory_space<vmem>>
    %dma_wait3A_698 = tpu.memref_squeeze %dma_wait3A_697 : memref<1x32x1024xf32, #tpu.memory_space<vmem>> -> memref<32x1024xf32, #tpu.memory_space<vmem>>
    %dma_wait3A_699 = arith.constant 0 : i32
    %dma_wait3A_700 = tpu.memref_slice %arg2[%add3A_692, %dma_wait3A_699] : memref<8192x1024xf32, #tpu.memory_space<hbm>> -> memref<32x1024xf32, #tpu.memory_space<hbm>>
    %dma_wait3A_701 = tpu.memref_slice %arg5[%dma_wait3A_694] : memref<3x!tpu.dma_semaphore, #tpu.memory_space<semaphore_mem>> -> memref<1x!tpu.dma_semaphore, #tpu.memory_space<semaphore_mem>>
    %dma_wait3A_702 = tpu.memref_squeeze %dma_wait3A_701 : memref<1x!tpu.dma_semaphore, #tpu.memory_space<semaphore_mem>> -> memref<!tpu.dma_semaphore, #tpu.memory_space<semaphore_mem>>
    %dma_wait3A_703 = arith.constant 0 : i32
    %dma_wait3A_704 = arith.constant 0 : i32
    %dma_wait3A_705 = tpu.memref_slice %arg4[%dma_wait3A_693, %dma_wait3A_703, %dma_wait3A_704] : memref<3x32x1024xf32, #tpu.memory_space<vmem>> -> memref<1x32x1024xf32, #tpu.memory_space<vmem>>
    %dma_wait3A_706 = tpu.memref_squeeze %dma_wait3A_705 : memref<1x32x1024xf32, #tpu.memory_space<vmem>> -> memref<32x1024xf32, #tpu.memory_space<vmem>>
    %dma_wait3A_707 = arith.constant 0 : i32
    %dma_wait3A_708 = tpu.memref_slice %arg2[%add3A_692, %dma_wait3A_707] : memref<8192x1024xf32, #tpu.memory_space<hbm>> -> memref<32x1024xf32, #tpu.memory_space<hbm>>
    tpu.wait_dma2 semaphore(%dma_wait3A_702 : memref<!tpu.dma_semaphore, #tpu.memory_space<semaphore_mem>>) src(%dma_wait3A_708 : memref<32x1024xf32, #tpu.memory_space<hbm>>) dst(%dma_wait3A_706 : memref<32x1024xf32, #tpu.memory_space<vmem>>)
    %add3A_709 = arith.constant 128 : i32
    %add3A_710 = arith.addi %mul3A_2, %add3A_709 : i32
    %dma_start3A_711 = arith.constant 1 : i32
    %dma_start3A_712 = arith.constant 0 : i32
    %dma_start3A_713 = arith.constant 1 : i32
    %dma_start3A_714 = arith.constant 0 : i32
    %dma_start3A_715 = arith.constant 0 : i32
    %dma_start3A_716 = arith.constant 0 : i32
    %dma_start3A_717 = tpu.memref_slice %arg4[%dma_start3A_711, %dma_start3A_715, %dma_start3A_716] : memref<3x32x1024xf32, #tpu.memory_space<vmem>> -> memref<1x32x1024xf32, #tpu.memory_space<vmem>>
    %dma_start3A_718 = tpu.memref_squeeze %dma_start3A_717 : memref<1x32x1024xf32, #tpu.memory_space<vmem>> -> memref<32x1024xf32, #tpu.memory_space<vmem>>
    %dma_start3A_719 = arith.constant 0 : i32
    %dma_start3A_720 = tpu.memref_slice %arg3[%add3A_710, %dma_start3A_712, %dma_start3A_719] : memref<8192x4x1024xf32, #tpu.memory_space<hbm>> -> memref<32x1x1024xf32, #tpu.memory_space<hbm>>
    %dma_start3A_721 = tpu.memref_squeeze %dma_start3A_720 : memref<32x1x1024xf32, #tpu.memory_space<hbm>> -> memref<32x1024xf32, #tpu.memory_space<hbm>>
    %dma_start3A_722 = tpu.memref_slice %arg6[%dma_start3A_713, %dma_start3A_714] : memref<3x4x!tpu.dma_semaphore, #tpu.memory_space<semaphore_mem>> -> memref<1x1x!tpu.dma_semaphore, #tpu.memory_space<semaphore_mem>>
    %dma_start3A_723 = tpu.memref_squeeze %dma_start3A_722 : memref<1x1x!tpu.dma_semaphore, #tpu.memory_space<semaphore_mem>> -> memref<!tpu.dma_semaphore, #tpu.memory_space<semaphore_mem>>
    %dma_start3A_724 = arith.constant 0 : i32
    %dma_start3A_725 = tpu.memref_slice %arg3[%add3A_710, %dma_start3A_712, %dma_start3A_724] : memref<8192x4x1024xf32, #tpu.memory_space<hbm>> -> memref<32x1x1024xf32, #tpu.memory_space<hbm>>
    %dma_start3A_726 = tpu.memref_squeeze %dma_start3A_725 : memref<32x1x1024xf32, #tpu.memory_space<hbm>> -> memref<32x1024xf32, #tpu.memory_space<hbm>>
    %dma_start3A_727 = arith.constant 0 : i32
    %dma_start3A_728 = arith.constant 0 : i32
    %dma_start3A_729 = tpu.memref_slice %arg4[%dma_start3A_711, %dma_start3A_727, %dma_start3A_728] : memref<3x32x1024xf32, #tpu.memory_space<vmem>> -> memref<1x32x1024xf32, #tpu.memory_space<vmem>>
    %dma_start3A_730 = tpu.memref_squeeze %dma_start3A_729 : memref<1x32x1024xf32, #tpu.memory_space<vmem>> -> memref<32x1024xf32, #tpu.memory_space<vmem>>
    tpu.enqueue_dma source(%dma_start3A_730 : memref<32x1024xf32, #tpu.memory_space<vmem>>) target(%dma_start3A_726 : memref<32x1024xf32, #tpu.memory_space<hbm>>) target_semaphore(%dma_start3A_723 : memref<!tpu.dma_semaphore, #tpu.memory_space<semaphore_mem>>)
    %add3A_731 = arith.constant 128 : i32
    %add3A_732 = arith.addi %mul3A_2, %add3A_731 : i32
    %dma_start3A_733 = arith.constant 1 : i32
    %dma_start3A_734 = arith.constant 1 : i32
    %dma_start3A_735 = arith.constant 1 : i32
    %dma_start3A_736 = arith.constant 1 : i32
    %dma_start3A_737 = arith.constant 0 : i32
    %dma_start3A_738 = arith.constant 0 : i32
    %dma_start3A_739 = tpu.memref_slice %arg4[%dma_start3A_733, %dma_start3A_737, %dma_start3A_738] : memref<3x32x1024xf32, #tpu.memory_space<vmem>> -> memref<1x32x1024xf32, #tpu.memory_space<vmem>>
    %dma_start3A_740 = tpu.memref_squeeze %dma_start3A_739 : memref<1x32x1024xf32, #tpu.memory_space<vmem>> -> memref<32x1024xf32, #tpu.memory_space<vmem>>
    %dma_start3A_741 = arith.constant 0 : i32
    %dma_start3A_742 = tpu.memref_slice %arg3[%add3A_732, %dma_start3A_734, %dma_start3A_741] : memref<8192x4x1024xf32, #tpu.memory_space<hbm>> -> memref<32x1x1024xf32, #tpu.memory_space<hbm>>
    %dma_start3A_743 = tpu.memref_squeeze %dma_start3A_742 : memref<32x1x1024xf32, #tpu.memory_space<hbm>> -> memref<32x1024xf32, #tpu.memory_space<hbm>>
    %dma_start3A_744 = tpu.memref_slice %arg6[%dma_start3A_735, %dma_start3A_736] : memref<3x4x!tpu.dma_semaphore, #tpu.memory_space<semaphore_mem>> -> memref<1x1x!tpu.dma_semaphore, #tpu.memory_space<semaphore_mem>>
    %dma_start3A_745 = tpu.memref_squeeze %dma_start3A_744 : memref<1x1x!tpu.dma_semaphore, #tpu.memory_space<semaphore_mem>> -> memref<!tpu.dma_semaphore, #tpu.memory_space<semaphore_mem>>
    %dma_start3A_746 = arith.constant 0 : i32
    %dma_start3A_747 = tpu.memref_slice %arg3[%add3A_732, %dma_start3A_734, %dma_start3A_746] : memref<8192x4x1024xf32, #tpu.memory_space<hbm>> -> memref<32x1x1024xf32, #tpu.memory_space<hbm>>
    %dma_start3A_748 = tpu.memref_squeeze %dma_start3A_747 : memref<32x1x1024xf32, #tpu.memory_space<hbm>> -> memref<32x1024xf32, #tpu.memory_space<hbm>>
    %dma_start3A_749 = arith.constant 0 : i32
    %dma_start3A_750 = arith.constant 0 : i32
    %dma_start3A_751 = tpu.memref_slice %arg4[%dma_start3A_733, %dma_start3A_749, %dma_start3A_750] : memref<3x32x1024xf32, #tpu.memory_space<vmem>> -> memref<1x32x1024xf32, #tpu.memory_space<vmem>>
    %dma_start3A_752 = tpu.memref_squeeze %dma_start3A_751 : memref<1x32x1024xf32, #tpu.memory_space<vmem>> -> memref<32x1024xf32, #tpu.memory_space<vmem>>
    tpu.enqueue_dma source(%dma_start3A_752 : memref<32x1024xf32, #tpu.memory_space<vmem>>) target(%dma_start3A_748 : memref<32x1024xf32, #tpu.memory_space<hbm>>) target_semaphore(%dma_start3A_745 : memref<!tpu.dma_semaphore, #tpu.memory_space<semaphore_mem>>)
    %add3A_753 = arith.constant 128 : i32
    %add3A_754 = arith.addi %mul3A_2, %add3A_753 : i32
    %dma_start3A_755 = arith.constant 1 : i32
    %dma_start3A_756 = arith.constant 2 : i32
    %dma_start3A_757 = arith.constant 1 : i32
    %dma_start3A_758 = arith.constant 2 : i32
    %dma_start3A_759 = arith.constant 0 : i32
    %dma_start3A_760 = arith.constant 0 : i32
    %dma_start3A_761 = tpu.memref_slice %arg4[%dma_start3A_755, %dma_start3A_759, %dma_start3A_760] : memref<3x32x1024xf32, #tpu.memory_space<vmem>> -> memref<1x32x1024xf32, #tpu.memory_space<vmem>>
    %dma_start3A_762 = tpu.memref_squeeze %dma_start3A_761 : memref<1x32x1024xf32, #tpu.memory_space<vmem>> -> memref<32x1024xf32, #tpu.memory_space<vmem>>
    %dma_start3A_763 = arith.constant 0 : i32
    %dma_start3A_764 = tpu.memref_slice %arg3[%add3A_754, %dma_start3A_756, %dma_start3A_763] : memref<8192x4x1024xf32, #tpu.memory_space<hbm>> -> memref<32x1x1024xf32, #tpu.memory_space<hbm>>
    %dma_start3A_765 = tpu.memref_squeeze %dma_start3A_764 : memref<32x1x1024xf32, #tpu.memory_space<hbm>> -> memref<32x1024xf32, #tpu.memory_space<hbm>>
    %dma_start3A_766 = tpu.memref_slice %arg6[%dma_start3A_757, %dma_start3A_758] : memref<3x4x!tpu.dma_semaphore, #tpu.memory_space<semaphore_mem>> -> memref<1x1x!tpu.dma_semaphore, #tpu.memory_space<semaphore_mem>>
    %dma_start3A_767 = tpu.memref_squeeze %dma_start3A_766 : memref<1x1x!tpu.dma_semaphore, #tpu.memory_space<semaphore_mem>> -> memref<!tpu.dma_semaphore, #tpu.memory_space<semaphore_mem>>
    %dma_start3A_768 = arith.constant 0 : i32
    %dma_start3A_769 = tpu.memref_slice %arg3[%add3A_754, %dma_start3A_756, %dma_start3A_768] : memref<8192x4x1024xf32, #tpu.memory_space<hbm>> -> memref<32x1x1024xf32, #tpu.memory_space<hbm>>
    %dma_start3A_770 = tpu.memref_squeeze %dma_start3A_769 : memref<32x1x1024xf32, #tpu.memory_space<hbm>> -> memref<32x1024xf32, #tpu.memory_space<hbm>>
    %dma_start3A_771 = arith.constant 0 : i32
    %dma_start3A_772 = arith.constant 0 : i32
    %dma_start3A_773 = tpu.memref_slice %arg4[%dma_start3A_755, %dma_start3A_771, %dma_start3A_772] : memref<3x32x1024xf32, #tpu.memory_space<vmem>> -> memref<1x32x1024xf32, #tpu.memory_space<vmem>>
    %dma_start3A_774 = tpu.memref_squeeze %dma_start3A_773 : memref<1x32x1024xf32, #tpu.memory_space<vmem>> -> memref<32x1024xf32, #tpu.memory_space<vmem>>
    tpu.enqueue_dma source(%dma_start3A_774 : memref<32x1024xf32, #tpu.memory_space<vmem>>) target(%dma_start3A_770 : memref<32x1024xf32, #tpu.memory_space<hbm>>) target_semaphore(%dma_start3A_767 : memref<!tpu.dma_semaphore, #tpu.memory_space<semaphore_mem>>)
    %add3A_775 = arith.constant 128 : i32
    %add3A_776 = arith.addi %mul3A_2, %add3A_775 : i32
    %dma_start3A_777 = arith.constant 1 : i32
    %dma_start3A_778 = arith.constant 3 : i32
    %dma_start3A_779 = arith.constant 1 : i32
    %dma_start3A_780 = arith.constant 3 : i32
    %dma_start3A_781 = arith.constant 0 : i32
    %dma_start3A_782 = arith.constant 0 : i32
    %dma_start3A_783 = tpu.memref_slice %arg4[%dma_start3A_777, %dma_start3A_781, %dma_start3A_782] : memref<3x32x1024xf32, #tpu.memory_space<vmem>> -> memref<1x32x1024xf32, #tpu.memory_space<vmem>>
    %dma_start3A_784 = tpu.memref_squeeze %dma_start3A_783 : memref<1x32x1024xf32, #tpu.memory_space<vmem>> -> memref<32x1024xf32, #tpu.memory_space<vmem>>
    %dma_start3A_785 = arith.constant 0 : i32
    %dma_start3A_786 = tpu.memref_slice %arg3[%add3A_776, %dma_start3A_778, %dma_start3A_785] : memref<8192x4x1024xf32, #tpu.memory_space<hbm>> -> memref<32x1x1024xf32, #tpu.memory_space<hbm>>
    %dma_start3A_787 = tpu.memref_squeeze %dma_start3A_786 : memref<32x1x1024xf32, #tpu.memory_space<hbm>> -> memref<32x1024xf32, #tpu.memory_space<hbm>>
    %dma_start3A_788 = tpu.memref_slice %arg6[%dma_start3A_779, %dma_start3A_780] : memref<3x4x!tpu.dma_semaphore, #tpu.memory_space<semaphore_mem>> -> memref<1x1x!tpu.dma_semaphore, #tpu.memory_space<semaphore_mem>>
    %dma_start3A_789 = tpu.memref_squeeze %dma_start3A_788 : memref<1x1x!tpu.dma_semaphore, #tpu.memory_space<semaphore_mem>> -> memref<!tpu.dma_semaphore, #tpu.memory_space<semaphore_mem>>
    %dma_start3A_790 = arith.constant 0 : i32
    %dma_start3A_791 = tpu.memref_slice %arg3[%add3A_776, %dma_start3A_778, %dma_start3A_790] : memref<8192x4x1024xf32, #tpu.memory_space<hbm>> -> memref<32x1x1024xf32, #tpu.memory_space<hbm>>
    %dma_start3A_792 = tpu.memref_squeeze %dma_start3A_791 : memref<32x1x1024xf32, #tpu.memory_space<hbm>> -> memref<32x1024xf32, #tpu.memory_space<hbm>>
    %dma_start3A_793 = arith.constant 0 : i32
    %dma_start3A_794 = arith.constant 0 : i32
    %dma_start3A_795 = tpu.memref_slice %arg4[%dma_start3A_777, %dma_start3A_793, %dma_start3A_794] : memref<3x32x1024xf32, #tpu.memory_space<vmem>> -> memref<1x32x1024xf32, #tpu.memory_space<vmem>>
    %dma_start3A_796 = tpu.memref_squeeze %dma_start3A_795 : memref<1x32x1024xf32, #tpu.memory_space<vmem>> -> memref<32x1024xf32, #tpu.memory_space<vmem>>
    tpu.enqueue_dma source(%dma_start3A_796 : memref<32x1024xf32, #tpu.memory_space<vmem>>) target(%dma_start3A_792 : memref<32x1024xf32, #tpu.memory_space<hbm>>) target_semaphore(%dma_start3A_789 : memref<!tpu.dma_semaphore, #tpu.memory_space<semaphore_mem>>)
    %add3A_797 = arith.constant 64 : i32
    %add3A_798 = arith.addi %mul3A_2, %add3A_797 : i32
    %dma_wait3A_799 = arith.constant 2 : i32
    %dma_wait3A_800 = arith.constant 0 : i32
    %dma_wait3A_801 = arith.constant 2 : i32
    %dma_wait3A_802 = arith.constant 0 : i32
    %dma_wait3A_803 = arith.constant 0 : i32
    %dma_wait3A_804 = arith.constant 0 : i32
    %dma_wait3A_805 = tpu.memref_slice %arg4[%dma_wait3A_799, %dma_wait3A_803, %dma_wait3A_804] : memref<3x32x1024xf32, #tpu.memory_space<vmem>> -> memref<1x32x1024xf32, #tpu.memory_space<vmem>>
    %dma_wait3A_806 = tpu.memref_squeeze %dma_wait3A_805 : memref<1x32x1024xf32, #tpu.memory_space<vmem>> -> memref<32x1024xf32, #tpu.memory_space<vmem>>
    %dma_wait3A_807 = arith.constant 0 : i32
    %dma_wait3A_808 = tpu.memref_slice %arg3[%add3A_798, %dma_wait3A_800, %dma_wait3A_807] : memref<8192x4x1024xf32, #tpu.memory_space<hbm>> -> memref<32x1x1024xf32, #tpu.memory_space<hbm>>
    %dma_wait3A_809 = tpu.memref_squeeze %dma_wait3A_808 : memref<32x1x1024xf32, #tpu.memory_space<hbm>> -> memref<32x1024xf32, #tpu.memory_space<hbm>>
    %dma_wait3A_810 = tpu.memref_slice %arg6[%dma_wait3A_801, %dma_wait3A_802] : memref<3x4x!tpu.dma_semaphore, #tpu.memory_space<semaphore_mem>> -> memref<1x1x!tpu.dma_semaphore, #tpu.memory_space<semaphore_mem>>
    %dma_wait3A_811 = tpu.memref_squeeze %dma_wait3A_810 : memref<1x1x!tpu.dma_semaphore, #tpu.memory_space<semaphore_mem>> -> memref<!tpu.dma_semaphore, #tpu.memory_space<semaphore_mem>>
    %dma_wait3A_812 = arith.constant 0 : i32
    %dma_wait3A_813 = tpu.memref_slice %arg3[%add3A_798, %dma_wait3A_800, %dma_wait3A_812] : memref<8192x4x1024xf32, #tpu.memory_space<hbm>> -> memref<32x1x1024xf32, #tpu.memory_space<hbm>>
    %dma_wait3A_814 = tpu.memref_squeeze %dma_wait3A_813 : memref<32x1x1024xf32, #tpu.memory_space<hbm>> -> memref<32x1024xf32, #tpu.memory_space<hbm>>
    %dma_wait3A_815 = arith.constant 0 : i32
    %dma_wait3A_816 = arith.constant 0 : i32
    %dma_wait3A_817 = tpu.memref_slice %arg4[%dma_wait3A_799, %dma_wait3A_815, %dma_wait3A_816] : memref<3x32x1024xf32, #tpu.memory_space<vmem>> -> memref<1x32x1024xf32, #tpu.memory_space<vmem>>
    %dma_wait3A_818 = tpu.memref_squeeze %dma_wait3A_817 : memref<1x32x1024xf32, #tpu.memory_space<vmem>> -> memref<32x1024xf32, #tpu.memory_space<vmem>>
    tpu.wait_dma2 semaphore(%dma_wait3A_811 : memref<!tpu.dma_semaphore, #tpu.memory_space<semaphore_mem>>) src(%dma_wait3A_818 : memref<32x1024xf32, #tpu.memory_space<vmem>>) dst(%dma_wait3A_814 : memref<32x1024xf32, #tpu.memory_space<hbm>>)
    %add3A_819 = arith.constant 64 : i32
    %add3A_820 = arith.addi %mul3A_2, %add3A_819 : i32
    %dma_wait3A_821 = arith.constant 2 : i32
    %dma_wait3A_822 = arith.constant 1 : i32
    %dma_wait3A_823 = arith.constant 2 : i32
    %dma_wait3A_824 = arith.constant 1 : i32
    %dma_wait3A_825 = arith.constant 0 : i32
    %dma_wait3A_826 = arith.constant 0 : i32
    %dma_wait3A_827 = tpu.memref_slice %arg4[%dma_wait3A_821, %dma_wait3A_825, %dma_wait3A_826] : memref<3x32x1024xf32, #tpu.memory_space<vmem>> -> memref<1x32x1024xf32, #tpu.memory_space<vmem>>
    %dma_wait3A_828 = tpu.memref_squeeze %dma_wait3A_827 : memref<1x32x1024xf32, #tpu.memory_space<vmem>> -> memref<32x1024xf32, #tpu.memory_space<vmem>>
    %dma_wait3A_829 = arith.constant 0 : i32
    %dma_wait3A_830 = tpu.memref_slice %arg3[%add3A_820, %dma_wait3A_822, %dma_wait3A_829] : memref<8192x4x1024xf32, #tpu.memory_space<hbm>> -> memref<32x1x1024xf32, #tpu.memory_space<hbm>>
    %dma_wait3A_831 = tpu.memref_squeeze %dma_wait3A_830 : memref<32x1x1024xf32, #tpu.memory_space<hbm>> -> memref<32x1024xf32, #tpu.memory_space<hbm>>
    %dma_wait3A_832 = tpu.memref_slice %arg6[%dma_wait3A_823, %dma_wait3A_824] : memref<3x4x!tpu.dma_semaphore, #tpu.memory_space<semaphore_mem>> -> memref<1x1x!tpu.dma_semaphore, #tpu.memory_space<semaphore_mem>>
    %dma_wait3A_833 = tpu.memref_squeeze %dma_wait3A_832 : memref<1x1x!tpu.dma_semaphore, #tpu.memory_space<semaphore_mem>> -> memref<!tpu.dma_semaphore, #tpu.memory_space<semaphore_mem>>
    %dma_wait3A_834 = arith.constant 0 : i32
    %dma_wait3A_835 = tpu.memref_slice %arg3[%add3A_820, %dma_wait3A_822, %dma_wait3A_834] : memref<8192x4x1024xf32, #tpu.memory_space<hbm>> -> memref<32x1x1024xf32, #tpu.memory_space<hbm>>
    %dma_wait3A_836 = tpu.memref_squeeze %dma_wait3A_835 : memref<32x1x1024xf32, #tpu.memory_space<hbm>> -> memref<32x1024xf32, #tpu.memory_space<hbm>>
    %dma_wait3A_837 = arith.constant 0 : i32
    %dma_wait3A_838 = arith.constant 0 : i32
    %dma_wait3A_839 = tpu.memref_slice %arg4[%dma_wait3A_821, %dma_wait3A_837, %dma_wait3A_838] : memref<3x32x1024xf32, #tpu.memory_space<vmem>> -> memref<1x32x1024xf32, #tpu.memory_space<vmem>>
    %dma_wait3A_840 = tpu.memref_squeeze %dma_wait3A_839 : memref<1x32x1024xf32, #tpu.memory_space<vmem>> -> memref<32x1024xf32, #tpu.memory_space<vmem>>
    tpu.wait_dma2 semaphore(%dma_wait3A_833 : memref<!tpu.dma_semaphore, #tpu.memory_space<semaphore_mem>>) src(%dma_wait3A_840 : memref<32x1024xf32, #tpu.memory_space<vmem>>) dst(%dma_wait3A_836 : memref<32x1024xf32, #tpu.memory_space<hbm>>)
    %add3A_841 = arith.constant 64 : i32
    %add3A_842 = arith.addi %mul3A_2, %add3A_841 : i32
    %dma_wait3A_843 = arith.constant 2 : i32
    %dma_wait3A_844 = arith.constant 2 : i32
    %dma_wait3A_845 = arith.constant 2 : i32
    %dma_wait3A_846 = arith.constant 2 : i32
    %dma_wait3A_847 = arith.constant 0 : i32
    %dma_wait3A_848 = arith.constant 0 : i32
    %dma_wait3A_849 = tpu.memref_slice %arg4[%dma_wait3A_843, %dma_wait3A_847, %dma_wait3A_848] : memref<3x32x1024xf32, #tpu.memory_space<vmem>> -> memref<1x32x1024xf32, #tpu.memory_space<vmem>>
    %dma_wait3A_850 = tpu.memref_squeeze %dma_wait3A_849 : memref<1x32x1024xf32, #tpu.memory_space<vmem>> -> memref<32x1024xf32, #tpu.memory_space<vmem>>
    %dma_wait3A_851 = arith.constant 0 : i32
    %dma_wait3A_852 = tpu.memref_slice %arg3[%add3A_842, %dma_wait3A_844, %dma_wait3A_851] : memref<8192x4x1024xf32, #tpu.memory_space<hbm>> -> memref<32x1x1024xf32, #tpu.memory_space<hbm>>
    %dma_wait3A_853 = tpu.memref_squeeze %dma_wait3A_852 : memref<32x1x1024xf32, #tpu.memory_space<hbm>> -> memref<32x1024xf32, #tpu.memory_space<hbm>>
    %dma_wait3A_854 = tpu.memref_slice %arg6[%dma_wait3A_845, %dma_wait3A_846] : memref<3x4x!tpu.dma_semaphore, #tpu.memory_space<semaphore_mem>> -> memref<1x1x!tpu.dma_semaphore, #tpu.memory_space<semaphore_mem>>
    %dma_wait3A_855 = tpu.memref_squeeze %dma_wait3A_854 : memref<1x1x!tpu.dma_semaphore, #tpu.memory_space<semaphore_mem>> -> memref<!tpu.dma_semaphore, #tpu.memory_space<semaphore_mem>>
    %dma_wait3A_856 = arith.constant 0 : i32
    %dma_wait3A_857 = tpu.memref_slice %arg3[%add3A_842, %dma_wait3A_844, %dma_wait3A_856] : memref<8192x4x1024xf32, #tpu.memory_space<hbm>> -> memref<32x1x1024xf32, #tpu.memory_space<hbm>>
    %dma_wait3A_858 = tpu.memref_squeeze %dma_wait3A_857 : memref<32x1x1024xf32, #tpu.memory_space<hbm>> -> memref<32x1024xf32, #tpu.memory_space<hbm>>
    %dma_wait3A_859 = arith.constant 0 : i32
    %dma_wait3A_860 = arith.constant 0 : i32
    %dma_wait3A_861 = tpu.memref_slice %arg4[%dma_wait3A_843, %dma_wait3A_859, %dma_wait3A_860] : memref<3x32x1024xf32, #tpu.memory_space<vmem>> -> memref<1x32x1024xf32, #tpu.memory_space<vmem>>
    %dma_wait3A_862 = tpu.memref_squeeze %dma_wait3A_861 : memref<1x32x1024xf32, #tpu.memory_space<vmem>> -> memref<32x1024xf32, #tpu.memory_space<vmem>>
    tpu.wait_dma2 semaphore(%dma_wait3A_855 : memref<!tpu.dma_semaphore, #tpu.memory_space<semaphore_mem>>) src(%dma_wait3A_862 : memref<32x1024xf32, #tpu.memory_space<vmem>>) dst(%dma_wait3A_858 : memref<32x1024xf32, #tpu.memory_space<hbm>>)
    %add3A_863 = arith.constant 64 : i32
    %add3A_864 = arith.addi %mul3A_2, %add3A_863 : i32
    %dma_wait3A_865 = arith.constant 2 : i32
    %dma_wait3A_866 = arith.constant 3 : i32
    %dma_wait3A_867 = arith.constant 2 : i32
    %dma_wait3A_868 = arith.constant 3 : i32
    %dma_wait3A_869 = arith.constant 0 : i32
    %dma_wait3A_870 = arith.constant 0 : i32
    %dma_wait3A_871 = tpu.memref_slice %arg4[%dma_wait3A_865, %dma_wait3A_869, %dma_wait3A_870] : memref<3x32x1024xf32, #tpu.memory_space<vmem>> -> memref<1x32x1024xf32, #tpu.memory_space<vmem>>
    %dma_wait3A_872 = tpu.memref_squeeze %dma_wait3A_871 : memref<1x32x1024xf32, #tpu.memory_space<vmem>> -> memref<32x1024xf32, #tpu.memory_space<vmem>>
    %dma_wait3A_873 = arith.constant 0 : i32
    %dma_wait3A_874 = tpu.memref_slice %arg3[%add3A_864, %dma_wait3A_866, %dma_wait3A_873] : memref<8192x4x1024xf32, #tpu.memory_space<hbm>> -> memref<32x1x1024xf32, #tpu.memory_space<hbm>>
    %dma_wait3A_875 = tpu.memref_squeeze %dma_wait3A_874 : memref<32x1x1024xf32, #tpu.memory_space<hbm>> -> memref<32x1024xf32, #tpu.memory_space<hbm>>
    %dma_wait3A_876 = tpu.memref_slice %arg6[%dma_wait3A_867, %dma_wait3A_868] : memref<3x4x!tpu.dma_semaphore, #tpu.memory_space<semaphore_mem>> -> memref<1x1x!tpu.dma_semaphore, #tpu.memory_space<semaphore_mem>>
    %dma_wait3A_877 = tpu.memref_squeeze %dma_wait3A_876 : memref<1x1x!tpu.dma_semaphore, #tpu.memory_space<semaphore_mem>> -> memref<!tpu.dma_semaphore, #tpu.memory_space<semaphore_mem>>
    %dma_wait3A_878 = arith.constant 0 : i32
    %dma_wait3A_879 = tpu.memref_slice %arg3[%add3A_864, %dma_wait3A_866, %dma_wait3A_878] : memref<8192x4x1024xf32, #tpu.memory_space<hbm>> -> memref<32x1x1024xf32, #tpu.memory_space<hbm>>
    %dma_wait3A_880 = tpu.memref_squeeze %dma_wait3A_879 : memref<32x1x1024xf32, #tpu.memory_space<hbm>> -> memref<32x1024xf32, #tpu.memory_space<hbm>>
    %dma_wait3A_881 = arith.constant 0 : i32
    %dma_wait3A_882 = arith.constant 0 : i32
    %dma_wait3A_883 = tpu.memref_slice %arg4[%dma_wait3A_865, %dma_wait3A_881, %dma_wait3A_882] : memref<3x32x1024xf32, #tpu.memory_space<vmem>> -> memref<1x32x1024xf32, #tpu.memory_space<vmem>>
    %dma_wait3A_884 = tpu.memref_squeeze %dma_wait3A_883 : memref<1x32x1024xf32, #tpu.memory_space<vmem>> -> memref<32x1024xf32, #tpu.memory_space<vmem>>
    tpu.wait_dma2 semaphore(%dma_wait3A_877 : memref<!tpu.dma_semaphore, #tpu.memory_space<semaphore_mem>>) src(%dma_wait3A_884 : memref<32x1024xf32, #tpu.memory_space<vmem>>) dst(%dma_wait3A_880 : memref<32x1024xf32, #tpu.memory_space<hbm>>)
    %add3A_885 = arith.constant 160 : i32
    %add3A_886 = arith.addi %mul3A_2, %add3A_885 : i32
    %dma_start3A_887 = arith.constant 2 : i32
    %dma_start3A_888 = arith.constant 2 : i32
    %dma_start3A_889 = arith.constant 0 : i32
    %dma_start3A_890 = arith.constant 0 : i32
    %dma_start3A_891 = tpu.memref_slice %arg4[%dma_start3A_887, %dma_start3A_889, %dma_start3A_890] : memref<3x32x1024xf32, #tpu.memory_space<vmem>> -> memref<1x32x1024xf32, #tpu.memory_space<vmem>>
    %dma_start3A_892 = tpu.memref_squeeze %dma_start3A_891 : memref<1x32x1024xf32, #tpu.memory_space<vmem>> -> memref<32x1024xf32, #tpu.memory_space<vmem>>
    %dma_start3A_893 = arith.constant 0 : i32
    %dma_start3A_894 = tpu.memref_slice %arg2[%add3A_886, %dma_start3A_893] : memref<8192x1024xf32, #tpu.memory_space<hbm>> -> memref<32x1024xf32, #tpu.memory_space<hbm>>
    %dma_start3A_895 = tpu.memref_slice %arg5[%dma_start3A_888] : memref<3x!tpu.dma_semaphore, #tpu.memory_space<semaphore_mem>> -> memref<1x!tpu.dma_semaphore, #tpu.memory_space<semaphore_mem>>
    %dma_start3A_896 = tpu.memref_squeeze %dma_start3A_895 : memref<1x!tpu.dma_semaphore, #tpu.memory_space<semaphore_mem>> -> memref<!tpu.dma_semaphore, #tpu.memory_space<semaphore_mem>>
    %dma_start3A_897 = arith.constant 0 : i32
    %dma_start3A_898 = arith.constant 0 : i32
    %dma_start3A_899 = tpu.memref_slice %arg4[%dma_start3A_887, %dma_start3A_897, %dma_start3A_898] : memref<3x32x1024xf32, #tpu.memory_space<vmem>> -> memref<1x32x1024xf32, #tpu.memory_space<vmem>>
    %dma_start3A_900 = tpu.memref_squeeze %dma_start3A_899 : memref<1x32x1024xf32, #tpu.memory_space<vmem>> -> memref<32x1024xf32, #tpu.memory_space<vmem>>
    %dma_start3A_901 = arith.constant 0 : i32
    %dma_start3A_902 = tpu.memref_slice %arg2[%add3A_886, %dma_start3A_901] : memref<8192x1024xf32, #tpu.memory_space<hbm>> -> memref<32x1024xf32, #tpu.memory_space<hbm>>
    tpu.enqueue_dma source(%dma_start3A_902 : memref<32x1024xf32, #tpu.memory_space<hbm>>) target(%dma_start3A_900 : memref<32x1024xf32, #tpu.memory_space<vmem>>) target_semaphore(%dma_start3A_896 : memref<!tpu.dma_semaphore, #tpu.memory_space<semaphore_mem>>)
    %add3A_903 = arith.constant 160 : i32
    %add3A_904 = arith.addi %mul3A_2, %add3A_903 : i32
    %dma_wait3A_905 = arith.constant 2 : i32
    %dma_wait3A_906 = arith.constant 2 : i32
    %dma_wait3A_907 = arith.constant 0 : i32
    %dma_wait3A_908 = arith.constant 0 : i32
    %dma_wait3A_909 = tpu.memref_slice %arg4[%dma_wait3A_905, %dma_wait3A_907, %dma_wait3A_908] : memref<3x32x1024xf32, #tpu.memory_space<vmem>> -> memref<1x32x1024xf32, #tpu.memory_space<vmem>>
    %dma_wait3A_910 = tpu.memref_squeeze %dma_wait3A_909 : memref<1x32x1024xf32, #tpu.memory_space<vmem>> -> memref<32x1024xf32, #tpu.memory_space<vmem>>
    %dma_wait3A_911 = arith.constant 0 : i32
    %dma_wait3A_912 = tpu.memref_slice %arg2[%add3A_904, %dma_wait3A_911] : memref<8192x1024xf32, #tpu.memory_space<hbm>> -> memref<32x1024xf32, #tpu.memory_space<hbm>>
    %dma_wait3A_913 = tpu.memref_slice %arg5[%dma_wait3A_906] : memref<3x!tpu.dma_semaphore, #tpu.memory_space<semaphore_mem>> -> memref<1x!tpu.dma_semaphore, #tpu.memory_space<semaphore_mem>>
    %dma_wait3A_914 = tpu.memref_squeeze %dma_wait3A_913 : memref<1x!tpu.dma_semaphore, #tpu.memory_space<semaphore_mem>> -> memref<!tpu.dma_semaphore, #tpu.memory_space<semaphore_mem>>
    %dma_wait3A_915 = arith.constant 0 : i32
    %dma_wait3A_916 = arith.constant 0 : i32
    %dma_wait3A_917 = tpu.memref_slice %arg4[%dma_wait3A_905, %dma_wait3A_915, %dma_wait3A_916] : memref<3x32x1024xf32, #tpu.memory_space<vmem>> -> memref<1x32x1024xf32, #tpu.memory_space<vmem>>
    %dma_wait3A_918 = tpu.memref_squeeze %dma_wait3A_917 : memref<1x32x1024xf32, #tpu.memory_space<vmem>> -> memref<32x1024xf32, #tpu.memory_space<vmem>>
    %dma_wait3A_919 = arith.constant 0 : i32
    %dma_wait3A_920 = tpu.memref_slice %arg2[%add3A_904, %dma_wait3A_919] : memref<8192x1024xf32, #tpu.memory_space<hbm>> -> memref<32x1024xf32, #tpu.memory_space<hbm>>
    tpu.wait_dma2 semaphore(%dma_wait3A_914 : memref<!tpu.dma_semaphore, #tpu.memory_space<semaphore_mem>>) src(%dma_wait3A_920 : memref<32x1024xf32, #tpu.memory_space<hbm>>) dst(%dma_wait3A_918 : memref<32x1024xf32, #tpu.memory_space<vmem>>)
    %add3A_921 = arith.constant 160 : i32
    %add3A_922 = arith.addi %mul3A_2, %add3A_921 : i32
    %dma_start3A_923 = arith.constant 2 : i32
    %dma_start3A_924 = arith.constant 0 : i32
    %dma_start3A_925 = arith.constant 2 : i32
    %dma_start3A_926 = arith.constant 0 : i32
    %dma_start3A_927 = arith.constant 0 : i32
    %dma_start3A_928 = arith.constant 0 : i32
    %dma_start3A_929 = tpu.memref_slice %arg4[%dma_start3A_923, %dma_start3A_927, %dma_start3A_928] : memref<3x32x1024xf32, #tpu.memory_space<vmem>> -> memref<1x32x1024xf32, #tpu.memory_space<vmem>>
    %dma_start3A_930 = tpu.memref_squeeze %dma_start3A_929 : memref<1x32x1024xf32, #tpu.memory_space<vmem>> -> memref<32x1024xf32, #tpu.memory_space<vmem>>
    %dma_start3A_931 = arith.constant 0 : i32
    %dma_start3A_932 = tpu.memref_slice %arg3[%add3A_922, %dma_start3A_924, %dma_start3A_931] : memref<8192x4x1024xf32, #tpu.memory_space<hbm>> -> memref<32x1x1024xf32, #tpu.memory_space<hbm>>
    %dma_start3A_933 = tpu.memref_squeeze %dma_start3A_932 : memref<32x1x1024xf32, #tpu.memory_space<hbm>> -> memref<32x1024xf32, #tpu.memory_space<hbm>>
    %dma_start3A_934 = tpu.memref_slice %arg6[%dma_start3A_925, %dma_start3A_926] : memref<3x4x!tpu.dma_semaphore, #tpu.memory_space<semaphore_mem>> -> memref<1x1x!tpu.dma_semaphore, #tpu.memory_space<semaphore_mem>>
    %dma_start3A_935 = tpu.memref_squeeze %dma_start3A_934 : memref<1x1x!tpu.dma_semaphore, #tpu.memory_space<semaphore_mem>> -> memref<!tpu.dma_semaphore, #tpu.memory_space<semaphore_mem>>
    %dma_start3A_936 = arith.constant 0 : i32
    %dma_start3A_937 = tpu.memref_slice %arg3[%add3A_922, %dma_start3A_924, %dma_start3A_936] : memref<8192x4x1024xf32, #tpu.memory_space<hbm>> -> memref<32x1x1024xf32, #tpu.memory_space<hbm>>
    %dma_start3A_938 = tpu.memref_squeeze %dma_start3A_937 : memref<32x1x1024xf32, #tpu.memory_space<hbm>> -> memref<32x1024xf32, #tpu.memory_space<hbm>>
    %dma_start3A_939 = arith.constant 0 : i32
    %dma_start3A_940 = arith.constant 0 : i32
    %dma_start3A_941 = tpu.memref_slice %arg4[%dma_start3A_923, %dma_start3A_939, %dma_start3A_940] : memref<3x32x1024xf32, #tpu.memory_space<vmem>> -> memref<1x32x1024xf32, #tpu.memory_space<vmem>>
    %dma_start3A_942 = tpu.memref_squeeze %dma_start3A_941 : memref<1x32x1024xf32, #tpu.memory_space<vmem>> -> memref<32x1024xf32, #tpu.memory_space<vmem>>
    tpu.enqueue_dma source(%dma_start3A_942 : memref<32x1024xf32, #tpu.memory_space<vmem>>) target(%dma_start3A_938 : memref<32x1024xf32, #tpu.memory_space<hbm>>) target_semaphore(%dma_start3A_935 : memref<!tpu.dma_semaphore, #tpu.memory_space<semaphore_mem>>)
    %add3A_943 = arith.constant 160 : i32
    %add3A_944 = arith.addi %mul3A_2, %add3A_943 : i32
    %dma_start3A_945 = arith.constant 2 : i32
    %dma_start3A_946 = arith.constant 1 : i32
    %dma_start3A_947 = arith.constant 2 : i32
    %dma_start3A_948 = arith.constant 1 : i32
    %dma_start3A_949 = arith.constant 0 : i32
    %dma_start3A_950 = arith.constant 0 : i32
    %dma_start3A_951 = tpu.memref_slice %arg4[%dma_start3A_945, %dma_start3A_949, %dma_start3A_950] : memref<3x32x1024xf32, #tpu.memory_space<vmem>> -> memref<1x32x1024xf32, #tpu.memory_space<vmem>>
    %dma_start3A_952 = tpu.memref_squeeze %dma_start3A_951 : memref<1x32x1024xf32, #tpu.memory_space<vmem>> -> memref<32x1024xf32, #tpu.memory_space<vmem>>
    %dma_start3A_953 = arith.constant 0 : i32
    %dma_start3A_954 = tpu.memref_slice %arg3[%add3A_944, %dma_start3A_946, %dma_start3A_953] : memref<8192x4x1024xf32, #tpu.memory_space<hbm>> -> memref<32x1x1024xf32, #tpu.memory_space<hbm>>
    %dma_start3A_955 = tpu.memref_squeeze %dma_start3A_954 : memref<32x1x1024xf32, #tpu.memory_space<hbm>> -> memref<32x1024xf32, #tpu.memory_space<hbm>>
    %dma_start3A_956 = tpu.memref_slice %arg6[%dma_start3A_947, %dma_start3A_948] : memref<3x4x!tpu.dma_semaphore, #tpu.memory_space<semaphore_mem>> -> memref<1x1x!tpu.dma_semaphore, #tpu.memory_space<semaphore_mem>>
    %dma_start3A_957 = tpu.memref_squeeze %dma_start3A_956 : memref<1x1x!tpu.dma_semaphore, #tpu.memory_space<semaphore_mem>> -> memref<!tpu.dma_semaphore, #tpu.memory_space<semaphore_mem>>
    %dma_start3A_958 = arith.constant 0 : i32
    %dma_start3A_959 = tpu.memref_slice %arg3[%add3A_944, %dma_start3A_946, %dma_start3A_958] : memref<8192x4x1024xf32, #tpu.memory_space<hbm>> -> memref<32x1x1024xf32, #tpu.memory_space<hbm>>
    %dma_start3A_960 = tpu.memref_squeeze %dma_start3A_959 : memref<32x1x1024xf32, #tpu.memory_space<hbm>> -> memref<32x1024xf32, #tpu.memory_space<hbm>>
    %dma_start3A_961 = arith.constant 0 : i32
    %dma_start3A_962 = arith.constant 0 : i32
    %dma_start3A_963 = tpu.memref_slice %arg4[%dma_start3A_945, %dma_start3A_961, %dma_start3A_962] : memref<3x32x1024xf32, #tpu.memory_space<vmem>> -> memref<1x32x1024xf32, #tpu.memory_space<vmem>>
    %dma_start3A_964 = tpu.memref_squeeze %dma_start3A_963 : memref<1x32x1024xf32, #tpu.memory_space<vmem>> -> memref<32x1024xf32, #tpu.memory_space<vmem>>
    tpu.enqueue_dma source(%dma_start3A_964 : memref<32x1024xf32, #tpu.memory_space<vmem>>) target(%dma_start3A_960 : memref<32x1024xf32, #tpu.memory_space<hbm>>) target_semaphore(%dma_start3A_957 : memref<!tpu.dma_semaphore, #tpu.memory_space<semaphore_mem>>)
    %add3A_965 = arith.constant 160 : i32
    %add3A_966 = arith.addi %mul3A_2, %add3A_965 : i32
    %dma_start3A_967 = arith.constant 2 : i32
    %dma_start3A_968 = arith.constant 2 : i32
    %dma_start3A_969 = arith.constant 2 : i32
    %dma_start3A_970 = arith.constant 2 : i32
    %dma_start3A_971 = arith.constant 0 : i32
    %dma_start3A_972 = arith.constant 0 : i32
    %dma_start3A_973 = tpu.memref_slice %arg4[%dma_start3A_967, %dma_start3A_971, %dma_start3A_972] : memref<3x32x1024xf32, #tpu.memory_space<vmem>> -> memref<1x32x1024xf32, #tpu.memory_space<vmem>>
    %dma_start3A_974 = tpu.memref_squeeze %dma_start3A_973 : memref<1x32x1024xf32, #tpu.memory_space<vmem>> -> memref<32x1024xf32, #tpu.memory_space<vmem>>
    %dma_start3A_975 = arith.constant 0 : i32
    %dma_start3A_976 = tpu.memref_slice %arg3[%add3A_966, %dma_start3A_968, %dma_start3A_975] : memref<8192x4x1024xf32, #tpu.memory_space<hbm>> -> memref<32x1x1024xf32, #tpu.memory_space<hbm>>
    %dma_start3A_977 = tpu.memref_squeeze %dma_start3A_976 : memref<32x1x1024xf32, #tpu.memory_space<hbm>> -> memref<32x1024xf32, #tpu.memory_space<hbm>>
    %dma_start3A_978 = tpu.memref_slice %arg6[%dma_start3A_969, %dma_start3A_970] : memref<3x4x!tpu.dma_semaphore, #tpu.memory_space<semaphore_mem>> -> memref<1x1x!tpu.dma_semaphore, #tpu.memory_space<semaphore_mem>>
    %dma_start3A_979 = tpu.memref_squeeze %dma_start3A_978 : memref<1x1x!tpu.dma_semaphore, #tpu.memory_space<semaphore_mem>> -> memref<!tpu.dma_semaphore, #tpu.memory_space<semaphore_mem>>
    %dma_start3A_980 = arith.constant 0 : i32
    %dma_start3A_981 = tpu.memref_slice %arg3[%add3A_966, %dma_start3A_968, %dma_start3A_980] : memref<8192x4x1024xf32, #tpu.memory_space<hbm>> -> memref<32x1x1024xf32, #tpu.memory_space<hbm>>
    %dma_start3A_982 = tpu.memref_squeeze %dma_start3A_981 : memref<32x1x1024xf32, #tpu.memory_space<hbm>> -> memref<32x1024xf32, #tpu.memory_space<hbm>>
    %dma_start3A_983 = arith.constant 0 : i32
    %dma_start3A_984 = arith.constant 0 : i32
    %dma_start3A_985 = tpu.memref_slice %arg4[%dma_start3A_967, %dma_start3A_983, %dma_start3A_984] : memref<3x32x1024xf32, #tpu.memory_space<vmem>> -> memref<1x32x1024xf32, #tpu.memory_space<vmem>>
    %dma_start3A_986 = tpu.memref_squeeze %dma_start3A_985 : memref<1x32x1024xf32, #tpu.memory_space<vmem>> -> memref<32x1024xf32, #tpu.memory_space<vmem>>
    tpu.enqueue_dma source(%dma_start3A_986 : memref<32x1024xf32, #tpu.memory_space<vmem>>) target(%dma_start3A_982 : memref<32x1024xf32, #tpu.memory_space<hbm>>) target_semaphore(%dma_start3A_979 : memref<!tpu.dma_semaphore, #tpu.memory_space<semaphore_mem>>)
    %add3A_987 = arith.constant 160 : i32
    %add3A_988 = arith.addi %mul3A_2, %add3A_987 : i32
    %dma_start3A_989 = arith.constant 2 : i32
    %dma_start3A_990 = arith.constant 3 : i32
    %dma_start3A_991 = arith.constant 2 : i32
    %dma_start3A_992 = arith.constant 3 : i32
    %dma_start3A_993 = arith.constant 0 : i32
    %dma_start3A_994 = arith.constant 0 : i32
    %dma_start3A_995 = tpu.memref_slice %arg4[%dma_start3A_989, %dma_start3A_993, %dma_start3A_994] : memref<3x32x1024xf32, #tpu.memory_space<vmem>> -> memref<1x32x1024xf32, #tpu.memory_space<vmem>>
    %dma_start3A_996 = tpu.memref_squeeze %dma_start3A_995 : memref<1x32x1024xf32, #tpu.memory_space<vmem>> -> memref<32x1024xf32, #tpu.memory_space<vmem>>
    %dma_start3A_997 = arith.constant 0 : i32
    %dma_start3A_998 = tpu.memref_slice %arg3[%add3A_988, %dma_start3A_990, %dma_start3A_997] : memref<8192x4x1024xf32, #tpu.memory_space<hbm>> -> memref<32x1x1024xf32, #tpu.memory_space<hbm>>
    %dma_start3A_999 = tpu.memref_squeeze %dma_start3A_998 : memref<32x1x1024xf32, #tpu.memory_space<hbm>> -> memref<32x1024xf32, #tpu.memory_space<hbm>>
    %dma_start3A_1000 = tpu.memref_slice %arg6[%dma_start3A_991, %dma_start3A_992] : memref<3x4x!tpu.dma_semaphore, #tpu.memory_space<semaphore_mem>> -> memref<1x1x!tpu.dma_semaphore, #tpu.memory_space<semaphore_mem>>
    %dma_start3A_1001 = tpu.memref_squeeze %dma_start3A_1000 : memref<1x1x!tpu.dma_semaphore, #tpu.memory_space<semaphore_mem>> -> memref<!tpu.dma_semaphore, #tpu.memory_space<semaphore_mem>>
    %dma_start3A_1002 = arith.constant 0 : i32
    %dma_start3A_1003 = tpu.memref_slice %arg3[%add3A_988, %dma_start3A_990, %dma_start3A_1002] : memref<8192x4x1024xf32, #tpu.memory_space<hbm>> -> memref<32x1x1024xf32, #tpu.memory_space<hbm>>
    %dma_start3A_1004 = tpu.memref_squeeze %dma_start3A_1003 : memref<32x1x1024xf32, #tpu.memory_space<hbm>> -> memref<32x1024xf32, #tpu.memory_space<hbm>>
    %dma_start3A_1005 = arith.constant 0 : i32
    %dma_start3A_1006 = arith.constant 0 : i32
    %dma_start3A_1007 = tpu.memref_slice %arg4[%dma_start3A_989, %dma_start3A_1005, %dma_start3A_1006] : memref<3x32x1024xf32, #tpu.memory_space<vmem>> -> memref<1x32x1024xf32, #tpu.memory_space<vmem>>
    %dma_start3A_1008 = tpu.memref_squeeze %dma_start3A_1007 : memref<1x32x1024xf32, #tpu.memory_space<vmem>> -> memref<32x1024xf32, #tpu.memory_space<vmem>>
    tpu.enqueue_dma source(%dma_start3A_1008 : memref<32x1024xf32, #tpu.memory_space<vmem>>) target(%dma_start3A_1004 : memref<32x1024xf32, #tpu.memory_space<hbm>>) target_semaphore(%dma_start3A_1001 : memref<!tpu.dma_semaphore, #tpu.memory_space<semaphore_mem>>)
    %add3A_1009 = arith.constant 96 : i32
    %add3A_1010 = arith.addi %mul3A_2, %add3A_1009 : i32
    %dma_wait3A_1011 = arith.constant 0 : i32
    %dma_wait3A_1012 = arith.constant 0 : i32
    %dma_wait3A_1013 = arith.constant 0 : i32
    %dma_wait3A_1014 = arith.constant 0 : i32
    %dma_wait3A_1015 = arith.constant 0 : i32
    %dma_wait3A_1016 = arith.constant 0 : i32
    %dma_wait3A_1017 = tpu.memref_slice %arg4[%dma_wait3A_1011, %dma_wait3A_1015, %dma_wait3A_1016] : memref<3x32x1024xf32, #tpu.memory_space<vmem>> -> memref<1x32x1024xf32, #tpu.memory_space<vmem>>
    %dma_wait3A_1018 = tpu.memref_squeeze %dma_wait3A_1017 : memref<1x32x1024xf32, #tpu.memory_space<vmem>> -> memref<32x1024xf32, #tpu.memory_space<vmem>>
    %dma_wait3A_1019 = arith.constant 0 : i32
    %dma_wait3A_1020 = tpu.memref_slice %arg3[%add3A_1010, %dma_wait3A_1012, %dma_wait3A_1019] : memref<8192x4x1024xf32, #tpu.memory_space<hbm>> -> memref<32x1x1024xf32, #tpu.memory_space<hbm>>
    %dma_wait3A_1021 = tpu.memref_squeeze %dma_wait3A_1020 : memref<32x1x1024xf32, #tpu.memory_space<hbm>> -> memref<32x1024xf32, #tpu.memory_space<hbm>>
    %dma_wait3A_1022 = tpu.memref_slice %arg6[%dma_wait3A_1013, %dma_wait3A_1014] : memref<3x4x!tpu.dma_semaphore, #tpu.memory_space<semaphore_mem>> -> memref<1x1x!tpu.dma_semaphore, #tpu.memory_space<semaphore_mem>>
    %dma_wait3A_1023 = tpu.memref_squeeze %dma_wait3A_1022 : memref<1x1x!tpu.dma_semaphore, #tpu.memory_space<semaphore_mem>> -> memref<!tpu.dma_semaphore, #tpu.memory_space<semaphore_mem>>
    %dma_wait3A_1024 = arith.constant 0 : i32
    %dma_wait3A_1025 = tpu.memref_slice %arg3[%add3A_1010, %dma_wait3A_1012, %dma_wait3A_1024] : memref<8192x4x1024xf32, #tpu.memory_space<hbm>> -> memref<32x1x1024xf32, #tpu.memory_space<hbm>>
    %dma_wait3A_1026 = tpu.memref_squeeze %dma_wait3A_1025 : memref<32x1x1024xf32, #tpu.memory_space<hbm>> -> memref<32x1024xf32, #tpu.memory_space<hbm>>
    %dma_wait3A_1027 = arith.constant 0 : i32
    %dma_wait3A_1028 = arith.constant 0 : i32
    %dma_wait3A_1029 = tpu.memref_slice %arg4[%dma_wait3A_1011, %dma_wait3A_1027, %dma_wait3A_1028] : memref<3x32x1024xf32, #tpu.memory_space<vmem>> -> memref<1x32x1024xf32, #tpu.memory_space<vmem>>
    %dma_wait3A_1030 = tpu.memref_squeeze %dma_wait3A_1029 : memref<1x32x1024xf32, #tpu.memory_space<vmem>> -> memref<32x1024xf32, #tpu.memory_space<vmem>>
    tpu.wait_dma2 semaphore(%dma_wait3A_1023 : memref<!tpu.dma_semaphore, #tpu.memory_space<semaphore_mem>>) src(%dma_wait3A_1030 : memref<32x1024xf32, #tpu.memory_space<vmem>>) dst(%dma_wait3A_1026 : memref<32x1024xf32, #tpu.memory_space<hbm>>)
    %add3A_1031 = arith.constant 96 : i32
    %add3A_1032 = arith.addi %mul3A_2, %add3A_1031 : i32
    %dma_wait3A_1033 = arith.constant 0 : i32
    %dma_wait3A_1034 = arith.constant 1 : i32
    %dma_wait3A_1035 = arith.constant 0 : i32
    %dma_wait3A_1036 = arith.constant 1 : i32
    %dma_wait3A_1037 = arith.constant 0 : i32
    %dma_wait3A_1038 = arith.constant 0 : i32
    %dma_wait3A_1039 = tpu.memref_slice %arg4[%dma_wait3A_1033, %dma_wait3A_1037, %dma_wait3A_1038] : memref<3x32x1024xf32, #tpu.memory_space<vmem>> -> memref<1x32x1024xf32, #tpu.memory_space<vmem>>
    %dma_wait3A_1040 = tpu.memref_squeeze %dma_wait3A_1039 : memref<1x32x1024xf32, #tpu.memory_space<vmem>> -> memref<32x1024xf32, #tpu.memory_space<vmem>>
    %dma_wait3A_1041 = arith.constant 0 : i32
    %dma_wait3A_1042 = tpu.memref_slice %arg3[%add3A_1032, %dma_wait3A_1034, %dma_wait3A_1041] : memref<8192x4x1024xf32, #tpu.memory_space<hbm>> -> memref<32x1x1024xf32, #tpu.memory_space<hbm>>
    %dma_wait3A_1043 = tpu.memref_squeeze %dma_wait3A_1042 : memref<32x1x1024xf32, #tpu.memory_space<hbm>> -> memref<32x1024xf32, #tpu.memory_space<hbm>>
    %dma_wait3A_1044 = tpu.memref_slice %arg6[%dma_wait3A_1035, %dma_wait3A_1036] : memref<3x4x!tpu.dma_semaphore, #tpu.memory_space<semaphore_mem>> -> memref<1x1x!tpu.dma_semaphore, #tpu.memory_space<semaphore_mem>>
    %dma_wait3A_1045 = tpu.memref_squeeze %dma_wait3A_1044 : memref<1x1x!tpu.dma_semaphore, #tpu.memory_space<semaphore_mem>> -> memref<!tpu.dma_semaphore, #tpu.memory_space<semaphore_mem>>
    %dma_wait3A_1046 = arith.constant 0 : i32
    %dma_wait3A_1047 = tpu.memref_slice %arg3[%add3A_1032, %dma_wait3A_1034, %dma_wait3A_1046] : memref<8192x4x1024xf32, #tpu.memory_space<hbm>> -> memref<32x1x1024xf32, #tpu.memory_space<hbm>>
    %dma_wait3A_1048 = tpu.memref_squeeze %dma_wait3A_1047 : memref<32x1x1024xf32, #tpu.memory_space<hbm>> -> memref<32x1024xf32, #tpu.memory_space<hbm>>
    %dma_wait3A_1049 = arith.constant 0 : i32
    %dma_wait3A_1050 = arith.constant 0 : i32
    %dma_wait3A_1051 = tpu.memref_slice %arg4[%dma_wait3A_1033, %dma_wait3A_1049, %dma_wait3A_1050] : memref<3x32x1024xf32, #tpu.memory_space<vmem>> -> memref<1x32x1024xf32, #tpu.memory_space<vmem>>
    %dma_wait3A_1052 = tpu.memref_squeeze %dma_wait3A_1051 : memref<1x32x1024xf32, #tpu.memory_space<vmem>> -> memref<32x1024xf32, #tpu.memory_space<vmem>>
    tpu.wait_dma2 semaphore(%dma_wait3A_1045 : memref<!tpu.dma_semaphore, #tpu.memory_space<semaphore_mem>>) src(%dma_wait3A_1052 : memref<32x1024xf32, #tpu.memory_space<vmem>>) dst(%dma_wait3A_1048 : memref<32x1024xf32, #tpu.memory_space<hbm>>)
    %add3A_1053 = arith.constant 96 : i32
    %add3A_1054 = arith.addi %mul3A_2, %add3A_1053 : i32
    %dma_wait3A_1055 = arith.constant 0 : i32
    %dma_wait3A_1056 = arith.constant 2 : i32
    %dma_wait3A_1057 = arith.constant 0 : i32
    %dma_wait3A_1058 = arith.constant 2 : i32
    %dma_wait3A_1059 = arith.constant 0 : i32
    %dma_wait3A_1060 = arith.constant 0 : i32
    %dma_wait3A_1061 = tpu.memref_slice %arg4[%dma_wait3A_1055, %dma_wait3A_1059, %dma_wait3A_1060] : memref<3x32x1024xf32, #tpu.memory_space<vmem>> -> memref<1x32x1024xf32, #tpu.memory_space<vmem>>
    %dma_wait3A_1062 = tpu.memref_squeeze %dma_wait3A_1061 : memref<1x32x1024xf32, #tpu.memory_space<vmem>> -> memref<32x1024xf32, #tpu.memory_space<vmem>>
    %dma_wait3A_1063 = arith.constant 0 : i32
    %dma_wait3A_1064 = tpu.memref_slice %arg3[%add3A_1054, %dma_wait3A_1056, %dma_wait3A_1063] : memref<8192x4x1024xf32, #tpu.memory_space<hbm>> -> memref<32x1x1024xf32, #tpu.memory_space<hbm>>
    %dma_wait3A_1065 = tpu.memref_squeeze %dma_wait3A_1064 : memref<32x1x1024xf32, #tpu.memory_space<hbm>> -> memref<32x1024xf32, #tpu.memory_space<hbm>>
    %dma_wait3A_1066 = tpu.memref_slice %arg6[%dma_wait3A_1057, %dma_wait3A_1058] : memref<3x4x!tpu.dma_semaphore, #tpu.memory_space<semaphore_mem>> -> memref<1x1x!tpu.dma_semaphore, #tpu.memory_space<semaphore_mem>>
    %dma_wait3A_1067 = tpu.memref_squeeze %dma_wait3A_1066 : memref<1x1x!tpu.dma_semaphore, #tpu.memory_space<semaphore_mem>> -> memref<!tpu.dma_semaphore, #tpu.memory_space<semaphore_mem>>
    %dma_wait3A_1068 = arith.constant 0 : i32
    %dma_wait3A_1069 = tpu.memref_slice %arg3[%add3A_1054, %dma_wait3A_1056, %dma_wait3A_1068] : memref<8192x4x1024xf32, #tpu.memory_space<hbm>> -> memref<32x1x1024xf32, #tpu.memory_space<hbm>>
    %dma_wait3A_1070 = tpu.memref_squeeze %dma_wait3A_1069 : memref<32x1x1024xf32, #tpu.memory_space<hbm>> -> memref<32x1024xf32, #tpu.memory_space<hbm>>
    %dma_wait3A_1071 = arith.constant 0 : i32
    %dma_wait3A_1072 = arith.constant 0 : i32
    %dma_wait3A_1073 = tpu.memref_slice %arg4[%dma_wait3A_1055, %dma_wait3A_1071, %dma_wait3A_1072] : memref<3x32x1024xf32, #tpu.memory_space<vmem>> -> memref<1x32x1024xf32, #tpu.memory_space<vmem>>
    %dma_wait3A_1074 = tpu.memref_squeeze %dma_wait3A_1073 : memref<1x32x1024xf32, #tpu.memory_space<vmem>> -> memref<32x1024xf32, #tpu.memory_space<vmem>>
    tpu.wait_dma2 semaphore(%dma_wait3A_1067 : memref<!tpu.dma_semaphore, #tpu.memory_space<semaphore_mem>>) src(%dma_wait3A_1074 : memref<32x1024xf32, #tpu.memory_space<vmem>>) dst(%dma_wait3A_1070 : memref<32x1024xf32, #tpu.memory_space<hbm>>)
    %add3A_1075 = arith.constant 96 : i32
    %add3A_1076 = arith.addi %mul3A_2, %add3A_1075 : i32
    %dma_wait3A_1077 = arith.constant 0 : i32
    %dma_wait3A_1078 = arith.constant 3 : i32
    %dma_wait3A_1079 = arith.constant 0 : i32
    %dma_wait3A_1080 = arith.constant 3 : i32
    %dma_wait3A_1081 = arith.constant 0 : i32
    %dma_wait3A_1082 = arith.constant 0 : i32
    %dma_wait3A_1083 = tpu.memref_slice %arg4[%dma_wait3A_1077, %dma_wait3A_1081, %dma_wait3A_1082] : memref<3x32x1024xf32, #tpu.memory_space<vmem>> -> memref<1x32x1024xf32, #tpu.memory_space<vmem>>
    %dma_wait3A_1084 = tpu.memref_squeeze %dma_wait3A_1083 : memref<1x32x1024xf32, #tpu.memory_space<vmem>> -> memref<32x1024xf32, #tpu.memory_space<vmem>>
    %dma_wait3A_1085 = arith.constant 0 : i32
    %dma_wait3A_1086 = tpu.memref_slice %arg3[%add3A_1076, %dma_wait3A_1078, %dma_wait3A_1085] : memref<8192x4x1024xf32, #tpu.memory_space<hbm>> -> memref<32x1x1024xf32, #tpu.memory_space<hbm>>
    %dma_wait3A_1087 = tpu.memref_squeeze %dma_wait3A_1086 : memref<32x1x1024xf32, #tpu.memory_space<hbm>> -> memref<32x1024xf32, #tpu.memory_space<hbm>>
    %dma_wait3A_1088 = tpu.memref_slice %arg6[%dma_wait3A_1079, %dma_wait3A_1080] : memref<3x4x!tpu.dma_semaphore, #tpu.memory_space<semaphore_mem>> -> memref<1x1x!tpu.dma_semaphore, #tpu.memory_space<semaphore_mem>>
    %dma_wait3A_1089 = tpu.memref_squeeze %dma_wait3A_1088 : memref<1x1x!tpu.dma_semaphore, #tpu.memory_space<semaphore_mem>> -> memref<!tpu.dma_semaphore, #tpu.memory_space<semaphore_mem>>
    %dma_wait3A_1090 = arith.constant 0 : i32
    %dma_wait3A_1091 = tpu.memref_slice %arg3[%add3A_1076, %dma_wait3A_1078, %dma_wait3A_1090] : memref<8192x4x1024xf32, #tpu.memory_space<hbm>> -> memref<32x1x1024xf32, #tpu.memory_space<hbm>>
    %dma_wait3A_1092 = tpu.memref_squeeze %dma_wait3A_1091 : memref<32x1x1024xf32, #tpu.memory_space<hbm>> -> memref<32x1024xf32, #tpu.memory_space<hbm>>
    %dma_wait3A_1093 = arith.constant 0 : i32
    %dma_wait3A_1094 = arith.constant 0 : i32
    %dma_wait3A_1095 = tpu.memref_slice %arg4[%dma_wait3A_1077, %dma_wait3A_1093, %dma_wait3A_1094] : memref<3x32x1024xf32, #tpu.memory_space<vmem>> -> memref<1x32x1024xf32, #tpu.memory_space<vmem>>
    %dma_wait3A_1096 = tpu.memref_squeeze %dma_wait3A_1095 : memref<1x32x1024xf32, #tpu.memory_space<vmem>> -> memref<32x1024xf32, #tpu.memory_space<vmem>>
    tpu.wait_dma2 semaphore(%dma_wait3A_1089 : memref<!tpu.dma_semaphore, #tpu.memory_space<semaphore_mem>>) src(%dma_wait3A_1096 : memref<32x1024xf32, #tpu.memory_space<vmem>>) dst(%dma_wait3A_1092 : memref<32x1024xf32, #tpu.memory_space<hbm>>)
    %add3A_1097 = arith.constant 192 : i32
    %add3A_1098 = arith.addi %mul3A_2, %add3A_1097 : i32
    %dma_start3A_1099 = arith.constant 0 : i32
    %dma_start3A_1100 = arith.constant 0 : i32
    %dma_start3A_1101 = arith.constant 0 : i32
    %dma_start3A_1102 = arith.constant 0 : i32
    %dma_start3A_1103 = tpu.memref_slice %arg4[%dma_start3A_1099, %dma_start3A_1101, %dma_start3A_1102] : memref<3x32x1024xf32, #tpu.memory_space<vmem>> -> memref<1x32x1024xf32, #tpu.memory_space<vmem>>
    %dma_start3A_1104 = tpu.memref_squeeze %dma_start3A_1103 : memref<1x32x1024xf32, #tpu.memory_space<vmem>> -> memref<32x1024xf32, #tpu.memory_space<vmem>>
    %dma_start3A_1105 = arith.constant 0 : i32
    %dma_start3A_1106 = tpu.memref_slice %arg2[%add3A_1098, %dma_start3A_1105] : memref<8192x1024xf32, #tpu.memory_space<hbm>> -> memref<32x1024xf32, #tpu.memory_space<hbm>>
    %dma_start3A_1107 = tpu.memref_slice %arg5[%dma_start3A_1100] : memref<3x!tpu.dma_semaphore, #tpu.memory_space<semaphore_mem>> -> memref<1x!tpu.dma_semaphore, #tpu.memory_space<semaphore_mem>>
    %dma_start3A_1108 = tpu.memref_squeeze %dma_start3A_1107 : memref<1x!tpu.dma_semaphore, #tpu.memory_space<semaphore_mem>> -> memref<!tpu.dma_semaphore, #tpu.memory_space<semaphore_mem>>
    %dma_start3A_1109 = arith.constant 0 : i32
    %dma_start3A_1110 = arith.constant 0 : i32
    %dma_start3A_1111 = tpu.memref_slice %arg4[%dma_start3A_1099, %dma_start3A_1109, %dma_start3A_1110] : memref<3x32x1024xf32, #tpu.memory_space<vmem>> -> memref<1x32x1024xf32, #tpu.memory_space<vmem>>
    %dma_start3A_1112 = tpu.memref_squeeze %dma_start3A_1111 : memref<1x32x1024xf32, #tpu.memory_space<vmem>> -> memref<32x1024xf32, #tpu.memory_space<vmem>>
    %dma_start3A_1113 = arith.constant 0 : i32
    %dma_start3A_1114 = tpu.memref_slice %arg2[%add3A_1098, %dma_start3A_1113] : memref<8192x1024xf32, #tpu.memory_space<hbm>> -> memref<32x1024xf32, #tpu.memory_space<hbm>>
    tpu.enqueue_dma source(%dma_start3A_1114 : memref<32x1024xf32, #tpu.memory_space<hbm>>) target(%dma_start3A_1112 : memref<32x1024xf32, #tpu.memory_space<vmem>>) target_semaphore(%dma_start3A_1108 : memref<!tpu.dma_semaphore, #tpu.memory_space<semaphore_mem>>)
    %add3A_1115 = arith.constant 192 : i32
    %add3A_1116 = arith.addi %mul3A_2, %add3A_1115 : i32
    %dma_wait3A_1117 = arith.constant 0 : i32
    %dma_wait3A_1118 = arith.constant 0 : i32
    %dma_wait3A_1119 = arith.constant 0 : i32
    %dma_wait3A_1120 = arith.constant 0 : i32
    %dma_wait3A_1121 = tpu.memref_slice %arg4[%dma_wait3A_1117, %dma_wait3A_1119, %dma_wait3A_1120] : memref<3x32x1024xf32, #tpu.memory_space<vmem>> -> memref<1x32x1024xf32, #tpu.memory_space<vmem>>
    %dma_wait3A_1122 = tpu.memref_squeeze %dma_wait3A_1121 : memref<1x32x1024xf32, #tpu.memory_space<vmem>> -> memref<32x1024xf32, #tpu.memory_space<vmem>>
    %dma_wait3A_1123 = arith.constant 0 : i32
    %dma_wait3A_1124 = tpu.memref_slice %arg2[%add3A_1116, %dma_wait3A_1123] : memref<8192x1024xf32, #tpu.memory_space<hbm>> -> memref<32x1024xf32, #tpu.memory_space<hbm>>
    %dma_wait3A_1125 = tpu.memref_slice %arg5[%dma_wait3A_1118] : memref<3x!tpu.dma_semaphore, #tpu.memory_space<semaphore_mem>> -> memref<1x!tpu.dma_semaphore, #tpu.memory_space<semaphore_mem>>
    %dma_wait3A_1126 = tpu.memref_squeeze %dma_wait3A_1125 : memref<1x!tpu.dma_semaphore, #tpu.memory_space<semaphore_mem>> -> memref<!tpu.dma_semaphore, #tpu.memory_space<semaphore_mem>>
    %dma_wait3A_1127 = arith.constant 0 : i32
    %dma_wait3A_1128 = arith.constant 0 : i32
    %dma_wait3A_1129 = tpu.memref_slice %arg4[%dma_wait3A_1117, %dma_wait3A_1127, %dma_wait3A_1128] : memref<3x32x1024xf32, #tpu.memory_space<vmem>> -> memref<1x32x1024xf32, #tpu.memory_space<vmem>>
    %dma_wait3A_1130 = tpu.memref_squeeze %dma_wait3A_1129 : memref<1x32x1024xf32, #tpu.memory_space<vmem>> -> memref<32x1024xf32, #tpu.memory_space<vmem>>
    %dma_wait3A_1131 = arith.constant 0 : i32
    %dma_wait3A_1132 = tpu.memref_slice %arg2[%add3A_1116, %dma_wait3A_1131] : memref<8192x1024xf32, #tpu.memory_space<hbm>> -> memref<32x1024xf32, #tpu.memory_space<hbm>>
    tpu.wait_dma2 semaphore(%dma_wait3A_1126 : memref<!tpu.dma_semaphore, #tpu.memory_space<semaphore_mem>>) src(%dma_wait3A_1132 : memref<32x1024xf32, #tpu.memory_space<hbm>>) dst(%dma_wait3A_1130 : memref<32x1024xf32, #tpu.memory_space<vmem>>)
    %add3A_1133 = arith.constant 192 : i32
    %add3A_1134 = arith.addi %mul3A_2, %add3A_1133 : i32
    %dma_start3A_1135 = arith.constant 0 : i32
    %dma_start3A_1136 = arith.constant 0 : i32
    %dma_start3A_1137 = arith.constant 0 : i32
    %dma_start3A_1138 = arith.constant 0 : i32
    %dma_start3A_1139 = arith.constant 0 : i32
    %dma_start3A_1140 = arith.constant 0 : i32
    %dma_start3A_1141 = tpu.memref_slice %arg4[%dma_start3A_1135, %dma_start3A_1139, %dma_start3A_1140] : memref<3x32x1024xf32, #tpu.memory_space<vmem>> -> memref<1x32x1024xf32, #tpu.memory_space<vmem>>
    %dma_start3A_1142 = tpu.memref_squeeze %dma_start3A_1141 : memref<1x32x1024xf32, #tpu.memory_space<vmem>> -> memref<32x1024xf32, #tpu.memory_space<vmem>>
    %dma_start3A_1143 = arith.constant 0 : i32
    %dma_start3A_1144 = tpu.memref_slice %arg3[%add3A_1134, %dma_start3A_1136, %dma_start3A_1143] : memref<8192x4x1024xf32, #tpu.memory_space<hbm>> -> memref<32x1x1024xf32, #tpu.memory_space<hbm>>
    %dma_start3A_1145 = tpu.memref_squeeze %dma_start3A_1144 : memref<32x1x1024xf32, #tpu.memory_space<hbm>> -> memref<32x1024xf32, #tpu.memory_space<hbm>>
    %dma_start3A_1146 = tpu.memref_slice %arg6[%dma_start3A_1137, %dma_start3A_1138] : memref<3x4x!tpu.dma_semaphore, #tpu.memory_space<semaphore_mem>> -> memref<1x1x!tpu.dma_semaphore, #tpu.memory_space<semaphore_mem>>
    %dma_start3A_1147 = tpu.memref_squeeze %dma_start3A_1146 : memref<1x1x!tpu.dma_semaphore, #tpu.memory_space<semaphore_mem>> -> memref<!tpu.dma_semaphore, #tpu.memory_space<semaphore_mem>>
    %dma_start3A_1148 = arith.constant 0 : i32
    %dma_start3A_1149 = tpu.memref_slice %arg3[%add3A_1134, %dma_start3A_1136, %dma_start3A_1148] : memref<8192x4x1024xf32, #tpu.memory_space<hbm>> -> memref<32x1x1024xf32, #tpu.memory_space<hbm>>
    %dma_start3A_1150 = tpu.memref_squeeze %dma_start3A_1149 : memref<32x1x1024xf32, #tpu.memory_space<hbm>> -> memref<32x1024xf32, #tpu.memory_space<hbm>>
    %dma_start3A_1151 = arith.constant 0 : i32
    %dma_start3A_1152 = arith.constant 0 : i32
    %dma_start3A_1153 = tpu.memref_slice %arg4[%dma_start3A_1135, %dma_start3A_1151, %dma_start3A_1152] : memref<3x32x1024xf32, #tpu.memory_space<vmem>> -> memref<1x32x1024xf32, #tpu.memory_space<vmem>>
    %dma_start3A_1154 = tpu.memref_squeeze %dma_start3A_1153 : memref<1x32x1024xf32, #tpu.memory_space<vmem>> -> memref<32x1024xf32, #tpu.memory_space<vmem>>
    tpu.enqueue_dma source(%dma_start3A_1154 : memref<32x1024xf32, #tpu.memory_space<vmem>>) target(%dma_start3A_1150 : memref<32x1024xf32, #tpu.memory_space<hbm>>) target_semaphore(%dma_start3A_1147 : memref<!tpu.dma_semaphore, #tpu.memory_space<semaphore_mem>>)
    %add3A_1155 = arith.constant 192 : i32
    %add3A_1156 = arith.addi %mul3A_2, %add3A_1155 : i32
    %dma_start3A_1157 = arith.constant 0 : i32
    %dma_start3A_1158 = arith.constant 1 : i32
    %dma_start3A_1159 = arith.constant 0 : i32
    %dma_start3A_1160 = arith.constant 1 : i32
    %dma_start3A_1161 = arith.constant 0 : i32
    %dma_start3A_1162 = arith.constant 0 : i32
    %dma_start3A_1163 = tpu.memref_slice %arg4[%dma_start3A_1157, %dma_start3A_1161, %dma_start3A_1162] : memref<3x32x1024xf32, #tpu.memory_space<vmem>> -> memref<1x32x1024xf32, #tpu.memory_space<vmem>>
    %dma_start3A_1164 = tpu.memref_squeeze %dma_start3A_1163 : memref<1x32x1024xf32, #tpu.memory_space<vmem>> -> memref<32x1024xf32, #tpu.memory_space<vmem>>
    %dma_start3A_1165 = arith.constant 0 : i32
    %dma_start3A_1166 = tpu.memref_slice %arg3[%add3A_1156, %dma_start3A_1158, %dma_start3A_1165] : memref<8192x4x1024xf32, #tpu.memory_space<hbm>> -> memref<32x1x1024xf32, #tpu.memory_space<hbm>>
    %dma_start3A_1167 = tpu.memref_squeeze %dma_start3A_1166 : memref<32x1x1024xf32, #tpu.memory_space<hbm>> -> memref<32x1024xf32, #tpu.memory_space<hbm>>
    %dma_start3A_1168 = tpu.memref_slice %arg6[%dma_start3A_1159, %dma_start3A_1160] : memref<3x4x!tpu.dma_semaphore, #tpu.memory_space<semaphore_mem>> -> memref<1x1x!tpu.dma_semaphore, #tpu.memory_space<semaphore_mem>>
    %dma_start3A_1169 = tpu.memref_squeeze %dma_start3A_1168 : memref<1x1x!tpu.dma_semaphore, #tpu.memory_space<semaphore_mem>> -> memref<!tpu.dma_semaphore, #tpu.memory_space<semaphore_mem>>
    %dma_start3A_1170 = arith.constant 0 : i32
    %dma_start3A_1171 = tpu.memref_slice %arg3[%add3A_1156, %dma_start3A_1158, %dma_start3A_1170] : memref<8192x4x1024xf32, #tpu.memory_space<hbm>> -> memref<32x1x1024xf32, #tpu.memory_space<hbm>>
    %dma_start3A_1172 = tpu.memref_squeeze %dma_start3A_1171 : memref<32x1x1024xf32, #tpu.memory_space<hbm>> -> memref<32x1024xf32, #tpu.memory_space<hbm>>
    %dma_start3A_1173 = arith.constant 0 : i32
    %dma_start3A_1174 = arith.constant 0 : i32
    %dma_start3A_1175 = tpu.memref_slice %arg4[%dma_start3A_1157, %dma_start3A_1173, %dma_start3A_1174] : memref<3x32x1024xf32, #tpu.memory_space<vmem>> -> memref<1x32x1024xf32, #tpu.memory_space<vmem>>
    %dma_start3A_1176 = tpu.memref_squeeze %dma_start3A_1175 : memref<1x32x1024xf32, #tpu.memory_space<vmem>> -> memref<32x1024xf32, #tpu.memory_space<vmem>>
    tpu.enqueue_dma source(%dma_start3A_1176 : memref<32x1024xf32, #tpu.memory_space<vmem>>) target(%dma_start3A_1172 : memref<32x1024xf32, #tpu.memory_space<hbm>>) target_semaphore(%dma_start3A_1169 : memref<!tpu.dma_semaphore, #tpu.memory_space<semaphore_mem>>)
    %add3A_1177 = arith.constant 192 : i32
    %add3A_1178 = arith.addi %mul3A_2, %add3A_1177 : i32
    %dma_start3A_1179 = arith.constant 0 : i32
    %dma_start3A_1180 = arith.constant 2 : i32
    %dma_start3A_1181 = arith.constant 0 : i32
    %dma_start3A_1182 = arith.constant 2 : i32
    %dma_start3A_1183 = arith.constant 0 : i32
    %dma_start3A_1184 = arith.constant 0 : i32
    %dma_start3A_1185 = tpu.memref_slice %arg4[%dma_start3A_1179, %dma_start3A_1183, %dma_start3A_1184] : memref<3x32x1024xf32, #tpu.memory_space<vmem>> -> memref<1x32x1024xf32, #tpu.memory_space<vmem>>
    %dma_start3A_1186 = tpu.memref_squeeze %dma_start3A_1185 : memref<1x32x1024xf32, #tpu.memory_space<vmem>> -> memref<32x1024xf32, #tpu.memory_space<vmem>>
    %dma_start3A_1187 = arith.constant 0 : i32
    %dma_start3A_1188 = tpu.memref_slice %arg3[%add3A_1178, %dma_start3A_1180, %dma_start3A_1187] : memref<8192x4x1024xf32, #tpu.memory_space<hbm>> -> memref<32x1x1024xf32, #tpu.memory_space<hbm>>
    %dma_start3A_1189 = tpu.memref_squeeze %dma_start3A_1188 : memref<32x1x1024xf32, #tpu.memory_space<hbm>> -> memref<32x1024xf32, #tpu.memory_space<hbm>>
    %dma_start3A_1190 = tpu.memref_slice %arg6[%dma_start3A_1181, %dma_start3A_1182] : memref<3x4x!tpu.dma_semaphore, #tpu.memory_space<semaphore_mem>> -> memref<1x1x!tpu.dma_semaphore, #tpu.memory_space<semaphore_mem>>
    %dma_start3A_1191 = tpu.memref_squeeze %dma_start3A_1190 : memref<1x1x!tpu.dma_semaphore, #tpu.memory_space<semaphore_mem>> -> memref<!tpu.dma_semaphore, #tpu.memory_space<semaphore_mem>>
    %dma_start3A_1192 = arith.constant 0 : i32
    %dma_start3A_1193 = tpu.memref_slice %arg3[%add3A_1178, %dma_start3A_1180, %dma_start3A_1192] : memref<8192x4x1024xf32, #tpu.memory_space<hbm>> -> memref<32x1x1024xf32, #tpu.memory_space<hbm>>
    %dma_start3A_1194 = tpu.memref_squeeze %dma_start3A_1193 : memref<32x1x1024xf32, #tpu.memory_space<hbm>> -> memref<32x1024xf32, #tpu.memory_space<hbm>>
    %dma_start3A_1195 = arith.constant 0 : i32
    %dma_start3A_1196 = arith.constant 0 : i32
    %dma_start3A_1197 = tpu.memref_slice %arg4[%dma_start3A_1179, %dma_start3A_1195, %dma_start3A_1196] : memref<3x32x1024xf32, #tpu.memory_space<vmem>> -> memref<1x32x1024xf32, #tpu.memory_space<vmem>>
    %dma_start3A_1198 = tpu.memref_squeeze %dma_start3A_1197 : memref<1x32x1024xf32, #tpu.memory_space<vmem>> -> memref<32x1024xf32, #tpu.memory_space<vmem>>
    tpu.enqueue_dma source(%dma_start3A_1198 : memref<32x1024xf32, #tpu.memory_space<vmem>>) target(%dma_start3A_1194 : memref<32x1024xf32, #tpu.memory_space<hbm>>) target_semaphore(%dma_start3A_1191 : memref<!tpu.dma_semaphore, #tpu.memory_space<semaphore_mem>>)
    %add3A_1199 = arith.constant 192 : i32
    %add3A_1200 = arith.addi %mul3A_2, %add3A_1199 : i32
    %dma_start3A_1201 = arith.constant 0 : i32
    %dma_start3A_1202 = arith.constant 3 : i32
    %dma_start3A_1203 = arith.constant 0 : i32
    %dma_start3A_1204 = arith.constant 3 : i32
    %dma_start3A_1205 = arith.constant 0 : i32
    %dma_start3A_1206 = arith.constant 0 : i32
    %dma_start3A_1207 = tpu.memref_slice %arg4[%dma_start3A_1201, %dma_start3A_1205, %dma_start3A_1206] : memref<3x32x1024xf32, #tpu.memory_space<vmem>> -> memref<1x32x1024xf32, #tpu.memory_space<vmem>>
    %dma_start3A_1208 = tpu.memref_squeeze %dma_start3A_1207 : memref<1x32x1024xf32, #tpu.memory_space<vmem>> -> memref<32x1024xf32, #tpu.memory_space<vmem>>
    %dma_start3A_1209 = arith.constant 0 : i32
    %dma_start3A_1210 = tpu.memref_slice %arg3[%add3A_1200, %dma_start3A_1202, %dma_start3A_1209] : memref<8192x4x1024xf32, #tpu.memory_space<hbm>> -> memref<32x1x1024xf32, #tpu.memory_space<hbm>>
    %dma_start3A_1211 = tpu.memref_squeeze %dma_start3A_1210 : memref<32x1x1024xf32, #tpu.memory_space<hbm>> -> memref<32x1024xf32, #tpu.memory_space<hbm>>
    %dma_start3A_1212 = tpu.memref_slice %arg6[%dma_start3A_1203, %dma_start3A_1204] : memref<3x4x!tpu.dma_semaphore, #tpu.memory_space<semaphore_mem>> -> memref<1x1x!tpu.dma_semaphore, #tpu.memory_space<semaphore_mem>>
    %dma_start3A_1213 = tpu.memref_squeeze %dma_start3A_1212 : memref<1x1x!tpu.dma_semaphore, #tpu.memory_space<semaphore_mem>> -> memref<!tpu.dma_semaphore, #tpu.memory_space<semaphore_mem>>
    %dma_start3A_1214 = arith.constant 0 : i32
    %dma_start3A_1215 = tpu.memref_slice %arg3[%add3A_1200, %dma_start3A_1202, %dma_start3A_1214] : memref<8192x4x1024xf32, #tpu.memory_space<hbm>> -> memref<32x1x1024xf32, #tpu.memory_space<hbm>>
    %dma_start3A_1216 = tpu.memref_squeeze %dma_start3A_1215 : memref<32x1x1024xf32, #tpu.memory_space<hbm>> -> memref<32x1024xf32, #tpu.memory_space<hbm>>
    %dma_start3A_1217 = arith.constant 0 : i32
    %dma_start3A_1218 = arith.constant 0 : i32
    %dma_start3A_1219 = tpu.memref_slice %arg4[%dma_start3A_1201, %dma_start3A_1217, %dma_start3A_1218] : memref<3x32x1024xf32, #tpu.memory_space<vmem>> -> memref<1x32x1024xf32, #tpu.memory_space<vmem>>
    %dma_start3A_1220 = tpu.memref_squeeze %dma_start3A_1219 : memref<1x32x1024xf32, #tpu.memory_space<vmem>> -> memref<32x1024xf32, #tpu.memory_space<vmem>>
    tpu.enqueue_dma source(%dma_start3A_1220 : memref<32x1024xf32, #tpu.memory_space<vmem>>) target(%dma_start3A_1216 : memref<32x1024xf32, #tpu.memory_space<hbm>>) target_semaphore(%dma_start3A_1213 : memref<!tpu.dma_semaphore, #tpu.memory_space<semaphore_mem>>)
    %add3A_1221 = arith.constant 128 : i32
    %add3A_1222 = arith.addi %mul3A_2, %add3A_1221 : i32
    %dma_wait3A_1223 = arith.constant 1 : i32
    %dma_wait3A_1224 = arith.constant 0 : i32
    %dma_wait3A_1225 = arith.constant 1 : i32
    %dma_wait3A_1226 = arith.constant 0 : i32
    %dma_wait3A_1227 = arith.constant 0 : i32
    %dma_wait3A_1228 = arith.constant 0 : i32
    %dma_wait3A_1229 = tpu.memref_slice %arg4[%dma_wait3A_1223, %dma_wait3A_1227, %dma_wait3A_1228] : memref<3x32x1024xf32, #tpu.memory_space<vmem>> -> memref<1x32x1024xf32, #tpu.memory_space<vmem>>
    %dma_wait3A_1230 = tpu.memref_squeeze %dma_wait3A_1229 : memref<1x32x1024xf32, #tpu.memory_space<vmem>> -> memref<32x1024xf32, #tpu.memory_space<vmem>>
    %dma_wait3A_1231 = arith.constant 0 : i32
    %dma_wait3A_1232 = tpu.memref_slice %arg3[%add3A_1222, %dma_wait3A_1224, %dma_wait3A_1231] : memref<8192x4x1024xf32, #tpu.memory_space<hbm>> -> memref<32x1x1024xf32, #tpu.memory_space<hbm>>
    %dma_wait3A_1233 = tpu.memref_squeeze %dma_wait3A_1232 : memref<32x1x1024xf32, #tpu.memory_space<hbm>> -> memref<32x1024xf32, #tpu.memory_space<hbm>>
    %dma_wait3A_1234 = tpu.memref_slice %arg6[%dma_wait3A_1225, %dma_wait3A_1226] : memref<3x4x!tpu.dma_semaphore, #tpu.memory_space<semaphore_mem>> -> memref<1x1x!tpu.dma_semaphore, #tpu.memory_space<semaphore_mem>>
    %dma_wait3A_1235 = tpu.memref_squeeze %dma_wait3A_1234 : memref<1x1x!tpu.dma_semaphore, #tpu.memory_space<semaphore_mem>> -> memref<!tpu.dma_semaphore, #tpu.memory_space<semaphore_mem>>
    %dma_wait3A_1236 = arith.constant 0 : i32
    %dma_wait3A_1237 = tpu.memref_slice %arg3[%add3A_1222, %dma_wait3A_1224, %dma_wait3A_1236] : memref<8192x4x1024xf32, #tpu.memory_space<hbm>> -> memref<32x1x1024xf32, #tpu.memory_space<hbm>>
    %dma_wait3A_1238 = tpu.memref_squeeze %dma_wait3A_1237 : memref<32x1x1024xf32, #tpu.memory_space<hbm>> -> memref<32x1024xf32, #tpu.memory_space<hbm>>
    %dma_wait3A_1239 = arith.constant 0 : i32
    %dma_wait3A_1240 = arith.constant 0 : i32
    %dma_wait3A_1241 = tpu.memref_slice %arg4[%dma_wait3A_1223, %dma_wait3A_1239, %dma_wait3A_1240] : memref<3x32x1024xf32, #tpu.memory_space<vmem>> -> memref<1x32x1024xf32, #tpu.memory_space<vmem>>
    %dma_wait3A_1242 = tpu.memref_squeeze %dma_wait3A_1241 : memref<1x32x1024xf32, #tpu.memory_space<vmem>> -> memref<32x1024xf32, #tpu.memory_space<vmem>>
    tpu.wait_dma2 semaphore(%dma_wait3A_1235 : memref<!tpu.dma_semaphore, #tpu.memory_space<semaphore_mem>>) src(%dma_wait3A_1242 : memref<32x1024xf32, #tpu.memory_space<vmem>>) dst(%dma_wait3A_1238 : memref<32x1024xf32, #tpu.memory_space<hbm>>)
    %add3A_1243 = arith.constant 128 : i32
    %add3A_1244 = arith.addi %mul3A_2, %add3A_1243 : i32
    %dma_wait3A_1245 = arith.constant 1 : i32
    %dma_wait3A_1246 = arith.constant 1 : i32
    %dma_wait3A_1247 = arith.constant 1 : i32
    %dma_wait3A_1248 = arith.constant 1 : i32
    %dma_wait3A_1249 = arith.constant 0 : i32
    %dma_wait3A_1250 = arith.constant 0 : i32
    %dma_wait3A_1251 = tpu.memref_slice %arg4[%dma_wait3A_1245, %dma_wait3A_1249, %dma_wait3A_1250] : memref<3x32x1024xf32, #tpu.memory_space<vmem>> -> memref<1x32x1024xf32, #tpu.memory_space<vmem>>
    %dma_wait3A_1252 = tpu.memref_squeeze %dma_wait3A_1251 : memref<1x32x1024xf32, #tpu.memory_space<vmem>> -> memref<32x1024xf32, #tpu.memory_space<vmem>>
    %dma_wait3A_1253 = arith.constant 0 : i32
    %dma_wait3A_1254 = tpu.memref_slice %arg3[%add3A_1244, %dma_wait3A_1246, %dma_wait3A_1253] : memref<8192x4x1024xf32, #tpu.memory_space<hbm>> -> memref<32x1x1024xf32, #tpu.memory_space<hbm>>
    %dma_wait3A_1255 = tpu.memref_squeeze %dma_wait3A_1254 : memref<32x1x1024xf32, #tpu.memory_space<hbm>> -> memref<32x1024xf32, #tpu.memory_space<hbm>>
    %dma_wait3A_1256 = tpu.memref_slice %arg6[%dma_wait3A_1247, %dma_wait3A_1248] : memref<3x4x!tpu.dma_semaphore, #tpu.memory_space<semaphore_mem>> -> memref<1x1x!tpu.dma_semaphore, #tpu.memory_space<semaphore_mem>>
    %dma_wait3A_1257 = tpu.memref_squeeze %dma_wait3A_1256 : memref<1x1x!tpu.dma_semaphore, #tpu.memory_space<semaphore_mem>> -> memref<!tpu.dma_semaphore, #tpu.memory_space<semaphore_mem>>
    %dma_wait3A_1258 = arith.constant 0 : i32
    %dma_wait3A_1259 = tpu.memref_slice %arg3[%add3A_1244, %dma_wait3A_1246, %dma_wait3A_1258] : memref<8192x4x1024xf32, #tpu.memory_space<hbm>> -> memref<32x1x1024xf32, #tpu.memory_space<hbm>>
    %dma_wait3A_1260 = tpu.memref_squeeze %dma_wait3A_1259 : memref<32x1x1024xf32, #tpu.memory_space<hbm>> -> memref<32x1024xf32, #tpu.memory_space<hbm>>
    %dma_wait3A_1261 = arith.constant 0 : i32
    %dma_wait3A_1262 = arith.constant 0 : i32
    %dma_wait3A_1263 = tpu.memref_slice %arg4[%dma_wait3A_1245, %dma_wait3A_1261, %dma_wait3A_1262] : memref<3x32x1024xf32, #tpu.memory_space<vmem>> -> memref<1x32x1024xf32, #tpu.memory_space<vmem>>
    %dma_wait3A_1264 = tpu.memref_squeeze %dma_wait3A_1263 : memref<1x32x1024xf32, #tpu.memory_space<vmem>> -> memref<32x1024xf32, #tpu.memory_space<vmem>>
    tpu.wait_dma2 semaphore(%dma_wait3A_1257 : memref<!tpu.dma_semaphore, #tpu.memory_space<semaphore_mem>>) src(%dma_wait3A_1264 : memref<32x1024xf32, #tpu.memory_space<vmem>>) dst(%dma_wait3A_1260 : memref<32x1024xf32, #tpu.memory_space<hbm>>)
    %add3A_1265 = arith.constant 128 : i32
    %add3A_1266 = arith.addi %mul3A_2, %add3A_1265 : i32
    %dma_wait3A_1267 = arith.constant 1 : i32
    %dma_wait3A_1268 = arith.constant 2 : i32
    %dma_wait3A_1269 = arith.constant 1 : i32
    %dma_wait3A_1270 = arith.constant 2 : i32
    %dma_wait3A_1271 = arith.constant 0 : i32
    %dma_wait3A_1272 = arith.constant 0 : i32
    %dma_wait3A_1273 = tpu.memref_slice %arg4[%dma_wait3A_1267, %dma_wait3A_1271, %dma_wait3A_1272] : memref<3x32x1024xf32, #tpu.memory_space<vmem>> -> memref<1x32x1024xf32, #tpu.memory_space<vmem>>
    %dma_wait3A_1274 = tpu.memref_squeeze %dma_wait3A_1273 : memref<1x32x1024xf32, #tpu.memory_space<vmem>> -> memref<32x1024xf32, #tpu.memory_space<vmem>>
    %dma_wait3A_1275 = arith.constant 0 : i32
    %dma_wait3A_1276 = tpu.memref_slice %arg3[%add3A_1266, %dma_wait3A_1268, %dma_wait3A_1275] : memref<8192x4x1024xf32, #tpu.memory_space<hbm>> -> memref<32x1x1024xf32, #tpu.memory_space<hbm>>
    %dma_wait3A_1277 = tpu.memref_squeeze %dma_wait3A_1276 : memref<32x1x1024xf32, #tpu.memory_space<hbm>> -> memref<32x1024xf32, #tpu.memory_space<hbm>>
    %dma_wait3A_1278 = tpu.memref_slice %arg6[%dma_wait3A_1269, %dma_wait3A_1270] : memref<3x4x!tpu.dma_semaphore, #tpu.memory_space<semaphore_mem>> -> memref<1x1x!tpu.dma_semaphore, #tpu.memory_space<semaphore_mem>>
    %dma_wait3A_1279 = tpu.memref_squeeze %dma_wait3A_1278 : memref<1x1x!tpu.dma_semaphore, #tpu.memory_space<semaphore_mem>> -> memref<!tpu.dma_semaphore, #tpu.memory_space<semaphore_mem>>
    %dma_wait3A_1280 = arith.constant 0 : i32
    %dma_wait3A_1281 = tpu.memref_slice %arg3[%add3A_1266, %dma_wait3A_1268, %dma_wait3A_1280] : memref<8192x4x1024xf32, #tpu.memory_space<hbm>> -> memref<32x1x1024xf32, #tpu.memory_space<hbm>>
    %dma_wait3A_1282 = tpu.memref_squeeze %dma_wait3A_1281 : memref<32x1x1024xf32, #tpu.memory_space<hbm>> -> memref<32x1024xf32, #tpu.memory_space<hbm>>
    %dma_wait3A_1283 = arith.constant 0 : i32
    %dma_wait3A_1284 = arith.constant 0 : i32
    %dma_wait3A_1285 = tpu.memref_slice %arg4[%dma_wait3A_1267, %dma_wait3A_1283, %dma_wait3A_1284] : memref<3x32x1024xf32, #tpu.memory_space<vmem>> -> memref<1x32x1024xf32, #tpu.memory_space<vmem>>
    %dma_wait3A_1286 = tpu.memref_squeeze %dma_wait3A_1285 : memref<1x32x1024xf32, #tpu.memory_space<vmem>> -> memref<32x1024xf32, #tpu.memory_space<vmem>>
    tpu.wait_dma2 semaphore(%dma_wait3A_1279 : memref<!tpu.dma_semaphore, #tpu.memory_space<semaphore_mem>>) src(%dma_wait3A_1286 : memref<32x1024xf32, #tpu.memory_space<vmem>>) dst(%dma_wait3A_1282 : memref<32x1024xf32, #tpu.memory_space<hbm>>)
    %add3A_1287 = arith.constant 128 : i32
    %add3A_1288 = arith.addi %mul3A_2, %add3A_1287 : i32
    %dma_wait3A_1289 = arith.constant 1 : i32
    %dma_wait3A_1290 = arith.constant 3 : i32
    %dma_wait3A_1291 = arith.constant 1 : i32
    %dma_wait3A_1292 = arith.constant 3 : i32
    %dma_wait3A_1293 = arith.constant 0 : i32
    %dma_wait3A_1294 = arith.constant 0 : i32
    %dma_wait3A_1295 = tpu.memref_slice %arg4[%dma_wait3A_1289, %dma_wait3A_1293, %dma_wait3A_1294] : memref<3x32x1024xf32, #tpu.memory_space<vmem>> -> memref<1x32x1024xf32, #tpu.memory_space<vmem>>
    %dma_wait3A_1296 = tpu.memref_squeeze %dma_wait3A_1295 : memref<1x32x1024xf32, #tpu.memory_space<vmem>> -> memref<32x1024xf32, #tpu.memory_space<vmem>>
    %dma_wait3A_1297 = arith.constant 0 : i32
    %dma_wait3A_1298 = tpu.memref_slice %arg3[%add3A_1288, %dma_wait3A_1290, %dma_wait3A_1297] : memref<8192x4x1024xf32, #tpu.memory_space<hbm>> -> memref<32x1x1024xf32, #tpu.memory_space<hbm>>
    %dma_wait3A_1299 = tpu.memref_squeeze %dma_wait3A_1298 : memref<32x1x1024xf32, #tpu.memory_space<hbm>> -> memref<32x1024xf32, #tpu.memory_space<hbm>>
    %dma_wait3A_1300 = tpu.memref_slice %arg6[%dma_wait3A_1291, %dma_wait3A_1292] : memref<3x4x!tpu.dma_semaphore, #tpu.memory_space<semaphore_mem>> -> memref<1x1x!tpu.dma_semaphore, #tpu.memory_space<semaphore_mem>>
    %dma_wait3A_1301 = tpu.memref_squeeze %dma_wait3A_1300 : memref<1x1x!tpu.dma_semaphore, #tpu.memory_space<semaphore_mem>> -> memref<!tpu.dma_semaphore, #tpu.memory_space<semaphore_mem>>
    %dma_wait3A_1302 = arith.constant 0 : i32
    %dma_wait3A_1303 = tpu.memref_slice %arg3[%add3A_1288, %dma_wait3A_1290, %dma_wait3A_1302] : memref<8192x4x1024xf32, #tpu.memory_space<hbm>> -> memref<32x1x1024xf32, #tpu.memory_space<hbm>>
    %dma_wait3A_1304 = tpu.memref_squeeze %dma_wait3A_1303 : memref<32x1x1024xf32, #tpu.memory_space<hbm>> -> memref<32x1024xf32, #tpu.memory_space<hbm>>
    %dma_wait3A_1305 = arith.constant 0 : i32
    %dma_wait3A_1306 = arith.constant 0 : i32
    %dma_wait3A_1307 = tpu.memref_slice %arg4[%dma_wait3A_1289, %dma_wait3A_1305, %dma_wait3A_1306] : memref<3x32x1024xf32, #tpu.memory_space<vmem>> -> memref<1x32x1024xf32, #tpu.memory_space<vmem>>
    %dma_wait3A_1308 = tpu.memref_squeeze %dma_wait3A_1307 : memref<1x32x1024xf32, #tpu.memory_space<vmem>> -> memref<32x1024xf32, #tpu.memory_space<vmem>>
    tpu.wait_dma2 semaphore(%dma_wait3A_1301 : memref<!tpu.dma_semaphore, #tpu.memory_space<semaphore_mem>>) src(%dma_wait3A_1308 : memref<32x1024xf32, #tpu.memory_space<vmem>>) dst(%dma_wait3A_1304 : memref<32x1024xf32, #tpu.memory_space<hbm>>)
    %add3A_1309 = arith.constant 224 : i32
    %add3A_1310 = arith.addi %mul3A_2, %add3A_1309 : i32
    %dma_start3A_1311 = arith.constant 1 : i32
    %dma_start3A_1312 = arith.constant 1 : i32
    %dma_start3A_1313 = arith.constant 0 : i32
    %dma_start3A_1314 = arith.constant 0 : i32
    %dma_start3A_1315 = tpu.memref_slice %arg4[%dma_start3A_1311, %dma_start3A_1313, %dma_start3A_1314] : memref<3x32x1024xf32, #tpu.memory_space<vmem>> -> memref<1x32x1024xf32, #tpu.memory_space<vmem>>
    %dma_start3A_1316 = tpu.memref_squeeze %dma_start3A_1315 : memref<1x32x1024xf32, #tpu.memory_space<vmem>> -> memref<32x1024xf32, #tpu.memory_space<vmem>>
    %dma_start3A_1317 = arith.constant 0 : i32
    %dma_start3A_1318 = tpu.memref_slice %arg2[%add3A_1310, %dma_start3A_1317] : memref<8192x1024xf32, #tpu.memory_space<hbm>> -> memref<32x1024xf32, #tpu.memory_space<hbm>>
    %dma_start3A_1319 = tpu.memref_slice %arg5[%dma_start3A_1312] : memref<3x!tpu.dma_semaphore, #tpu.memory_space<semaphore_mem>> -> memref<1x!tpu.dma_semaphore, #tpu.memory_space<semaphore_mem>>
    %dma_start3A_1320 = tpu.memref_squeeze %dma_start3A_1319 : memref<1x!tpu.dma_semaphore, #tpu.memory_space<semaphore_mem>> -> memref<!tpu.dma_semaphore, #tpu.memory_space<semaphore_mem>>
    %dma_start3A_1321 = arith.constant 0 : i32
    %dma_start3A_1322 = arith.constant 0 : i32
    %dma_start3A_1323 = tpu.memref_slice %arg4[%dma_start3A_1311, %dma_start3A_1321, %dma_start3A_1322] : memref<3x32x1024xf32, #tpu.memory_space<vmem>> -> memref<1x32x1024xf32, #tpu.memory_space<vmem>>
    %dma_start3A_1324 = tpu.memref_squeeze %dma_start3A_1323 : memref<1x32x1024xf32, #tpu.memory_space<vmem>> -> memref<32x1024xf32, #tpu.memory_space<vmem>>
    %dma_start3A_1325 = arith.constant 0 : i32
    %dma_start3A_1326 = tpu.memref_slice %arg2[%add3A_1310, %dma_start3A_1325] : memref<8192x1024xf32, #tpu.memory_space<hbm>> -> memref<32x1024xf32, #tpu.memory_space<hbm>>
    tpu.enqueue_dma source(%dma_start3A_1326 : memref<32x1024xf32, #tpu.memory_space<hbm>>) target(%dma_start3A_1324 : memref<32x1024xf32, #tpu.memory_space<vmem>>) target_semaphore(%dma_start3A_1320 : memref<!tpu.dma_semaphore, #tpu.memory_space<semaphore_mem>>)
    %add3A_1327 = arith.constant 224 : i32
    %add3A_1328 = arith.addi %mul3A_2, %add3A_1327 : i32
    %dma_wait3A_1329 = arith.constant 1 : i32
    %dma_wait3A_1330 = arith.constant 1 : i32
    %dma_wait3A_1331 = arith.constant 0 : i32
    %dma_wait3A_1332 = arith.constant 0 : i32
    %dma_wait3A_1333 = tpu.memref_slice %arg4[%dma_wait3A_1329, %dma_wait3A_1331, %dma_wait3A_1332] : memref<3x32x1024xf32, #tpu.memory_space<vmem>> -> memref<1x32x1024xf32, #tpu.memory_space<vmem>>
    %dma_wait3A_1334 = tpu.memref_squeeze %dma_wait3A_1333 : memref<1x32x1024xf32, #tpu.memory_space<vmem>> -> memref<32x1024xf32, #tpu.memory_space<vmem>>
    %dma_wait3A_1335 = arith.constant 0 : i32
    %dma_wait3A_1336 = tpu.memref_slice %arg2[%add3A_1328, %dma_wait3A_1335] : memref<8192x1024xf32, #tpu.memory_space<hbm>> -> memref<32x1024xf32, #tpu.memory_space<hbm>>
    %dma_wait3A_1337 = tpu.memref_slice %arg5[%dma_wait3A_1330] : memref<3x!tpu.dma_semaphore, #tpu.memory_space<semaphore_mem>> -> memref<1x!tpu.dma_semaphore, #tpu.memory_space<semaphore_mem>>
    %dma_wait3A_1338 = tpu.memref_squeeze %dma_wait3A_1337 : memref<1x!tpu.dma_semaphore, #tpu.memory_space<semaphore_mem>> -> memref<!tpu.dma_semaphore, #tpu.memory_space<semaphore_mem>>
    %dma_wait3A_1339 = arith.constant 0 : i32
    %dma_wait3A_1340 = arith.constant 0 : i32
    %dma_wait3A_1341 = tpu.memref_slice %arg4[%dma_wait3A_1329, %dma_wait3A_1339, %dma_wait3A_1340] : memref<3x32x1024xf32, #tpu.memory_space<vmem>> -> memref<1x32x1024xf32, #tpu.memory_space<vmem>>
    %dma_wait3A_1342 = tpu.memref_squeeze %dma_wait3A_1341 : memref<1x32x1024xf32, #tpu.memory_space<vmem>> -> memref<32x1024xf32, #tpu.memory_space<vmem>>
    %dma_wait3A_1343 = arith.constant 0 : i32
    %dma_wait3A_1344 = tpu.memref_slice %arg2[%add3A_1328, %dma_wait3A_1343] : memref<8192x1024xf32, #tpu.memory_space<hbm>> -> memref<32x1024xf32, #tpu.memory_space<hbm>>
    tpu.wait_dma2 semaphore(%dma_wait3A_1338 : memref<!tpu.dma_semaphore, #tpu.memory_space<semaphore_mem>>) src(%dma_wait3A_1344 : memref<32x1024xf32, #tpu.memory_space<hbm>>) dst(%dma_wait3A_1342 : memref<32x1024xf32, #tpu.memory_space<vmem>>)
    %add3A_1345 = arith.constant 224 : i32
    %add3A_1346 = arith.addi %mul3A_2, %add3A_1345 : i32
    %dma_start3A_1347 = arith.constant 1 : i32
    %dma_start3A_1348 = arith.constant 0 : i32
    %dma_start3A_1349 = arith.constant 1 : i32
    %dma_start3A_1350 = arith.constant 0 : i32
    %dma_start3A_1351 = arith.constant 0 : i32
    %dma_start3A_1352 = arith.constant 0 : i32
    %dma_start3A_1353 = tpu.memref_slice %arg4[%dma_start3A_1347, %dma_start3A_1351, %dma_start3A_1352] : memref<3x32x1024xf32, #tpu.memory_space<vmem>> -> memref<1x32x1024xf32, #tpu.memory_space<vmem>>
    %dma_start3A_1354 = tpu.memref_squeeze %dma_start3A_1353 : memref<1x32x1024xf32, #tpu.memory_space<vmem>> -> memref<32x1024xf32, #tpu.memory_space<vmem>>
    %dma_start3A_1355 = arith.constant 0 : i32
    %dma_start3A_1356 = tpu.memref_slice %arg3[%add3A_1346, %dma_start3A_1348, %dma_start3A_1355] : memref<8192x4x1024xf32, #tpu.memory_space<hbm>> -> memref<32x1x1024xf32, #tpu.memory_space<hbm>>
    %dma_start3A_1357 = tpu.memref_squeeze %dma_start3A_1356 : memref<32x1x1024xf32, #tpu.memory_space<hbm>> -> memref<32x1024xf32, #tpu.memory_space<hbm>>
    %dma_start3A_1358 = tpu.memref_slice %arg6[%dma_start3A_1349, %dma_start3A_1350] : memref<3x4x!tpu.dma_semaphore, #tpu.memory_space<semaphore_mem>> -> memref<1x1x!tpu.dma_semaphore, #tpu.memory_space<semaphore_mem>>
    %dma_start3A_1359 = tpu.memref_squeeze %dma_start3A_1358 : memref<1x1x!tpu.dma_semaphore, #tpu.memory_space<semaphore_mem>> -> memref<!tpu.dma_semaphore, #tpu.memory_space<semaphore_mem>>
    %dma_start3A_1360 = arith.constant 0 : i32
    %dma_start3A_1361 = tpu.memref_slice %arg3[%add3A_1346, %dma_start3A_1348, %dma_start3A_1360] : memref<8192x4x1024xf32, #tpu.memory_space<hbm>> -> memref<32x1x1024xf32, #tpu.memory_space<hbm>>
    %dma_start3A_1362 = tpu.memref_squeeze %dma_start3A_1361 : memref<32x1x1024xf32, #tpu.memory_space<hbm>> -> memref<32x1024xf32, #tpu.memory_space<hbm>>
    %dma_start3A_1363 = arith.constant 0 : i32
    %dma_start3A_1364 = arith.constant 0 : i32
    %dma_start3A_1365 = tpu.memref_slice %arg4[%dma_start3A_1347, %dma_start3A_1363, %dma_start3A_1364] : memref<3x32x1024xf32, #tpu.memory_space<vmem>> -> memref<1x32x1024xf32, #tpu.memory_space<vmem>>
    %dma_start3A_1366 = tpu.memref_squeeze %dma_start3A_1365 : memref<1x32x1024xf32, #tpu.memory_space<vmem>> -> memref<32x1024xf32, #tpu.memory_space<vmem>>
    tpu.enqueue_dma source(%dma_start3A_1366 : memref<32x1024xf32, #tpu.memory_space<vmem>>) target(%dma_start3A_1362 : memref<32x1024xf32, #tpu.memory_space<hbm>>) target_semaphore(%dma_start3A_1359 : memref<!tpu.dma_semaphore, #tpu.memory_space<semaphore_mem>>)
    %add3A_1367 = arith.constant 224 : i32
    %add3A_1368 = arith.addi %mul3A_2, %add3A_1367 : i32
    %dma_start3A_1369 = arith.constant 1 : i32
    %dma_start3A_1370 = arith.constant 1 : i32
    %dma_start3A_1371 = arith.constant 1 : i32
    %dma_start3A_1372 = arith.constant 1 : i32
    %dma_start3A_1373 = arith.constant 0 : i32
    %dma_start3A_1374 = arith.constant 0 : i32
    %dma_start3A_1375 = tpu.memref_slice %arg4[%dma_start3A_1369, %dma_start3A_1373, %dma_start3A_1374] : memref<3x32x1024xf32, #tpu.memory_space<vmem>> -> memref<1x32x1024xf32, #tpu.memory_space<vmem>>
    %dma_start3A_1376 = tpu.memref_squeeze %dma_start3A_1375 : memref<1x32x1024xf32, #tpu.memory_space<vmem>> -> memref<32x1024xf32, #tpu.memory_space<vmem>>
    %dma_start3A_1377 = arith.constant 0 : i32
    %dma_start3A_1378 = tpu.memref_slice %arg3[%add3A_1368, %dma_start3A_1370, %dma_start3A_1377] : memref<8192x4x1024xf32, #tpu.memory_space<hbm>> -> memref<32x1x1024xf32, #tpu.memory_space<hbm>>
    %dma_start3A_1379 = tpu.memref_squeeze %dma_start3A_1378 : memref<32x1x1024xf32, #tpu.memory_space<hbm>> -> memref<32x1024xf32, #tpu.memory_space<hbm>>
    %dma_start3A_1380 = tpu.memref_slice %arg6[%dma_start3A_1371, %dma_start3A_1372] : memref<3x4x!tpu.dma_semaphore, #tpu.memory_space<semaphore_mem>> -> memref<1x1x!tpu.dma_semaphore, #tpu.memory_space<semaphore_mem>>
    %dma_start3A_1381 = tpu.memref_squeeze %dma_start3A_1380 : memref<1x1x!tpu.dma_semaphore, #tpu.memory_space<semaphore_mem>> -> memref<!tpu.dma_semaphore, #tpu.memory_space<semaphore_mem>>
    %dma_start3A_1382 = arith.constant 0 : i32
    %dma_start3A_1383 = tpu.memref_slice %arg3[%add3A_1368, %dma_start3A_1370, %dma_start3A_1382] : memref<8192x4x1024xf32, #tpu.memory_space<hbm>> -> memref<32x1x1024xf32, #tpu.memory_space<hbm>>
    %dma_start3A_1384 = tpu.memref_squeeze %dma_start3A_1383 : memref<32x1x1024xf32, #tpu.memory_space<hbm>> -> memref<32x1024xf32, #tpu.memory_space<hbm>>
    %dma_start3A_1385 = arith.constant 0 : i32
    %dma_start3A_1386 = arith.constant 0 : i32
    %dma_start3A_1387 = tpu.memref_slice %arg4[%dma_start3A_1369, %dma_start3A_1385, %dma_start3A_1386] : memref<3x32x1024xf32, #tpu.memory_space<vmem>> -> memref<1x32x1024xf32, #tpu.memory_space<vmem>>
    %dma_start3A_1388 = tpu.memref_squeeze %dma_start3A_1387 : memref<1x32x1024xf32, #tpu.memory_space<vmem>> -> memref<32x1024xf32, #tpu.memory_space<vmem>>
    tpu.enqueue_dma source(%dma_start3A_1388 : memref<32x1024xf32, #tpu.memory_space<vmem>>) target(%dma_start3A_1384 : memref<32x1024xf32, #tpu.memory_space<hbm>>) target_semaphore(%dma_start3A_1381 : memref<!tpu.dma_semaphore, #tpu.memory_space<semaphore_mem>>)
    %add3A_1389 = arith.constant 224 : i32
    %add3A_1390 = arith.addi %mul3A_2, %add3A_1389 : i32
    %dma_start3A_1391 = arith.constant 1 : i32
    %dma_start3A_1392 = arith.constant 2 : i32
    %dma_start3A_1393 = arith.constant 1 : i32
    %dma_start3A_1394 = arith.constant 2 : i32
    %dma_start3A_1395 = arith.constant 0 : i32
    %dma_start3A_1396 = arith.constant 0 : i32
    %dma_start3A_1397 = tpu.memref_slice %arg4[%dma_start3A_1391, %dma_start3A_1395, %dma_start3A_1396] : memref<3x32x1024xf32, #tpu.memory_space<vmem>> -> memref<1x32x1024xf32, #tpu.memory_space<vmem>>
    %dma_start3A_1398 = tpu.memref_squeeze %dma_start3A_1397 : memref<1x32x1024xf32, #tpu.memory_space<vmem>> -> memref<32x1024xf32, #tpu.memory_space<vmem>>
    %dma_start3A_1399 = arith.constant 0 : i32
    %dma_start3A_1400 = tpu.memref_slice %arg3[%add3A_1390, %dma_start3A_1392, %dma_start3A_1399] : memref<8192x4x1024xf32, #tpu.memory_space<hbm>> -> memref<32x1x1024xf32, #tpu.memory_space<hbm>>
    %dma_start3A_1401 = tpu.memref_squeeze %dma_start3A_1400 : memref<32x1x1024xf32, #tpu.memory_space<hbm>> -> memref<32x1024xf32, #tpu.memory_space<hbm>>
    %dma_start3A_1402 = tpu.memref_slice %arg6[%dma_start3A_1393, %dma_start3A_1394] : memref<3x4x!tpu.dma_semaphore, #tpu.memory_space<semaphore_mem>> -> memref<1x1x!tpu.dma_semaphore, #tpu.memory_space<semaphore_mem>>
    %dma_start3A_1403 = tpu.memref_squeeze %dma_start3A_1402 : memref<1x1x!tpu.dma_semaphore, #tpu.memory_space<semaphore_mem>> -> memref<!tpu.dma_semaphore, #tpu.memory_space<semaphore_mem>>
    %dma_start3A_1404 = arith.constant 0 : i32
    %dma_start3A_1405 = tpu.memref_slice %arg3[%add3A_1390, %dma_start3A_1392, %dma_start3A_1404] : memref<8192x4x1024xf32, #tpu.memory_space<hbm>> -> memref<32x1x1024xf32, #tpu.memory_space<hbm>>
    %dma_start3A_1406 = tpu.memref_squeeze %dma_start3A_1405 : memref<32x1x1024xf32, #tpu.memory_space<hbm>> -> memref<32x1024xf32, #tpu.memory_space<hbm>>
    %dma_start3A_1407 = arith.constant 0 : i32
    %dma_start3A_1408 = arith.constant 0 : i32
    %dma_start3A_1409 = tpu.memref_slice %arg4[%dma_start3A_1391, %dma_start3A_1407, %dma_start3A_1408] : memref<3x32x1024xf32, #tpu.memory_space<vmem>> -> memref<1x32x1024xf32, #tpu.memory_space<vmem>>
    %dma_start3A_1410 = tpu.memref_squeeze %dma_start3A_1409 : memref<1x32x1024xf32, #tpu.memory_space<vmem>> -> memref<32x1024xf32, #tpu.memory_space<vmem>>
    tpu.enqueue_dma source(%dma_start3A_1410 : memref<32x1024xf32, #tpu.memory_space<vmem>>) target(%dma_start3A_1406 : memref<32x1024xf32, #tpu.memory_space<hbm>>) target_semaphore(%dma_start3A_1403 : memref<!tpu.dma_semaphore, #tpu.memory_space<semaphore_mem>>)
    %add3A_1411 = arith.constant 224 : i32
    %add3A_1412 = arith.addi %mul3A_2, %add3A_1411 : i32
    %dma_start3A_1413 = arith.constant 1 : i32
    %dma_start3A_1414 = arith.constant 3 : i32
    %dma_start3A_1415 = arith.constant 1 : i32
    %dma_start3A_1416 = arith.constant 3 : i32
    %dma_start3A_1417 = arith.constant 0 : i32
    %dma_start3A_1418 = arith.constant 0 : i32
    %dma_start3A_1419 = tpu.memref_slice %arg4[%dma_start3A_1413, %dma_start3A_1417, %dma_start3A_1418] : memref<3x32x1024xf32, #tpu.memory_space<vmem>> -> memref<1x32x1024xf32, #tpu.memory_space<vmem>>
    %dma_start3A_1420 = tpu.memref_squeeze %dma_start3A_1419 : memref<1x32x1024xf32, #tpu.memory_space<vmem>> -> memref<32x1024xf32, #tpu.memory_space<vmem>>
    %dma_start3A_1421 = arith.constant 0 : i32
    %dma_start3A_1422 = tpu.memref_slice %arg3[%add3A_1412, %dma_start3A_1414, %dma_start3A_1421] : memref<8192x4x1024xf32, #tpu.memory_space<hbm>> -> memref<32x1x1024xf32, #tpu.memory_space<hbm>>
    %dma_start3A_1423 = tpu.memref_squeeze %dma_start3A_1422 : memref<32x1x1024xf32, #tpu.memory_space<hbm>> -> memref<32x1024xf32, #tpu.memory_space<hbm>>
    %dma_start3A_1424 = tpu.memref_slice %arg6[%dma_start3A_1415, %dma_start3A_1416] : memref<3x4x!tpu.dma_semaphore, #tpu.memory_space<semaphore_mem>> -> memref<1x1x!tpu.dma_semaphore, #tpu.memory_space<semaphore_mem>>
    %dma_start3A_1425 = tpu.memref_squeeze %dma_start3A_1424 : memref<1x1x!tpu.dma_semaphore, #tpu.memory_space<semaphore_mem>> -> memref<!tpu.dma_semaphore, #tpu.memory_space<semaphore_mem>>
    %dma_start3A_1426 = arith.constant 0 : i32
    %dma_start3A_1427 = tpu.memref_slice %arg3[%add3A_1412, %dma_start3A_1414, %dma_start3A_1426] : memref<8192x4x1024xf32, #tpu.memory_space<hbm>> -> memref<32x1x1024xf32, #tpu.memory_space<hbm>>
    %dma_start3A_1428 = tpu.memref_squeeze %dma_start3A_1427 : memref<32x1x1024xf32, #tpu.memory_space<hbm>> -> memref<32x1024xf32, #tpu.memory_space<hbm>>
    %dma_start3A_1429 = arith.constant 0 : i32
    %dma_start3A_1430 = arith.constant 0 : i32
    %dma_start3A_1431 = tpu.memref_slice %arg4[%dma_start3A_1413, %dma_start3A_1429, %dma_start3A_1430] : memref<3x32x1024xf32, #tpu.memory_space<vmem>> -> memref<1x32x1024xf32, #tpu.memory_space<vmem>>
    %dma_start3A_1432 = tpu.memref_squeeze %dma_start3A_1431 : memref<1x32x1024xf32, #tpu.memory_space<vmem>> -> memref<32x1024xf32, #tpu.memory_space<vmem>>
    tpu.enqueue_dma source(%dma_start3A_1432 : memref<32x1024xf32, #tpu.memory_space<vmem>>) target(%dma_start3A_1428 : memref<32x1024xf32, #tpu.memory_space<hbm>>) target_semaphore(%dma_start3A_1425 : memref<!tpu.dma_semaphore, #tpu.memory_space<semaphore_mem>>)
    %add3A_1433 = arith.constant 160 : i32
    %add3A_1434 = arith.addi %mul3A_2, %add3A_1433 : i32
    %dma_wait3A_1435 = arith.constant 2 : i32
    %dma_wait3A_1436 = arith.constant 0 : i32
    %dma_wait3A_1437 = arith.constant 2 : i32
    %dma_wait3A_1438 = arith.constant 0 : i32
    %dma_wait3A_1439 = arith.constant 0 : i32
    %dma_wait3A_1440 = arith.constant 0 : i32
    %dma_wait3A_1441 = tpu.memref_slice %arg4[%dma_wait3A_1435, %dma_wait3A_1439, %dma_wait3A_1440] : memref<3x32x1024xf32, #tpu.memory_space<vmem>> -> memref<1x32x1024xf32, #tpu.memory_space<vmem>>
    %dma_wait3A_1442 = tpu.memref_squeeze %dma_wait3A_1441 : memref<1x32x1024xf32, #tpu.memory_space<vmem>> -> memref<32x1024xf32, #tpu.memory_space<vmem>>
    %dma_wait3A_1443 = arith.constant 0 : i32
    %dma_wait3A_1444 = tpu.memref_slice %arg3[%add3A_1434, %dma_wait3A_1436, %dma_wait3A_1443] : memref<8192x4x1024xf32, #tpu.memory_space<hbm>> -> memref<32x1x1024xf32, #tpu.memory_space<hbm>>
    %dma_wait3A_1445 = tpu.memref_squeeze %dma_wait3A_1444 : memref<32x1x1024xf32, #tpu.memory_space<hbm>> -> memref<32x1024xf32, #tpu.memory_space<hbm>>
    %dma_wait3A_1446 = tpu.memref_slice %arg6[%dma_wait3A_1437, %dma_wait3A_1438] : memref<3x4x!tpu.dma_semaphore, #tpu.memory_space<semaphore_mem>> -> memref<1x1x!tpu.dma_semaphore, #tpu.memory_space<semaphore_mem>>
    %dma_wait3A_1447 = tpu.memref_squeeze %dma_wait3A_1446 : memref<1x1x!tpu.dma_semaphore, #tpu.memory_space<semaphore_mem>> -> memref<!tpu.dma_semaphore, #tpu.memory_space<semaphore_mem>>
    %dma_wait3A_1448 = arith.constant 0 : i32
    %dma_wait3A_1449 = tpu.memref_slice %arg3[%add3A_1434, %dma_wait3A_1436, %dma_wait3A_1448] : memref<8192x4x1024xf32, #tpu.memory_space<hbm>> -> memref<32x1x1024xf32, #tpu.memory_space<hbm>>
    %dma_wait3A_1450 = tpu.memref_squeeze %dma_wait3A_1449 : memref<32x1x1024xf32, #tpu.memory_space<hbm>> -> memref<32x1024xf32, #tpu.memory_space<hbm>>
    %dma_wait3A_1451 = arith.constant 0 : i32
    %dma_wait3A_1452 = arith.constant 0 : i32
    %dma_wait3A_1453 = tpu.memref_slice %arg4[%dma_wait3A_1435, %dma_wait3A_1451, %dma_wait3A_1452] : memref<3x32x1024xf32, #tpu.memory_space<vmem>> -> memref<1x32x1024xf32, #tpu.memory_space<vmem>>
    %dma_wait3A_1454 = tpu.memref_squeeze %dma_wait3A_1453 : memref<1x32x1024xf32, #tpu.memory_space<vmem>> -> memref<32x1024xf32, #tpu.memory_space<vmem>>
    tpu.wait_dma2 semaphore(%dma_wait3A_1447 : memref<!tpu.dma_semaphore, #tpu.memory_space<semaphore_mem>>) src(%dma_wait3A_1454 : memref<32x1024xf32, #tpu.memory_space<vmem>>) dst(%dma_wait3A_1450 : memref<32x1024xf32, #tpu.memory_space<hbm>>)
    %add3A_1455 = arith.constant 160 : i32
    %add3A_1456 = arith.addi %mul3A_2, %add3A_1455 : i32
    %dma_wait3A_1457 = arith.constant 2 : i32
    %dma_wait3A_1458 = arith.constant 1 : i32
    %dma_wait3A_1459 = arith.constant 2 : i32
    %dma_wait3A_1460 = arith.constant 1 : i32
    %dma_wait3A_1461 = arith.constant 0 : i32
    %dma_wait3A_1462 = arith.constant 0 : i32
    %dma_wait3A_1463 = tpu.memref_slice %arg4[%dma_wait3A_1457, %dma_wait3A_1461, %dma_wait3A_1462] : memref<3x32x1024xf32, #tpu.memory_space<vmem>> -> memref<1x32x1024xf32, #tpu.memory_space<vmem>>
    %dma_wait3A_1464 = tpu.memref_squeeze %dma_wait3A_1463 : memref<1x32x1024xf32, #tpu.memory_space<vmem>> -> memref<32x1024xf32, #tpu.memory_space<vmem>>
    %dma_wait3A_1465 = arith.constant 0 : i32
    %dma_wait3A_1466 = tpu.memref_slice %arg3[%add3A_1456, %dma_wait3A_1458, %dma_wait3A_1465] : memref<8192x4x1024xf32, #tpu.memory_space<hbm>> -> memref<32x1x1024xf32, #tpu.memory_space<hbm>>
    %dma_wait3A_1467 = tpu.memref_squeeze %dma_wait3A_1466 : memref<32x1x1024xf32, #tpu.memory_space<hbm>> -> memref<32x1024xf32, #tpu.memory_space<hbm>>
    %dma_wait3A_1468 = tpu.memref_slice %arg6[%dma_wait3A_1459, %dma_wait3A_1460] : memref<3x4x!tpu.dma_semaphore, #tpu.memory_space<semaphore_mem>> -> memref<1x1x!tpu.dma_semaphore, #tpu.memory_space<semaphore_mem>>
    %dma_wait3A_1469 = tpu.memref_squeeze %dma_wait3A_1468 : memref<1x1x!tpu.dma_semaphore, #tpu.memory_space<semaphore_mem>> -> memref<!tpu.dma_semaphore, #tpu.memory_space<semaphore_mem>>
    %dma_wait3A_1470 = arith.constant 0 : i32
    %dma_wait3A_1471 = tpu.memref_slice %arg3[%add3A_1456, %dma_wait3A_1458, %dma_wait3A_1470] : memref<8192x4x1024xf32, #tpu.memory_space<hbm>> -> memref<32x1x1024xf32, #tpu.memory_space<hbm>>
    %dma_wait3A_1472 = tpu.memref_squeeze %dma_wait3A_1471 : memref<32x1x1024xf32, #tpu.memory_space<hbm>> -> memref<32x1024xf32, #tpu.memory_space<hbm>>
    %dma_wait3A_1473 = arith.constant 0 : i32
    %dma_wait3A_1474 = arith.constant 0 : i32
    %dma_wait3A_1475 = tpu.memref_slice %arg4[%dma_wait3A_1457, %dma_wait3A_1473, %dma_wait3A_1474] : memref<3x32x1024xf32, #tpu.memory_space<vmem>> -> memref<1x32x1024xf32, #tpu.memory_space<vmem>>
    %dma_wait3A_1476 = tpu.memref_squeeze %dma_wait3A_1475 : memref<1x32x1024xf32, #tpu.memory_space<vmem>> -> memref<32x1024xf32, #tpu.memory_space<vmem>>
    tpu.wait_dma2 semaphore(%dma_wait3A_1469 : memref<!tpu.dma_semaphore, #tpu.memory_space<semaphore_mem>>) src(%dma_wait3A_1476 : memref<32x1024xf32, #tpu.memory_space<vmem>>) dst(%dma_wait3A_1472 : memref<32x1024xf32, #tpu.memory_space<hbm>>)
    %add3A_1477 = arith.constant 160 : i32
    %add3A_1478 = arith.addi %mul3A_2, %add3A_1477 : i32
    %dma_wait3A_1479 = arith.constant 2 : i32
    %dma_wait3A_1480 = arith.constant 2 : i32
    %dma_wait3A_1481 = arith.constant 2 : i32
    %dma_wait3A_1482 = arith.constant 2 : i32
    %dma_wait3A_1483 = arith.constant 0 : i32
    %dma_wait3A_1484 = arith.constant 0 : i32
    %dma_wait3A_1485 = tpu.memref_slice %arg4[%dma_wait3A_1479, %dma_wait3A_1483, %dma_wait3A_1484] : memref<3x32x1024xf32, #tpu.memory_space<vmem>> -> memref<1x32x1024xf32, #tpu.memory_space<vmem>>
    %dma_wait3A_1486 = tpu.memref_squeeze %dma_wait3A_1485 : memref<1x32x1024xf32, #tpu.memory_space<vmem>> -> memref<32x1024xf32, #tpu.memory_space<vmem>>
    %dma_wait3A_1487 = arith.constant 0 : i32
    %dma_wait3A_1488 = tpu.memref_slice %arg3[%add3A_1478, %dma_wait3A_1480, %dma_wait3A_1487] : memref<8192x4x1024xf32, #tpu.memory_space<hbm>> -> memref<32x1x1024xf32, #tpu.memory_space<hbm>>
    %dma_wait3A_1489 = tpu.memref_squeeze %dma_wait3A_1488 : memref<32x1x1024xf32, #tpu.memory_space<hbm>> -> memref<32x1024xf32, #tpu.memory_space<hbm>>
    %dma_wait3A_1490 = tpu.memref_slice %arg6[%dma_wait3A_1481, %dma_wait3A_1482] : memref<3x4x!tpu.dma_semaphore, #tpu.memory_space<semaphore_mem>> -> memref<1x1x!tpu.dma_semaphore, #tpu.memory_space<semaphore_mem>>
    %dma_wait3A_1491 = tpu.memref_squeeze %dma_wait3A_1490 : memref<1x1x!tpu.dma_semaphore, #tpu.memory_space<semaphore_mem>> -> memref<!tpu.dma_semaphore, #tpu.memory_space<semaphore_mem>>
    %dma_wait3A_1492 = arith.constant 0 : i32
    %dma_wait3A_1493 = tpu.memref_slice %arg3[%add3A_1478, %dma_wait3A_1480, %dma_wait3A_1492] : memref<8192x4x1024xf32, #tpu.memory_space<hbm>> -> memref<32x1x1024xf32, #tpu.memory_space<hbm>>
    %dma_wait3A_1494 = tpu.memref_squeeze %dma_wait3A_1493 : memref<32x1x1024xf32, #tpu.memory_space<hbm>> -> memref<32x1024xf32, #tpu.memory_space<hbm>>
    %dma_wait3A_1495 = arith.constant 0 : i32
    %dma_wait3A_1496 = arith.constant 0 : i32
    %dma_wait3A_1497 = tpu.memref_slice %arg4[%dma_wait3A_1479, %dma_wait3A_1495, %dma_wait3A_1496] : memref<3x32x1024xf32, #tpu.memory_space<vmem>> -> memref<1x32x1024xf32, #tpu.memory_space<vmem>>
    %dma_wait3A_1498 = tpu.memref_squeeze %dma_wait3A_1497 : memref<1x32x1024xf32, #tpu.memory_space<vmem>> -> memref<32x1024xf32, #tpu.memory_space<vmem>>
    tpu.wait_dma2 semaphore(%dma_wait3A_1491 : memref<!tpu.dma_semaphore, #tpu.memory_space<semaphore_mem>>) src(%dma_wait3A_1498 : memref<32x1024xf32, #tpu.memory_space<vmem>>) dst(%dma_wait3A_1494 : memref<32x1024xf32, #tpu.memory_space<hbm>>)
    %add3A_1499 = arith.constant 160 : i32
    %add3A_1500 = arith.addi %mul3A_2, %add3A_1499 : i32
    %dma_wait3A_1501 = arith.constant 2 : i32
    %dma_wait3A_1502 = arith.constant 3 : i32
    %dma_wait3A_1503 = arith.constant 2 : i32
    %dma_wait3A_1504 = arith.constant 3 : i32
    %dma_wait3A_1505 = arith.constant 0 : i32
    %dma_wait3A_1506 = arith.constant 0 : i32
    %dma_wait3A_1507 = tpu.memref_slice %arg4[%dma_wait3A_1501, %dma_wait3A_1505, %dma_wait3A_1506] : memref<3x32x1024xf32, #tpu.memory_space<vmem>> -> memref<1x32x1024xf32, #tpu.memory_space<vmem>>
    %dma_wait3A_1508 = tpu.memref_squeeze %dma_wait3A_1507 : memref<1x32x1024xf32, #tpu.memory_space<vmem>> -> memref<32x1024xf32, #tpu.memory_space<vmem>>
    %dma_wait3A_1509 = arith.constant 0 : i32
    %dma_wait3A_1510 = tpu.memref_slice %arg3[%add3A_1500, %dma_wait3A_1502, %dma_wait3A_1509] : memref<8192x4x1024xf32, #tpu.memory_space<hbm>> -> memref<32x1x1024xf32, #tpu.memory_space<hbm>>
    %dma_wait3A_1511 = tpu.memref_squeeze %dma_wait3A_1510 : memref<32x1x1024xf32, #tpu.memory_space<hbm>> -> memref<32x1024xf32, #tpu.memory_space<hbm>>
    %dma_wait3A_1512 = tpu.memref_slice %arg6[%dma_wait3A_1503, %dma_wait3A_1504] : memref<3x4x!tpu.dma_semaphore, #tpu.memory_space<semaphore_mem>> -> memref<1x1x!tpu.dma_semaphore, #tpu.memory_space<semaphore_mem>>
    %dma_wait3A_1513 = tpu.memref_squeeze %dma_wait3A_1512 : memref<1x1x!tpu.dma_semaphore, #tpu.memory_space<semaphore_mem>> -> memref<!tpu.dma_semaphore, #tpu.memory_space<semaphore_mem>>
    %dma_wait3A_1514 = arith.constant 0 : i32
    %dma_wait3A_1515 = tpu.memref_slice %arg3[%add3A_1500, %dma_wait3A_1502, %dma_wait3A_1514] : memref<8192x4x1024xf32, #tpu.memory_space<hbm>> -> memref<32x1x1024xf32, #tpu.memory_space<hbm>>
    %dma_wait3A_1516 = tpu.memref_squeeze %dma_wait3A_1515 : memref<32x1x1024xf32, #tpu.memory_space<hbm>> -> memref<32x1024xf32, #tpu.memory_space<hbm>>
    %dma_wait3A_1517 = arith.constant 0 : i32
    %dma_wait3A_1518 = arith.constant 0 : i32
    %dma_wait3A_1519 = tpu.memref_slice %arg4[%dma_wait3A_1501, %dma_wait3A_1517, %dma_wait3A_1518] : memref<3x32x1024xf32, #tpu.memory_space<vmem>> -> memref<1x32x1024xf32, #tpu.memory_space<vmem>>
    %dma_wait3A_1520 = tpu.memref_squeeze %dma_wait3A_1519 : memref<1x32x1024xf32, #tpu.memory_space<vmem>> -> memref<32x1024xf32, #tpu.memory_space<vmem>>
    tpu.wait_dma2 semaphore(%dma_wait3A_1513 : memref<!tpu.dma_semaphore, #tpu.memory_space<semaphore_mem>>) src(%dma_wait3A_1520 : memref<32x1024xf32, #tpu.memory_space<vmem>>) dst(%dma_wait3A_1516 : memref<32x1024xf32, #tpu.memory_space<hbm>>)
    %add3A_1521 = arith.constant 192 : i32
    %add3A_1522 = arith.addi %mul3A_2, %add3A_1521 : i32
    %dma_wait3A_1523 = arith.constant 0 : i32
    %dma_wait3A_1524 = arith.constant 0 : i32
    %dma_wait3A_1525 = arith.constant 0 : i32
    %dma_wait3A_1526 = arith.constant 0 : i32
    %dma_wait3A_1527 = arith.constant 0 : i32
    %dma_wait3A_1528 = arith.constant 0 : i32
    %dma_wait3A_1529 = tpu.memref_slice %arg4[%dma_wait3A_1523, %dma_wait3A_1527, %dma_wait3A_1528] : memref<3x32x1024xf32, #tpu.memory_space<vmem>> -> memref<1x32x1024xf32, #tpu.memory_space<vmem>>
    %dma_wait3A_1530 = tpu.memref_squeeze %dma_wait3A_1529 : memref<1x32x1024xf32, #tpu.memory_space<vmem>> -> memref<32x1024xf32, #tpu.memory_space<vmem>>
    %dma_wait3A_1531 = arith.constant 0 : i32
    %dma_wait3A_1532 = tpu.memref_slice %arg3[%add3A_1522, %dma_wait3A_1524, %dma_wait3A_1531] : memref<8192x4x1024xf32, #tpu.memory_space<hbm>> -> memref<32x1x1024xf32, #tpu.memory_space<hbm>>
    %dma_wait3A_1533 = tpu.memref_squeeze %dma_wait3A_1532 : memref<32x1x1024xf32, #tpu.memory_space<hbm>> -> memref<32x1024xf32, #tpu.memory_space<hbm>>
    %dma_wait3A_1534 = tpu.memref_slice %arg6[%dma_wait3A_1525, %dma_wait3A_1526] : memref<3x4x!tpu.dma_semaphore, #tpu.memory_space<semaphore_mem>> -> memref<1x1x!tpu.dma_semaphore, #tpu.memory_space<semaphore_mem>>
    %dma_wait3A_1535 = tpu.memref_squeeze %dma_wait3A_1534 : memref<1x1x!tpu.dma_semaphore, #tpu.memory_space<semaphore_mem>> -> memref<!tpu.dma_semaphore, #tpu.memory_space<semaphore_mem>>
    %dma_wait3A_1536 = arith.constant 0 : i32
    %dma_wait3A_1537 = tpu.memref_slice %arg3[%add3A_1522, %dma_wait3A_1524, %dma_wait3A_1536] : memref<8192x4x1024xf32, #tpu.memory_space<hbm>> -> memref<32x1x1024xf32, #tpu.memory_space<hbm>>
    %dma_wait3A_1538 = tpu.memref_squeeze %dma_wait3A_1537 : memref<32x1x1024xf32, #tpu.memory_space<hbm>> -> memref<32x1024xf32, #tpu.memory_space<hbm>>
    %dma_wait3A_1539 = arith.constant 0 : i32
    %dma_wait3A_1540 = arith.constant 0 : i32
    %dma_wait3A_1541 = tpu.memref_slice %arg4[%dma_wait3A_1523, %dma_wait3A_1539, %dma_wait3A_1540] : memref<3x32x1024xf32, #tpu.memory_space<vmem>> -> memref<1x32x1024xf32, #tpu.memory_space<vmem>>
    %dma_wait3A_1542 = tpu.memref_squeeze %dma_wait3A_1541 : memref<1x32x1024xf32, #tpu.memory_space<vmem>> -> memref<32x1024xf32, #tpu.memory_space<vmem>>
    tpu.wait_dma2 semaphore(%dma_wait3A_1535 : memref<!tpu.dma_semaphore, #tpu.memory_space<semaphore_mem>>) src(%dma_wait3A_1542 : memref<32x1024xf32, #tpu.memory_space<vmem>>) dst(%dma_wait3A_1538 : memref<32x1024xf32, #tpu.memory_space<hbm>>)
    %add3A_1543 = arith.constant 192 : i32
    %add3A_1544 = arith.addi %mul3A_2, %add3A_1543 : i32
    %dma_wait3A_1545 = arith.constant 0 : i32
    %dma_wait3A_1546 = arith.constant 1 : i32
    %dma_wait3A_1547 = arith.constant 0 : i32
    %dma_wait3A_1548 = arith.constant 1 : i32
    %dma_wait3A_1549 = arith.constant 0 : i32
    %dma_wait3A_1550 = arith.constant 0 : i32
    %dma_wait3A_1551 = tpu.memref_slice %arg4[%dma_wait3A_1545, %dma_wait3A_1549, %dma_wait3A_1550] : memref<3x32x1024xf32, #tpu.memory_space<vmem>> -> memref<1x32x1024xf32, #tpu.memory_space<vmem>>
    %dma_wait3A_1552 = tpu.memref_squeeze %dma_wait3A_1551 : memref<1x32x1024xf32, #tpu.memory_space<vmem>> -> memref<32x1024xf32, #tpu.memory_space<vmem>>
    %dma_wait3A_1553 = arith.constant 0 : i32
    %dma_wait3A_1554 = tpu.memref_slice %arg3[%add3A_1544, %dma_wait3A_1546, %dma_wait3A_1553] : memref<8192x4x1024xf32, #tpu.memory_space<hbm>> -> memref<32x1x1024xf32, #tpu.memory_space<hbm>>
    %dma_wait3A_1555 = tpu.memref_squeeze %dma_wait3A_1554 : memref<32x1x1024xf32, #tpu.memory_space<hbm>> -> memref<32x1024xf32, #tpu.memory_space<hbm>>
    %dma_wait3A_1556 = tpu.memref_slice %arg6[%dma_wait3A_1547, %dma_wait3A_1548] : memref<3x4x!tpu.dma_semaphore, #tpu.memory_space<semaphore_mem>> -> memref<1x1x!tpu.dma_semaphore, #tpu.memory_space<semaphore_mem>>
    %dma_wait3A_1557 = tpu.memref_squeeze %dma_wait3A_1556 : memref<1x1x!tpu.dma_semaphore, #tpu.memory_space<semaphore_mem>> -> memref<!tpu.dma_semaphore, #tpu.memory_space<semaphore_mem>>
    %dma_wait3A_1558 = arith.constant 0 : i32
    %dma_wait3A_1559 = tpu.memref_slice %arg3[%add3A_1544, %dma_wait3A_1546, %dma_wait3A_1558] : memref<8192x4x1024xf32, #tpu.memory_space<hbm>> -> memref<32x1x1024xf32, #tpu.memory_space<hbm>>
    %dma_wait3A_1560 = tpu.memref_squeeze %dma_wait3A_1559 : memref<32x1x1024xf32, #tpu.memory_space<hbm>> -> memref<32x1024xf32, #tpu.memory_space<hbm>>
    %dma_wait3A_1561 = arith.constant 0 : i32
    %dma_wait3A_1562 = arith.constant 0 : i32
    %dma_wait3A_1563 = tpu.memref_slice %arg4[%dma_wait3A_1545, %dma_wait3A_1561, %dma_wait3A_1562] : memref<3x32x1024xf32, #tpu.memory_space<vmem>> -> memref<1x32x1024xf32, #tpu.memory_space<vmem>>
    %dma_wait3A_1564 = tpu.memref_squeeze %dma_wait3A_1563 : memref<1x32x1024xf32, #tpu.memory_space<vmem>> -> memref<32x1024xf32, #tpu.memory_space<vmem>>
    tpu.wait_dma2 semaphore(%dma_wait3A_1557 : memref<!tpu.dma_semaphore, #tpu.memory_space<semaphore_mem>>) src(%dma_wait3A_1564 : memref<32x1024xf32, #tpu.memory_space<vmem>>) dst(%dma_wait3A_1560 : memref<32x1024xf32, #tpu.memory_space<hbm>>)
    %add3A_1565 = arith.constant 192 : i32
    %add3A_1566 = arith.addi %mul3A_2, %add3A_1565 : i32
    %dma_wait3A_1567 = arith.constant 0 : i32
    %dma_wait3A_1568 = arith.constant 2 : i32
    %dma_wait3A_1569 = arith.constant 0 : i32
    %dma_wait3A_1570 = arith.constant 2 : i32
    %dma_wait3A_1571 = arith.constant 0 : i32
    %dma_wait3A_1572 = arith.constant 0 : i32
    %dma_wait3A_1573 = tpu.memref_slice %arg4[%dma_wait3A_1567, %dma_wait3A_1571, %dma_wait3A_1572] : memref<3x32x1024xf32, #tpu.memory_space<vmem>> -> memref<1x32x1024xf32, #tpu.memory_space<vmem>>
    %dma_wait3A_1574 = tpu.memref_squeeze %dma_wait3A_1573 : memref<1x32x1024xf32, #tpu.memory_space<vmem>> -> memref<32x1024xf32, #tpu.memory_space<vmem>>
    %dma_wait3A_1575 = arith.constant 0 : i32
    %dma_wait3A_1576 = tpu.memref_slice %arg3[%add3A_1566, %dma_wait3A_1568, %dma_wait3A_1575] : memref<8192x4x1024xf32, #tpu.memory_space<hbm>> -> memref<32x1x1024xf32, #tpu.memory_space<hbm>>
    %dma_wait3A_1577 = tpu.memref_squeeze %dma_wait3A_1576 : memref<32x1x1024xf32, #tpu.memory_space<hbm>> -> memref<32x1024xf32, #tpu.memory_space<hbm>>
    %dma_wait3A_1578 = tpu.memref_slice %arg6[%dma_wait3A_1569, %dma_wait3A_1570] : memref<3x4x!tpu.dma_semaphore, #tpu.memory_space<semaphore_mem>> -> memref<1x1x!tpu.dma_semaphore, #tpu.memory_space<semaphore_mem>>
    %dma_wait3A_1579 = tpu.memref_squeeze %dma_wait3A_1578 : memref<1x1x!tpu.dma_semaphore, #tpu.memory_space<semaphore_mem>> -> memref<!tpu.dma_semaphore, #tpu.memory_space<semaphore_mem>>
    %dma_wait3A_1580 = arith.constant 0 : i32
    %dma_wait3A_1581 = tpu.memref_slice %arg3[%add3A_1566, %dma_wait3A_1568, %dma_wait3A_1580] : memref<8192x4x1024xf32, #tpu.memory_space<hbm>> -> memref<32x1x1024xf32, #tpu.memory_space<hbm>>
    %dma_wait3A_1582 = tpu.memref_squeeze %dma_wait3A_1581 : memref<32x1x1024xf32, #tpu.memory_space<hbm>> -> memref<32x1024xf32, #tpu.memory_space<hbm>>
    %dma_wait3A_1583 = arith.constant 0 : i32
    %dma_wait3A_1584 = arith.constant 0 : i32
    %dma_wait3A_1585 = tpu.memref_slice %arg4[%dma_wait3A_1567, %dma_wait3A_1583, %dma_wait3A_1584] : memref<3x32x1024xf32, #tpu.memory_space<vmem>> -> memref<1x32x1024xf32, #tpu.memory_space<vmem>>
    %dma_wait3A_1586 = tpu.memref_squeeze %dma_wait3A_1585 : memref<1x32x1024xf32, #tpu.memory_space<vmem>> -> memref<32x1024xf32, #tpu.memory_space<vmem>>
    tpu.wait_dma2 semaphore(%dma_wait3A_1579 : memref<!tpu.dma_semaphore, #tpu.memory_space<semaphore_mem>>) src(%dma_wait3A_1586 : memref<32x1024xf32, #tpu.memory_space<vmem>>) dst(%dma_wait3A_1582 : memref<32x1024xf32, #tpu.memory_space<hbm>>)
    %add3A_1587 = arith.constant 192 : i32
    %add3A_1588 = arith.addi %mul3A_2, %add3A_1587 : i32
    %dma_wait3A_1589 = arith.constant 0 : i32
    %dma_wait3A_1590 = arith.constant 3 : i32
    %dma_wait3A_1591 = arith.constant 0 : i32
    %dma_wait3A_1592 = arith.constant 3 : i32
    %dma_wait3A_1593 = arith.constant 0 : i32
    %dma_wait3A_1594 = arith.constant 0 : i32
    %dma_wait3A_1595 = tpu.memref_slice %arg4[%dma_wait3A_1589, %dma_wait3A_1593, %dma_wait3A_1594] : memref<3x32x1024xf32, #tpu.memory_space<vmem>> -> memref<1x32x1024xf32, #tpu.memory_space<vmem>>
    %dma_wait3A_1596 = tpu.memref_squeeze %dma_wait3A_1595 : memref<1x32x1024xf32, #tpu.memory_space<vmem>> -> memref<32x1024xf32, #tpu.memory_space<vmem>>
    %dma_wait3A_1597 = arith.constant 0 : i32
    %dma_wait3A_1598 = tpu.memref_slice %arg3[%add3A_1588, %dma_wait3A_1590, %dma_wait3A_1597] : memref<8192x4x1024xf32, #tpu.memory_space<hbm>> -> memref<32x1x1024xf32, #tpu.memory_space<hbm>>
    %dma_wait3A_1599 = tpu.memref_squeeze %dma_wait3A_1598 : memref<32x1x1024xf32, #tpu.memory_space<hbm>> -> memref<32x1024xf32, #tpu.memory_space<hbm>>
    %dma_wait3A_1600 = tpu.memref_slice %arg6[%dma_wait3A_1591, %dma_wait3A_1592] : memref<3x4x!tpu.dma_semaphore, #tpu.memory_space<semaphore_mem>> -> memref<1x1x!tpu.dma_semaphore, #tpu.memory_space<semaphore_mem>>
    %dma_wait3A_1601 = tpu.memref_squeeze %dma_wait3A_1600 : memref<1x1x!tpu.dma_semaphore, #tpu.memory_space<semaphore_mem>> -> memref<!tpu.dma_semaphore, #tpu.memory_space<semaphore_mem>>
    %dma_wait3A_1602 = arith.constant 0 : i32
    %dma_wait3A_1603 = tpu.memref_slice %arg3[%add3A_1588, %dma_wait3A_1590, %dma_wait3A_1602] : memref<8192x4x1024xf32, #tpu.memory_space<hbm>> -> memref<32x1x1024xf32, #tpu.memory_space<hbm>>
    %dma_wait3A_1604 = tpu.memref_squeeze %dma_wait3A_1603 : memref<32x1x1024xf32, #tpu.memory_space<hbm>> -> memref<32x1024xf32, #tpu.memory_space<hbm>>
    %dma_wait3A_1605 = arith.constant 0 : i32
    %dma_wait3A_1606 = arith.constant 0 : i32
    %dma_wait3A_1607 = tpu.memref_slice %arg4[%dma_wait3A_1589, %dma_wait3A_1605, %dma_wait3A_1606] : memref<3x32x1024xf32, #tpu.memory_space<vmem>> -> memref<1x32x1024xf32, #tpu.memory_space<vmem>>
    %dma_wait3A_1608 = tpu.memref_squeeze %dma_wait3A_1607 : memref<1x32x1024xf32, #tpu.memory_space<vmem>> -> memref<32x1024xf32, #tpu.memory_space<vmem>>
    tpu.wait_dma2 semaphore(%dma_wait3A_1601 : memref<!tpu.dma_semaphore, #tpu.memory_space<semaphore_mem>>) src(%dma_wait3A_1608 : memref<32x1024xf32, #tpu.memory_space<vmem>>) dst(%dma_wait3A_1604 : memref<32x1024xf32, #tpu.memory_space<hbm>>)
    %add3A_1609 = arith.constant 224 : i32
    %add3A_1610 = arith.addi %mul3A_2, %add3A_1609 : i32
    %dma_wait3A_1611 = arith.constant 1 : i32
    %dma_wait3A_1612 = arith.constant 0 : i32
    %dma_wait3A_1613 = arith.constant 1 : i32
    %dma_wait3A_1614 = arith.constant 0 : i32
    %dma_wait3A_1615 = arith.constant 0 : i32
    %dma_wait3A_1616 = arith.constant 0 : i32
    %dma_wait3A_1617 = tpu.memref_slice %arg4[%dma_wait3A_1611, %dma_wait3A_1615, %dma_wait3A_1616] : memref<3x32x1024xf32, #tpu.memory_space<vmem>> -> memref<1x32x1024xf32, #tpu.memory_space<vmem>>
    %dma_wait3A_1618 = tpu.memref_squeeze %dma_wait3A_1617 : memref<1x32x1024xf32, #tpu.memory_space<vmem>> -> memref<32x1024xf32, #tpu.memory_space<vmem>>
    %dma_wait3A_1619 = arith.constant 0 : i32
    %dma_wait3A_1620 = tpu.memref_slice %arg3[%add3A_1610, %dma_wait3A_1612, %dma_wait3A_1619] : memref<8192x4x1024xf32, #tpu.memory_space<hbm>> -> memref<32x1x1024xf32, #tpu.memory_space<hbm>>
    %dma_wait3A_1621 = tpu.memref_squeeze %dma_wait3A_1620 : memref<32x1x1024xf32, #tpu.memory_space<hbm>> -> memref<32x1024xf32, #tpu.memory_space<hbm>>
    %dma_wait3A_1622 = tpu.memref_slice %arg6[%dma_wait3A_1613, %dma_wait3A_1614] : memref<3x4x!tpu.dma_semaphore, #tpu.memory_space<semaphore_mem>> -> memref<1x1x!tpu.dma_semaphore, #tpu.memory_space<semaphore_mem>>
    %dma_wait3A_1623 = tpu.memref_squeeze %dma_wait3A_1622 : memref<1x1x!tpu.dma_semaphore, #tpu.memory_space<semaphore_mem>> -> memref<!tpu.dma_semaphore, #tpu.memory_space<semaphore_mem>>
    %dma_wait3A_1624 = arith.constant 0 : i32
    %dma_wait3A_1625 = tpu.memref_slice %arg3[%add3A_1610, %dma_wait3A_1612, %dma_wait3A_1624] : memref<8192x4x1024xf32, #tpu.memory_space<hbm>> -> memref<32x1x1024xf32, #tpu.memory_space<hbm>>
    %dma_wait3A_1626 = tpu.memref_squeeze %dma_wait3A_1625 : memref<32x1x1024xf32, #tpu.memory_space<hbm>> -> memref<32x1024xf32, #tpu.memory_space<hbm>>
    %dma_wait3A_1627 = arith.constant 0 : i32
    %dma_wait3A_1628 = arith.constant 0 : i32
    %dma_wait3A_1629 = tpu.memref_slice %arg4[%dma_wait3A_1611, %dma_wait3A_1627, %dma_wait3A_1628] : memref<3x32x1024xf32, #tpu.memory_space<vmem>> -> memref<1x32x1024xf32, #tpu.memory_space<vmem>>
    %dma_wait3A_1630 = tpu.memref_squeeze %dma_wait3A_1629 : memref<1x32x1024xf32, #tpu.memory_space<vmem>> -> memref<32x1024xf32, #tpu.memory_space<vmem>>
    tpu.wait_dma2 semaphore(%dma_wait3A_1623 : memref<!tpu.dma_semaphore, #tpu.memory_space<semaphore_mem>>) src(%dma_wait3A_1630 : memref<32x1024xf32, #tpu.memory_space<vmem>>) dst(%dma_wait3A_1626 : memref<32x1024xf32, #tpu.memory_space<hbm>>)
    %add3A_1631 = arith.constant 224 : i32
    %add3A_1632 = arith.addi %mul3A_2, %add3A_1631 : i32
    %dma_wait3A_1633 = arith.constant 1 : i32
    %dma_wait3A_1634 = arith.constant 1 : i32
    %dma_wait3A_1635 = arith.constant 1 : i32
    %dma_wait3A_1636 = arith.constant 1 : i32
    %dma_wait3A_1637 = arith.constant 0 : i32
    %dma_wait3A_1638 = arith.constant 0 : i32
    %dma_wait3A_1639 = tpu.memref_slice %arg4[%dma_wait3A_1633, %dma_wait3A_1637, %dma_wait3A_1638] : memref<3x32x1024xf32, #tpu.memory_space<vmem>> -> memref<1x32x1024xf32, #tpu.memory_space<vmem>>
    %dma_wait3A_1640 = tpu.memref_squeeze %dma_wait3A_1639 : memref<1x32x1024xf32, #tpu.memory_space<vmem>> -> memref<32x1024xf32, #tpu.memory_space<vmem>>
    %dma_wait3A_1641 = arith.constant 0 : i32
    %dma_wait3A_1642 = tpu.memref_slice %arg3[%add3A_1632, %dma_wait3A_1634, %dma_wait3A_1641] : memref<8192x4x1024xf32, #tpu.memory_space<hbm>> -> memref<32x1x1024xf32, #tpu.memory_space<hbm>>
    %dma_wait3A_1643 = tpu.memref_squeeze %dma_wait3A_1642 : memref<32x1x1024xf32, #tpu.memory_space<hbm>> -> memref<32x1024xf32, #tpu.memory_space<hbm>>
    %dma_wait3A_1644 = tpu.memref_slice %arg6[%dma_wait3A_1635, %dma_wait3A_1636] : memref<3x4x!tpu.dma_semaphore, #tpu.memory_space<semaphore_mem>> -> memref<1x1x!tpu.dma_semaphore, #tpu.memory_space<semaphore_mem>>
    %dma_wait3A_1645 = tpu.memref_squeeze %dma_wait3A_1644 : memref<1x1x!tpu.dma_semaphore, #tpu.memory_space<semaphore_mem>> -> memref<!tpu.dma_semaphore, #tpu.memory_space<semaphore_mem>>
    %dma_wait3A_1646 = arith.constant 0 : i32
    %dma_wait3A_1647 = tpu.memref_slice %arg3[%add3A_1632, %dma_wait3A_1634, %dma_wait3A_1646] : memref<8192x4x1024xf32, #tpu.memory_space<hbm>> -> memref<32x1x1024xf32, #tpu.memory_space<hbm>>
    %dma_wait3A_1648 = tpu.memref_squeeze %dma_wait3A_1647 : memref<32x1x1024xf32, #tpu.memory_space<hbm>> -> memref<32x1024xf32, #tpu.memory_space<hbm>>
    %dma_wait3A_1649 = arith.constant 0 : i32
    %dma_wait3A_1650 = arith.constant 0 : i32
    %dma_wait3A_1651 = tpu.memref_slice %arg4[%dma_wait3A_1633, %dma_wait3A_1649, %dma_wait3A_1650] : memref<3x32x1024xf32, #tpu.memory_space<vmem>> -> memref<1x32x1024xf32, #tpu.memory_space<vmem>>
    %dma_wait3A_1652 = tpu.memref_squeeze %dma_wait3A_1651 : memref<1x32x1024xf32, #tpu.memory_space<vmem>> -> memref<32x1024xf32, #tpu.memory_space<vmem>>
    tpu.wait_dma2 semaphore(%dma_wait3A_1645 : memref<!tpu.dma_semaphore, #tpu.memory_space<semaphore_mem>>) src(%dma_wait3A_1652 : memref<32x1024xf32, #tpu.memory_space<vmem>>) dst(%dma_wait3A_1648 : memref<32x1024xf32, #tpu.memory_space<hbm>>)
    %add3A_1653 = arith.constant 224 : i32
    %add3A_1654 = arith.addi %mul3A_2, %add3A_1653 : i32
    %dma_wait3A_1655 = arith.constant 1 : i32
    %dma_wait3A_1656 = arith.constant 2 : i32
    %dma_wait3A_1657 = arith.constant 1 : i32
    %dma_wait3A_1658 = arith.constant 2 : i32
    %dma_wait3A_1659 = arith.constant 0 : i32
    %dma_wait3A_1660 = arith.constant 0 : i32
    %dma_wait3A_1661 = tpu.memref_slice %arg4[%dma_wait3A_1655, %dma_wait3A_1659, %dma_wait3A_1660] : memref<3x32x1024xf32, #tpu.memory_space<vmem>> -> memref<1x32x1024xf32, #tpu.memory_space<vmem>>
    %dma_wait3A_1662 = tpu.memref_squeeze %dma_wait3A_1661 : memref<1x32x1024xf32, #tpu.memory_space<vmem>> -> memref<32x1024xf32, #tpu.memory_space<vmem>>
    %dma_wait3A_1663 = arith.constant 0 : i32
    %dma_wait3A_1664 = tpu.memref_slice %arg3[%add3A_1654, %dma_wait3A_1656, %dma_wait3A_1663] : memref<8192x4x1024xf32, #tpu.memory_space<hbm>> -> memref<32x1x1024xf32, #tpu.memory_space<hbm>>
    %dma_wait3A_1665 = tpu.memref_squeeze %dma_wait3A_1664 : memref<32x1x1024xf32, #tpu.memory_space<hbm>> -> memref<32x1024xf32, #tpu.memory_space<hbm>>
    %dma_wait3A_1666 = tpu.memref_slice %arg6[%dma_wait3A_1657, %dma_wait3A_1658] : memref<3x4x!tpu.dma_semaphore, #tpu.memory_space<semaphore_mem>> -> memref<1x1x!tpu.dma_semaphore, #tpu.memory_space<semaphore_mem>>
    %dma_wait3A_1667 = tpu.memref_squeeze %dma_wait3A_1666 : memref<1x1x!tpu.dma_semaphore, #tpu.memory_space<semaphore_mem>> -> memref<!tpu.dma_semaphore, #tpu.memory_space<semaphore_mem>>
    %dma_wait3A_1668 = arith.constant 0 : i32
    %dma_wait3A_1669 = tpu.memref_slice %arg3[%add3A_1654, %dma_wait3A_1656, %dma_wait3A_1668] : memref<8192x4x1024xf32, #tpu.memory_space<hbm>> -> memref<32x1x1024xf32, #tpu.memory_space<hbm>>
    %dma_wait3A_1670 = tpu.memref_squeeze %dma_wait3A_1669 : memref<32x1x1024xf32, #tpu.memory_space<hbm>> -> memref<32x1024xf32, #tpu.memory_space<hbm>>
    %dma_wait3A_1671 = arith.constant 0 : i32
    %dma_wait3A_1672 = arith.constant 0 : i32
    %dma_wait3A_1673 = tpu.memref_slice %arg4[%dma_wait3A_1655, %dma_wait3A_1671, %dma_wait3A_1672] : memref<3x32x1024xf32, #tpu.memory_space<vmem>> -> memref<1x32x1024xf32, #tpu.memory_space<vmem>>
    %dma_wait3A_1674 = tpu.memref_squeeze %dma_wait3A_1673 : memref<1x32x1024xf32, #tpu.memory_space<vmem>> -> memref<32x1024xf32, #tpu.memory_space<vmem>>
    tpu.wait_dma2 semaphore(%dma_wait3A_1667 : memref<!tpu.dma_semaphore, #tpu.memory_space<semaphore_mem>>) src(%dma_wait3A_1674 : memref<32x1024xf32, #tpu.memory_space<vmem>>) dst(%dma_wait3A_1670 : memref<32x1024xf32, #tpu.memory_space<hbm>>)
    %add3A_1675 = arith.constant 224 : i32
    %add3A_1676 = arith.addi %mul3A_2, %add3A_1675 : i32
    %dma_wait3A_1677 = arith.constant 1 : i32
    %dma_wait3A_1678 = arith.constant 3 : i32
    %dma_wait3A_1679 = arith.constant 1 : i32
    %dma_wait3A_1680 = arith.constant 3 : i32
    %dma_wait3A_1681 = arith.constant 0 : i32
    %dma_wait3A_1682 = arith.constant 0 : i32
    %dma_wait3A_1683 = tpu.memref_slice %arg4[%dma_wait3A_1677, %dma_wait3A_1681, %dma_wait3A_1682] : memref<3x32x1024xf32, #tpu.memory_space<vmem>> -> memref<1x32x1024xf32, #tpu.memory_space<vmem>>
    %dma_wait3A_1684 = tpu.memref_squeeze %dma_wait3A_1683 : memref<1x32x1024xf32, #tpu.memory_space<vmem>> -> memref<32x1024xf32, #tpu.memory_space<vmem>>
    %dma_wait3A_1685 = arith.constant 0 : i32
    %dma_wait3A_1686 = tpu.memref_slice %arg3[%add3A_1676, %dma_wait3A_1678, %dma_wait3A_1685] : memref<8192x4x1024xf32, #tpu.memory_space<hbm>> -> memref<32x1x1024xf32, #tpu.memory_space<hbm>>
    %dma_wait3A_1687 = tpu.memref_squeeze %dma_wait3A_1686 : memref<32x1x1024xf32, #tpu.memory_space<hbm>> -> memref<32x1024xf32, #tpu.memory_space<hbm>>
    %dma_wait3A_1688 = tpu.memref_slice %arg6[%dma_wait3A_1679, %dma_wait3A_1680] : memref<3x4x!tpu.dma_semaphore, #tpu.memory_space<semaphore_mem>> -> memref<1x1x!tpu.dma_semaphore, #tpu.memory_space<semaphore_mem>>
    %dma_wait3A_1689 = tpu.memref_squeeze %dma_wait3A_1688 : memref<1x1x!tpu.dma_semaphore, #tpu.memory_space<semaphore_mem>> -> memref<!tpu.dma_semaphore, #tpu.memory_space<semaphore_mem>>
    %dma_wait3A_1690 = arith.constant 0 : i32
    %dma_wait3A_1691 = tpu.memref_slice %arg3[%add3A_1676, %dma_wait3A_1678, %dma_wait3A_1690] : memref<8192x4x1024xf32, #tpu.memory_space<hbm>> -> memref<32x1x1024xf32, #tpu.memory_space<hbm>>
    %dma_wait3A_1692 = tpu.memref_squeeze %dma_wait3A_1691 : memref<32x1x1024xf32, #tpu.memory_space<hbm>> -> memref<32x1024xf32, #tpu.memory_space<hbm>>
    %dma_wait3A_1693 = arith.constant 0 : i32
    %dma_wait3A_1694 = arith.constant 0 : i32
    %dma_wait3A_1695 = tpu.memref_slice %arg4[%dma_wait3A_1677, %dma_wait3A_1693, %dma_wait3A_1694] : memref<3x32x1024xf32, #tpu.memory_space<vmem>> -> memref<1x32x1024xf32, #tpu.memory_space<vmem>>
    %dma_wait3A_1696 = tpu.memref_squeeze %dma_wait3A_1695 : memref<1x32x1024xf32, #tpu.memory_space<vmem>> -> memref<32x1024xf32, #tpu.memory_space<vmem>>
    tpu.wait_dma2 semaphore(%dma_wait3A_1689 : memref<!tpu.dma_semaphore, #tpu.memory_space<semaphore_mem>>) src(%dma_wait3A_1696 : memref<32x1024xf32, #tpu.memory_space<vmem>>) dst(%dma_wait3A_1692 : memref<32x1024xf32, #tpu.memory_space<hbm>>)
    return
  }
}

</mosaic_0001>

<sc_bundles>
// kernel: kernel.3.cloned.1.call-start
scs
__scs_entry_jumppad:
0x0: {  	(pc) =	sbr.rel $0x88, $3  }
0x1: {  	(tag) =	ssettag $0x0;
	lr =	simm.s32 $0x1  }
0x2: {  	[smem:$0x3FA0] =	sst lr;
	_ =	strace $0xD0000000  }
0x3: {  	_ = 	snop  }
0x4: {  	_ = 	snop  }
0x5: {  	_ = 	snop  }
0x6: {  	_ = 	snop  }
0x7: {  	_ = 	snop  }
__scs_overlays_trampoline_lowered:
0x8: {  	[smem:$0x3FAF] =	sst s0  }
0x9: {  	[smem:$0x3FB0] =	sst s1  }
0xa: {  	[smem:$0x3FB1] =	sst s2  }
0xb: {  	[smem:$0x3FB2] =	sst s3  }
0xc: {  	[smem:$0x3FB3] =	sst s4  }
0xd: {  	[smem:$0x3FB4] =	sst s5  }
0xe: {  	[smem:$0x3FB5] =	sst s6  }
0xf: {  	[smem:$0x3FB6] =	sst s7  }
0x10: {  	[smem:$0x3FB7] =	sst s8  }
0x11: {  	[smem:$0x3FB8] =	sst s9;
	s0 =	simm.s32 @!p0 $0x0  }
0x12: {  	s1 =	sld [smem:$0x3F9E];
	s0 =	simm.s32 @p0 $0x1  }
0x13: {  	[smem:$0x3FB9] =	sst s0;
	s0 =	simm.s32 @!p1 $0x0  }
0x14: {  	s2 =	sld [smem:$0x3F9D];
	s0 =	simm.s32 @p1 $0x1  }
0x15: {  	[smem:$0x3FBA] =	sst s0;
	s0 =	simm.s32 @!p2 $0x0  }
0x16: {  	s3 =	sld [smem:$0x3FDB];
	s0 =	simm.s32 @p2 $0x1  }
0x17: {  	s4 =	simm.s32 $0x1BF5;
	[smem:$0x3FBC] =	sst s0  }
0x18: {  	s0 =	sld [smem:$0x3F9F];
	_ =	swait.ge [sflag:s4], $0x0  }
0x19: {  	s7 =	sld [smem:$0x3FA0]  }
0x1a: {  	s8 =	sadd.s32 $0xFFFFE003, lr  }
0x1b: {  	s9 =	sadd.s32 $0xFFFFFEF7, lr;
	s5 =	simm.s32 $0xFFFFFFFF;
	p2 =	slt.u32 s8, $0xFFFFF086  }
0x1c: {  	p1 =	slt.u32 s9, $0xF7A;
	s5 =	simm.s32 @!p2 $0x0  }
0x1d: {  	s5 =	simm.s32 @p1 $0x1;
	p0 =	seq.s32 s7, s2  }
0x1e: {  	s7 =	smul.u32 @!p0 $0xF7A, s2;
	p2 =	seq.s32 @!p0 s5, $0x0  }
0x1f: {  	s9 =	smul.u32 $0xF7A, s1;
	s8 =	simm.s32 @!p0 $0x1BF5;
	p2 =	por !p2, p0  }
0x20: {  	[sflag:s8] =	ssyncset.s32 @!p0 $0xFFFFF086;
	s6 =	sadd.s32 @!p0 s3, s7;
	s7 =	simm.s32 @!p0 $0x108  }
0x21: {  	s3 =	sadd.s32 s3, s9;
	s6 =	sadd.s32 @!p0 $0x88, s6;
	s7 =	simm.s32 @p2 $0x1082  }
0x22: {  	[simem:s7], [sflag:s8] =	dma.local @!p0 [hbm:s6], $0xF7A  }
0x23: {  	s9 =	sor.u32 $0xD0000000, s2;
	s6 =	simm.s32 $0x108;
	_ =	swait.ge @!p0 [sflag:s8], $0x0  }
0x24: {  	s3 =	sadd.s32 $0x88, s3;
	s6 =	simm.s32 @!p1 $0x1082;
	[sflag:s4] =	ssyncset.s32 $0xFFFFF086  }
0x25: {  	[simem:s6], [sflag:s4] =	dma.local [hbm:s3], $0xF7A  }
0x26: {  	[smem:$0x3FA0] =	sst s1;
	(tag) =	ssettag s2;
	_ =	strace s9  }
0x27: {  	s1 =	sld [smem:$0x3FB0]  }
0x28: {  	s2 =	sld [smem:$0x3FB1]  }
0x29: {  	s4 =	sld [smem:$0x3FB3]  }
0x2a: {  	p0 =	seq.s32 s5, $0x0;
	s5 =	sld [smem:$0x3FB4]  }
0x2b: {  	s6 =	sld [smem:$0x3FB5]  }
0x2c: {  	s7 =	sld [smem:$0x3FB6]  }
0x2d: {  	s3 =	simm.s32 $0x108;
	s8 =	sld [smem:$0x3FB7]  }
0x2e: {  	s3 =	simm.s32 @!p0 $0x1082;
	s9 =	sld [smem:$0x3FB8]  }
0x2f: {  	lr =	sadd.s32 s0, s3;
	s0 =	sld [smem:$0x3FAF]  }
0x30: {  	s3 =	sld [smem:$0x3FB2]  }
0x31: {  	[smem:$0x3FBB] =	sst s10  }
0x32: {  	s10 =	sld [smem:$0x3FB9];
	_ =	sdelay $0x3  }
0x33: {  	p0 =	seq.s32 s10, $0x1;
	s10 =	sld [smem:$0x3FBB];
	_ =	sdelay $0x3  }
0x34: {  	[smem:$0x3FBB] =	sst s10  }
0x35: {  	s10 =	sld [smem:$0x3FBA];
	_ =	sdelay $0x3  }
0x36: {  	p1 =	seq.s32 s10, $0x1;
	s10 =	sld [smem:$0x3FBB];
	_ =	sdelay $0x3  }
0x37: {  	[smem:$0x3FBB] =	sst s10  }
0x38: {  	s10 =	sld [smem:$0x3FBC]  }
0x39: {  	_ = 	snop;
	(pc) =	sbr.ind lr, $3  }
0x3a: {  	_ = 	snop  }
0x3b: {  	_ = 	snop  }
0x3c: {  	p2 =	seq.s32 s10, $0x1;
	s10 =	sld [smem:$0x3FBB]  }
0x3d: {  	_ =	shalt  }
0x3e: {  	_ =	shalt  }
0x3f: {  	_ =	shalt  }
0x40: {  	_ =	shalt  }
0x41: {  	_ =	shalt  }
0x42: {  	_ =	shalt  }
0x43: {  	_ =	shalt  }
0x44: {  	_ =	shalt  }
0x45: {  	_ =	shalt  }
0x46: {  	_ =	shalt  }
0x47: {  	_ =	shalt  }
0x48: {  	_ =	shalt  }
0x49: {  	_ =	shalt  }
0x4a: {  	_ =	shalt  }
0x4b: {  	_ =	shalt  }
0x4c: {  	_ =	shalt  }
0x4d: {  	_ =	shalt  }
0x4e: {  	_ =	shalt  }
0x4f: {  	_ =	shalt  }
0x50: {  	_ =	shalt  }
0x51: {  	_ =	shalt  }
0x52: {  	_ =	shalt  }
0x53: {  	_ =	shalt  }
0x54: {  	_ =	shalt  }
0x55: {  	_ =	shalt  }
0x56: {  	_ =	shalt  }
0x57: {  	_ =	shalt  }
0x58: {  	_ =	shalt  }
0x59: {  	_ =	shalt  }
0x5a: {  	_ =	shalt  }
0x5b: {  	_ =	shalt  }
0x5c: {  	_ =	shalt  }
0x5d: {  	_ =	shalt  }
0x5e: {  	_ =	shalt  }
0x5f: {  	_ =	shalt  }
0x60: {  	_ =	shalt  }
0x61: {  	_ =	shalt  }
0x62: {  	_ =	shalt  }
0x63: {  	_ =	shalt  }
0x64: {  	_ =	shalt  }
0x65: {  	_ =	shalt  }
0x66: {  	_ =	shalt  }
0x67: {  	_ =	shalt  }
0x68: {  	_ =	shalt  }
0x69: {  	_ =	shalt  }
0x6a: {  	_ =	shalt  }
0x6b: {  	_ =	shalt  }
0x6c: {  	_ =	shalt  }
0x6d: {  	_ =	shalt  }
0x6e: {  	_ =	shalt  }
0x6f: {  	_ =	shalt  }
0x70: {  	_ =	shalt  }
0x71: {  	_ =	shalt  }
0x72: {  	_ =	shalt  }
0x73: {  	_ =	shalt  }
0x74: {  	_ =	shalt  }
0x75: {  	_ =	shalt  }
0x76: {  	_ =	shalt  }
0x77: {  	_ =	shalt  }
0x78: {  	_ =	shalt  }
0x79: {  	_ =	shalt  }
0x7a: {  	_ =	shalt  }
0x7b: {  	_ =	shalt  }
0x7c: {  	_ =	shalt  }
0x7d: {  	_ =	shalt  }
0x7e: {  	_ =	shalt  }
0x7f: {  	_ =	shalt  }
0x80: {  	_ =	shalt  }
0x81: {  	_ =	shalt  }
0x82: {  	_ =	shalt  }
0x83: {  	_ =	shalt  }
0x84: {  	_ =	shalt  }
0x85: {  	_ =	shalt  }
0x86: {  	_ =	shalt  }
0x87: {  	_ =	shalt  }
.Lfunc_end0:
.L_simem_size_0:
called_computation_lowered:
.L_overlay_start_0:
0x88: {  	s2 =	sld [smem:$0x3FD9]  }
0x89: {  	s3 =	sld [smem:$0x3FFE];
	_ =	sdelay $0x1  }
0x8a: {  	s1 =	srdreg.scid  }
0x8b: {  	s0 =	sand.u32 $0x1, s1  }
0x8c: {  	s18 =	sshll.u32 s0, $0xA;
	s2 =	sadd.s32 s3, s2  }
0x8d: {  	s2 =	sadd.s32 s2, s18  }
0x8e: {  	[smem:$0x3FC7] =	sst s2  }
0x8f: {  	_ = 	snop  }
0x90: {  	s2 =	sld [smem:$0x3FC9]  }
0x91: {  	s19 =	sld [smem:$0x3FD0];
	(tm) =	ssettm $0x1  }
0x92: {  	s4 =	sld [smem:$0x3FFB];
	_ =	sdelay $0x3  }
0x93: {  	_ =	strace s4  }
0x94: {  	s4 =	sld [smem:$0x3FFC];
	_ =	sdelay $0x3  }
0x95: {  	_ =	strace s4  }
0x96: {  	s4 =	sld [smem:$0x3FFD];
	_ =	sdelay $0x3  }
0x97: {  	_ =	strace s4  }
0x98: {  	_ =	strace $0x8FFFFFFF  }
0x99: {  	s20 =	sld [smem:$0x3FDB];
	_ =	sdelay $0x1  }
0x9a: {  	s5 =	simm.s32 $_scs_section_size  }
0x9b: {  	s6 =	simm.s32 $_size__tile_overlayer_lowered;
	s7 =	simm.s32 $_tile_overlayer_lowered  }
0x9c: {  	s23 =	simm.s32 $0x1BFF;
	s22 =	sshll.u32 s7, $0x1;
	s4 =	sadd.s32 s5, s20  }
0x9d: {  	s8 =	simm.s32 $0x0;
	s21 =	sshll.u32 s6, $0x1;
	s6 =	sadd.s32 s22, s4  }
0x9e: {  	[timem:s8], [sflag:s23] =	dma.local [hbm:s6], s21  }
0x9f: {  	_ =	swait.ge [sflag:s23], s21  }
0xa0: {  	s5 =	ssub.s32 $0x0, s21;
	[sflag:s23] =	ssyncset.done $0x0  }
0xa1: {  	[sflag:s23] =	ssyncadd.s32 s5;
	_ =	sdelay $0x1  }
0xa2: {  	s24 =	simm.s32 $0x1B8B  }
0xa3: {  	_ =	swait.ge [sflag:s24], $0x1  }
0xa4: {  	[sflag:s24] =	ssyncset.done $0x0  }
0xa5: {  	s25 =	simm.s32 $0x1B8E;
	[sflag:s24] =	ssyncadd.s32 $0xFFFFFFFF  }
0xa6: {  	s26 =	simm.s32 $execute0_lowered;
	[smem:$0x3FD2] =	sst s25  }
0xa7: {  	s5 =	sshll.u32 s26, $0x1;
	_ =	strace $0x80000046;
	[dreg:$0x1] =	wrdreg $0xFFFFFFFF  }
0xa8: {  	s28 =	simm.s32 $_size_execute0_lowered;
	s4 =	sadd.s32 s4, s5;
	[dreg:$0x0] =	wrdreg $0x0  }
0xa9: {  	s5 =	sshll.u32 s28, $0x1;
	[dreg:$0x2] =	wrdreg s4  }
0xaa: {  	[dreg:$0x3] =	wrdreg s5  }
0xab: {  	[dreg:$0x4] =	wrdreg $0xC0  }
0xac: {  	_ =	task [dreg:s8], $0x5FFFF  }
0xad: {  	[dreg:$0x1] =	wrdreg $0xFFFFFFFF  }
0xae: {  	[dreg:$0x0] =	wrdreg $0x60  }
0xaf: {  	[dreg:$0x2] =	wrdreg s2  }
0xb0: {  	[dreg:$0x3] =	wrdreg s19  }
0xb1: {  	[dreg:$0x4] =	wrdreg $0x9  }
0xb2: {  	_ =	task.clear_ibuf [dreg:s8], $0x5FFFF;
	_ =	strace $0x90000046  }
0xb3: {  	s29 =	simm.s32 $0x9;
	_ =	strace $0x80000048  }
0xb4: {  	_ =	swait.ge [sflag:s29], $0x1  }
0xb5: {  	[sflag:s29] =	ssyncadd.s32 $0xFFFFFFFF  }
0xb6: {  	_ =	strace $0x90000048  }
0xb7: {  	_ =	sfence  }
0xb8: {  	s30 =	sld [smem:$0x0];
	_ =	sdelay $0x2  }
0xb9: {  	s31 =	sshll.u32 s1, $0xD;
	s1 =	sshrl.u32 s1, $0x2  }
0xba: {  	s3 =	sand.u32 $0x4000, s31;
	s1 =	sadd.s32 s1, s30  }
0xbb: {  	s0 =	sor.u32 s3, s0;
	s1 =	sshll.u32 s1, $0x11  }
0xbc: {  	s0 =	sor.u32 s1, s0  }
0xbd: {  	s0 =	sadd.s32 $0x8F2B, s0  }
0xbe: {  	[sflag:s0] =	ssyncadd.remote.s32 $0x1  }
0xbf: {  	_ =	sfence.sel $0xFFFF  }
0xc0: {  	[dreg:$0x0] =	wrdreg $0xFFFFFFFF;
	(pc) =	sbr.abs _section_cstart, $3  }
0xc1: {  	[dreg:$0x1] =	wrdreg $0xFFFFFFFF  }
0xc2: {  	_ =	task.clear_ibuf [dreg:s8], $0x2FFFF;
	_ =	strace $0x9FFFFFFF  }
0xc3: {  	(tm) =	ssettm $0x7FFFFFFF  }
tec
execute0_lowered:
.L_overlay_start_1:
0x0: {  	(tag) =	ssettag $0x1  }
0x1: {  	s2 =	rddreg [dreg:$0x0]  }
0x2: {  	s0 =	srdreg.scid;
	s1 =	rddreg [dreg:$0x1]  }
0x3: {  	s4 =	stileid.u32;
	s5 =	simm.s32 $0x0;
	s0 =	sand.u32 $0x1, s0  }
0x4: {  	[smem:$0x7FF] =	sst s5;
	s11 =	sadd.s32 $0x10, s1;
	s3 =	sshll.u32 s0, $0x4  }
0x5: {  	s12 =	sadd.s32 $0x20, s1;
	s0 =	ssub.s32 $0x2, s0;
	s3 =	sor.u32 s4, s3  }
0x6: {  	s13 =	sadd.s32 $0x30, s1;
	s23 =	sshrl.u32 s0, $0x1;
	s24 =	sshll.u32 s3, $0x8  }
0x7: {  	s6 =	ssub.s32 s0, s23;
	s25 =	sshll.u32 s3, $0xF;
	s3 =	sshll.u32 s3, $0x11  }
0x8: {  	s26 =	sor.u32 $0x20, s24;
	s0 =	sadd.s32 s2, s25;
	s7 =	sor.u32 $0x40, s24  }
0x9: {  	s18 =	sadd.s32 s1, s3;
	s19 =	sadd.s32 s3, s11;
	s20 =	sor.u32 $0x60, s24  }
0xa: {  	s8 =	sor.u32 $0x80, s24;
	s5 =	sor.u32 $0xE0, s24;
	[dreg:$0x3] =	wrdreg s0  }
0xb: {  	s22 =	sadd.s32 s3, s12;
	s23 =	sadd.s32 s3, s13;
	[dreg:$0x6] =	wrdreg s18  }
0xc: {  	s6 =	smax.u32 s6, $0x1;
	s16 =	sshll.u32 s26, $0x7;
	[dreg:$0x7] =	wrdreg s19  }
0xd: {  	s17 =	sshll.u32 s7, $0x7;
	s9 =	sshll.u32 s20, $0x7;
	[dreg:$0xd] =	wrdreg s22  }
0xe: {  	s10 =	sshll.u32 s8, $0x7;
	[dreg:$0xe] =	wrdreg s23;
	s0 =	sadd.s32 s2, s16  }
0xf: {  	s18 =	sor.u32 $0xC0, s24;
	s9 =	sadd.s32 s2, s9;
	[dreg:$0x4] =	wrdreg s0  }
0x10: {  	s16 =	sadd.s32 s2, s10;
	s15 =	sshll.u32 s18, $0x7;
	[dreg:$0x8] =	wrdreg s9  }
0x11: {  	s18 =	sshll.u32 s18, $0x9;
	s0 =	sadd.s32 s2, s17;
	[dreg:$0x9] =	wrdreg s16  }
0x12: {  	s17 =	sor.u32 $0xA0, s24;
	s16 =	sshll.u32 s5, $0x7;
	s21 =	sadd.s32 s2, s15  }
0x13: {  	s24 =	sshll.u32 s26, $0x9;
	s9 =	sadd.s32 s18, s13;
	[dreg:$0x5] =	wrdreg s0  }
0x14: {  	s5 =	sshll.u32 s5, $0x9;
	s14 =	sshll.u32 s17, $0x7;
	[dreg:$0xb] =	wrdreg s21  }
0x15: {  	s25 =	sadd.s32 s1, s24;
	s26 =	sadd.s32 s24, s11;
	s4 =	sadd.s32 s24, s12  }
0x16: {  	s0 =	sshll.u32 s20, $0x9;
	s17 =	sshll.u32 s17, $0x9;
	[dreg:$0xf] =	wrdreg s25  }
0x17: {  	s10 =	sadd.s32 s1, s5;
	s14 =	sadd.s32 s2, s14;
	[dreg:$0x10] =	wrdreg s26  }
0x18: {  	s2 =	sadd.s32 s2, s16;
	[dreg:$0x11] =	wrdreg s4;
	s22 =	sadd.s32 s1, s0  }
0x19: {  	s23 =	sadd.s32 s0, s11;
	s25 =	sadd.s32 s0, s13;
	s16 =	sshll.u32 s8, $0x9  }
0x1a: {  	s31 =	sadd.s32 s1, s17;
	s3 =	sadd.s32 s17, s13;
	[dreg:$0xa] =	wrdreg s14  }
0x1b: {  	s4 =	sadd.s32 s1, s18;
	s8 =	sadd.s32 s18, s12;
	[dreg:$0xc] =	wrdreg s2  }
0x1c: {  	s2 =	sadd.s32 s24, s13;
	s14 =	sshll.u32 s7, $0x9;
	s24 =	sadd.s32 s0, s12  }
0x1d: {  	s26 =	sadd.s32 s1, s16;
	s28 =	sadd.s32 s16, s11;
	s29 =	sadd.s32 s16, s12  }
0x1e: {  	s30 =	sadd.s32 s16, s13;
	s0 =	sadd.s32 s17, s11;
	s7 =	sadd.s32 s18, s11  }
0x1f: {  	[dreg:$0x12] =	wrdreg s2;
	s15 =	sadd.s32 s1, s14;
	s19 =	sadd.s32 s14, s11  }
0x20: {  	s20 =	sadd.s32 s14, s12;
	s21 =	sadd.s32 s14, s13;
	s2 =	sadd.s32 s17, s12  }
0x21: {  	s11 =	sadd.s32 s5, s11;
	s1 =	sadd.s32 s5, s12;
	s5 =	sadd.s32 s5, s13  }
0x22: {  	s12 =	simm.s32 $0x1000;
	[dreg:$0x13] =	wrdreg s15;
	s15 =	simm.s32 $0x0  }
0x23: {  	_ =	strace $0x80000047;
	[dreg:$0x14] =	wrdreg s6;
	s6 =	simm.s32 $0x80  }
.LBB2_1:
0x24: {  	[dreg:$0x15] =	wrdreg s15  }
0x25: {  	s13 =	simm.s32 $0x0;
	s14 =	rddreg [dreg:$0x3]  }
0x26: {  	[tilespmem:s13], [sflag:$0x1] =	stream.linear.gather [hbm4b:s14+s13], $0x8000, $0x38;
	[tilespmem:$0x18000] =	vst v63  }
0x27: {  	s17 =	rddreg [dreg:$0x4];
	s18 =	simm.s32 $0x8000  }
0x28: {  	[tilespmem:s18], [sflag:$0x2] =	stream.linear.gather [hbm4b:s17+s13], $0x8000, $0x38;
	[tilespmem:$0x18000] =	vst v63  }
0x29: {  	s15 =	rddreg [dreg:$0x5];
	s16 =	simm.s32 $0x10000;
	s17 =	simm.s32 $0x1  }
0x2a: {  	[tilespmem:s16], [sflag:$0x3] =	stream.linear.gather [hbm4b:s15+s13], $0x8000, $0x38;
	[tilespmem:$0x18000] =	vst v63  }
0x2b: {  	_ =	swait.ge [sflag:s17], $0x8000  }
0x2c: {  	[sflag:s17] =	ssyncset.done $0x0  }
0x2d: {  	s18 =	simm.s32 $0x0;
	[sflag:s17] =	ssyncadd.s32 $0xFFFF8000;
	s17 =	rddreg [dreg:$0x6]  }
0x2e: {  	[hbm4b:s17+s6] =	stream.strided.scatter [tilespmem:s18], [sflag:$0x4], $0x400, s12, s6, $0x38;
	[tilespmem:$0x18000] =	vst v63  }
0x2f: {  	s14 =	simm.s32 $0x400;
	s15 =	sadd.s32 $0x40, s17  }
0x30: {  	[hbm4b:s15+s6] =	stream.strided.scatter [tilespmem:s14], [sflag:$0x4], $0x400, s12, s6, $0x38;
	[tilespmem:$0x18000] =	vst v63  }
0x31: {  	s16 =	simm.s32 $0x800;
	s18 =	sadd.s32 $0x80, s17  }
0x32: {  	[hbm4b:s18+s6] =	stream.strided.scatter [tilespmem:s16], [sflag:$0x4], $0x400, s12, s6, $0x38;
	[tilespmem:$0x18000] =	vst v63  }
0x33: {  	s14 =	simm.s32 $0xC00;
	s15 =	sadd.s32 $0xC0, s17  }
0x34: {  	[hbm4b:s15+s6] =	stream.strided.scatter [tilespmem:s14], [sflag:$0x4], $0x400, s12, s6, $0x38;
	[tilespmem:$0x18000] =	vst v63  }
0x35: {  	s16 =	simm.s32 $0x1000;
	s18 =	sadd.s32 $0x100, s17  }
0x36: {  	[hbm4b:s18+s6] =	stream.strided.scatter [tilespmem:s16], [sflag:$0x4], $0x400, s12, s6, $0x38;
	[tilespmem:$0x18000] =	vst v63  }
0x37: {  	s14 =	simm.s32 $0x1400;
	s15 =	sadd.s32 $0x140, s17  }
0x38: {  	[hbm4b:s15+s6] =	stream.strided.scatter [tilespmem:s14], [sflag:$0x4], $0x400, s12, s6, $0x38;
	[tilespmem:$0x18000] =	vst v63  }
0x39: {  	s13 =	simm.s32 $0x8000;
	s16 =	simm.s32 $0x1800;
	s18 =	sadd.s32 $0x180, s17  }
0x3a: {  	[hbm4b:s18+s6] =	stream.strided.scatter [tilespmem:s16], [sflag:$0x4], $0x400, s12, s6, $0x38;
	[tilespmem:$0x18000] =	vst v63  }
0x3b: {  	s15 =	simm.s32 $0x1C00;
	s14 =	sadd.s32 $0x1000, s17;
	s16 =	sadd.s32 $0x1C0, s17  }
.LBB2_2:
0x3c: {  	[hbm4b:s16+s6] =	stream.strided.scatter [tilespmem:s15], [sflag:$0x4], $0x400, s12, s6, $0x38;
	[tilespmem:$0x18000] =	vst v63  }
0x3d: {  	s15 =	sshra.s32 s13, $0x2;
	p0 =	sne.s32 s13, $0x18000;
	s13 =	sadd.s32 $0x8000, s13  }
0x3e: {  	[hbm4b:s14+s6] =	stream.strided.scatter [tilespmem:s15], [sflag:$0x4], $0x400, s12, s6, $0x38;
	[tilespmem:$0x18000] =	vst v63  }
0x3f: {  	s17 =	sadd.s32 $0x40, s14;
	s16 =	sadd.s32 $0x400, s15  }
0x40: {  	[hbm4b:s17+s6] =	stream.strided.scatter [tilespmem:s16], [sflag:$0x4], $0x400, s12, s6, $0x38;
	[tilespmem:$0x18000] =	vst v63  }
0x41: {  	s16 =	sadd.s32 $0x800, s15;
	s17 =	sadd.s32 $0x80, s14  }
0x42: {  	[hbm4b:s17+s6] =	stream.strided.scatter [tilespmem:s16], [sflag:$0x4], $0x400, s12, s6, $0x38;
	[tilespmem:$0x18000] =	vst v63  }
0x43: {  	s16 =	sadd.s32 $0xC00, s15;
	s17 =	sadd.s32 $0xC0, s14  }
0x44: {  	[hbm4b:s17+s6] =	stream.strided.scatter [tilespmem:s16], [sflag:$0x4], $0x400, s12, s6, $0x38;
	[tilespmem:$0x18000] =	vst v63  }
0x45: {  	s16 =	sadd.s32 $0x1000, s15;
	s17 =	sadd.s32 $0x100, s14  }
0x46: {  	[hbm4b:s17+s6] =	stream.strided.scatter [tilespmem:s16], [sflag:$0x4], $0x400, s12, s6, $0x38;
	[tilespmem:$0x18000] =	vst v63  }
.Ltmp0:
0x47: {  	s16 =	sadd.s32 $0x1400, s15;
	s17 =	sadd.s32 $0x140, s14;
	(pc) =	sbr.rel @p0 .LBB2_2-.Ltmp0, $4  }
0x48: {  	[hbm4b:s17+s6] =	stream.strided.scatter [tilespmem:s16], [sflag:$0x4], $0x400, s12, s6, $0x38;
	[tilespmem:$0x18000] =	vst v63  }
0x49: {  	s16 =	sadd.s32 $0x1800, s15;
	s17 =	sadd.s32 $0x180, s14  }
0x4a: {  	[hbm4b:s17+s6] =	stream.strided.scatter [tilespmem:s16], [sflag:$0x4], $0x400, s12, s6, $0x38;
	[tilespmem:$0x18000] =	vst v63  }
0x4b: {  	s15 =	sadd.s32 $0x1C00, s15;
	s16 =	sadd.s32 $0x1C0, s14;
	s14 =	sadd.s32 $0x1000, s14  }
0x4c: {  	[hbm4b:s16+s6] =	stream.strided.scatter [tilespmem:s15], [sflag:$0x4], $0x400, s12, s6, $0x38;
	[tilespmem:$0x18000] =	vst v63  }
0x4d: {  	s13 =	simm.s32 $0x0;
	s17 =	rddreg [dreg:$0x7]  }
0x4e: {  	[hbm4b:s17+s6] =	stream.strided.scatter [tilespmem:s13], [sflag:$0x5], $0x400, s12, s6, $0x38;
	[tilespmem:$0x18000] =	vst v63  }
0x4f: {  	s15 =	simm.s32 $0x400;
	s14 =	sadd.s32 $0x40, s17  }
0x50: {  	[hbm4b:s14+s6] =	stream.strided.scatter [tilespmem:s15], [sflag:$0x5], $0x400, s12, s6, $0x38;
	[tilespmem:$0x18000] =	vst v63  }
0x51: {  	s16 =	simm.s32 $0x800;
	s18 =	sadd.s32 $0x80, s17  }
0x52: {  	[hbm4b:s18+s6] =	stream.strided.scatter [tilespmem:s16], [sflag:$0x5], $0x400, s12, s6, $0x38;
	[tilespmem:$0x18000] =	vst v63  }
0x53: {  	s14 =	simm.s32 $0xC00;
	s15 =	sadd.s32 $0xC0, s17  }
0x54: {  	[hbm4b:s15+s6] =	stream.strided.scatter [tilespmem:s14], [sflag:$0x5], $0x400, s12, s6, $0x38;
	[tilespmem:$0x18000] =	vst v63  }
0x55: {  	s16 =	simm.s32 $0x1000;
	s18 =	sadd.s32 $0x100, s17  }
0x56: {  	[hbm4b:s18+s6] =	stream.strided.scatter [tilespmem:s16], [sflag:$0x5], $0x400, s12, s6, $0x38;
	[tilespmem:$0x18000] =	vst v63  }
0x57: {  	s14 =	simm.s32 $0x1400;
	s15 =	sadd.s32 $0x140, s17  }
0x58: {  	[hbm4b:s15+s6] =	stream.strided.scatter [tilespmem:s14], [sflag:$0x5], $0x400, s12, s6, $0x38;
	[tilespmem:$0x18000] =	vst v63  }
0x59: {  	s13 =	simm.s32 $0x8000;
	s16 =	simm.s32 $0x1800;
	s18 =	sadd.s32 $0x180, s17  }
0x5a: {  	[hbm4b:s18+s6] =	stream.strided.scatter [tilespmem:s16], [sflag:$0x5], $0x400, s12, s6, $0x38;
	[tilespmem:$0x18000] =	vst v63  }
0x5b: {  	s15 =	simm.s32 $0x1C00;
	s14 =	sadd.s32 $0x1000, s17;
	s16 =	sadd.s32 $0x1C0, s17  }
.LBB2_4:
0x5c: {  	[hbm4b:s16+s6] =	stream.strided.scatter [tilespmem:s15], [sflag:$0x5], $0x400, s12, s6, $0x38;
	[tilespmem:$0x18000] =	vst v63  }
0x5d: {  	s15 =	sshra.s32 s13, $0x2;
	p0 =	sne.s32 s13, $0x18000;
	s13 =	sadd.s32 $0x8000, s13  }
0x5e: {  	[hbm4b:s14+s6] =	stream.strided.scatter [tilespmem:s15], [sflag:$0x5], $0x400, s12, s6, $0x38;
	[tilespmem:$0x18000] =	vst v63  }
0x5f: {  	s17 =	sadd.s32 $0x40, s14;
	s16 =	sadd.s32 $0x400, s15  }
0x60: {  	[hbm4b:s17+s6] =	stream.strided.scatter [tilespmem:s16], [sflag:$0x5], $0x400, s12, s6, $0x38;
	[tilespmem:$0x18000] =	vst v63  }
0x61: {  	s16 =	sadd.s32 $0x800, s15;
	s17 =	sadd.s32 $0x80, s14  }
0x62: {  	[hbm4b:s17+s6] =	stream.strided.scatter [tilespmem:s16], [sflag:$0x5], $0x400, s12, s6, $0x38;
	[tilespmem:$0x18000] =	vst v63  }
0x63: {  	s16 =	sadd.s32 $0xC00, s15;
	s17 =	sadd.s32 $0xC0, s14  }
0x64: {  	[hbm4b:s17+s6] =	stream.strided.scatter [tilespmem:s16], [sflag:$0x5], $0x400, s12, s6, $0x38;
	[tilespmem:$0x18000] =	vst v63  }
0x65: {  	s16 =	sadd.s32 $0x1000, s15;
	s17 =	sadd.s32 $0x100, s14  }
0x66: {  	[hbm4b:s17+s6] =	stream.strided.scatter [tilespmem:s16], [sflag:$0x5], $0x400, s12, s6, $0x38;
	[tilespmem:$0x18000] =	vst v63  }
.Ltmp1:
0x67: {  	s16 =	sadd.s32 $0x1400, s15;
	s17 =	sadd.s32 $0x140, s14;
	(pc) =	sbr.rel @p0 .LBB2_4-.Ltmp1, $4  }
0x68: {  	[hbm4b:s17+s6] =	stream.strided.scatter [tilespmem:s16], [sflag:$0x5], $0x400, s12, s6, $0x38;
	[tilespmem:$0x18000] =	vst v63  }
0x69: {  	s16 =	sadd.s32 $0x1800, s15;
	s17 =	sadd.s32 $0x180, s14  }
0x6a: {  	[hbm4b:s17+s6] =	stream.strided.scatter [tilespmem:s16], [sflag:$0x5], $0x400, s12, s6, $0x38;
	[tilespmem:$0x18000] =	vst v63  }
0x6b: {  	s15 =	sadd.s32 $0x1C00, s15;
	s16 =	sadd.s32 $0x1C0, s14;
	s14 =	sadd.s32 $0x1000, s14  }
0x6c: {  	[hbm4b:s16+s6] =	stream.strided.scatter [tilespmem:s15], [sflag:$0x5], $0x400, s12, s6, $0x38;
	[tilespmem:$0x18000] =	vst v63  }
0x6d: {  	s13 =	simm.s32 $0x0;
	s17 =	rddreg [dreg:$0xd]  }
0x6e: {  	[hbm4b:s17+s6] =	stream.strided.scatter [tilespmem:s13], [sflag:$0x6], $0x400, s12, s6, $0x38;
	[tilespmem:$0x18000] =	vst v63  }
0x6f: {  	s15 =	simm.s32 $0x400;
	s14 =	sadd.s32 $0x40, s17  }
0x70: {  	[hbm4b:s14+s6] =	stream.strided.scatter [tilespmem:s15], [sflag:$0x6], $0x400, s12, s6, $0x38;
	[tilespmem:$0x18000] =	vst v63  }
0x71: {  	s16 =	simm.s32 $0x800;
	s18 =	sadd.s32 $0x80, s17  }
0x72: {  	[hbm4b:s18+s6] =	stream.strided.scatter [tilespmem:s16], [sflag:$0x6], $0x400, s12, s6, $0x38;
	[tilespmem:$0x18000] =	vst v63  }
0x73: {  	s14 =	simm.s32 $0xC00;
	s15 =	sadd.s32 $0xC0, s17  }
0x74: {  	[hbm4b:s15+s6] =	stream.strided.scatter [tilespmem:s14], [sflag:$0x6], $0x400, s12, s6, $0x38;
	[tilespmem:$0x18000] =	vst v63  }
0x75: {  	s16 =	simm.s32 $0x1000;
	s18 =	sadd.s32 $0x100, s17  }
0x76: {  	[hbm4b:s18+s6] =	stream.strided.scatter [tilespmem:s16], [sflag:$0x6], $0x400, s12, s6, $0x38;
	[tilespmem:$0x18000] =	vst v63  }
0x77: {  	s14 =	simm.s32 $0x1400;
	s15 =	sadd.s32 $0x140, s17  }
0x78: {  	[hbm4b:s15+s6] =	stream.strided.scatter [tilespmem:s14], [sflag:$0x6], $0x400, s12, s6, $0x38;
	[tilespmem:$0x18000] =	vst v63  }
0x79: {  	s13 =	simm.s32 $0x8000;
	s16 =	simm.s32 $0x1800;
	s18 =	sadd.s32 $0x180, s17  }
0x7a: {  	[hbm4b:s18+s6] =	stream.strided.scatter [tilespmem:s16], [sflag:$0x6], $0x400, s12, s6, $0x38;
	[tilespmem:$0x18000] =	vst v63  }
0x7b: {  	s15 =	simm.s32 $0x1C00;
	s14 =	sadd.s32 $0x1000, s17;
	s16 =	sadd.s32 $0x1C0, s17  }
.LBB2_6:
0x7c: {  	[hbm4b:s16+s6] =	stream.strided.scatter [tilespmem:s15], [sflag:$0x6], $0x400, s12, s6, $0x38;
	[tilespmem:$0x18000] =	vst v63  }
0x7d: {  	s15 =	sshra.s32 s13, $0x2;
	p0 =	sne.s32 s13, $0x18000;
	s13 =	sadd.s32 $0x8000, s13  }
0x7e: {  	[hbm4b:s14+s6] =	stream.strided.scatter [tilespmem:s15], [sflag:$0x6], $0x400, s12, s6, $0x38;
	[tilespmem:$0x18000] =	vst v63  }
0x7f: {  	s17 =	sadd.s32 $0x40, s14;
	s16 =	sadd.s32 $0x400, s15  }
0x80: {  	[hbm4b:s17+s6] =	stream.strided.scatter [tilespmem:s16], [sflag:$0x6], $0x400, s12, s6, $0x38;
	[tilespmem:$0x18000] =	vst v63  }
0x81: {  	s16 =	sadd.s32 $0x800, s15;
	s17 =	sadd.s32 $0x80, s14  }
0x82: {  	[hbm4b:s17+s6] =	stream.strided.scatter [tilespmem:s16], [sflag:$0x6], $0x400, s12, s6, $0x38;
	[tilespmem:$0x18000] =	vst v63  }
0x83: {  	s16 =	sadd.s32 $0xC00, s15;
	s17 =	sadd.s32 $0xC0, s14  }
0x84: {  	[hbm4b:s17+s6] =	stream.strided.scatter [tilespmem:s16], [sflag:$0x6], $0x400, s12, s6, $0x38;
	[tilespmem:$0x18000] =	vst v63  }
0x85: {  	s16 =	sadd.s32 $0x1000, s15;
	s17 =	sadd.s32 $0x100, s14  }
0x86: {  	[hbm4b:s17+s6] =	stream.strided.scatter [tilespmem:s16], [sflag:$0x6], $0x400, s12, s6, $0x38;
	[tilespmem:$0x18000] =	vst v63  }
.Ltmp2:
0x87: {  	s16 =	sadd.s32 $0x1400, s15;
	s17 =	sadd.s32 $0x140, s14;
	(pc) =	sbr.rel @p0 .LBB2_6-.Ltmp2, $4  }
0x88: {  	[hbm4b:s17+s6] =	stream.strided.scatter [tilespmem:s16], [sflag:$0x6], $0x400, s12, s6, $0x38;
	[tilespmem:$0x18000] =	vst v63  }
0x89: {  	s16 =	sadd.s32 $0x1800, s15;
	s17 =	sadd.s32 $0x180, s14  }
0x8a: {  	[hbm4b:s17+s6] =	stream.strided.scatter [tilespmem:s16], [sflag:$0x6], $0x400, s12, s6, $0x38;
	[tilespmem:$0x18000] =	vst v63  }
0x8b: {  	s15 =	sadd.s32 $0x1C00, s15;
	s16 =	sadd.s32 $0x1C0, s14;
	s14 =	sadd.s32 $0x1000, s14  }
0x8c: {  	[hbm4b:s16+s6] =	stream.strided.scatter [tilespmem:s15], [sflag:$0x6], $0x400, s12, s6, $0x38;
	[tilespmem:$0x18000] =	vst v63  }
0x8d: {  	s13 =	simm.s32 $0x0;
	s17 =	rddreg [dreg:$0xe]  }
0x8e: {  	[hbm4b:s17+s6] =	stream.strided.scatter [tilespmem:s13], [sflag:$0x7], $0x400, s12, s6, $0x38;
	[tilespmem:$0x18000] =	vst v63  }
0x8f: {  	s15 =	simm.s32 $0x400;
	s14 =	sadd.s32 $0x40, s17  }
0x90: {  	[hbm4b:s14+s6] =	stream.strided.scatter [tilespmem:s15], [sflag:$0x7], $0x400, s12, s6, $0x38;
	[tilespmem:$0x18000] =	vst v63  }
0x91: {  	s16 =	simm.s32 $0x800;
	s18 =	sadd.s32 $0x80, s17  }
0x92: {  	[hbm4b:s18+s6] =	stream.strided.scatter [tilespmem:s16], [sflag:$0x7], $0x400, s12, s6, $0x38;
	[tilespmem:$0x18000] =	vst v63  }
0x93: {  	s14 =	simm.s32 $0xC00;
	s15 =	sadd.s32 $0xC0, s17  }
0x94: {  	[hbm4b:s15+s6] =	stream.strided.scatter [tilespmem:s14], [sflag:$0x7], $0x400, s12, s6, $0x38;
	[tilespmem:$0x18000] =	vst v63  }
0x95: {  	s16 =	simm.s32 $0x1000;
	s18 =	sadd.s32 $0x100, s17  }
0x96: {  	[hbm4b:s18+s6] =	stream.strided.scatter [tilespmem:s16], [sflag:$0x7], $0x400, s12, s6, $0x38;
	[tilespmem:$0x18000] =	vst v63  }
0x97: {  	s14 =	simm.s32 $0x1400;
	s15 =	sadd.s32 $0x140, s17  }
0x98: {  	[hbm4b:s15+s6] =	stream.strided.scatter [tilespmem:s14], [sflag:$0x7], $0x400, s12, s6, $0x38;
	[tilespmem:$0x18000] =	vst v63  }
0x99: {  	s13 =	simm.s32 $0x8000;
	s16 =	simm.s32 $0x1800;
	s18 =	sadd.s32 $0x180, s17  }
0x9a: {  	[hbm4b:s18+s6] =	stream.strided.scatter [tilespmem:s16], [sflag:$0x7], $0x400, s12, s6, $0x38;
	[tilespmem:$0x18000] =	vst v63  }
0x9b: {  	s15 =	simm.s32 $0x1C00;
	s14 =	sadd.s32 $0x1000, s17;
	s16 =	sadd.s32 $0x1C0, s17  }
.LBB2_8:
0x9c: {  	[hbm4b:s16+s6] =	stream.strided.scatter [tilespmem:s15], [sflag:$0x7], $0x400, s12, s6, $0x38;
	[tilespmem:$0x18000] =	vst v63  }
0x9d: {  	s15 =	sshra.s32 s13, $0x2;
	p0 =	sne.s32 s13, $0x18000;
	s13 =	sadd.s32 $0x8000, s13  }
0x9e: {  	[hbm4b:s14+s6] =	stream.strided.scatter [tilespmem:s15], [sflag:$0x7], $0x400, s12, s6, $0x38;
	[tilespmem:$0x18000] =	vst v63  }
0x9f: {  	s17 =	sadd.s32 $0x40, s14;
	s16 =	sadd.s32 $0x400, s15  }
0xa0: {  	[hbm4b:s17+s6] =	stream.strided.scatter [tilespmem:s16], [sflag:$0x7], $0x400, s12, s6, $0x38;
	[tilespmem:$0x18000] =	vst v63  }
0xa1: {  	s16 =	sadd.s32 $0x800, s15;
	s17 =	sadd.s32 $0x80, s14  }
0xa2: {  	[hbm4b:s17+s6] =	stream.strided.scatter [tilespmem:s16], [sflag:$0x7], $0x400, s12, s6, $0x38;
	[tilespmem:$0x18000] =	vst v63  }
0xa3: {  	s16 =	sadd.s32 $0xC00, s15;
	s17 =	sadd.s32 $0xC0, s14  }
0xa4: {  	[hbm4b:s17+s6] =	stream.strided.scatter [tilespmem:s16], [sflag:$0x7], $0x400, s12, s6, $0x38;
	[tilespmem:$0x18000] =	vst v63  }
0xa5: {  	s16 =	sadd.s32 $0x1000, s15;
	s17 =	sadd.s32 $0x100, s14  }
0xa6: {  	[hbm4b:s17+s6] =	stream.strided.scatter [tilespmem:s16], [sflag:$0x7], $0x400, s12, s6, $0x38;
	[tilespmem:$0x18000] =	vst v63  }
.Ltmp3:
0xa7: {  	s16 =	sadd.s32 $0x1400, s15;
	s17 =	sadd.s32 $0x140, s14;
	(pc) =	sbr.rel @p0 .LBB2_8-.Ltmp3, $4  }
0xa8: {  	[hbm4b:s17+s6] =	stream.strided.scatter [tilespmem:s16], [sflag:$0x7], $0x400, s12, s6, $0x38;
	[tilespmem:$0x18000] =	vst v63  }
0xa9: {  	s16 =	sadd.s32 $0x1800, s15;
	s17 =	sadd.s32 $0x180, s14  }
0xaa: {  	[hbm4b:s17+s6] =	stream.strided.scatter [tilespmem:s16], [sflag:$0x7], $0x400, s12, s6, $0x38;
	[tilespmem:$0x18000] =	vst v63  }
0xab: {  	s15 =	sadd.s32 $0x1C00, s15;
	s16 =	sadd.s32 $0x1C0, s14;
	s14 =	sadd.s32 $0x1000, s14  }
0xac: {  	[hbm4b:s16+s6] =	stream.strided.scatter [tilespmem:s15], [sflag:$0x7], $0x400, s12, s6, $0x38;
	[tilespmem:$0x18000] =	vst v63  }
0xad: {  	s13 =	simm.s32 $0x2  }
0xae: {  	_ =	swait.ge [sflag:s13], $0x8000  }
0xaf: {  	[sflag:s13] =	ssyncset.done $0x0  }
0xb0: {  	s14 =	simm.s32 $0x8000;
	s18 =	rddreg [dreg:$0xf];
	[sflag:s13] =	ssyncadd.s32 $0xFFFF8000  }
0xb1: {  	[hbm4b:s18+s6] =	stream.strided.scatter [tilespmem:s14], [sflag:$0x8], $0x400, s12, s6, $0x38;
	[tilespmem:$0x18000] =	vst v63  }
0xb2: {  	s15 =	simm.s32 $0x8400;
	s14 =	sadd.s32 $0x40, s18  }
0xb3: {  	[hbm4b:s14+s6] =	stream.strided.scatter [tilespmem:s15], [sflag:$0x8], $0x400, s12, s6, $0x38;
	[tilespmem:$0x18000] =	vst v63  }
0xb4: {  	s16 =	simm.s32 $0x8800;
	s17 =	sadd.s32 $0x80, s18  }
0xb5: {  	[hbm4b:s17+s6] =	stream.strided.scatter [tilespmem:s16], [sflag:$0x8], $0x400, s12, s6, $0x38;
	[tilespmem:$0x18000] =	vst v63  }
0xb6: {  	s14 =	simm.s32 $0x8C00;
	s15 =	sadd.s32 $0xC0, s18  }
0xb7: {  	[hbm4b:s15+s6] =	stream.strided.scatter [tilespmem:s14], [sflag:$0x8], $0x400, s12, s6, $0x38;
	[tilespmem:$0x18000] =	vst v63  }
0xb8: {  	s16 =	simm.s32 $0x9000;
	s17 =	sadd.s32 $0x100, s18  }
0xb9: {  	[hbm4b:s17+s6] =	stream.strided.scatter [tilespmem:s16], [sflag:$0x8], $0x400, s12, s6, $0x38;
	[tilespmem:$0x18000] =	vst v63  }
0xba: {  	s13 =	simm.s32 $0x2000;
	s14 =	simm.s32 $0x9400;
	s15 =	sadd.s32 $0x140, s18  }
0xbb: {  	[hbm4b:s15+s6] =	stream.strided.scatter [tilespmem:s14], [sflag:$0x8], $0x400, s12, s6, $0x38;
	[tilespmem:$0x18000] =	vst v63  }
0xbc: {  	s16 =	simm.s32 $0x9800;
	s17 =	sadd.s32 $0x180, s18;
	s15 =	simm.s32 $0x10000  }
0xbd: {  	[hbm4b:s17+s6] =	stream.strided.scatter [tilespmem:s16], [sflag:$0x8], $0x400, s12, s6, $0x38;
	[tilespmem:$0x18000] =	vst v63  }
0xbe: {  	s14 =	sadd.s32 $0x1000, s18;
	s16 =	simm.s32 $0x9C00;
	s17 =	sadd.s32 $0x1C0, s18  }
.LBB2_10:
0xbf: {  	[hbm4b:s17+s6] =	stream.strided.scatter [tilespmem:s16], [sflag:$0x8], $0x400, s12, s6, $0x38;
	[tilespmem:$0x18000] =	vst v63  }
0xc0: {  	s16 =	smov.u32 s13;
	s13 =	smov.u32 s15  }
0xc1: {  	s18 =	sadd.s32 $0x8000, s15;
	s13 =	sshra.s32 s13, $0x2;
	s17 =	sadd.s32 $0x8000, s16  }
0xc2: {  	[hbm4b:s14+s6] =	stream.strided.scatter [tilespmem:s17], [sflag:$0x8], $0x400, s12, s6, $0x38;
	[tilespmem:$0x18000] =	vst v63  }
0xc3: {  	p0 =	sne.s32 s15, $0x18000;
	s15 =	sadd.s32 $0x8400, s16;
	s17 =	sadd.s32 $0x40, s14  }
0xc4: {  	[hbm4b:s17+s6] =	stream.strided.scatter [tilespmem:s15], [sflag:$0x8], $0x400, s12, s6, $0x38;
	[tilespmem:$0x18000] =	vst v63  }
0xc5: {  	s15 =	sadd.s32 $0x8800, s16;
	s17 =	sadd.s32 $0x80, s14  }
0xc6: {  	[hbm4b:s17+s6] =	stream.strided.scatter [tilespmem:s15], [sflag:$0x8], $0x400, s12, s6, $0x38;
	[tilespmem:$0x18000] =	vst v63  }
0xc7: {  	s15 =	sadd.s32 $0x8C00, s16;
	s17 =	sadd.s32 $0xC0, s14  }
0xc8: {  	[hbm4b:s17+s6] =	stream.strided.scatter [tilespmem:s15], [sflag:$0x8], $0x400, s12, s6, $0x38;
	[tilespmem:$0x18000] =	vst v63  }
0xc9: {  	s15 =	sadd.s32 $0x9000, s16;
	s17 =	sadd.s32 $0x100, s14  }
0xca: {  	[hbm4b:s17+s6] =	stream.strided.scatter [tilespmem:s15], [sflag:$0x8], $0x400, s12, s6, $0x38;
	[tilespmem:$0x18000] =	vst v63  }
.Ltmp4:
0xcb: {  	s15 =	sadd.s32 $0x9400, s16;
	s17 =	sadd.s32 $0x140, s14;
	(pc) =	sbr.rel @p0 .LBB2_10-.Ltmp4, $4  }
0xcc: {  	[hbm4b:s17+s6] =	stream.strided.scatter [tilespmem:s15], [sflag:$0x8], $0x400, s12, s6, $0x38;
	[tilespmem:$0x18000] =	vst v63  }
0xcd: {  	s15 =	sadd.s32 $0x9800, s16;
	s17 =	sadd.s32 $0x180, s14;
	s16 =	sadd.s32 $0x9C00, s16  }
0xce: {  	[hbm4b:s17+s6] =	stream.strided.scatter [tilespmem:s15], [sflag:$0x8], $0x400, s12, s6, $0x38;
	[tilespmem:$0x18000] =	vst v63  }
0xcf: {  	s17 =	sadd.s32 $0x1C0, s14;
	s14 =	sadd.s32 $0x1000, s14;
	s15 =	smov.u32 s18  }
0xd0: {  	[hbm4b:s17+s6] =	stream.strided.scatter [tilespmem:s16], [sflag:$0x8], $0x400, s12, s6, $0x38;
	[tilespmem:$0x18000] =	vst v63  }
0xd1: {  	s15 =	sadd.s32 $0x8000, s13  }
0xd2: {  	[hbm4b:s14+s6] =	stream.strided.scatter [tilespmem:s15], [sflag:$0x8], $0x400, s12, s6, $0x38;
	[tilespmem:$0x18000] =	vst v63  }
0xd3: {  	s17 =	sadd.s32 $0x8400, s13;
	s18 =	sadd.s32 $0x40, s14  }
0xd4: {  	[hbm4b:s18+s6] =	stream.strided.scatter [tilespmem:s17], [sflag:$0x8], $0x400, s12, s6, $0x38;
	[tilespmem:$0x18000] =	vst v63  }
0xd5: {  	s17 =	sadd.s32 $0x8800, s13;
	s18 =	sadd.s32 $0x80, s14  }
0xd6: {  	[hbm4b:s18+s6] =	stream.strided.scatter [tilespmem:s17], [sflag:$0x8], $0x400, s12, s6, $0x38;
	[tilespmem:$0x18000] =	vst v63  }
0xd7: {  	s17 =	sadd.s32 $0x8C00, s13;
	s18 =	sadd.s32 $0xC0, s14  }
0xd8: {  	[hbm4b:s18+s6] =	stream.strided.scatter [tilespmem:s17], [sflag:$0x8], $0x400, s12, s6, $0x38;
	[tilespmem:$0x18000] =	vst v63  }
0xd9: {  	s17 =	sadd.s32 $0x9000, s13;
	s18 =	sadd.s32 $0x100, s14  }
0xda: {  	[hbm4b:s18+s6] =	stream.strided.scatter [tilespmem:s17], [sflag:$0x8], $0x400, s12, s6, $0x38;
	[tilespmem:$0x18000] =	vst v63  }
0xdb: {  	s17 =	sadd.s32 $0x9400, s13;
	s18 =	sadd.s32 $0x140, s14  }
0xdc: {  	[hbm4b:s18+s6] =	stream.strided.scatter [tilespmem:s17], [sflag:$0x8], $0x400, s12, s6, $0x38;
	[tilespmem:$0x18000] =	vst v63  }
0xdd: {  	s17 =	sadd.s32 $0x9800, s13;
	s18 =	sadd.s32 $0x180, s14  }
0xde: {  	[hbm4b:s18+s6] =	stream.strided.scatter [tilespmem:s17], [sflag:$0x8], $0x400, s12, s6, $0x38;
	[tilespmem:$0x18000] =	vst v63  }
0xdf: {  	s16 =	sadd.s32 $0x1C0, s14;
	s15 =	sadd.s32 $0x9C00, s13  }
0xe0: {  	[hbm4b:s16+s6] =	stream.strided.scatter [tilespmem:s15], [sflag:$0x8], $0x400, s12, s6, $0x38;
	[tilespmem:$0x18000] =	vst v63  }
0xe1: {  	s17 =	simm.s32 $0x8000;
	s18 =	rddreg [dreg:$0x10]  }
0xe2: {  	[hbm4b:s18+s6] =	stream.strided.scatter [tilespmem:s17], [sflag:$0x9], $0x400, s12, s6, $0x38;
	[tilespmem:$0x18000] =	vst v63  }
0xe3: {  	s14 =	simm.s32 $0x8400;
	s15 =	sadd.s32 $0x40, s18  }
0xe4: {  	[hbm4b:s15+s6] =	stream.strided.scatter [tilespmem:s14], [sflag:$0x9], $0x400, s12, s6, $0x38;
	[tilespmem:$0x18000] =	vst v63  }
0xe5: {  	s16 =	simm.s32 $0x8800;
	s17 =	sadd.s32 $0x80, s18  }
0xe6: {  	[hbm4b:s17+s6] =	stream.strided.scatter [tilespmem:s16], [sflag:$0x9], $0x400, s12, s6, $0x38;
	[tilespmem:$0x18000] =	vst v63  }
0xe7: {  	s14 =	simm.s32 $0x8C00;
	s15 =	sadd.s32 $0xC0, s18  }
0xe8: {  	[hbm4b:s15+s6] =	stream.strided.scatter [tilespmem:s14], [sflag:$0x9], $0x400, s12, s6, $0x38;
	[tilespmem:$0x18000] =	vst v63  }
0xe9: {  	s16 =	simm.s32 $0x9000;
	s17 =	sadd.s32 $0x100, s18  }
0xea: {  	[hbm4b:s17+s6] =	stream.strided.scatter [tilespmem:s16], [sflag:$0x9], $0x400, s12, s6, $0x38;
	[tilespmem:$0x18000] =	vst v63  }
0xeb: {  	s13 =	simm.s32 $0x2000;
	s14 =	simm.s32 $0x9400;
	s15 =	sadd.s32 $0x140, s18  }
0xec: {  	[hbm4b:s15+s6] =	stream.strided.scatter [tilespmem:s14], [sflag:$0x9], $0x400, s12, s6, $0x38;
	[tilespmem:$0x18000] =	vst v63  }
0xed: {  	s16 =	simm.s32 $0x9800;
	s17 =	sadd.s32 $0x180, s18;
	s15 =	simm.s32 $0x10000  }
0xee: {  	[hbm4b:s17+s6] =	stream.strided.scatter [tilespmem:s16], [sflag:$0x9], $0x400, s12, s6, $0x38;
	[tilespmem:$0x18000] =	vst v63  }
0xef: {  	s14 =	sadd.s32 $0x1000, s18;
	s16 =	simm.s32 $0x9C00;
	s17 =	sadd.s32 $0x1C0, s18  }
.LBB2_12:
0xf0: {  	[hbm4b:s17+s6] =	stream.strided.scatter [tilespmem:s16], [sflag:$0x9], $0x400, s12, s6, $0x38;
	[tilespmem:$0x18000] =	vst v63  }
0xf1: {  	s16 =	smov.u32 s13;
	s13 =	smov.u32 s15  }
0xf2: {  	s18 =	sadd.s32 $0x8000, s15;
	s13 =	sshra.s32 s13, $0x2;
	s17 =	sadd.s32 $0x8000, s16  }
0xf3: {  	[hbm4b:s14+s6] =	stream.strided.scatter [tilespmem:s17], [sflag:$0x9], $0x400, s12, s6, $0x38;
	[tilespmem:$0x18000] =	vst v63  }
0xf4: {  	p0 =	sne.s32 s15, $0x18000;
	s15 =	sadd.s32 $0x8400, s16;
	s17 =	sadd.s32 $0x40, s14  }
0xf5: {  	[hbm4b:s17+s6] =	stream.strided.scatter [tilespmem:s15], [sflag:$0x9], $0x400, s12, s6, $0x38;
	[tilespmem:$0x18000] =	vst v63  }
0xf6: {  	s15 =	sadd.s32 $0x8800, s16;
	s17 =	sadd.s32 $0x80, s14  }
0xf7: {  	[hbm4b:s17+s6] =	stream.strided.scatter [tilespmem:s15], [sflag:$0x9], $0x400, s12, s6, $0x38;
	[tilespmem:$0x18000] =	vst v63  }
0xf8: {  	s15 =	sadd.s32 $0x8C00, s16;
	s17 =	sadd.s32 $0xC0, s14  }
0xf9: {  	[hbm4b:s17+s6] =	stream.strided.scatter [tilespmem:s15], [sflag:$0x9], $0x400, s12, s6, $0x38;
	[tilespmem:$0x18000] =	vst v63  }
0xfa: {  	s15 =	sadd.s32 $0x9000, s16;
	s17 =	sadd.s32 $0x100, s14  }
0xfb: {  	[hbm4b:s17+s6] =	stream.strided.scatter [tilespmem:s15], [sflag:$0x9], $0x400, s12, s6, $0x38;
	[tilespmem:$0x18000] =	vst v63  }
.Ltmp5:
0xfc: {  	s15 =	sadd.s32 $0x9400, s16;
	s17 =	sadd.s32 $0x140, s14;
	(pc) =	sbr.rel @p0 .LBB2_12-.Ltmp5, $4  }
0xfd: {  	[hbm4b:s17+s6] =	stream.strided.scatter [tilespmem:s15], [sflag:$0x9], $0x400, s12, s6, $0x38;
	[tilespmem:$0x18000] =	vst v63  }
0xfe: {  	s15 =	sadd.s32 $0x9800, s16;
	s17 =	sadd.s32 $0x180, s14;
	s16 =	sadd.s32 $0x9C00, s16  }
0xff: {  	[hbm4b:s17+s6] =	stream.strided.scatter [tilespmem:s15], [sflag:$0x9], $0x400, s12, s6, $0x38;
	[tilespmem:$0x18000] =	vst v63  }
0x100: {  	s17 =	sadd.s32 $0x1C0, s14;
	s14 =	sadd.s32 $0x1000, s14;
	s15 =	smov.u32 s18  }
0x101: {  	[hbm4b:s17+s6] =	stream.strided.scatter [tilespmem:s16], [sflag:$0x9], $0x400, s12, s6, $0x38;
	[tilespmem:$0x18000] =	vst v63  }
0x102: {  	s15 =	sadd.s32 $0x8000, s13  }
0x103: {  	[hbm4b:s14+s6] =	stream.strided.scatter [tilespmem:s15], [sflag:$0x9], $0x400, s12, s6, $0x38;
	[tilespmem:$0x18000] =	vst v63  }
0x104: {  	s17 =	sadd.s32 $0x8400, s13;
	s18 =	sadd.s32 $0x40, s14  }
0x105: {  	[hbm4b:s18+s6] =	stream.strided.scatter [tilespmem:s17], [sflag:$0x9], $0x400, s12, s6, $0x38;
	[tilespmem:$0x18000] =	vst v63  }
0x106: {  	s17 =	sadd.s32 $0x8800, s13;
	s18 =	sadd.s32 $0x80, s14  }
0x107: {  	[hbm4b:s18+s6] =	stream.strided.scatter [tilespmem:s17], [sflag:$0x9], $0x400, s12, s6, $0x38;
	[tilespmem:$0x18000] =	vst v63  }
0x108: {  	s17 =	sadd.s32 $0x8C00, s13;
	s18 =	sadd.s32 $0xC0, s14  }
0x109: {  	[hbm4b:s18+s6] =	stream.strided.scatter [tilespmem:s17], [sflag:$0x9], $0x400, s12, s6, $0x38;
	[tilespmem:$0x18000] =	vst v63  }
0x10a: {  	s17 =	sadd.s32 $0x9000, s13;
	s18 =	sadd.s32 $0x100, s14  }
0x10b: {  	[hbm4b:s18+s6] =	stream.strided.scatter [tilespmem:s17], [sflag:$0x9], $0x400, s12, s6, $0x38;
	[tilespmem:$0x18000] =	vst v63  }
0x10c: {  	s17 =	sadd.s32 $0x9400, s13;
	s18 =	sadd.s32 $0x140, s14  }
0x10d: {  	[hbm4b:s18+s6] =	stream.strided.scatter [tilespmem:s17], [sflag:$0x9], $0x400, s12, s6, $0x38;
	[tilespmem:$0x18000] =	vst v63  }
0x10e: {  	s17 =	sadd.s32 $0x9800, s13;
	s18 =	sadd.s32 $0x180, s14  }
0x10f: {  	[hbm4b:s18+s6] =	stream.strided.scatter [tilespmem:s17], [sflag:$0x9], $0x400, s12, s6, $0x38;
	[tilespmem:$0x18000] =	vst v63  }
0x110: {  	s16 =	sadd.s32 $0x1C0, s14;
	s15 =	sadd.s32 $0x9C00, s13  }
0x111: {  	[hbm4b:s16+s6] =	stream.strided.scatter [tilespmem:s15], [sflag:$0x9], $0x400, s12, s6, $0x38;
	[tilespmem:$0x18000] =	vst v63  }
0x112: {  	s17 =	simm.s32 $0x8000;
	s18 =	rddreg [dreg:$0x11]  }
0x113: {  	[hbm4b:s18+s6] =	stream.strided.scatter [tilespmem:s17], [sflag:$0xA], $0x400, s12, s6, $0x38;
	[tilespmem:$0x18000] =	vst v63  }
0x114: {  	s14 =	simm.s32 $0x8400;
	s15 =	sadd.s32 $0x40, s18  }
0x115: {  	[hbm4b:s15+s6] =	stream.strided.scatter [tilespmem:s14], [sflag:$0xA], $0x400, s12, s6, $0x38;
	[tilespmem:$0x18000] =	vst v63  }
0x116: {  	s16 =	simm.s32 $0x8800;
	s17 =	sadd.s32 $0x80, s18  }
0x117: {  	[hbm4b:s17+s6] =	stream.strided.scatter [tilespmem:s16], [sflag:$0xA], $0x400, s12, s6, $0x38;
	[tilespmem:$0x18000] =	vst v63  }
0x118: {  	s14 =	simm.s32 $0x8C00;
	s15 =	sadd.s32 $0xC0, s18  }
0x119: {  	[hbm4b:s15+s6] =	stream.strided.scatter [tilespmem:s14], [sflag:$0xA], $0x400, s12, s6, $0x38;
	[tilespmem:$0x18000] =	vst v63  }
0x11a: {  	s16 =	simm.s32 $0x9000;
	s17 =	sadd.s32 $0x100, s18  }
0x11b: {  	[hbm4b:s17+s6] =	stream.strided.scatter [tilespmem:s16], [sflag:$0xA], $0x400, s12, s6, $0x38;
	[tilespmem:$0x18000] =	vst v63  }
0x11c: {  	s13 =	simm.s32 $0x2000;
	s14 =	simm.s32 $0x9400;
	s15 =	sadd.s32 $0x140, s18  }
0x11d: {  	[hbm4b:s15+s6] =	stream.strided.scatter [tilespmem:s14], [sflag:$0xA], $0x400, s12, s6, $0x38;
	[tilespmem:$0x18000] =	vst v63  }
0x11e: {  	s16 =	simm.s32 $0x9800;
	s17 =	sadd.s32 $0x180, s18;
	s15 =	simm.s32 $0x10000  }
0x11f: {  	[hbm4b:s17+s6] =	stream.strided.scatter [tilespmem:s16], [sflag:$0xA], $0x400, s12, s6, $0x38;
	[tilespmem:$0x18000] =	vst v63  }
0x120: {  	s14 =	sadd.s32 $0x1000, s18;
	s16 =	simm.s32 $0x9C00;
	s17 =	sadd.s32 $0x1C0, s18  }
.LBB2_14:
0x121: {  	[hbm4b:s17+s6] =	stream.strided.scatter [tilespmem:s16], [sflag:$0xA], $0x400, s12, s6, $0x38;
	[tilespmem:$0x18000] =	vst v63  }
0x122: {  	s16 =	smov.u32 s13;
	s13 =	smov.u32 s15  }
0x123: {  	s18 =	sadd.s32 $0x8000, s15;
	s13 =	sshra.s32 s13, $0x2;
	s17 =	sadd.s32 $0x8000, s16  }
0x124: {  	[hbm4b:s14+s6] =	stream.strided.scatter [tilespmem:s17], [sflag:$0xA], $0x400, s12, s6, $0x38;
	[tilespmem:$0x18000] =	vst v63  }
0x125: {  	p0 =	sne.s32 s15, $0x18000;
	s15 =	sadd.s32 $0x8400, s16;
	s17 =	sadd.s32 $0x40, s14  }
0x126: {  	[hbm4b:s17+s6] =	stream.strided.scatter [tilespmem:s15], [sflag:$0xA], $0x400, s12, s6, $0x38;
	[tilespmem:$0x18000] =	vst v63  }
0x127: {  	s15 =	sadd.s32 $0x8800, s16;
	s17 =	sadd.s32 $0x80, s14  }
0x128: {  	[hbm4b:s17+s6] =	stream.strided.scatter [tilespmem:s15], [sflag:$0xA], $0x400, s12, s6, $0x38;
	[tilespmem:$0x18000] =	vst v63  }
0x129: {  	s15 =	sadd.s32 $0x8C00, s16;
	s17 =	sadd.s32 $0xC0, s14  }
0x12a: {  	[hbm4b:s17+s6] =	stream.strided.scatter [tilespmem:s15], [sflag:$0xA], $0x400, s12, s6, $0x38;
	[tilespmem:$0x18000] =	vst v63  }
0x12b: {  	s15 =	sadd.s32 $0x9000, s16;
	s17 =	sadd.s32 $0x100, s14  }
0x12c: {  	[hbm4b:s17+s6] =	stream.strided.scatter [tilespmem:s15], [sflag:$0xA], $0x400, s12, s6, $0x38;
	[tilespmem:$0x18000] =	vst v63  }
.Ltmp6:
0x12d: {  	s15 =	sadd.s32 $0x9400, s16;
	s17 =	sadd.s32 $0x140, s14;
	(pc) =	sbr.rel @p0 .LBB2_14-.Ltmp6, $4  }
0x12e: {  	[hbm4b:s17+s6] =	stream.strided.scatter [tilespmem:s15], [sflag:$0xA], $0x400, s12, s6, $0x38;
	[tilespmem:$0x18000] =	vst v63  }
0x12f: {  	s15 =	sadd.s32 $0x9800, s16;
	s17 =	sadd.s32 $0x180, s14;
	s16 =	sadd.s32 $0x9C00, s16  }
0x130: {  	[hbm4b:s17+s6] =	stream.strided.scatter [tilespmem:s15], [sflag:$0xA], $0x400, s12, s6, $0x38;
	[tilespmem:$0x18000] =	vst v63  }
0x131: {  	s17 =	sadd.s32 $0x1C0, s14;
	s14 =	sadd.s32 $0x1000, s14;
	s15 =	smov.u32 s18  }
0x132: {  	[hbm4b:s17+s6] =	stream.strided.scatter [tilespmem:s16], [sflag:$0xA], $0x400, s12, s6, $0x38;
	[tilespmem:$0x18000] =	vst v63  }
0x133: {  	s15 =	sadd.s32 $0x8000, s13  }
0x134: {  	[hbm4b:s14+s6] =	stream.strided.scatter [tilespmem:s15], [sflag:$0xA], $0x400, s12, s6, $0x38;
	[tilespmem:$0x18000] =	vst v63  }
0x135: {  	s17 =	sadd.s32 $0x8400, s13;
	s18 =	sadd.s32 $0x40, s14  }
0x136: {  	[hbm4b:s18+s6] =	stream.strided.scatter [tilespmem:s17], [sflag:$0xA], $0x400, s12, s6, $0x38;
	[tilespmem:$0x18000] =	vst v63  }
0x137: {  	s17 =	sadd.s32 $0x8800, s13;
	s18 =	sadd.s32 $0x80, s14  }
0x138: {  	[hbm4b:s18+s6] =	stream.strided.scatter [tilespmem:s17], [sflag:$0xA], $0x400, s12, s6, $0x38;
	[tilespmem:$0x18000] =	vst v63  }
0x139: {  	s17 =	sadd.s32 $0x8C00, s13;
	s18 =	sadd.s32 $0xC0, s14  }
0x13a: {  	[hbm4b:s18+s6] =	stream.strided.scatter [tilespmem:s17], [sflag:$0xA], $0x400, s12, s6, $0x38;
	[tilespmem:$0x18000] =	vst v63  }
0x13b: {  	s17 =	sadd.s32 $0x9000, s13;
	s18 =	sadd.s32 $0x100, s14  }
0x13c: {  	[hbm4b:s18+s6] =	stream.strided.scatter [tilespmem:s17], [sflag:$0xA], $0x400, s12, s6, $0x38;
	[tilespmem:$0x18000] =	vst v63  }
0x13d: {  	s17 =	sadd.s32 $0x9400, s13;
	s18 =	sadd.s32 $0x140, s14  }
0x13e: {  	[hbm4b:s18+s6] =	stream.strided.scatter [tilespmem:s17], [sflag:$0xA], $0x400, s12, s6, $0x38;
	[tilespmem:$0x18000] =	vst v63  }
0x13f: {  	s17 =	sadd.s32 $0x9800, s13;
	s18 =	sadd.s32 $0x180, s14  }
0x140: {  	[hbm4b:s18+s6] =	stream.strided.scatter [tilespmem:s17], [sflag:$0xA], $0x400, s12, s6, $0x38;
	[tilespmem:$0x18000] =	vst v63  }
0x141: {  	s16 =	sadd.s32 $0x1C0, s14;
	s15 =	sadd.s32 $0x9C00, s13  }
0x142: {  	[hbm4b:s16+s6] =	stream.strided.scatter [tilespmem:s15], [sflag:$0xA], $0x400, s12, s6, $0x38;
	[tilespmem:$0x18000] =	vst v63  }
0x143: {  	s17 =	simm.s32 $0x8000;
	s18 =	rddreg [dreg:$0x12]  }
0x144: {  	[hbm4b:s18+s6] =	stream.strided.scatter [tilespmem:s17], [sflag:$0xB], $0x400, s12, s6, $0x38;
	[tilespmem:$0x18000] =	vst v63  }
0x145: {  	s14 =	simm.s32 $0x8400;
	s15 =	sadd.s32 $0x40, s18  }
0x146: {  	[hbm4b:s15+s6] =	stream.strided.scatter [tilespmem:s14], [sflag:$0xB], $0x400, s12, s6, $0x38;
	[tilespmem:$0x18000] =	vst v63  }
0x147: {  	s16 =	simm.s32 $0x8800;
	s17 =	sadd.s32 $0x80, s18  }
0x148: {  	[hbm4b:s17+s6] =	stream.strided.scatter [tilespmem:s16], [sflag:$0xB], $0x400, s12, s6, $0x38;
	[tilespmem:$0x18000] =	vst v63  }
0x149: {  	s14 =	simm.s32 $0x8C00;
	s15 =	sadd.s32 $0xC0, s18  }
0x14a: {  	[hbm4b:s15+s6] =	stream.strided.scatter [tilespmem:s14], [sflag:$0xB], $0x400, s12, s6, $0x38;
	[tilespmem:$0x18000] =	vst v63  }
0x14b: {  	s16 =	simm.s32 $0x9000;
	s17 =	sadd.s32 $0x100, s18  }
0x14c: {  	[hbm4b:s17+s6] =	stream.strided.scatter [tilespmem:s16], [sflag:$0xB], $0x400, s12, s6, $0x38;
	[tilespmem:$0x18000] =	vst v63  }
0x14d: {  	s13 =	simm.s32 $0x2000;
	s14 =	simm.s32 $0x9400;
	s15 =	sadd.s32 $0x140, s18  }
0x14e: {  	[hbm4b:s15+s6] =	stream.strided.scatter [tilespmem:s14], [sflag:$0xB], $0x400, s12, s6, $0x38;
	[tilespmem:$0x18000] =	vst v63  }
0x14f: {  	s16 =	simm.s32 $0x9800;
	s17 =	sadd.s32 $0x180, s18;
	s15 =	simm.s32 $0x10000  }
0x150: {  	[hbm4b:s17+s6] =	stream.strided.scatter [tilespmem:s16], [sflag:$0xB], $0x400, s12, s6, $0x38;
	[tilespmem:$0x18000] =	vst v63  }
0x151: {  	s14 =	sadd.s32 $0x1000, s18;
	s16 =	simm.s32 $0x9C00;
	s17 =	sadd.s32 $0x1C0, s18  }
.LBB2_16:
0x152: {  	[hbm4b:s17+s6] =	stream.strided.scatter [tilespmem:s16], [sflag:$0xB], $0x400, s12, s6, $0x38;
	[tilespmem:$0x18000] =	vst v63  }
0x153: {  	s16 =	smov.u32 s13;
	s13 =	smov.u32 s15  }
0x154: {  	s18 =	sadd.s32 $0x8000, s15;
	s13 =	sshra.s32 s13, $0x2;
	s17 =	sadd.s32 $0x8000, s16  }
0x155: {  	[hbm4b:s14+s6] =	stream.strided.scatter [tilespmem:s17], [sflag:$0xB], $0x400, s12, s6, $0x38;
	[tilespmem:$0x18000] =	vst v63  }
0x156: {  	p0 =	sne.s32 s15, $0x18000;
	s15 =	sadd.s32 $0x8400, s16;
	s17 =	sadd.s32 $0x40, s14  }
0x157: {  	[hbm4b:s17+s6] =	stream.strided.scatter [tilespmem:s15], [sflag:$0xB], $0x400, s12, s6, $0x38;
	[tilespmem:$0x18000] =	vst v63  }
0x158: {  	s15 =	sadd.s32 $0x8800, s16;
	s17 =	sadd.s32 $0x80, s14  }
0x159: {  	[hbm4b:s17+s6] =	stream.strided.scatter [tilespmem:s15], [sflag:$0xB], $0x400, s12, s6, $0x38;
	[tilespmem:$0x18000] =	vst v63  }
0x15a: {  	s15 =	sadd.s32 $0x8C00, s16;
	s17 =	sadd.s32 $0xC0, s14  }
0x15b: {  	[hbm4b:s17+s6] =	stream.strided.scatter [tilespmem:s15], [sflag:$0xB], $0x400, s12, s6, $0x38;
	[tilespmem:$0x18000] =	vst v63  }
0x15c: {  	s15 =	sadd.s32 $0x9000, s16;
	s17 =	sadd.s32 $0x100, s14  }
0x15d: {  	[hbm4b:s17+s6] =	stream.strided.scatter [tilespmem:s15], [sflag:$0xB], $0x400, s12, s6, $0x38;
	[tilespmem:$0x18000] =	vst v63  }
.Ltmp7:
0x15e: {  	s15 =	sadd.s32 $0x9400, s16;
	s17 =	sadd.s32 $0x140, s14;
	(pc) =	sbr.rel @p0 .LBB2_16-.Ltmp7, $4  }
0x15f: {  	[hbm4b:s17+s6] =	stream.strided.scatter [tilespmem:s15], [sflag:$0xB], $0x400, s12, s6, $0x38;
	[tilespmem:$0x18000] =	vst v63  }
0x160: {  	s15 =	sadd.s32 $0x9800, s16;
	s17 =	sadd.s32 $0x180, s14;
	s16 =	sadd.s32 $0x9C00, s16  }
0x161: {  	[hbm4b:s17+s6] =	stream.strided.scatter [tilespmem:s15], [sflag:$0xB], $0x400, s12, s6, $0x38;
	[tilespmem:$0x18000] =	vst v63  }
0x162: {  	s17 =	sadd.s32 $0x1C0, s14;
	s14 =	sadd.s32 $0x1000, s14;
	s15 =	smov.u32 s18  }
0x163: {  	[hbm4b:s17+s6] =	stream.strided.scatter [tilespmem:s16], [sflag:$0xB], $0x400, s12, s6, $0x38;
	[tilespmem:$0x18000] =	vst v63  }
0x164: {  	s15 =	sadd.s32 $0x8000, s13  }
0x165: {  	[hbm4b:s14+s6] =	stream.strided.scatter [tilespmem:s15], [sflag:$0xB], $0x400, s12, s6, $0x38;
	[tilespmem:$0x18000] =	vst v63  }
0x166: {  	s17 =	sadd.s32 $0x8400, s13;
	s18 =	sadd.s32 $0x40, s14  }
0x167: {  	[hbm4b:s18+s6] =	stream.strided.scatter [tilespmem:s17], [sflag:$0xB], $0x400, s12, s6, $0x38;
	[tilespmem:$0x18000] =	vst v63  }
0x168: {  	s17 =	sadd.s32 $0x8800, s13;
	s18 =	sadd.s32 $0x80, s14  }
0x169: {  	[hbm4b:s18+s6] =	stream.strided.scatter [tilespmem:s17], [sflag:$0xB], $0x400, s12, s6, $0x38;
	[tilespmem:$0x18000] =	vst v63  }
0x16a: {  	s17 =	sadd.s32 $0x8C00, s13;
	s18 =	sadd.s32 $0xC0, s14  }
0x16b: {  	[hbm4b:s18+s6] =	stream.strided.scatter [tilespmem:s17], [sflag:$0xB], $0x400, s12, s6, $0x38;
	[tilespmem:$0x18000] =	vst v63  }
0x16c: {  	s17 =	sadd.s32 $0x9000, s13;
	s18 =	sadd.s32 $0x100, s14  }
0x16d: {  	[hbm4b:s18+s6] =	stream.strided.scatter [tilespmem:s17], [sflag:$0xB], $0x400, s12, s6, $0x38;
	[tilespmem:$0x18000] =	vst v63  }
0x16e: {  	s17 =	sadd.s32 $0x9400, s13;
	s18 =	sadd.s32 $0x140, s14  }
0x16f: {  	[hbm4b:s18+s6] =	stream.strided.scatter [tilespmem:s17], [sflag:$0xB], $0x400, s12, s6, $0x38;
	[tilespmem:$0x18000] =	vst v63  }
0x170: {  	s16 =	sadd.s32 $0x9800, s13;
	s17 =	sadd.s32 $0x180, s14  }
0x171: {  	[hbm4b:s17+s6] =	stream.strided.scatter [tilespmem:s16], [sflag:$0xB], $0x400, s12, s6, $0x38;
	[tilespmem:$0x18000] =	vst v63  }
0x172: {  	s15 =	sadd.s32 $0x1C0, s14;
	s18 =	sadd.s32 $0x9C00, s13;
	s16 =	simm.s32 $0x3  }
0x173: {  	[hbm4b:s15+s6] =	stream.strided.scatter [tilespmem:s18], [sflag:$0xB], $0x400, s12, s6, $0x38;
	[tilespmem:$0x18000] =	vst v63  }
0x174: {  	_ =	swait.ge [sflag:s16], $0x8000  }
0x175: {  	[sflag:s16] =	ssyncset.done $0x0  }
0x176: {  	s17 =	simm.s32 $0x10000;
	s18 =	rddreg [dreg:$0x13];
	[sflag:s16] =	ssyncadd.s32 $0xFFFF8000  }
0x177: {  	[hbm4b:s18+s6] =	stream.strided.scatter [tilespmem:s17], [sflag:$0xC], $0x400, s12, s6, $0x38;
	[tilespmem:$0x18000] =	vst v63  }
0x178: {  	s14 =	simm.s32 $0x10400;
	s15 =	sadd.s32 $0x40, s18  }
0x179: {  	[hbm4b:s15+s6] =	stream.strided.scatter [tilespmem:s14], [sflag:$0xC], $0x400, s12, s6, $0x38;
	[tilespmem:$0x18000] =	vst v63  }
0x17a: {  	s16 =	simm.s32 $0x10800;
	s17 =	sadd.s32 $0x80, s18  }
0x17b: {  	[hbm4b:s17+s6] =	stream.strided.scatter [tilespmem:s16], [sflag:$0xC], $0x400, s12, s6, $0x38;
	[tilespmem:$0x18000] =	vst v63  }
0x17c: {  	s14 =	simm.s32 $0x10C00;
	s15 =	sadd.s32 $0xC0, s18  }
0x17d: {  	[hbm4b:s15+s6] =	stream.strided.scatter [tilespmem:s14], [sflag:$0xC], $0x400, s12, s6, $0x38;
	[tilespmem:$0x18000] =	vst v63  }
0x17e: {  	s16 =	simm.s32 $0x11000;
	s17 =	sadd.s32 $0x100, s18  }
0x17f: {  	[hbm4b:s17+s6] =	stream.strided.scatter [tilespmem:s16], [sflag:$0xC], $0x400, s12, s6, $0x38;
	[tilespmem:$0x18000] =	vst v63  }
0x180: {  	s13 =	simm.s32 $0x2000;
	s14 =	simm.s32 $0x11400;
	s15 =	sadd.s32 $0x140, s18  }
0x181: {  	[hbm4b:s15+s6] =	stream.strided.scatter [tilespmem:s14], [sflag:$0xC], $0x400, s12, s6, $0x38;
	[tilespmem:$0x18000] =	vst v63  }
0x182: {  	s16 =	simm.s32 $0x11800;
	s17 =	sadd.s32 $0x180, s18;
	s15 =	simm.s32 $0x10000  }
0x183: {  	[hbm4b:s17+s6] =	stream.strided.scatter [tilespmem:s16], [sflag:$0xC], $0x400, s12, s6, $0x38;
	[tilespmem:$0x18000] =	vst v63  }
0x184: {  	s14 =	sadd.s32 $0x1000, s18;
	s16 =	simm.s32 $0x11C00;
	s17 =	sadd.s32 $0x1C0, s18  }
.LBB2_18:
0x185: {  	[hbm4b:s17+s6] =	stream.strided.scatter [tilespmem:s16], [sflag:$0xC], $0x400, s12, s6, $0x38;
	[tilespmem:$0x18000] =	vst v63  }
0x186: {  	s16 =	smov.u32 s13;
	s13 =	smov.u32 s15  }
0x187: {  	s18 =	sadd.s32 $0x8000, s15;
	s13 =	sshra.s32 s13, $0x2;
	s17 =	sadd.s32 $0x10000, s16  }
0x188: {  	[hbm4b:s14+s6] =	stream.strided.scatter [tilespmem:s17], [sflag:$0xC], $0x400, s12, s6, $0x38;
	[tilespmem:$0x18000] =	vst v63  }
0x189: {  	p0 =	sne.s32 s15, $0x18000;
	s15 =	sadd.s32 $0x10400, s16;
	s17 =	sadd.s32 $0x40, s14  }
0x18a: {  	[hbm4b:s17+s6] =	stream.strided.scatter [tilespmem:s15], [sflag:$0xC], $0x400, s12, s6, $0x38;
	[tilespmem:$0x18000] =	vst v63  }
0x18b: {  	s15 =	sadd.s32 $0x10800, s16;
	s17 =	sadd.s32 $0x80, s14  }
0x18c: {  	[hbm4b:s17+s6] =	stream.strided.scatter [tilespmem:s15], [sflag:$0xC], $0x400, s12, s6, $0x38;
	[tilespmem:$0x18000] =	vst v63  }
0x18d: {  	s15 =	sadd.s32 $0x10C00, s16;
	s17 =	sadd.s32 $0xC0, s14  }
0x18e: {  	[hbm4b:s17+s6] =	stream.strided.scatter [tilespmem:s15], [sflag:$0xC], $0x400, s12, s6, $0x38;
	[tilespmem:$0x18000] =	vst v63  }
0x18f: {  	s15 =	sadd.s32 $0x11000, s16;
	s17 =	sadd.s32 $0x100, s14  }
0x190: {  	[hbm4b:s17+s6] =	stream.strided.scatter [tilespmem:s15], [sflag:$0xC], $0x400, s12, s6, $0x38;
	[tilespmem:$0x18000] =	vst v63  }
.Ltmp8:
0x191: {  	s15 =	sadd.s32 $0x11400, s16;
	s17 =	sadd.s32 $0x140, s14;
	(pc) =	sbr.rel @p0 .LBB2_18-.Ltmp8, $4  }
0x192: {  	[hbm4b:s17+s6] =	stream.strided.scatter [tilespmem:s15], [sflag:$0xC], $0x400, s12, s6, $0x38;
	[tilespmem:$0x18000] =	vst v63  }
0x193: {  	s15 =	sadd.s32 $0x11800, s16;
	s17 =	sadd.s32 $0x180, s14;
	s16 =	sadd.s32 $0x11C00, s16  }
0x194: {  	[hbm4b:s17+s6] =	stream.strided.scatter [tilespmem:s15], [sflag:$0xC], $0x400, s12, s6, $0x38;
	[tilespmem:$0x18000] =	vst v63  }
0x195: {  	s17 =	sadd.s32 $0x1C0, s14;
	s14 =	sadd.s32 $0x1000, s14;
	s15 =	smov.u32 s18  }
0x196: {  	[hbm4b:s17+s6] =	stream.strided.scatter [tilespmem:s16], [sflag:$0xC], $0x400, s12, s6, $0x38;
	[tilespmem:$0x18000] =	vst v63  }
0x197: {  	s15 =	sadd.s32 $0x10000, s13  }
0x198: {  	[hbm4b:s14+s6] =	stream.strided.scatter [tilespmem:s15], [sflag:$0xC], $0x400, s12, s6, $0x38;
	[tilespmem:$0x18000] =	vst v63  }
0x199: {  	s17 =	sadd.s32 $0x10400, s13;
	s18 =	sadd.s32 $0x40, s14  }
0x19a: {  	[hbm4b:s18+s6] =	stream.strided.scatter [tilespmem:s17], [sflag:$0xC], $0x400, s12, s6, $0x38;
	[tilespmem:$0x18000] =	vst v63  }
0x19b: {  	s17 =	sadd.s32 $0x10800, s13;
	s18 =	sadd.s32 $0x80, s14  }
0x19c: {  	[hbm4b:s18+s6] =	stream.strided.scatter [tilespmem:s17], [sflag:$0xC], $0x400, s12, s6, $0x38;
	[tilespmem:$0x18000] =	vst v63  }
0x19d: {  	s17 =	sadd.s32 $0x10C00, s13;
	s18 =	sadd.s32 $0xC0, s14  }
0x19e: {  	[hbm4b:s18+s6] =	stream.strided.scatter [tilespmem:s17], [sflag:$0xC], $0x400, s12, s6, $0x38;
	[tilespmem:$0x18000] =	vst v63  }
0x19f: {  	s17 =	sadd.s32 $0x11000, s13;
	s18 =	sadd.s32 $0x100, s14  }
0x1a0: {  	[hbm4b:s18+s6] =	stream.strided.scatter [tilespmem:s17], [sflag:$0xC], $0x400, s12, s6, $0x38;
	[tilespmem:$0x18000] =	vst v63  }
0x1a1: {  	s17 =	sadd.s32 $0x11400, s13;
	s18 =	sadd.s32 $0x140, s14  }
0x1a2: {  	[hbm4b:s18+s6] =	stream.strided.scatter [tilespmem:s17], [sflag:$0xC], $0x400, s12, s6, $0x38;
	[tilespmem:$0x18000] =	vst v63  }
0x1a3: {  	s17 =	sadd.s32 $0x11800, s13;
	s18 =	sadd.s32 $0x180, s14  }
0x1a4: {  	[hbm4b:s18+s6] =	stream.strided.scatter [tilespmem:s17], [sflag:$0xC], $0x400, s12, s6, $0x38;
	[tilespmem:$0x18000] =	vst v63  }
0x1a5: {  	s17 =	sadd.s32 $0x11C00, s13;
	s18 =	sadd.s32 $0x1C0, s14  }
0x1a6: {  	[hbm4b:s18+s6] =	stream.strided.scatter [tilespmem:s17], [sflag:$0xC], $0x400, s12, s6, $0x38;
	[tilespmem:$0x18000] =	vst v63  }
0x1a7: {  	s14 =	simm.s32 $0x10000  }
0x1a8: {  	[hbm4b:s19+s6] =	stream.strided.scatter [tilespmem:s14], [sflag:$0xD], $0x400, s12, s6, $0x38;
	[tilespmem:$0x18000] =	vst v63  }
0x1a9: {  	s16 =	sadd.s32 $0x40, s19;
	s15 =	simm.s32 $0x10400  }
0x1aa: {  	[hbm4b:s16+s6] =	stream.strided.scatter [tilespmem:s15], [sflag:$0xD], $0x400, s12, s6, $0x38;
	[tilespmem:$0x18000] =	vst v63  }
0x1ab: {  	s17 =	simm.s32 $0x10800;
	s18 =	sadd.s32 $0x80, s19  }
0x1ac: {  	[hbm4b:s18+s6] =	stream.strided.scatter [tilespmem:s17], [sflag:$0xD], $0x400, s12, s6, $0x38;
	[tilespmem:$0x18000] =	vst v63  }
0x1ad: {  	s15 =	simm.s32 $0x10C00;
	s16 =	sadd.s32 $0xC0, s19  }
0x1ae: {  	[hbm4b:s16+s6] =	stream.strided.scatter [tilespmem:s15], [sflag:$0xD], $0x400, s12, s6, $0x38;
	[tilespmem:$0x18000] =	vst v63  }
0x1af: {  	s17 =	simm.s32 $0x11000;
	s18 =	sadd.s32 $0x100, s19  }
0x1b0: {  	[hbm4b:s18+s6] =	stream.strided.scatter [tilespmem:s17], [sflag:$0xD], $0x400, s12, s6, $0x38;
	[tilespmem:$0x18000] =	vst v63  }
0x1b1: {  	s13 =	simm.s32 $0x2000;
	s15 =	simm.s32 $0x11400;
	s16 =	sadd.s32 $0x140, s19  }
0x1b2: {  	[hbm4b:s16+s6] =	stream.strided.scatter [tilespmem:s15], [sflag:$0xD], $0x400, s12, s6, $0x38;
	[tilespmem:$0x18000] =	vst v63  }
0x1b3: {  	s14 =	sadd.s32 $0x1000, s19;
	s17 =	simm.s32 $0x11800;
	s18 =	sadd.s32 $0x180, s19  }
0x1b4: {  	[hbm4b:s18+s6] =	stream.strided.scatter [tilespmem:s17], [sflag:$0xD], $0x400, s12, s6, $0x38;
	[tilespmem:$0x18000] =	vst v63  }
0x1b5: {  	s15 =	simm.s32 $0x10000;
	s16 =	simm.s32 $0x11C00;
	s17 =	sadd.s32 $0x1C0, s19  }
.LBB2_20:
0x1b6: {  	[hbm4b:s17+s6] =	stream.strided.scatter [tilespmem:s16], [sflag:$0xD], $0x400, s12, s6, $0x38;
	[tilespmem:$0x18000] =	vst v63  }
0x1b7: {  	s16 =	smov.u32 s13;
	s13 =	smov.u32 s15  }
0x1b8: {  	s18 =	sadd.s32 $0x8000, s15;
	s13 =	sshra.s32 s13, $0x2;
	s17 =	sadd.s32 $0x10000, s16  }
0x1b9: {  	[hbm4b:s14+s6] =	stream.strided.scatter [tilespmem:s17], [sflag:$0xD], $0x400, s12, s6, $0x38;
	[tilespmem:$0x18000] =	vst v63  }
0x1ba: {  	p0 =	sne.s32 s15, $0x18000;
	s15 =	sadd.s32 $0x10400, s16;
	s17 =	sadd.s32 $0x40, s14  }
0x1bb: {  	[hbm4b:s17+s6] =	stream.strided.scatter [tilespmem:s15], [sflag:$0xD], $0x400, s12, s6, $0x38;
	[tilespmem:$0x18000] =	vst v63  }
0x1bc: {  	s15 =	sadd.s32 $0x10800, s16;
	s17 =	sadd.s32 $0x80, s14  }
0x1bd: {  	[hbm4b:s17+s6] =	stream.strided.scatter [tilespmem:s15], [sflag:$0xD], $0x400, s12, s6, $0x38;
	[tilespmem:$0x18000] =	vst v63  }
0x1be: {  	s15 =	sadd.s32 $0x10C00, s16;
	s17 =	sadd.s32 $0xC0, s14  }
0x1bf: {  	[hbm4b:s17+s6] =	stream.strided.scatter [tilespmem:s15], [sflag:$0xD], $0x400, s12, s6, $0x38;
	[tilespmem:$0x18000] =	vst v63  }
0x1c0: {  	s15 =	sadd.s32 $0x11000, s16;
	s17 =	sadd.s32 $0x100, s14  }
0x1c1: {  	[hbm4b:s17+s6] =	stream.strided.scatter [tilespmem:s15], [sflag:$0xD], $0x400, s12, s6, $0x38;
	[tilespmem:$0x18000] =	vst v63  }
.Ltmp9:
0x1c2: {  	s15 =	sadd.s32 $0x11400, s16;
	s17 =	sadd.s32 $0x140, s14;
	(pc) =	sbr.rel @p0 .LBB2_20-.Ltmp9, $4  }
0x1c3: {  	[hbm4b:s17+s6] =	stream.strided.scatter [tilespmem:s15], [sflag:$0xD], $0x400, s12, s6, $0x38;
	[tilespmem:$0x18000] =	vst v63  }
0x1c4: {  	s15 =	sadd.s32 $0x11800, s16;
	s17 =	sadd.s32 $0x180, s14;
	s16 =	sadd.s32 $0x11C00, s16  }
0x1c5: {  	[hbm4b:s17+s6] =	stream.strided.scatter [tilespmem:s15], [sflag:$0xD], $0x400, s12, s6, $0x38;
	[tilespmem:$0x18000] =	vst v63  }
0x1c6: {  	s17 =	sadd.s32 $0x1C0, s14;
	s14 =	sadd.s32 $0x1000, s14;
	s15 =	smov.u32 s18  }
0x1c7: {  	[hbm4b:s17+s6] =	stream.strided.scatter [tilespmem:s16], [sflag:$0xD], $0x400, s12, s6, $0x38;
	[tilespmem:$0x18000] =	vst v63  }
0x1c8: {  	s15 =	sadd.s32 $0x10000, s13  }
0x1c9: {  	[hbm4b:s14+s6] =	stream.strided.scatter [tilespmem:s15], [sflag:$0xD], $0x400, s12, s6, $0x38;
	[tilespmem:$0x18000] =	vst v63  }
0x1ca: {  	s17 =	sadd.s32 $0x10400, s13;
	s18 =	sadd.s32 $0x40, s14  }
0x1cb: {  	[hbm4b:s18+s6] =	stream.strided.scatter [tilespmem:s17], [sflag:$0xD], $0x400, s12, s6, $0x38;
	[tilespmem:$0x18000] =	vst v63  }
0x1cc: {  	s17 =	sadd.s32 $0x10800, s13;
	s18 =	sadd.s32 $0x80, s14  }
0x1cd: {  	[hbm4b:s18+s6] =	stream.strided.scatter [tilespmem:s17], [sflag:$0xD], $0x400, s12, s6, $0x38;
	[tilespmem:$0x18000] =	vst v63  }
0x1ce: {  	s17 =	sadd.s32 $0x10C00, s13;
	s18 =	sadd.s32 $0xC0, s14  }
0x1cf: {  	[hbm4b:s18+s6] =	stream.strided.scatter [tilespmem:s17], [sflag:$0xD], $0x400, s12, s6, $0x38;
	[tilespmem:$0x18000] =	vst v63  }
0x1d0: {  	s17 =	sadd.s32 $0x11000, s13;
	s18 =	sadd.s32 $0x100, s14  }
0x1d1: {  	[hbm4b:s18+s6] =	stream.strided.scatter [tilespmem:s17], [sflag:$0xD], $0x400, s12, s6, $0x38;
	[tilespmem:$0x18000] =	vst v63  }
0x1d2: {  	s17 =	sadd.s32 $0x11400, s13;
	s18 =	sadd.s32 $0x140, s14  }
0x1d3: {  	[hbm4b:s18+s6] =	stream.strided.scatter [tilespmem:s17], [sflag:$0xD], $0x400, s12, s6, $0x38;
	[tilespmem:$0x18000] =	vst v63  }
0x1d4: {  	s17 =	sadd.s32 $0x11800, s13;
	s18 =	sadd.s32 $0x180, s14  }
0x1d5: {  	[hbm4b:s18+s6] =	stream.strided.scatter [tilespmem:s17], [sflag:$0xD], $0x400, s12, s6, $0x38;
	[tilespmem:$0x18000] =	vst v63  }
0x1d6: {  	s17 =	sadd.s32 $0x11C00, s13;
	s18 =	sadd.s32 $0x1C0, s14  }
0x1d7: {  	[hbm4b:s18+s6] =	stream.strided.scatter [tilespmem:s17], [sflag:$0xD], $0x400, s12, s6, $0x38;
	[tilespmem:$0x18000] =	vst v63  }
0x1d8: {  	s14 =	simm.s32 $0x10000  }
0x1d9: {  	[hbm4b:s20+s6] =	stream.strided.scatter [tilespmem:s14], [sflag:$0xE], $0x400, s12, s6, $0x38;
	[tilespmem:$0x18000] =	vst v63  }
0x1da: {  	s16 =	sadd.s32 $0x40, s20;
	s15 =	simm.s32 $0x10400  }
0x1db: {  	[hbm4b:s16+s6] =	stream.strided.scatter [tilespmem:s15], [sflag:$0xE], $0x400, s12, s6, $0x38;
	[tilespmem:$0x18000] =	vst v63  }
0x1dc: {  	s17 =	simm.s32 $0x10800;
	s18 =	sadd.s32 $0x80, s20  }
0x1dd: {  	[hbm4b:s18+s6] =	stream.strided.scatter [tilespmem:s17], [sflag:$0xE], $0x400, s12, s6, $0x38;
	[tilespmem:$0x18000] =	vst v63  }
0x1de: {  	s15 =	simm.s32 $0x10C00;
	s16 =	sadd.s32 $0xC0, s20  }
0x1df: {  	[hbm4b:s16+s6] =	stream.strided.scatter [tilespmem:s15], [sflag:$0xE], $0x400, s12, s6, $0x38;
	[tilespmem:$0x18000] =	vst v63  }
0x1e0: {  	s17 =	simm.s32 $0x11000;
	s18 =	sadd.s32 $0x100, s20  }
0x1e1: {  	[hbm4b:s18+s6] =	stream.strided.scatter [tilespmem:s17], [sflag:$0xE], $0x400, s12, s6, $0x38;
	[tilespmem:$0x18000] =	vst v63  }
0x1e2: {  	s13 =	simm.s32 $0x2000;
	s15 =	simm.s32 $0x11400;
	s16 =	sadd.s32 $0x140, s20  }
0x1e3: {  	[hbm4b:s16+s6] =	stream.strided.scatter [tilespmem:s15], [sflag:$0xE], $0x400, s12, s6, $0x38;
	[tilespmem:$0x18000] =	vst v63  }
0x1e4: {  	s14 =	sadd.s32 $0x1000, s20;
	s17 =	simm.s32 $0x11800;
	s18 =	sadd.s32 $0x180, s20  }
0x1e5: {  	[hbm4b:s18+s6] =	stream.strided.scatter [tilespmem:s17], [sflag:$0xE], $0x400, s12, s6, $0x38;
	[tilespmem:$0x18000] =	vst v63  }
0x1e6: {  	s15 =	simm.s32 $0x10000;
	s16 =	simm.s32 $0x11C00;
	s17 =	sadd.s32 $0x1C0, s20  }
.LBB2_22:
0x1e7: {  	[hbm4b:s17+s6] =	stream.strided.scatter [tilespmem:s16], [sflag:$0xE], $0x400, s12, s6, $0x38;
	[tilespmem:$0x18000] =	vst v63  }
0x1e8: {  	s16 =	smov.u32 s13;
	s13 =	smov.u32 s15  }
0x1e9: {  	s18 =	sadd.s32 $0x8000, s15;
	s13 =	sshra.s32 s13, $0x2;
	s17 =	sadd.s32 $0x10000, s16  }
0x1ea: {  	[hbm4b:s14+s6] =	stream.strided.scatter [tilespmem:s17], [sflag:$0xE], $0x400, s12, s6, $0x38;
	[tilespmem:$0x18000] =	vst v63  }
0x1eb: {  	p0 =	sne.s32 s15, $0x18000;
	s15 =	sadd.s32 $0x10400, s16;
	s17 =	sadd.s32 $0x40, s14  }
0x1ec: {  	[hbm4b:s17+s6] =	stream.strided.scatter [tilespmem:s15], [sflag:$0xE], $0x400, s12, s6, $0x38;
	[tilespmem:$0x18000] =	vst v63  }
0x1ed: {  	s15 =	sadd.s32 $0x10800, s16;
	s17 =	sadd.s32 $0x80, s14  }
0x1ee: {  	[hbm4b:s17+s6] =	stream.strided.scatter [tilespmem:s15], [sflag:$0xE], $0x400, s12, s6, $0x38;
	[tilespmem:$0x18000] =	vst v63  }
0x1ef: {  	s15 =	sadd.s32 $0x10C00, s16;
	s17 =	sadd.s32 $0xC0, s14  }
0x1f0: {  	[hbm4b:s17+s6] =	stream.strided.scatter [tilespmem:s15], [sflag:$0xE], $0x400, s12, s6, $0x38;
	[tilespmem:$0x18000] =	vst v63  }
0x1f1: {  	s15 =	sadd.s32 $0x11000, s16;
	s17 =	sadd.s32 $0x100, s14  }
0x1f2: {  	[hbm4b:s17+s6] =	stream.strided.scatter [tilespmem:s15], [sflag:$0xE], $0x400, s12, s6, $0x38;
	[tilespmem:$0x18000] =	vst v63  }
.Ltmp10:
0x1f3: {  	s15 =	sadd.s32 $0x11400, s16;
	s17 =	sadd.s32 $0x140, s14;
	(pc) =	sbr.rel @p0 .LBB2_22-.Ltmp10, $4  }
0x1f4: {  	[hbm4b:s17+s6] =	stream.strided.scatter [tilespmem:s15], [sflag:$0xE], $0x400, s12, s6, $0x38;
	[tilespmem:$0x18000] =	vst v63  }
0x1f5: {  	s15 =	sadd.s32 $0x11800, s16;
	s17 =	sadd.s32 $0x180, s14;
	s16 =	sadd.s32 $0x11C00, s16  }
0x1f6: {  	[hbm4b:s17+s6] =	stream.strided.scatter [tilespmem:s15], [sflag:$0xE], $0x400, s12, s6, $0x38;
	[tilespmem:$0x18000] =	vst v63  }
0x1f7: {  	s17 =	sadd.s32 $0x1C0, s14;
	s14 =	sadd.s32 $0x1000, s14;
	s15 =	smov.u32 s18  }
0x1f8: {  	[hbm4b:s17+s6] =	stream.strided.scatter [tilespmem:s16], [sflag:$0xE], $0x400, s12, s6, $0x38;
	[tilespmem:$0x18000] =	vst v63  }
0x1f9: {  	s15 =	sadd.s32 $0x10000, s13  }
0x1fa: {  	[hbm4b:s14+s6] =	stream.strided.scatter [tilespmem:s15], [sflag:$0xE], $0x400, s12, s6, $0x38;
	[tilespmem:$0x18000] =	vst v63  }
0x1fb: {  	s17 =	sadd.s32 $0x10400, s13;
	s18 =	sadd.s32 $0x40, s14  }
0x1fc: {  	[hbm4b:s18+s6] =	stream.strided.scatter [tilespmem:s17], [sflag:$0xE], $0x400, s12, s6, $0x38;
	[tilespmem:$0x18000] =	vst v63  }
0x1fd: {  	s17 =	sadd.s32 $0x10800, s13;
	s18 =	sadd.s32 $0x80, s14  }
0x1fe: {  	[hbm4b:s18+s6] =	stream.strided.scatter [tilespmem:s17], [sflag:$0xE], $0x400, s12, s6, $0x38;
	[tilespmem:$0x18000] =	vst v63  }
0x1ff: {  	s17 =	sadd.s32 $0x10C00, s13;
	s18 =	sadd.s32 $0xC0, s14  }
0x200: {  	[hbm4b:s18+s6] =	stream.strided.scatter [tilespmem:s17], [sflag:$0xE], $0x400, s12, s6, $0x38;
	[tilespmem:$0x18000] =	vst v63  }
0x201: {  	s17 =	sadd.s32 $0x11000, s13;
	s18 =	sadd.s32 $0x100, s14  }
0x202: {  	[hbm4b:s18+s6] =	stream.strided.scatter [tilespmem:s17], [sflag:$0xE], $0x400, s12, s6, $0x38;
	[tilespmem:$0x18000] =	vst v63  }
0x203: {  	s17 =	sadd.s32 $0x11400, s13;
	s18 =	sadd.s32 $0x140, s14  }
0x204: {  	[hbm4b:s18+s6] =	stream.strided.scatter [tilespmem:s17], [sflag:$0xE], $0x400, s12, s6, $0x38;
	[tilespmem:$0x18000] =	vst v63  }
0x205: {  	s17 =	sadd.s32 $0x11800, s13;
	s18 =	sadd.s32 $0x180, s14  }
0x206: {  	[hbm4b:s18+s6] =	stream.strided.scatter [tilespmem:s17], [sflag:$0xE], $0x400, s12, s6, $0x38;
	[tilespmem:$0x18000] =	vst v63  }
0x207: {  	s17 =	sadd.s32 $0x11C00, s13;
	s18 =	sadd.s32 $0x1C0, s14  }
0x208: {  	[hbm4b:s18+s6] =	stream.strided.scatter [tilespmem:s17], [sflag:$0xE], $0x400, s12, s6, $0x38;
	[tilespmem:$0x18000] =	vst v63  }
0x209: {  	s14 =	simm.s32 $0x10000  }
0x20a: {  	[hbm4b:s21+s6] =	stream.strided.scatter [tilespmem:s14], [sflag:$0xF], $0x400, s12, s6, $0x38;
	[tilespmem:$0x18000] =	vst v63  }
0x20b: {  	s16 =	sadd.s32 $0x40, s21;
	s15 =	simm.s32 $0x10400  }
0x20c: {  	[hbm4b:s16+s6] =	stream.strided.scatter [tilespmem:s15], [sflag:$0xF], $0x400, s12, s6, $0x38;
	[tilespmem:$0x18000] =	vst v63  }
0x20d: {  	s17 =	simm.s32 $0x10800;
	s18 =	sadd.s32 $0x80, s21  }
0x20e: {  	[hbm4b:s18+s6] =	stream.strided.scatter [tilespmem:s17], [sflag:$0xF], $0x400, s12, s6, $0x38;
	[tilespmem:$0x18000] =	vst v63  }
0x20f: {  	s15 =	simm.s32 $0x10C00;
	s16 =	sadd.s32 $0xC0, s21  }
0x210: {  	[hbm4b:s16+s6] =	stream.strided.scatter [tilespmem:s15], [sflag:$0xF], $0x400, s12, s6, $0x38;
	[tilespmem:$0x18000] =	vst v63  }
0x211: {  	s17 =	simm.s32 $0x11000;
	s18 =	sadd.s32 $0x100, s21  }
0x212: {  	[hbm4b:s18+s6] =	stream.strided.scatter [tilespmem:s17], [sflag:$0xF], $0x400, s12, s6, $0x38;
	[tilespmem:$0x18000] =	vst v63  }
0x213: {  	s13 =	simm.s32 $0x2000;
	s15 =	simm.s32 $0x11400;
	s16 =	sadd.s32 $0x140, s21  }
0x214: {  	[hbm4b:s16+s6] =	stream.strided.scatter [tilespmem:s15], [sflag:$0xF], $0x400, s12, s6, $0x38;
	[tilespmem:$0x18000] =	vst v63  }
0x215: {  	s14 =	sadd.s32 $0x1000, s21;
	s17 =	simm.s32 $0x11800;
	s18 =	sadd.s32 $0x180, s21  }
0x216: {  	[hbm4b:s18+s6] =	stream.strided.scatter [tilespmem:s17], [sflag:$0xF], $0x400, s12, s6, $0x38;
	[tilespmem:$0x18000] =	vst v63  }
0x217: {  	s15 =	simm.s32 $0x10000;
	s16 =	simm.s32 $0x11C00;
	s17 =	sadd.s32 $0x1C0, s21  }
.LBB2_24:
0x218: {  	[hbm4b:s17+s6] =	stream.strided.scatter [tilespmem:s16], [sflag:$0xF], $0x400, s12, s6, $0x38;
	[tilespmem:$0x18000] =	vst v63  }
0x219: {  	s16 =	smov.u32 s13;
	s13 =	smov.u32 s15  }
0x21a: {  	s18 =	sadd.s32 $0x8000, s15;
	s13 =	sshra.s32 s13, $0x2;
	s17 =	sadd.s32 $0x10000, s16  }
0x21b: {  	[hbm4b:s14+s6] =	stream.strided.scatter [tilespmem:s17], [sflag:$0xF], $0x400, s12, s6, $0x38;
	[tilespmem:$0x18000] =	vst v63  }
0x21c: {  	p0 =	sne.s32 s15, $0x18000;
	s15 =	sadd.s32 $0x10400, s16;
	s17 =	sadd.s32 $0x40, s14  }
0x21d: {  	[hbm4b:s17+s6] =	stream.strided.scatter [tilespmem:s15], [sflag:$0xF], $0x400, s12, s6, $0x38;
	[tilespmem:$0x18000] =	vst v63  }
0x21e: {  	s15 =	sadd.s32 $0x10800, s16;
	s17 =	sadd.s32 $0x80, s14  }
0x21f: {  	[hbm4b:s17+s6] =	stream.strided.scatter [tilespmem:s15], [sflag:$0xF], $0x400, s12, s6, $0x38;
	[tilespmem:$0x18000] =	vst v63  }
0x220: {  	s15 =	sadd.s32 $0x10C00, s16;
	s17 =	sadd.s32 $0xC0, s14  }
0x221: {  	[hbm4b:s17+s6] =	stream.strided.scatter [tilespmem:s15], [sflag:$0xF], $0x400, s12, s6, $0x38;
	[tilespmem:$0x18000] =	vst v63  }
0x222: {  	s15 =	sadd.s32 $0x11000, s16;
	s17 =	sadd.s32 $0x100, s14  }
0x223: {  	[hbm4b:s17+s6] =	stream.strided.scatter [tilespmem:s15], [sflag:$0xF], $0x400, s12, s6, $0x38;
	[tilespmem:$0x18000] =	vst v63  }
.Ltmp11:
0x224: {  	s15 =	sadd.s32 $0x11400, s16;
	s17 =	sadd.s32 $0x140, s14;
	(pc) =	sbr.rel @p0 .LBB2_24-.Ltmp11, $4  }
0x225: {  	[hbm4b:s17+s6] =	stream.strided.scatter [tilespmem:s15], [sflag:$0xF], $0x400, s12, s6, $0x38;
	[tilespmem:$0x18000] =	vst v63  }
0x226: {  	s15 =	sadd.s32 $0x11800, s16;
	s17 =	sadd.s32 $0x180, s14;
	s16 =	sadd.s32 $0x11C00, s16  }
0x227: {  	[hbm4b:s17+s6] =	stream.strided.scatter [tilespmem:s15], [sflag:$0xF], $0x400, s12, s6, $0x38;
	[tilespmem:$0x18000] =	vst v63  }
0x228: {  	s17 =	sadd.s32 $0x1C0, s14;
	s14 =	sadd.s32 $0x1000, s14;
	s15 =	smov.u32 s18  }
0x229: {  	[hbm4b:s17+s6] =	stream.strided.scatter [tilespmem:s16], [sflag:$0xF], $0x400, s12, s6, $0x38;
	[tilespmem:$0x18000] =	vst v63  }
0x22a: {  	s15 =	sadd.s32 $0x10000, s13  }
0x22b: {  	[hbm4b:s14+s6] =	stream.strided.scatter [tilespmem:s15], [sflag:$0xF], $0x400, s12, s6, $0x38;
	[tilespmem:$0x18000] =	vst v63  }
0x22c: {  	s17 =	sadd.s32 $0x10400, s13;
	s18 =	sadd.s32 $0x40, s14  }
0x22d: {  	[hbm4b:s18+s6] =	stream.strided.scatter [tilespmem:s17], [sflag:$0xF], $0x400, s12, s6, $0x38;
	[tilespmem:$0x18000] =	vst v63  }
0x22e: {  	s17 =	sadd.s32 $0x10800, s13;
	s18 =	sadd.s32 $0x80, s14  }
0x22f: {  	[hbm4b:s18+s6] =	stream.strided.scatter [tilespmem:s17], [sflag:$0xF], $0x400, s12, s6, $0x38;
	[tilespmem:$0x18000] =	vst v63  }
0x230: {  	s17 =	sadd.s32 $0x10C00, s13;
	s18 =	sadd.s32 $0xC0, s14  }
0x231: {  	[hbm4b:s18+s6] =	stream.strided.scatter [tilespmem:s17], [sflag:$0xF], $0x400, s12, s6, $0x38;
	[tilespmem:$0x18000] =	vst v63  }
0x232: {  	s17 =	sadd.s32 $0x11000, s13;
	s18 =	sadd.s32 $0x100, s14  }
0x233: {  	[hbm4b:s18+s6] =	stream.strided.scatter [tilespmem:s17], [sflag:$0xF], $0x400, s12, s6, $0x38;
	[tilespmem:$0x18000] =	vst v63  }
0x234: {  	s17 =	sadd.s32 $0x11400, s13;
	s18 =	sadd.s32 $0x140, s14  }
0x235: {  	[hbm4b:s18+s6] =	stream.strided.scatter [tilespmem:s17], [sflag:$0xF], $0x400, s12, s6, $0x38;
	[tilespmem:$0x18000] =	vst v63  }
0x236: {  	s17 =	sadd.s32 $0x11800, s13;
	s18 =	sadd.s32 $0x180, s14  }
0x237: {  	[hbm4b:s18+s6] =	stream.strided.scatter [tilespmem:s17], [sflag:$0xF], $0x400, s12, s6, $0x38;
	[tilespmem:$0x18000] =	vst v63  }
0x238: {  	s16 =	sadd.s32 $0x1C0, s14;
	s15 =	sadd.s32 $0x11C00, s13;
	s17 =	simm.s32 $0x4  }
0x239: {  	[hbm4b:s16+s6] =	stream.strided.scatter [tilespmem:s15], [sflag:$0xF], $0x400, s12, s6, $0x38;
	[tilespmem:$0x18000] =	vst v63  }
0x23a: {  	_ =	swait.ge [sflag:s17], $0x8000  }
0x23b: {  	[sflag:s17] =	ssyncset.done $0x0  }
0x23c: {  	s18 =	simm.s32 $0x5;
	[sflag:s17] =	ssyncadd.s32 $0xFFFF8000  }
0x23d: {  	_ =	swait.ge [sflag:s18], $0x8000  }
0x23e: {  	[sflag:s18] =	ssyncset.done $0x0  }
0x23f: {  	s14 =	simm.s32 $0x6;
	[sflag:s18] =	ssyncadd.s32 $0xFFFF8000  }
0x240: {  	_ =	swait.ge [sflag:s14], $0x8000  }
0x241: {  	[sflag:s14] =	ssyncset.done $0x0  }
0x242: {  	s15 =	simm.s32 $0x7;
	[sflag:s14] =	ssyncadd.s32 $0xFFFF8000  }
0x243: {  	_ =	swait.ge [sflag:s15], $0x8000  }
0x244: {  	s16 =	simm.s32 $0x0;
	[sflag:s15] =	ssyncset.done $0x0  }
0x245: {  	s18 =	simm.s32 $0x1;
	s17 =	rddreg [dreg:$0x8];
	[sflag:s15] =	ssyncadd.s32 $0xFFFF8000  }
0x246: {  	[tilespmem:s16], [sflag:$0x1] =	stream.linear.gather [hbm4b:s17+s16], $0x8000, $0x38;
	[tilespmem:$0x18000] =	vst v63  }
0x247: {  	_ =	swait.ge [sflag:s18], $0x8000  }
0x248: {  	[sflag:s18] =	ssyncset.done $0x0  }
0x249: {  	s14 =	simm.s32 $0x0;
	[sflag:s18] =	ssyncadd.s32 $0xFFFF8000  }
0x24a: {  	[hbm4b:s22+s6] =	stream.strided.scatter [tilespmem:s14], [sflag:$0x4], $0x400, s12, s6, $0x38;
	[tilespmem:$0x18000] =	vst v63  }
0x24b: {  	s15 =	simm.s32 $0x400;
	s16 =	sadd.s32 $0x40, s22  }
0x24c: {  	[hbm4b:s16+s6] =	stream.strided.scatter [tilespmem:s15], [sflag:$0x4], $0x400, s12, s6, $0x38;
	[tilespmem:$0x18000] =	vst v63  }
0x24d: {  	s17 =	simm.s32 $0x800;
	s18 =	sadd.s32 $0x80, s22  }
0x24e: {  	[hbm4b:s18+s6] =	stream.strided.scatter [tilespmem:s17], [sflag:$0x4], $0x400, s12, s6, $0x38;
	[tilespmem:$0x18000] =	vst v63  }
0x24f: {  	s13 =	simm.s32 $0x8000;
	s15 =	simm.s32 $0xC00;
	s16 =	sadd.s32 $0xC0, s22  }
0x250: {  	[hbm4b:s16+s6] =	stream.strided.scatter [tilespmem:s15], [sflag:$0x4], $0x400, s12, s6, $0x38;
	[tilespmem:$0x18000] =	vst v63  }
0x251: {  	s14 =	sadd.s32 $0x1000, s22;
	s17 =	simm.s32 $0x1000;
	s18 =	sadd.s32 $0x100, s22  }
0x252: {  	[hbm4b:s18+s6] =	stream.strided.scatter [tilespmem:s17], [sflag:$0x4], $0x400, s12, s6, $0x38;
	[tilespmem:$0x18000] =	vst v63  }
0x253: {  	s15 =	simm.s32 $0x1400;
	s16 =	sadd.s32 $0x140, s22;
	s17 =	simm.s32 $0x1800  }
0x254: {  	[hbm4b:s16+s6] =	stream.strided.scatter [tilespmem:s15], [sflag:$0x4], $0x400, s12, s6, $0x38;
	[tilespmem:$0x18000] =	vst v63  }
0x255: {  	s18 =	sadd.s32 $0x180, s22;
	s15 =	simm.s32 $0x1C00;
	s16 =	sadd.s32 $0x1C0, s22  }
0x256: {  	[hbm4b:s18+s6] =	stream.strided.scatter [tilespmem:s17], [sflag:$0x4], $0x400, s12, s6, $0x38;
	[tilespmem:$0x18000] =	vst v63  }
.LBB2_26:
0x257: {  	[hbm4b:s16+s6] =	stream.strided.scatter [tilespmem:s15], [sflag:$0x4], $0x400, s12, s6, $0x38;
	[tilespmem:$0x18000] =	vst v63  }
0x258: {  	s15 =	sshra.s32 s13, $0x2;
	p0 =	sne.s32 s13, $0x18000;
	s13 =	sadd.s32 $0x8000, s13  }
0x259: {  	[hbm4b:s14+s6] =	stream.strided.scatter [tilespmem:s15], [sflag:$0x4], $0x400, s12, s6, $0x38;
	[tilespmem:$0x18000] =	vst v63  }
0x25a: {  	s17 =	sadd.s32 $0x40, s14;
	s16 =	sadd.s32 $0x400, s15  }
0x25b: {  	[hbm4b:s17+s6] =	stream.strided.scatter [tilespmem:s16], [sflag:$0x4], $0x400, s12, s6, $0x38;
	[tilespmem:$0x18000] =	vst v63  }
0x25c: {  	s16 =	sadd.s32 $0x800, s15;
	s17 =	sadd.s32 $0x80, s14  }
0x25d: {  	[hbm4b:s17+s6] =	stream.strided.scatter [tilespmem:s16], [sflag:$0x4], $0x400, s12, s6, $0x38;
	[tilespmem:$0x18000] =	vst v63  }
0x25e: {  	s16 =	sadd.s32 $0xC00, s15;
	s17 =	sadd.s32 $0xC0, s14  }
0x25f: {  	[hbm4b:s17+s6] =	stream.strided.scatter [tilespmem:s16], [sflag:$0x4], $0x400, s12, s6, $0x38;
	[tilespmem:$0x18000] =	vst v63  }
0x260: {  	s16 =	sadd.s32 $0x1000, s15;
	s17 =	sadd.s32 $0x100, s14  }
0x261: {  	[hbm4b:s17+s6] =	stream.strided.scatter [tilespmem:s16], [sflag:$0x4], $0x400, s12, s6, $0x38;
	[tilespmem:$0x18000] =	vst v63  }
.Ltmp12:
0x262: {  	s16 =	sadd.s32 $0x1400, s15;
	s17 =	sadd.s32 $0x140, s14;
	(pc) =	sbr.rel @p0 .LBB2_26-.Ltmp12, $4  }
0x263: {  	[hbm4b:s17+s6] =	stream.strided.scatter [tilespmem:s16], [sflag:$0x4], $0x400, s12, s6, $0x38;
	[tilespmem:$0x18000] =	vst v63  }
0x264: {  	s16 =	sadd.s32 $0x1800, s15;
	s17 =	sadd.s32 $0x180, s14  }
0x265: {  	[hbm4b:s17+s6] =	stream.strided.scatter [tilespmem:s16], [sflag:$0x4], $0x400, s12, s6, $0x38;
	[tilespmem:$0x18000] =	vst v63  }
0x266: {  	s15 =	sadd.s32 $0x1C00, s15;
	s16 =	sadd.s32 $0x1C0, s14;
	s14 =	sadd.s32 $0x1000, s14  }
0x267: {  	[hbm4b:s16+s6] =	stream.strided.scatter [tilespmem:s15], [sflag:$0x4], $0x400, s12, s6, $0x38;
	[tilespmem:$0x18000] =	vst v63  }
0x268: {  	s13 =	simm.s32 $0x0  }
0x269: {  	[hbm4b:s23+s6] =	stream.strided.scatter [tilespmem:s13], [sflag:$0x5], $0x400, s12, s6, $0x38;
	[tilespmem:$0x18000] =	vst v63  }
0x26a: {  	s16 =	simm.s32 $0x400;
	s14 =	sadd.s32 $0x40, s23  }
0x26b: {  	[hbm4b:s14+s6] =	stream.strided.scatter [tilespmem:s16], [sflag:$0x5], $0x400, s12, s6, $0x38;
	[tilespmem:$0x18000] =	vst v63  }
0x26c: {  	s17 =	simm.s32 $0x800;
	s18 =	sadd.s32 $0x80, s23  }
0x26d: {  	[hbm4b:s18+s6] =	stream.strided.scatter [tilespmem:s17], [sflag:$0x5], $0x400, s12, s6, $0x38;
	[tilespmem:$0x18000] =	vst v63  }
0x26e: {  	s15 =	simm.s32 $0xC00;
	s13 =	simm.s32 $0x8000;
	s16 =	sadd.s32 $0xC0, s23  }
0x26f: {  	[hbm4b:s16+s6] =	stream.strided.scatter [tilespmem:s15], [sflag:$0x5], $0x400, s12, s6, $0x38;
	[tilespmem:$0x18000] =	vst v63  }
0x270: {  	s14 =	sadd.s32 $0x1000, s23;
	s17 =	simm.s32 $0x1000;
	s18 =	sadd.s32 $0x100, s23  }
0x271: {  	[hbm4b:s18+s6] =	stream.strided.scatter [tilespmem:s17], [sflag:$0x5], $0x400, s12, s6, $0x38;
	[tilespmem:$0x18000] =	vst v63  }
0x272: {  	s15 =	simm.s32 $0x1400;
	s16 =	sadd.s32 $0x140, s23;
	s17 =	simm.s32 $0x1800  }
0x273: {  	[hbm4b:s16+s6] =	stream.strided.scatter [tilespmem:s15], [sflag:$0x5], $0x400, s12, s6, $0x38;
	[tilespmem:$0x18000] =	vst v63  }
0x274: {  	s18 =	sadd.s32 $0x180, s23;
	s15 =	simm.s32 $0x1C00;
	s16 =	sadd.s32 $0x1C0, s23  }
0x275: {  	[hbm4b:s18+s6] =	stream.strided.scatter [tilespmem:s17], [sflag:$0x5], $0x400, s12, s6, $0x38;
	[tilespmem:$0x18000] =	vst v63  }
.LBB2_28:
0x276: {  	[hbm4b:s16+s6] =	stream.strided.scatter [tilespmem:s15], [sflag:$0x5], $0x400, s12, s6, $0x38;
	[tilespmem:$0x18000] =	vst v63  }
0x277: {  	s15 =	sshra.s32 s13, $0x2;
	p0 =	sne.s32 s13, $0x18000;
	s13 =	sadd.s32 $0x8000, s13  }
0x278: {  	[hbm4b:s14+s6] =	stream.strided.scatter [tilespmem:s15], [sflag:$0x5], $0x400, s12, s6, $0x38;
	[tilespmem:$0x18000] =	vst v63  }
0x279: {  	s17 =	sadd.s32 $0x40, s14;
	s16 =	sadd.s32 $0x400, s15  }
0x27a: {  	[hbm4b:s17+s6] =	stream.strided.scatter [tilespmem:s16], [sflag:$0x5], $0x400, s12, s6, $0x38;
	[tilespmem:$0x18000] =	vst v63  }
0x27b: {  	s16 =	sadd.s32 $0x800, s15;
	s17 =	sadd.s32 $0x80, s14  }
0x27c: {  	[hbm4b:s17+s6] =	stream.strided.scatter [tilespmem:s16], [sflag:$0x5], $0x400, s12, s6, $0x38;
	[tilespmem:$0x18000] =	vst v63  }
0x27d: {  	s16 =	sadd.s32 $0xC00, s15;
	s17 =	sadd.s32 $0xC0, s14  }
0x27e: {  	[hbm4b:s17+s6] =	stream.strided.scatter [tilespmem:s16], [sflag:$0x5], $0x400, s12, s6, $0x38;
	[tilespmem:$0x18000] =	vst v63  }
0x27f: {  	s16 =	sadd.s32 $0x1000, s15;
	s17 =	sadd.s32 $0x100, s14  }
0x280: {  	[hbm4b:s17+s6] =	stream.strided.scatter [tilespmem:s16], [sflag:$0x5], $0x400, s12, s6, $0x38;
	[tilespmem:$0x18000] =	vst v63  }
.Ltmp13:
0x281: {  	s16 =	sadd.s32 $0x1400, s15;
	s17 =	sadd.s32 $0x140, s14;
	(pc) =	sbr.rel @p0 .LBB2_28-.Ltmp13, $4  }
0x282: {  	[hbm4b:s17+s6] =	stream.strided.scatter [tilespmem:s16], [sflag:$0x5], $0x400, s12, s6, $0x38;
	[tilespmem:$0x18000] =	vst v63  }
0x283: {  	s16 =	sadd.s32 $0x1800, s15;
	s17 =	sadd.s32 $0x180, s14  }
0x284: {  	[hbm4b:s17+s6] =	stream.strided.scatter [tilespmem:s16], [sflag:$0x5], $0x400, s12, s6, $0x38;
	[tilespmem:$0x18000] =	vst v63  }
0x285: {  	s15 =	sadd.s32 $0x1C00, s15;
	s16 =	sadd.s32 $0x1C0, s14;
	s14 =	sadd.s32 $0x1000, s14  }
0x286: {  	[hbm4b:s16+s6] =	stream.strided.scatter [tilespmem:s15], [sflag:$0x5], $0x400, s12, s6, $0x38;
	[tilespmem:$0x18000] =	vst v63  }
0x287: {  	s13 =	simm.s32 $0x0  }
0x288: {  	[hbm4b:s24+s6] =	stream.strided.scatter [tilespmem:s13], [sflag:$0x6], $0x400, s12, s6, $0x38;
	[tilespmem:$0x18000] =	vst v63  }
0x289: {  	s16 =	simm.s32 $0x400;
	s14 =	sadd.s32 $0x40, s24  }
0x28a: {  	[hbm4b:s14+s6] =	stream.strided.scatter [tilespmem:s16], [sflag:$0x6], $0x400, s12, s6, $0x38;
	[tilespmem:$0x18000] =	vst v63  }
0x28b: {  	s17 =	simm.s32 $0x800;
	s18 =	sadd.s32 $0x80, s24  }
0x28c: {  	[hbm4b:s18+s6] =	stream.strided.scatter [tilespmem:s17], [sflag:$0x6], $0x400, s12, s6, $0x38;
	[tilespmem:$0x18000] =	vst v63  }
0x28d: {  	s15 =	simm.s32 $0xC00;
	s13 =	simm.s32 $0x8000;
	s16 =	sadd.s32 $0xC0, s24  }
0x28e: {  	[hbm4b:s16+s6] =	stream.strided.scatter [tilespmem:s15], [sflag:$0x6], $0x400, s12, s6, $0x38;
	[tilespmem:$0x18000] =	vst v63  }
0x28f: {  	s14 =	sadd.s32 $0x1000, s24;
	s17 =	simm.s32 $0x1000;
	s18 =	sadd.s32 $0x100, s24  }
0x290: {  	[hbm4b:s18+s6] =	stream.strided.scatter [tilespmem:s17], [sflag:$0x6], $0x400, s12, s6, $0x38;
	[tilespmem:$0x18000] =	vst v63  }
0x291: {  	s15 =	simm.s32 $0x1400;
	s16 =	sadd.s32 $0x140, s24;
	s17 =	simm.s32 $0x1800  }
0x292: {  	[hbm4b:s16+s6] =	stream.strided.scatter [tilespmem:s15], [sflag:$0x6], $0x400, s12, s6, $0x38;
	[tilespmem:$0x18000] =	vst v63  }
0x293: {  	s18 =	sadd.s32 $0x180, s24;
	s15 =	simm.s32 $0x1C00;
	s16 =	sadd.s32 $0x1C0, s24  }
0x294: {  	[hbm4b:s18+s6] =	stream.strided.scatter [tilespmem:s17], [sflag:$0x6], $0x400, s12, s6, $0x38;
	[tilespmem:$0x18000] =	vst v63  }
.LBB2_30:
0x295: {  	[hbm4b:s16+s6] =	stream.strided.scatter [tilespmem:s15], [sflag:$0x6], $0x400, s12, s6, $0x38;
	[tilespmem:$0x18000] =	vst v63  }
0x296: {  	s15 =	sshra.s32 s13, $0x2;
	p0 =	sne.s32 s13, $0x18000;
	s13 =	sadd.s32 $0x8000, s13  }
0x297: {  	[hbm4b:s14+s6] =	stream.strided.scatter [tilespmem:s15], [sflag:$0x6], $0x400, s12, s6, $0x38;
	[tilespmem:$0x18000] =	vst v63  }
0x298: {  	s17 =	sadd.s32 $0x40, s14;
	s16 =	sadd.s32 $0x400, s15  }
0x299: {  	[hbm4b:s17+s6] =	stream.strided.scatter [tilespmem:s16], [sflag:$0x6], $0x400, s12, s6, $0x38;
	[tilespmem:$0x18000] =	vst v63  }
0x29a: {  	s16 =	sadd.s32 $0x800, s15;
	s17 =	sadd.s32 $0x80, s14  }
0x29b: {  	[hbm4b:s17+s6] =	stream.strided.scatter [tilespmem:s16], [sflag:$0x6], $0x400, s12, s6, $0x38;
	[tilespmem:$0x18000] =	vst v63  }
0x29c: {  	s16 =	sadd.s32 $0xC00, s15;
	s17 =	sadd.s32 $0xC0, s14  }
0x29d: {  	[hbm4b:s17+s6] =	stream.strided.scatter [tilespmem:s16], [sflag:$0x6], $0x400, s12, s6, $0x38;
	[tilespmem:$0x18000] =	vst v63  }
0x29e: {  	s16 =	sadd.s32 $0x1000, s15;
	s17 =	sadd.s32 $0x100, s14  }
0x29f: {  	[hbm4b:s17+s6] =	stream.strided.scatter [tilespmem:s16], [sflag:$0x6], $0x400, s12, s6, $0x38;
	[tilespmem:$0x18000] =	vst v63  }
.Ltmp14:
0x2a0: {  	s16 =	sadd.s32 $0x1400, s15;
	s17 =	sadd.s32 $0x140, s14;
	(pc) =	sbr.rel @p0 .LBB2_30-.Ltmp14, $4  }
0x2a1: {  	[hbm4b:s17+s6] =	stream.strided.scatter [tilespmem:s16], [sflag:$0x6], $0x400, s12, s6, $0x38;
	[tilespmem:$0x18000] =	vst v63  }
0x2a2: {  	s16 =	sadd.s32 $0x1800, s15;
	s17 =	sadd.s32 $0x180, s14  }
0x2a3: {  	[hbm4b:s17+s6] =	stream.strided.scatter [tilespmem:s16], [sflag:$0x6], $0x400, s12, s6, $0x38;
	[tilespmem:$0x18000] =	vst v63  }
0x2a4: {  	s15 =	sadd.s32 $0x1C00, s15;
	s16 =	sadd.s32 $0x1C0, s14;
	s14 =	sadd.s32 $0x1000, s14  }
0x2a5: {  	[hbm4b:s16+s6] =	stream.strided.scatter [tilespmem:s15], [sflag:$0x6], $0x400, s12, s6, $0x38;
	[tilespmem:$0x18000] =	vst v63  }
0x2a6: {  	s13 =	simm.s32 $0x0  }
0x2a7: {  	[hbm4b:s25+s6] =	stream.strided.scatter [tilespmem:s13], [sflag:$0x7], $0x400, s12, s6, $0x38;
	[tilespmem:$0x18000] =	vst v63  }
0x2a8: {  	s16 =	simm.s32 $0x400;
	s14 =	sadd.s32 $0x40, s25  }
0x2a9: {  	[hbm4b:s14+s6] =	stream.strided.scatter [tilespmem:s16], [sflag:$0x7], $0x400, s12, s6, $0x38;
	[tilespmem:$0x18000] =	vst v63  }
0x2aa: {  	s17 =	simm.s32 $0x800;
	s18 =	sadd.s32 $0x80, s25  }
0x2ab: {  	[hbm4b:s18+s6] =	stream.strided.scatter [tilespmem:s17], [sflag:$0x7], $0x400, s12, s6, $0x38;
	[tilespmem:$0x18000] =	vst v63  }
0x2ac: {  	s15 =	simm.s32 $0xC00;
	s13 =	simm.s32 $0x8000;
	s16 =	sadd.s32 $0xC0, s25  }
0x2ad: {  	[hbm4b:s16+s6] =	stream.strided.scatter [tilespmem:s15], [sflag:$0x7], $0x400, s12, s6, $0x38;
	[tilespmem:$0x18000] =	vst v63  }
0x2ae: {  	s14 =	sadd.s32 $0x1000, s25;
	s17 =	simm.s32 $0x1000;
	s18 =	sadd.s32 $0x100, s25  }
0x2af: {  	[hbm4b:s18+s6] =	stream.strided.scatter [tilespmem:s17], [sflag:$0x7], $0x400, s12, s6, $0x38;
	[tilespmem:$0x18000] =	vst v63  }
0x2b0: {  	s15 =	simm.s32 $0x1400;
	s16 =	sadd.s32 $0x140, s25;
	s17 =	simm.s32 $0x1800  }
0x2b1: {  	[hbm4b:s16+s6] =	stream.strided.scatter [tilespmem:s15], [sflag:$0x7], $0x400, s12, s6, $0x38;
	[tilespmem:$0x18000] =	vst v63  }
0x2b2: {  	s18 =	sadd.s32 $0x180, s25;
	s15 =	simm.s32 $0x1C00;
	s16 =	sadd.s32 $0x1C0, s25  }
0x2b3: {  	[hbm4b:s18+s6] =	stream.strided.scatter [tilespmem:s17], [sflag:$0x7], $0x400, s12, s6, $0x38;
	[tilespmem:$0x18000] =	vst v63  }
.LBB2_32:
0x2b4: {  	[hbm4b:s16+s6] =	stream.strided.scatter [tilespmem:s15], [sflag:$0x7], $0x400, s12, s6, $0x38;
	[tilespmem:$0x18000] =	vst v63  }
0x2b5: {  	s15 =	sshra.s32 s13, $0x2;
	p0 =	sne.s32 s13, $0x18000;
	s13 =	sadd.s32 $0x8000, s13  }
0x2b6: {  	[hbm4b:s14+s6] =	stream.strided.scatter [tilespmem:s15], [sflag:$0x7], $0x400, s12, s6, $0x38;
	[tilespmem:$0x18000] =	vst v63  }
0x2b7: {  	s17 =	sadd.s32 $0x40, s14;
	s16 =	sadd.s32 $0x400, s15  }
0x2b8: {  	[hbm4b:s17+s6] =	stream.strided.scatter [tilespmem:s16], [sflag:$0x7], $0x400, s12, s6, $0x38;
	[tilespmem:$0x18000] =	vst v63  }
0x2b9: {  	s16 =	sadd.s32 $0x800, s15;
	s17 =	sadd.s32 $0x80, s14  }
0x2ba: {  	[hbm4b:s17+s6] =	stream.strided.scatter [tilespmem:s16], [sflag:$0x7], $0x400, s12, s6, $0x38;
	[tilespmem:$0x18000] =	vst v63  }
0x2bb: {  	s16 =	sadd.s32 $0xC00, s15;
	s17 =	sadd.s32 $0xC0, s14  }
0x2bc: {  	[hbm4b:s17+s6] =	stream.strided.scatter [tilespmem:s16], [sflag:$0x7], $0x400, s12, s6, $0x38;
	[tilespmem:$0x18000] =	vst v63  }
0x2bd: {  	s16 =	sadd.s32 $0x1000, s15;
	s17 =	sadd.s32 $0x100, s14  }
0x2be: {  	[hbm4b:s17+s6] =	stream.strided.scatter [tilespmem:s16], [sflag:$0x7], $0x400, s12, s6, $0x38;
	[tilespmem:$0x18000] =	vst v63  }
.Ltmp15:
0x2bf: {  	s16 =	sadd.s32 $0x1400, s15;
	s17 =	sadd.s32 $0x140, s14;
	(pc) =	sbr.rel @p0 .LBB2_32-.Ltmp15, $4  }
0x2c0: {  	[hbm4b:s17+s6] =	stream.strided.scatter [tilespmem:s16], [sflag:$0x7], $0x400, s12, s6, $0x38;
	[tilespmem:$0x18000] =	vst v63  }
0x2c1: {  	s16 =	sadd.s32 $0x1800, s15;
	s17 =	sadd.s32 $0x180, s14  }
0x2c2: {  	[hbm4b:s17+s6] =	stream.strided.scatter [tilespmem:s16], [sflag:$0x7], $0x400, s12, s6, $0x38;
	[tilespmem:$0x18000] =	vst v63  }
0x2c3: {  	s15 =	sadd.s32 $0x1C00, s15;
	s16 =	sadd.s32 $0x1C0, s14;
	s14 =	sadd.s32 $0x1000, s14  }
0x2c4: {  	[hbm4b:s16+s6] =	stream.strided.scatter [tilespmem:s15], [sflag:$0x7], $0x400, s12, s6, $0x38;
	[tilespmem:$0x18000] =	vst v63  }
0x2c5: {  	s13 =	simm.s32 $0x8  }
0x2c6: {  	_ =	swait.ge [sflag:s13], $0x8000  }
0x2c7: {  	[sflag:s13] =	ssyncset.done $0x0  }
0x2c8: {  	s18 =	simm.s32 $0x9;
	[sflag:s13] =	ssyncadd.s32 $0xFFFF8000  }
0x2c9: {  	_ =	swait.ge [sflag:s18], $0x8000  }
0x2ca: {  	[sflag:s18] =	ssyncset.done $0x0  }
0x2cb: {  	s14 =	simm.s32 $0xA;
	[sflag:s18] =	ssyncadd.s32 $0xFFFF8000  }
0x2cc: {  	_ =	swait.ge [sflag:s14], $0x8000  }
0x2cd: {  	[sflag:s14] =	ssyncset.done $0x0  }
0x2ce: {  	s15 =	simm.s32 $0xB;
	[sflag:s14] =	ssyncadd.s32 $0xFFFF8000  }
0x2cf: {  	_ =	swait.ge [sflag:s15], $0x8000  }
0x2d0: {  	s16 =	simm.s32 $0x0;
	s17 =	simm.s32 $0x8000;
	[sflag:s15] =	ssyncset.done $0x0  }
0x2d1: {  	s18 =	simm.s32 $0x2;
	s14 =	rddreg [dreg:$0x9];
	[sflag:s15] =	ssyncadd.s32 $0xFFFF8000  }
0x2d2: {  	[tilespmem:s17], [sflag:$0x2] =	stream.linear.gather [hbm4b:s14+s16], $0x8000, $0x38;
	[tilespmem:$0x18000] =	vst v63  }
0x2d3: {  	_ =	swait.ge [sflag:s18], $0x8000  }
0x2d4: {  	[sflag:s18] =	ssyncset.done $0x0  }
0x2d5: {  	s14 =	simm.s32 $0x8000;
	[sflag:s18] =	ssyncadd.s32 $0xFFFF8000  }
0x2d6: {  	[hbm4b:s26+s6] =	stream.strided.scatter [tilespmem:s14], [sflag:$0x8], $0x400, s12, s6, $0x38;
	[tilespmem:$0x18000] =	vst v63  }
0x2d7: {  	s15 =	simm.s32 $0x8400;
	s16 =	sadd.s32 $0x40, s26  }
0x2d8: {  	[hbm4b:s16+s6] =	stream.strided.scatter [tilespmem:s15], [sflag:$0x8], $0x400, s12, s6, $0x38;
	[tilespmem:$0x18000] =	vst v63  }
0x2d9: {  	s17 =	simm.s32 $0x8800;
	s18 =	sadd.s32 $0x80, s26  }
0x2da: {  	[hbm4b:s18+s6] =	stream.strided.scatter [tilespmem:s17], [sflag:$0x8], $0x400, s12, s6, $0x38;
	[tilespmem:$0x18000] =	vst v63  }
0x2db: {  	s15 =	simm.s32 $0x8C00;
	s16 =	sadd.s32 $0xC0, s26  }
0x2dc: {  	[hbm4b:s16+s6] =	stream.strided.scatter [tilespmem:s15], [sflag:$0x8], $0x400, s12, s6, $0x38;
	[tilespmem:$0x18000] =	vst v63  }
0x2dd: {  	s17 =	simm.s32 $0x9000;
	s18 =	sadd.s32 $0x100, s26  }
0x2de: {  	[hbm4b:s18+s6] =	stream.strided.scatter [tilespmem:s17], [sflag:$0x8], $0x400, s12, s6, $0x38;
	[tilespmem:$0x18000] =	vst v63  }
0x2df: {  	s13 =	simm.s32 $0x2000;
	s15 =	simm.s32 $0x9400;
	s16 =	sadd.s32 $0x140, s26  }
0x2e0: {  	[hbm4b:s16+s6] =	stream.strided.scatter [tilespmem:s15], [sflag:$0x8], $0x400, s12, s6, $0x38;
	[tilespmem:$0x18000] =	vst v63  }
0x2e1: {  	s14 =	sadd.s32 $0x1000, s26;
	s17 =	simm.s32 $0x9800;
	s18 =	sadd.s32 $0x180, s26  }
0x2e2: {  	[hbm4b:s18+s6] =	stream.strided.scatter [tilespmem:s17], [sflag:$0x8], $0x400, s12, s6, $0x38;
	[tilespmem:$0x18000] =	vst v63  }
0x2e3: {  	s15 =	simm.s32 $0x10000;
	s16 =	simm.s32 $0x9C00;
	s17 =	sadd.s32 $0x1C0, s26  }
.LBB2_34:
0x2e4: {  	[hbm4b:s17+s6] =	stream.strided.scatter [tilespmem:s16], [sflag:$0x8], $0x400, s12, s6, $0x38;
	[tilespmem:$0x18000] =	vst v63  }
0x2e5: {  	s16 =	smov.u32 s13;
	s13 =	smov.u32 s15  }
0x2e6: {  	s18 =	sadd.s32 $0x8000, s15;
	s13 =	sshra.s32 s13, $0x2;
	s17 =	sadd.s32 $0x8000, s16  }
0x2e7: {  	[hbm4b:s14+s6] =	stream.strided.scatter [tilespmem:s17], [sflag:$0x8], $0x400, s12, s6, $0x38;
	[tilespmem:$0x18000] =	vst v63  }
0x2e8: {  	p0 =	sne.s32 s15, $0x18000;
	s15 =	sadd.s32 $0x8400, s16;
	s17 =	sadd.s32 $0x40, s14  }
0x2e9: {  	[hbm4b:s17+s6] =	stream.strided.scatter [tilespmem:s15], [sflag:$0x8], $0x400, s12, s6, $0x38;
	[tilespmem:$0x18000] =	vst v63  }
0x2ea: {  	s15 =	sadd.s32 $0x8800, s16;
	s17 =	sadd.s32 $0x80, s14  }
0x2eb: {  	[hbm4b:s17+s6] =	stream.strided.scatter [tilespmem:s15], [sflag:$0x8], $0x400, s12, s6, $0x38;
	[tilespmem:$0x18000] =	vst v63  }
0x2ec: {  	s15 =	sadd.s32 $0x8C00, s16;
	s17 =	sadd.s32 $0xC0, s14  }
0x2ed: {  	[hbm4b:s17+s6] =	stream.strided.scatter [tilespmem:s15], [sflag:$0x8], $0x400, s12, s6, $0x38;
	[tilespmem:$0x18000] =	vst v63  }
0x2ee: {  	s15 =	sadd.s32 $0x9000, s16;
	s17 =	sadd.s32 $0x100, s14  }
0x2ef: {  	[hbm4b:s17+s6] =	stream.strided.scatter [tilespmem:s15], [sflag:$0x8], $0x400, s12, s6, $0x38;
	[tilespmem:$0x18000] =	vst v63  }
.Ltmp16:
0x2f0: {  	s15 =	sadd.s32 $0x9400, s16;
	s17 =	sadd.s32 $0x140, s14;
	(pc) =	sbr.rel @p0 .LBB2_34-.Ltmp16, $4  }
0x2f1: {  	[hbm4b:s17+s6] =	stream.strided.scatter [tilespmem:s15], [sflag:$0x8], $0x400, s12, s6, $0x38;
	[tilespmem:$0x18000] =	vst v63  }
0x2f2: {  	s15 =	sadd.s32 $0x9800, s16;
	s17 =	sadd.s32 $0x180, s14;
	s16 =	sadd.s32 $0x9C00, s16  }
0x2f3: {  	[hbm4b:s17+s6] =	stream.strided.scatter [tilespmem:s15], [sflag:$0x8], $0x400, s12, s6, $0x38;
	[tilespmem:$0x18000] =	vst v63  }
0x2f4: {  	s17 =	sadd.s32 $0x1C0, s14;
	s14 =	sadd.s32 $0x1000, s14;
	s15 =	smov.u32 s18  }
0x2f5: {  	[hbm4b:s17+s6] =	stream.strided.scatter [tilespmem:s16], [sflag:$0x8], $0x400, s12, s6, $0x38;
	[tilespmem:$0x18000] =	vst v63  }
0x2f6: {  	s15 =	sadd.s32 $0x8000, s13  }
0x2f7: {  	[hbm4b:s14+s6] =	stream.strided.scatter [tilespmem:s15], [sflag:$0x8], $0x400, s12, s6, $0x38;
	[tilespmem:$0x18000] =	vst v63  }
0x2f8: {  	s17 =	sadd.s32 $0x8400, s13;
	s18 =	sadd.s32 $0x40, s14  }
0x2f9: {  	[hbm4b:s18+s6] =	stream.strided.scatter [tilespmem:s17], [sflag:$0x8], $0x400, s12, s6, $0x38;
	[tilespmem:$0x18000] =	vst v63  }
0x2fa: {  	s17 =	sadd.s32 $0x8800, s13;
	s18 =	sadd.s32 $0x80, s14  }
0x2fb: {  	[hbm4b:s18+s6] =	stream.strided.scatter [tilespmem:s17], [sflag:$0x8], $0x400, s12, s6, $0x38;
	[tilespmem:$0x18000] =	vst v63  }
0x2fc: {  	s17 =	sadd.s32 $0x8C00, s13;
	s18 =	sadd.s32 $0xC0, s14  }
0x2fd: {  	[hbm4b:s18+s6] =	stream.strided.scatter [tilespmem:s17], [sflag:$0x8], $0x400, s12, s6, $0x38;
	[tilespmem:$0x18000] =	vst v63  }
0x2fe: {  	s17 =	sadd.s32 $0x9000, s13;
	s18 =	sadd.s32 $0x100, s14  }
0x2ff: {  	[hbm4b:s18+s6] =	stream.strided.scatter [tilespmem:s17], [sflag:$0x8], $0x400, s12, s6, $0x38;
	[tilespmem:$0x18000] =	vst v63  }
0x300: {  	s17 =	sadd.s32 $0x9400, s13;
	s18 =	sadd.s32 $0x140, s14  }
0x301: {  	[hbm4b:s18+s6] =	stream.strided.scatter [tilespmem:s17], [sflag:$0x8], $0x400, s12, s6, $0x38;
	[tilespmem:$0x18000] =	vst v63  }
0x302: {  	s17 =	sadd.s32 $0x9800, s13;
	s18 =	sadd.s32 $0x180, s14  }
0x303: {  	[hbm4b:s18+s6] =	stream.strided.scatter [tilespmem:s17], [sflag:$0x8], $0x400, s12, s6, $0x38;
	[tilespmem:$0x18000] =	vst v63  }
0x304: {  	s17 =	sadd.s32 $0x9C00, s13;
	s18 =	sadd.s32 $0x1C0, s14  }
0x305: {  	[hbm4b:s18+s6] =	stream.strided.scatter [tilespmem:s17], [sflag:$0x8], $0x400, s12, s6, $0x38;
	[tilespmem:$0x18000] =	vst v63  }
0x306: {  	s14 =	simm.s32 $0x8000  }
0x307: {  	[hbm4b:s28+s6] =	stream.strided.scatter [tilespmem:s14], [sflag:$0x9], $0x400, s12, s6, $0x38;
	[tilespmem:$0x18000] =	vst v63  }
0x308: {  	s16 =	sadd.s32 $0x40, s28;
	s15 =	simm.s32 $0x8400  }
0x309: {  	[hbm4b:s16+s6] =	stream.strided.scatter [tilespmem:s15], [sflag:$0x9], $0x400, s12, s6, $0x38;
	[tilespmem:$0x18000] =	vst v63  }
0x30a: {  	s17 =	simm.s32 $0x8800;
	s18 =	sadd.s32 $0x80, s28  }
0x30b: {  	[hbm4b:s18+s6] =	stream.strided.scatter [tilespmem:s17], [sflag:$0x9], $0x400, s12, s6, $0x38;
	[tilespmem:$0x18000] =	vst v63  }
0x30c: {  	s15 =	simm.s32 $0x8C00;
	s16 =	sadd.s32 $0xC0, s28  }
0x30d: {  	[hbm4b:s16+s6] =	stream.strided.scatter [tilespmem:s15], [sflag:$0x9], $0x400, s12, s6, $0x38;
	[tilespmem:$0x18000] =	vst v63  }
0x30e: {  	s17 =	simm.s32 $0x9000;
	s18 =	sadd.s32 $0x100, s28  }
0x30f: {  	[hbm4b:s18+s6] =	stream.strided.scatter [tilespmem:s17], [sflag:$0x9], $0x400, s12, s6, $0x38;
	[tilespmem:$0x18000] =	vst v63  }
0x310: {  	s13 =	simm.s32 $0x2000;
	s15 =	simm.s32 $0x9400;
	s16 =	sadd.s32 $0x140, s28  }
0x311: {  	[hbm4b:s16+s6] =	stream.strided.scatter [tilespmem:s15], [sflag:$0x9], $0x400, s12, s6, $0x38;
	[tilespmem:$0x18000] =	vst v63  }
0x312: {  	s14 =	sadd.s32 $0x1000, s28;
	s17 =	simm.s32 $0x9800;
	s18 =	sadd.s32 $0x180, s28  }
0x313: {  	[hbm4b:s18+s6] =	stream.strided.scatter [tilespmem:s17], [sflag:$0x9], $0x400, s12, s6, $0x38;
	[tilespmem:$0x18000] =	vst v63  }
0x314: {  	s15 =	simm.s32 $0x10000;
	s16 =	simm.s32 $0x9C00;
	s17 =	sadd.s32 $0x1C0, s28  }
.LBB2_36:
0x315: {  	[hbm4b:s17+s6] =	stream.strided.scatter [tilespmem:s16], [sflag:$0x9], $0x400, s12, s6, $0x38;
	[tilespmem:$0x18000] =	vst v63  }
0x316: {  	s16 =	smov.u32 s13;
	s13 =	smov.u32 s15  }
0x317: {  	s18 =	sadd.s32 $0x8000, s15;
	s13 =	sshra.s32 s13, $0x2;
	s17 =	sadd.s32 $0x8000, s16  }
0x318: {  	[hbm4b:s14+s6] =	stream.strided.scatter [tilespmem:s17], [sflag:$0x9], $0x400, s12, s6, $0x38;
	[tilespmem:$0x18000] =	vst v63  }
0x319: {  	p0 =	sne.s32 s15, $0x18000;
	s15 =	sadd.s32 $0x8400, s16;
	s17 =	sadd.s32 $0x40, s14  }
0x31a: {  	[hbm4b:s17+s6] =	stream.strided.scatter [tilespmem:s15], [sflag:$0x9], $0x400, s12, s6, $0x38;
	[tilespmem:$0x18000] =	vst v63  }
0x31b: {  	s15 =	sadd.s32 $0x8800, s16;
	s17 =	sadd.s32 $0x80, s14  }
0x31c: {  	[hbm4b:s17+s6] =	stream.strided.scatter [tilespmem:s15], [sflag:$0x9], $0x400, s12, s6, $0x38;
	[tilespmem:$0x18000] =	vst v63  }
0x31d: {  	s15 =	sadd.s32 $0x8C00, s16;
	s17 =	sadd.s32 $0xC0, s14  }
0x31e: {  	[hbm4b:s17+s6] =	stream.strided.scatter [tilespmem:s15], [sflag:$0x9], $0x400, s12, s6, $0x38;
	[tilespmem:$0x18000] =	vst v63  }
0x31f: {  	s15 =	sadd.s32 $0x9000, s16;
	s17 =	sadd.s32 $0x100, s14  }
0x320: {  	[hbm4b:s17+s6] =	stream.strided.scatter [tilespmem:s15], [sflag:$0x9], $0x400, s12, s6, $0x38;
	[tilespmem:$0x18000] =	vst v63  }
.Ltmp17:
0x321: {  	s15 =	sadd.s32 $0x9400, s16;
	s17 =	sadd.s32 $0x140, s14;
	(pc) =	sbr.rel @p0 .LBB2_36-.Ltmp17, $4  }
0x322: {  	[hbm4b:s17+s6] =	stream.strided.scatter [tilespmem:s15], [sflag:$0x9], $0x400, s12, s6, $0x38;
	[tilespmem:$0x18000] =	vst v63  }
0x323: {  	s15 =	sadd.s32 $0x9800, s16;
	s17 =	sadd.s32 $0x180, s14;
	s16 =	sadd.s32 $0x9C00, s16  }
0x324: {  	[hbm4b:s17+s6] =	stream.strided.scatter [tilespmem:s15], [sflag:$0x9], $0x400, s12, s6, $0x38;
	[tilespmem:$0x18000] =	vst v63  }
0x325: {  	s17 =	sadd.s32 $0x1C0, s14;
	s14 =	sadd.s32 $0x1000, s14;
	s15 =	smov.u32 s18  }
0x326: {  	[hbm4b:s17+s6] =	stream.strided.scatter [tilespmem:s16], [sflag:$0x9], $0x400, s12, s6, $0x38;
	[tilespmem:$0x18000] =	vst v63  }
0x327: {  	s15 =	sadd.s32 $0x8000, s13  }
0x328: {  	[hbm4b:s14+s6] =	stream.strided.scatter [tilespmem:s15], [sflag:$0x9], $0x400, s12, s6, $0x38;
	[tilespmem:$0x18000] =	vst v63  }
0x329: {  	s17 =	sadd.s32 $0x8400, s13;
	s18 =	sadd.s32 $0x40, s14  }
0x32a: {  	[hbm4b:s18+s6] =	stream.strided.scatter [tilespmem:s17], [sflag:$0x9], $0x400, s12, s6, $0x38;
	[tilespmem:$0x18000] =	vst v63  }
0x32b: {  	s17 =	sadd.s32 $0x8800, s13;
	s18 =	sadd.s32 $0x80, s14  }
0x32c: {  	[hbm4b:s18+s6] =	stream.strided.scatter [tilespmem:s17], [sflag:$0x9], $0x400, s12, s6, $0x38;
	[tilespmem:$0x18000] =	vst v63  }
0x32d: {  	s17 =	sadd.s32 $0x8C00, s13;
	s18 =	sadd.s32 $0xC0, s14  }
0x32e: {  	[hbm4b:s18+s6] =	stream.strided.scatter [tilespmem:s17], [sflag:$0x9], $0x400, s12, s6, $0x38;
	[tilespmem:$0x18000] =	vst v63  }
0x32f: {  	s17 =	sadd.s32 $0x9000, s13;
	s18 =	sadd.s32 $0x100, s14  }
0x330: {  	[hbm4b:s18+s6] =	stream.strided.scatter [tilespmem:s17], [sflag:$0x9], $0x400, s12, s6, $0x38;
	[tilespmem:$0x18000] =	vst v63  }
0x331: {  	s17 =	sadd.s32 $0x9400, s13;
	s18 =	sadd.s32 $0x140, s14  }
0x332: {  	[hbm4b:s18+s6] =	stream.strided.scatter [tilespmem:s17], [sflag:$0x9], $0x400, s12, s6, $0x38;
	[tilespmem:$0x18000] =	vst v63  }
0x333: {  	s17 =	sadd.s32 $0x9800, s13;
	s18 =	sadd.s32 $0x180, s14  }
0x334: {  	[hbm4b:s18+s6] =	stream.strided.scatter [tilespmem:s17], [sflag:$0x9], $0x400, s12, s6, $0x38;
	[tilespmem:$0x18000] =	vst v63  }
0x335: {  	s17 =	sadd.s32 $0x9C00, s13;
	s18 =	sadd.s32 $0x1C0, s14  }
0x336: {  	[hbm4b:s18+s6] =	stream.strided.scatter [tilespmem:s17], [sflag:$0x9], $0x400, s12, s6, $0x38;
	[tilespmem:$0x18000] =	vst v63  }
0x337: {  	s14 =	simm.s32 $0x8000  }
0x338: {  	[hbm4b:s29+s6] =	stream.strided.scatter [tilespmem:s14], [sflag:$0xA], $0x400, s12, s6, $0x38;
	[tilespmem:$0x18000] =	vst v63  }
0x339: {  	s16 =	sadd.s32 $0x40, s29;
	s15 =	simm.s32 $0x8400  }
0x33a: {  	[hbm4b:s16+s6] =	stream.strided.scatter [tilespmem:s15], [sflag:$0xA], $0x400, s12, s6, $0x38;
	[tilespmem:$0x18000] =	vst v63  }
0x33b: {  	s17 =	simm.s32 $0x8800;
	s18 =	sadd.s32 $0x80, s29  }
0x33c: {  	[hbm4b:s18+s6] =	stream.strided.scatter [tilespmem:s17], [sflag:$0xA], $0x400, s12, s6, $0x38;
	[tilespmem:$0x18000] =	vst v63  }
0x33d: {  	s15 =	simm.s32 $0x8C00;
	s16 =	sadd.s32 $0xC0, s29  }
0x33e: {  	[hbm4b:s16+s6] =	stream.strided.scatter [tilespmem:s15], [sflag:$0xA], $0x400, s12, s6, $0x38;
	[tilespmem:$0x18000] =	vst v63  }
0x33f: {  	s17 =	simm.s32 $0x9000;
	s18 =	sadd.s32 $0x100, s29  }
0x340: {  	[hbm4b:s18+s6] =	stream.strided.scatter [tilespmem:s17], [sflag:$0xA], $0x400, s12, s6, $0x38;
	[tilespmem:$0x18000] =	vst v63  }
0x341: {  	s13 =	simm.s32 $0x2000;
	s15 =	simm.s32 $0x9400;
	s16 =	sadd.s32 $0x140, s29  }
0x342: {  	[hbm4b:s16+s6] =	stream.strided.scatter [tilespmem:s15], [sflag:$0xA], $0x400, s12, s6, $0x38;
	[tilespmem:$0x18000] =	vst v63  }
0x343: {  	s14 =	sadd.s32 $0x1000, s29;
	s17 =	simm.s32 $0x9800;
	s18 =	sadd.s32 $0x180, s29  }
0x344: {  	[hbm4b:s18+s6] =	stream.strided.scatter [tilespmem:s17], [sflag:$0xA], $0x400, s12, s6, $0x38;
	[tilespmem:$0x18000] =	vst v63  }
0x345: {  	s15 =	simm.s32 $0x10000;
	s16 =	simm.s32 $0x9C00;
	s17 =	sadd.s32 $0x1C0, s29  }
.LBB2_38:
0x346: {  	[hbm4b:s17+s6] =	stream.strided.scatter [tilespmem:s16], [sflag:$0xA], $0x400, s12, s6, $0x38;
	[tilespmem:$0x18000] =	vst v63  }
0x347: {  	s16 =	smov.u32 s13;
	s13 =	smov.u32 s15  }
0x348: {  	s18 =	sadd.s32 $0x8000, s15;
	s13 =	sshra.s32 s13, $0x2;
	s17 =	sadd.s32 $0x8000, s16  }
0x349: {  	[hbm4b:s14+s6] =	stream.strided.scatter [tilespmem:s17], [sflag:$0xA], $0x400, s12, s6, $0x38;
	[tilespmem:$0x18000] =	vst v63  }
0x34a: {  	p0 =	sne.s32 s15, $0x18000;
	s15 =	sadd.s32 $0x8400, s16;
	s17 =	sadd.s32 $0x40, s14  }
0x34b: {  	[hbm4b:s17+s6] =	stream.strided.scatter [tilespmem:s15], [sflag:$0xA], $0x400, s12, s6, $0x38;
	[tilespmem:$0x18000] =	vst v63  }
0x34c: {  	s15 =	sadd.s32 $0x8800, s16;
	s17 =	sadd.s32 $0x80, s14  }
0x34d: {  	[hbm4b:s17+s6] =	stream.strided.scatter [tilespmem:s15], [sflag:$0xA], $0x400, s12, s6, $0x38;
	[tilespmem:$0x18000] =	vst v63  }
0x34e: {  	s15 =	sadd.s32 $0x8C00, s16;
	s17 =	sadd.s32 $0xC0, s14  }
0x34f: {  	[hbm4b:s17+s6] =	stream.strided.scatter [tilespmem:s15], [sflag:$0xA], $0x400, s12, s6, $0x38;
	[tilespmem:$0x18000] =	vst v63  }
0x350: {  	s15 =	sadd.s32 $0x9000, s16;
	s17 =	sadd.s32 $0x100, s14  }
0x351: {  	[hbm4b:s17+s6] =	stream.strided.scatter [tilespmem:s15], [sflag:$0xA], $0x400, s12, s6, $0x38;
	[tilespmem:$0x18000] =	vst v63  }
.Ltmp18:
0x352: {  	s15 =	sadd.s32 $0x9400, s16;
	s17 =	sadd.s32 $0x140, s14;
	(pc) =	sbr.rel @p0 .LBB2_38-.Ltmp18, $4  }
0x353: {  	[hbm4b:s17+s6] =	stream.strided.scatter [tilespmem:s15], [sflag:$0xA], $0x400, s12, s6, $0x38;
	[tilespmem:$0x18000] =	vst v63  }
0x354: {  	s15 =	sadd.s32 $0x9800, s16;
	s17 =	sadd.s32 $0x180, s14;
	s16 =	sadd.s32 $0x9C00, s16  }
0x355: {  	[hbm4b:s17+s6] =	stream.strided.scatter [tilespmem:s15], [sflag:$0xA], $0x400, s12, s6, $0x38;
	[tilespmem:$0x18000] =	vst v63  }
0x356: {  	s17 =	sadd.s32 $0x1C0, s14;
	s14 =	sadd.s32 $0x1000, s14;
	s15 =	smov.u32 s18  }
0x357: {  	[hbm4b:s17+s6] =	stream.strided.scatter [tilespmem:s16], [sflag:$0xA], $0x400, s12, s6, $0x38;
	[tilespmem:$0x18000] =	vst v63  }
0x358: {  	s15 =	sadd.s32 $0x8000, s13  }
0x359: {  	[hbm4b:s14+s6] =	stream.strided.scatter [tilespmem:s15], [sflag:$0xA], $0x400, s12, s6, $0x38;
	[tilespmem:$0x18000] =	vst v63  }
0x35a: {  	s17 =	sadd.s32 $0x8400, s13;
	s18 =	sadd.s32 $0x40, s14  }
0x35b: {  	[hbm4b:s18+s6] =	stream.strided.scatter [tilespmem:s17], [sflag:$0xA], $0x400, s12, s6, $0x38;
	[tilespmem:$0x18000] =	vst v63  }
0x35c: {  	s17 =	sadd.s32 $0x8800, s13;
	s18 =	sadd.s32 $0x80, s14  }
0x35d: {  	[hbm4b:s18+s6] =	stream.strided.scatter [tilespmem:s17], [sflag:$0xA], $0x400, s12, s6, $0x38;
	[tilespmem:$0x18000] =	vst v63  }
0x35e: {  	s17 =	sadd.s32 $0x8C00, s13;
	s18 =	sadd.s32 $0xC0, s14  }
0x35f: {  	[hbm4b:s18+s6] =	stream.strided.scatter [tilespmem:s17], [sflag:$0xA], $0x400, s12, s6, $0x38;
	[tilespmem:$0x18000] =	vst v63  }
0x360: {  	s17 =	sadd.s32 $0x9000, s13;
	s18 =	sadd.s32 $0x100, s14  }
0x361: {  	[hbm4b:s18+s6] =	stream.strided.scatter [tilespmem:s17], [sflag:$0xA], $0x400, s12, s6, $0x38;
	[tilespmem:$0x18000] =	vst v63  }
0x362: {  	s17 =	sadd.s32 $0x9400, s13;
	s18 =	sadd.s32 $0x140, s14  }
0x363: {  	[hbm4b:s18+s6] =	stream.strided.scatter [tilespmem:s17], [sflag:$0xA], $0x400, s12, s6, $0x38;
	[tilespmem:$0x18000] =	vst v63  }
0x364: {  	s17 =	sadd.s32 $0x9800, s13;
	s18 =	sadd.s32 $0x180, s14  }
0x365: {  	[hbm4b:s18+s6] =	stream.strided.scatter [tilespmem:s17], [sflag:$0xA], $0x400, s12, s6, $0x38;
	[tilespmem:$0x18000] =	vst v63  }
0x366: {  	s17 =	sadd.s32 $0x9C00, s13;
	s18 =	sadd.s32 $0x1C0, s14  }
0x367: {  	[hbm4b:s18+s6] =	stream.strided.scatter [tilespmem:s17], [sflag:$0xA], $0x400, s12, s6, $0x38;
	[tilespmem:$0x18000] =	vst v63  }
0x368: {  	s14 =	simm.s32 $0x8000  }
0x369: {  	[hbm4b:s30+s6] =	stream.strided.scatter [tilespmem:s14], [sflag:$0xB], $0x400, s12, s6, $0x38;
	[tilespmem:$0x18000] =	vst v63  }
0x36a: {  	s16 =	sadd.s32 $0x40, s30;
	s15 =	simm.s32 $0x8400  }
0x36b: {  	[hbm4b:s16+s6] =	stream.strided.scatter [tilespmem:s15], [sflag:$0xB], $0x400, s12, s6, $0x38;
	[tilespmem:$0x18000] =	vst v63  }
0x36c: {  	s17 =	simm.s32 $0x8800;
	s18 =	sadd.s32 $0x80, s30  }
0x36d: {  	[hbm4b:s18+s6] =	stream.strided.scatter [tilespmem:s17], [sflag:$0xB], $0x400, s12, s6, $0x38;
	[tilespmem:$0x18000] =	vst v63  }
0x36e: {  	s15 =	simm.s32 $0x8C00;
	s16 =	sadd.s32 $0xC0, s30  }
0x36f: {  	[hbm4b:s16+s6] =	stream.strided.scatter [tilespmem:s15], [sflag:$0xB], $0x400, s12, s6, $0x38;
	[tilespmem:$0x18000] =	vst v63  }
0x370: {  	s17 =	simm.s32 $0x9000;
	s18 =	sadd.s32 $0x100, s30  }
0x371: {  	[hbm4b:s18+s6] =	stream.strided.scatter [tilespmem:s17], [sflag:$0xB], $0x400, s12, s6, $0x38;
	[tilespmem:$0x18000] =	vst v63  }
0x372: {  	s13 =	simm.s32 $0x2000;
	s15 =	simm.s32 $0x9400;
	s16 =	sadd.s32 $0x140, s30  }
0x373: {  	[hbm4b:s16+s6] =	stream.strided.scatter [tilespmem:s15], [sflag:$0xB], $0x400, s12, s6, $0x38;
	[tilespmem:$0x18000] =	vst v63  }
0x374: {  	s14 =	sadd.s32 $0x1000, s30;
	s17 =	simm.s32 $0x9800;
	s18 =	sadd.s32 $0x180, s30  }
0x375: {  	[hbm4b:s18+s6] =	stream.strided.scatter [tilespmem:s17], [sflag:$0xB], $0x400, s12, s6, $0x38;
	[tilespmem:$0x18000] =	vst v63  }
0x376: {  	s15 =	simm.s32 $0x10000;
	s16 =	simm.s32 $0x9C00;
	s17 =	sadd.s32 $0x1C0, s30  }
.LBB2_40:
0x377: {  	[hbm4b:s17+s6] =	stream.strided.scatter [tilespmem:s16], [sflag:$0xB], $0x400, s12, s6, $0x38;
	[tilespmem:$0x18000] =	vst v63  }
0x378: {  	s16 =	smov.u32 s13;
	s13 =	smov.u32 s15  }
0x379: {  	s18 =	sadd.s32 $0x8000, s15;
	s13 =	sshra.s32 s13, $0x2;
	s17 =	sadd.s32 $0x8000, s16  }
0x37a: {  	[hbm4b:s14+s6] =	stream.strided.scatter [tilespmem:s17], [sflag:$0xB], $0x400, s12, s6, $0x38;
	[tilespmem:$0x18000] =	vst v63  }
0x37b: {  	p0 =	sne.s32 s15, $0x18000;
	s15 =	sadd.s32 $0x8400, s16;
	s17 =	sadd.s32 $0x40, s14  }
0x37c: {  	[hbm4b:s17+s6] =	stream.strided.scatter [tilespmem:s15], [sflag:$0xB], $0x400, s12, s6, $0x38;
	[tilespmem:$0x18000] =	vst v63  }
0x37d: {  	s15 =	sadd.s32 $0x8800, s16;
	s17 =	sadd.s32 $0x80, s14  }
0x37e: {  	[hbm4b:s17+s6] =	stream.strided.scatter [tilespmem:s15], [sflag:$0xB], $0x400, s12, s6, $0x38;
	[tilespmem:$0x18000] =	vst v63  }
0x37f: {  	s15 =	sadd.s32 $0x8C00, s16;
	s17 =	sadd.s32 $0xC0, s14  }
0x380: {  	[hbm4b:s17+s6] =	stream.strided.scatter [tilespmem:s15], [sflag:$0xB], $0x400, s12, s6, $0x38;
	[tilespmem:$0x18000] =	vst v63  }
0x381: {  	s15 =	sadd.s32 $0x9000, s16;
	s17 =	sadd.s32 $0x100, s14  }
0x382: {  	[hbm4b:s17+s6] =	stream.strided.scatter [tilespmem:s15], [sflag:$0xB], $0x400, s12, s6, $0x38;
	[tilespmem:$0x18000] =	vst v63  }
.Ltmp19:
0x383: {  	s15 =	sadd.s32 $0x9400, s16;
	s17 =	sadd.s32 $0x140, s14;
	(pc) =	sbr.rel @p0 .LBB2_40-.Ltmp19, $4  }
0x384: {  	[hbm4b:s17+s6] =	stream.strided.scatter [tilespmem:s15], [sflag:$0xB], $0x400, s12, s6, $0x38;
	[tilespmem:$0x18000] =	vst v63  }
0x385: {  	s15 =	sadd.s32 $0x9800, s16;
	s17 =	sadd.s32 $0x180, s14;
	s16 =	sadd.s32 $0x9C00, s16  }
0x386: {  	[hbm4b:s17+s6] =	stream.strided.scatter [tilespmem:s15], [sflag:$0xB], $0x400, s12, s6, $0x38;
	[tilespmem:$0x18000] =	vst v63  }
0x387: {  	s17 =	sadd.s32 $0x1C0, s14;
	s14 =	sadd.s32 $0x1000, s14;
	s15 =	smov.u32 s18  }
0x388: {  	[hbm4b:s17+s6] =	stream.strided.scatter [tilespmem:s16], [sflag:$0xB], $0x400, s12, s6, $0x38;
	[tilespmem:$0x18000] =	vst v63  }
0x389: {  	s15 =	sadd.s32 $0x8000, s13  }
0x38a: {  	[hbm4b:s14+s6] =	stream.strided.scatter [tilespmem:s15], [sflag:$0xB], $0x400, s12, s6, $0x38;
	[tilespmem:$0x18000] =	vst v63  }
0x38b: {  	s17 =	sadd.s32 $0x8400, s13;
	s18 =	sadd.s32 $0x40, s14  }
0x38c: {  	[hbm4b:s18+s6] =	stream.strided.scatter [tilespmem:s17], [sflag:$0xB], $0x400, s12, s6, $0x38;
	[tilespmem:$0x18000] =	vst v63  }
0x38d: {  	s17 =	sadd.s32 $0x8800, s13;
	s18 =	sadd.s32 $0x80, s14  }
0x38e: {  	[hbm4b:s18+s6] =	stream.strided.scatter [tilespmem:s17], [sflag:$0xB], $0x400, s12, s6, $0x38;
	[tilespmem:$0x18000] =	vst v63  }
0x38f: {  	s17 =	sadd.s32 $0x8C00, s13;
	s18 =	sadd.s32 $0xC0, s14  }
0x390: {  	[hbm4b:s18+s6] =	stream.strided.scatter [tilespmem:s17], [sflag:$0xB], $0x400, s12, s6, $0x38;
	[tilespmem:$0x18000] =	vst v63  }
0x391: {  	s17 =	sadd.s32 $0x9000, s13;
	s18 =	sadd.s32 $0x100, s14  }
0x392: {  	[hbm4b:s18+s6] =	stream.strided.scatter [tilespmem:s17], [sflag:$0xB], $0x400, s12, s6, $0x38;
	[tilespmem:$0x18000] =	vst v63  }
0x393: {  	s17 =	sadd.s32 $0x9400, s13;
	s18 =	sadd.s32 $0x140, s14  }
0x394: {  	[hbm4b:s18+s6] =	stream.strided.scatter [tilespmem:s17], [sflag:$0xB], $0x400, s12, s6, $0x38;
	[tilespmem:$0x18000] =	vst v63  }
0x395: {  	s16 =	sadd.s32 $0x9800, s13;
	s17 =	sadd.s32 $0x180, s14  }
0x396: {  	[hbm4b:s17+s6] =	stream.strided.scatter [tilespmem:s16], [sflag:$0xB], $0x400, s12, s6, $0x38;
	[tilespmem:$0x18000] =	vst v63  }
0x397: {  	s15 =	sadd.s32 $0x1C0, s14;
	s18 =	sadd.s32 $0x9C00, s13;
	s16 =	simm.s32 $0xC  }
0x398: {  	[hbm4b:s15+s6] =	stream.strided.scatter [tilespmem:s18], [sflag:$0xB], $0x400, s12, s6, $0x38;
	[tilespmem:$0x18000] =	vst v63  }
0x399: {  	_ =	swait.ge [sflag:s16], $0x8000  }
0x39a: {  	[sflag:s16] =	ssyncset.done $0x0  }
0x39b: {  	s17 =	simm.s32 $0xD;
	[sflag:s16] =	ssyncadd.s32 $0xFFFF8000  }
0x39c: {  	_ =	swait.ge [sflag:s17], $0x8000  }
0x39d: {  	[sflag:s17] =	ssyncset.done $0x0  }
0x39e: {  	s18 =	simm.s32 $0xE;
	[sflag:s17] =	ssyncadd.s32 $0xFFFF8000  }
0x39f: {  	_ =	swait.ge [sflag:s18], $0x8000  }
0x3a0: {  	[sflag:s18] =	ssyncset.done $0x0  }
0x3a1: {  	s14 =	simm.s32 $0xF;
	[sflag:s18] =	ssyncadd.s32 $0xFFFF8000  }
0x3a2: {  	_ =	swait.ge [sflag:s14], $0x8000  }
0x3a3: {  	s15 =	simm.s32 $0x0;
	s17 =	simm.s32 $0x10000;
	[sflag:s14] =	ssyncset.done $0x0  }
0x3a4: {  	s18 =	simm.s32 $0x3;
	s16 =	rddreg [dreg:$0xa];
	[sflag:s14] =	ssyncadd.s32 $0xFFFF8000  }
0x3a5: {  	[tilespmem:s17], [sflag:$0x3] =	stream.linear.gather [hbm4b:s16+s15], $0x8000, $0x38;
	[tilespmem:$0x18000] =	vst v63  }
0x3a6: {  	_ =	swait.ge [sflag:s18], $0x8000  }
0x3a7: {  	[sflag:s18] =	ssyncset.done $0x0  }
0x3a8: {  	s14 =	simm.s32 $0x10000;
	[sflag:s18] =	ssyncadd.s32 $0xFFFF8000  }
0x3a9: {  	[hbm4b:s31+s6] =	stream.strided.scatter [tilespmem:s14], [sflag:$0xC], $0x400, s12, s6, $0x38;
	[tilespmem:$0x18000] =	vst v63  }
0x3aa: {  	s15 =	simm.s32 $0x10400;
	s16 =	sadd.s32 $0x40, s31  }
0x3ab: {  	[hbm4b:s16+s6] =	stream.strided.scatter [tilespmem:s15], [sflag:$0xC], $0x400, s12, s6, $0x38;
	[tilespmem:$0x18000] =	vst v63  }
0x3ac: {  	s17 =	simm.s32 $0x10800;
	s18 =	sadd.s32 $0x80, s31  }
0x3ad: {  	[hbm4b:s18+s6] =	stream.strided.scatter [tilespmem:s17], [sflag:$0xC], $0x400, s12, s6, $0x38;
	[tilespmem:$0x18000] =	vst v63  }
0x3ae: {  	s15 =	simm.s32 $0x10C00;
	s16 =	sadd.s32 $0xC0, s31  }
0x3af: {  	[hbm4b:s16+s6] =	stream.strided.scatter [tilespmem:s15], [sflag:$0xC], $0x400, s12, s6, $0x38;
	[tilespmem:$0x18000] =	vst v63  }
0x3b0: {  	s17 =	simm.s32 $0x11000;
	s18 =	sadd.s32 $0x100, s31  }
0x3b1: {  	[hbm4b:s18+s6] =	stream.strided.scatter [tilespmem:s17], [sflag:$0xC], $0x400, s12, s6, $0x38;
	[tilespmem:$0x18000] =	vst v63  }
0x3b2: {  	s13 =	simm.s32 $0x2000;
	s15 =	simm.s32 $0x11400;
	s16 =	sadd.s32 $0x140, s31  }
0x3b3: {  	[hbm4b:s16+s6] =	stream.strided.scatter [tilespmem:s15], [sflag:$0xC], $0x400, s12, s6, $0x38;
	[tilespmem:$0x18000] =	vst v63  }
0x3b4: {  	s14 =	sadd.s32 $0x1000, s31;
	s17 =	simm.s32 $0x11800;
	s18 =	sadd.s32 $0x180, s31  }
0x3b5: {  	[hbm4b:s18+s6] =	stream.strided.scatter [tilespmem:s17], [sflag:$0xC], $0x400, s12, s6, $0x38;
	[tilespmem:$0x18000] =	vst v63  }
0x3b6: {  	s15 =	simm.s32 $0x10000;
	s16 =	simm.s32 $0x11C00;
	s17 =	sadd.s32 $0x1C0, s31  }
.LBB2_42:
0x3b7: {  	[hbm4b:s17+s6] =	stream.strided.scatter [tilespmem:s16], [sflag:$0xC], $0x400, s12, s6, $0x38;
	[tilespmem:$0x18000] =	vst v63  }
0x3b8: {  	s16 =	smov.u32 s13;
	s13 =	smov.u32 s15  }
0x3b9: {  	s18 =	sadd.s32 $0x8000, s15;
	s13 =	sshra.s32 s13, $0x2;
	s17 =	sadd.s32 $0x10000, s16  }
0x3ba: {  	[hbm4b:s14+s6] =	stream.strided.scatter [tilespmem:s17], [sflag:$0xC], $0x400, s12, s6, $0x38;
	[tilespmem:$0x18000] =	vst v63  }
0x3bb: {  	p0 =	sne.s32 s15, $0x18000;
	s15 =	sadd.s32 $0x10400, s16;
	s17 =	sadd.s32 $0x40, s14  }
0x3bc: {  	[hbm4b:s17+s6] =	stream.strided.scatter [tilespmem:s15], [sflag:$0xC], $0x400, s12, s6, $0x38;
	[tilespmem:$0x18000] =	vst v63  }
0x3bd: {  	s15 =	sadd.s32 $0x10800, s16;
	s17 =	sadd.s32 $0x80, s14  }
0x3be: {  	[hbm4b:s17+s6] =	stream.strided.scatter [tilespmem:s15], [sflag:$0xC], $0x400, s12, s6, $0x38;
	[tilespmem:$0x18000] =	vst v63  }
0x3bf: {  	s15 =	sadd.s32 $0x10C00, s16;
	s17 =	sadd.s32 $0xC0, s14  }
0x3c0: {  	[hbm4b:s17+s6] =	stream.strided.scatter [tilespmem:s15], [sflag:$0xC], $0x400, s12, s6, $0x38;
	[tilespmem:$0x18000] =	vst v63  }
0x3c1: {  	s15 =	sadd.s32 $0x11000, s16;
	s17 =	sadd.s32 $0x100, s14  }
0x3c2: {  	[hbm4b:s17+s6] =	stream.strided.scatter [tilespmem:s15], [sflag:$0xC], $0x400, s12, s6, $0x38;
	[tilespmem:$0x18000] =	vst v63  }
.Ltmp20:
0x3c3: {  	s15 =	sadd.s32 $0x11400, s16;
	s17 =	sadd.s32 $0x140, s14;
	(pc) =	sbr.rel @p0 .LBB2_42-.Ltmp20, $4  }
0x3c4: {  	[hbm4b:s17+s6] =	stream.strided.scatter [tilespmem:s15], [sflag:$0xC], $0x400, s12, s6, $0x38;
	[tilespmem:$0x18000] =	vst v63  }
0x3c5: {  	s15 =	sadd.s32 $0x11800, s16;
	s17 =	sadd.s32 $0x180, s14;
	s16 =	sadd.s32 $0x11C00, s16  }
0x3c6: {  	[hbm4b:s17+s6] =	stream.strided.scatter [tilespmem:s15], [sflag:$0xC], $0x400, s12, s6, $0x38;
	[tilespmem:$0x18000] =	vst v63  }
0x3c7: {  	s17 =	sadd.s32 $0x1C0, s14;
	s14 =	sadd.s32 $0x1000, s14;
	s15 =	smov.u32 s18  }
0x3c8: {  	[hbm4b:s17+s6] =	stream.strided.scatter [tilespmem:s16], [sflag:$0xC], $0x400, s12, s6, $0x38;
	[tilespmem:$0x18000] =	vst v63  }
0x3c9: {  	s15 =	sadd.s32 $0x10000, s13  }
0x3ca: {  	[hbm4b:s14+s6] =	stream.strided.scatter [tilespmem:s15], [sflag:$0xC], $0x400, s12, s6, $0x38;
	[tilespmem:$0x18000] =	vst v63  }
0x3cb: {  	s17 =	sadd.s32 $0x10400, s13;
	s18 =	sadd.s32 $0x40, s14  }
0x3cc: {  	[hbm4b:s18+s6] =	stream.strided.scatter [tilespmem:s17], [sflag:$0xC], $0x400, s12, s6, $0x38;
	[tilespmem:$0x18000] =	vst v63  }
0x3cd: {  	s17 =	sadd.s32 $0x10800, s13;
	s18 =	sadd.s32 $0x80, s14  }
0x3ce: {  	[hbm4b:s18+s6] =	stream.strided.scatter [tilespmem:s17], [sflag:$0xC], $0x400, s12, s6, $0x38;
	[tilespmem:$0x18000] =	vst v63  }
0x3cf: {  	s17 =	sadd.s32 $0x10C00, s13;
	s18 =	sadd.s32 $0xC0, s14  }
0x3d0: {  	[hbm4b:s18+s6] =	stream.strided.scatter [tilespmem:s17], [sflag:$0xC], $0x400, s12, s6, $0x38;
	[tilespmem:$0x18000] =	vst v63  }
0x3d1: {  	s17 =	sadd.s32 $0x11000, s13;
	s18 =	sadd.s32 $0x100, s14  }
0x3d2: {  	[hbm4b:s18+s6] =	stream.strided.scatter [tilespmem:s17], [sflag:$0xC], $0x400, s12, s6, $0x38;
	[tilespmem:$0x18000] =	vst v63  }
0x3d3: {  	s17 =	sadd.s32 $0x11400, s13;
	s18 =	sadd.s32 $0x140, s14  }
0x3d4: {  	[hbm4b:s18+s6] =	stream.strided.scatter [tilespmem:s17], [sflag:$0xC], $0x400, s12, s6, $0x38;
	[tilespmem:$0x18000] =	vst v63  }
0x3d5: {  	s17 =	sadd.s32 $0x11800, s13;
	s18 =	sadd.s32 $0x180, s14  }
0x3d6: {  	[hbm4b:s18+s6] =	stream.strided.scatter [tilespmem:s17], [sflag:$0xC], $0x400, s12, s6, $0x38;
	[tilespmem:$0x18000] =	vst v63  }
0x3d7: {  	s17 =	sadd.s32 $0x11C00, s13;
	s18 =	sadd.s32 $0x1C0, s14  }
0x3d8: {  	[hbm4b:s18+s6] =	stream.strided.scatter [tilespmem:s17], [sflag:$0xC], $0x400, s12, s6, $0x38;
	[tilespmem:$0x18000] =	vst v63  }
0x3d9: {  	s14 =	simm.s32 $0x10000  }
0x3da: {  	[hbm4b:s0+s6] =	stream.strided.scatter [tilespmem:s14], [sflag:$0xD], $0x400, s12, s6, $0x38;
	[tilespmem:$0x18000] =	vst v63  }
0x3db: {  	s16 =	sadd.s32 $0x40, s0;
	s15 =	simm.s32 $0x10400  }
0x3dc: {  	[hbm4b:s16+s6] =	stream.strided.scatter [tilespmem:s15], [sflag:$0xD], $0x400, s12, s6, $0x38;
	[tilespmem:$0x18000] =	vst v63  }
0x3dd: {  	s17 =	simm.s32 $0x10800;
	s18 =	sadd.s32 $0x80, s0  }
0x3de: {  	[hbm4b:s18+s6] =	stream.strided.scatter [tilespmem:s17], [sflag:$0xD], $0x400, s12, s6, $0x38;
	[tilespmem:$0x18000] =	vst v63  }
0x3df: {  	s15 =	simm.s32 $0x10C00;
	s16 =	sadd.s32 $0xC0, s0  }
0x3e0: {  	[hbm4b:s16+s6] =	stream.strided.scatter [tilespmem:s15], [sflag:$0xD], $0x400, s12, s6, $0x38;
	[tilespmem:$0x18000] =	vst v63  }
0x3e1: {  	s17 =	simm.s32 $0x11000;
	s18 =	sadd.s32 $0x100, s0  }
0x3e2: {  	[hbm4b:s18+s6] =	stream.strided.scatter [tilespmem:s17], [sflag:$0xD], $0x400, s12, s6, $0x38;
	[tilespmem:$0x18000] =	vst v63  }
0x3e3: {  	s13 =	simm.s32 $0x2000;
	s15 =	simm.s32 $0x11400;
	s16 =	sadd.s32 $0x140, s0  }
0x3e4: {  	[hbm4b:s16+s6] =	stream.strided.scatter [tilespmem:s15], [sflag:$0xD], $0x400, s12, s6, $0x38;
	[tilespmem:$0x18000] =	vst v63  }
0x3e5: {  	s14 =	sadd.s32 $0x1000, s0;
	s17 =	simm.s32 $0x11800;
	s18 =	sadd.s32 $0x180, s0  }
0x3e6: {  	[hbm4b:s18+s6] =	stream.strided.scatter [tilespmem:s17], [sflag:$0xD], $0x400, s12, s6, $0x38;
	[tilespmem:$0x18000] =	vst v63  }
0x3e7: {  	s15 =	simm.s32 $0x10000;
	s16 =	simm.s32 $0x11C00;
	s17 =	sadd.s32 $0x1C0, s0  }
.LBB2_44:
0x3e8: {  	[hbm4b:s17+s6] =	stream.strided.scatter [tilespmem:s16], [sflag:$0xD], $0x400, s12, s6, $0x38;
	[tilespmem:$0x18000] =	vst v63  }
0x3e9: {  	s16 =	smov.u32 s13;
	s13 =	smov.u32 s15  }
0x3ea: {  	s18 =	sadd.s32 $0x8000, s15;
	s13 =	sshra.s32 s13, $0x2;
	s17 =	sadd.s32 $0x10000, s16  }
0x3eb: {  	[hbm4b:s14+s6] =	stream.strided.scatter [tilespmem:s17], [sflag:$0xD], $0x400, s12, s6, $0x38;
	[tilespmem:$0x18000] =	vst v63  }
0x3ec: {  	p0 =	sne.s32 s15, $0x18000;
	s15 =	sadd.s32 $0x10400, s16;
	s17 =	sadd.s32 $0x40, s14  }
0x3ed: {  	[hbm4b:s17+s6] =	stream.strided.scatter [tilespmem:s15], [sflag:$0xD], $0x400, s12, s6, $0x38;
	[tilespmem:$0x18000] =	vst v63  }
0x3ee: {  	s15 =	sadd.s32 $0x10800, s16;
	s17 =	sadd.s32 $0x80, s14  }
0x3ef: {  	[hbm4b:s17+s6] =	stream.strided.scatter [tilespmem:s15], [sflag:$0xD], $0x400, s12, s6, $0x38;
	[tilespmem:$0x18000] =	vst v63  }
0x3f0: {  	s15 =	sadd.s32 $0x10C00, s16;
	s17 =	sadd.s32 $0xC0, s14  }
0x3f1: {  	[hbm4b:s17+s6] =	stream.strided.scatter [tilespmem:s15], [sflag:$0xD], $0x400, s12, s6, $0x38;
	[tilespmem:$0x18000] =	vst v63  }
0x3f2: {  	s15 =	sadd.s32 $0x11000, s16;
	s17 =	sadd.s32 $0x100, s14  }
0x3f3: {  	[hbm4b:s17+s6] =	stream.strided.scatter [tilespmem:s15], [sflag:$0xD], $0x400, s12, s6, $0x38;
	[tilespmem:$0x18000] =	vst v63  }
.Ltmp21:
0x3f4: {  	s15 =	sadd.s32 $0x11400, s16;
	s17 =	sadd.s32 $0x140, s14;
	(pc) =	sbr.rel @p0 .LBB2_44-.Ltmp21, $4  }
0x3f5: {  	[hbm4b:s17+s6] =	stream.strided.scatter [tilespmem:s15], [sflag:$0xD], $0x400, s12, s6, $0x38;
	[tilespmem:$0x18000] =	vst v63  }
0x3f6: {  	s15 =	sadd.s32 $0x11800, s16;
	s17 =	sadd.s32 $0x180, s14;
	s16 =	sadd.s32 $0x11C00, s16  }
0x3f7: {  	[hbm4b:s17+s6] =	stream.strided.scatter [tilespmem:s15], [sflag:$0xD], $0x400, s12, s6, $0x38;
	[tilespmem:$0x18000] =	vst v63  }
0x3f8: {  	s17 =	sadd.s32 $0x1C0, s14;
	s14 =	sadd.s32 $0x1000, s14;
	s15 =	smov.u32 s18  }
0x3f9: {  	[hbm4b:s17+s6] =	stream.strided.scatter [tilespmem:s16], [sflag:$0xD], $0x400, s12, s6, $0x38;
	[tilespmem:$0x18000] =	vst v63  }
0x3fa: {  	s15 =	sadd.s32 $0x10000, s13  }
0x3fb: {  	[hbm4b:s14+s6] =	stream.strided.scatter [tilespmem:s15], [sflag:$0xD], $0x400, s12, s6, $0x38;
	[tilespmem:$0x18000] =	vst v63  }
0x3fc: {  	s17 =	sadd.s32 $0x10400, s13;
	s18 =	sadd.s32 $0x40, s14  }
0x3fd: {  	[hbm4b:s18+s6] =	stream.strided.scatter [tilespmem:s17], [sflag:$0xD], $0x400, s12, s6, $0x38;
	[tilespmem:$0x18000] =	vst v63  }
0x3fe: {  	s17 =	sadd.s32 $0x10800, s13;
	s18 =	sadd.s32 $0x80, s14  }
0x3ff: {  	[hbm4b:s18+s6] =	stream.strided.scatter [tilespmem:s17], [sflag:$0xD], $0x400, s12, s6, $0x38;
	[tilespmem:$0x18000] =	vst v63  }
0x400: {  	s17 =	sadd.s32 $0x10C00, s13;
	s18 =	sadd.s32 $0xC0, s14  }
0x401: {  	[hbm4b:s18+s6] =	stream.strided.scatter [tilespmem:s17], [sflag:$0xD], $0x400, s12, s6, $0x38;
	[tilespmem:$0x18000] =	vst v63  }
0x402: {  	s17 =	sadd.s32 $0x11000, s13;
	s18 =	sadd.s32 $0x100, s14  }
0x403: {  	[hbm4b:s18+s6] =	stream.strided.scatter [tilespmem:s17], [sflag:$0xD], $0x400, s12, s6, $0x38;
	[tilespmem:$0x18000] =	vst v63  }
0x404: {  	s17 =	sadd.s32 $0x11400, s13;
	s18 =	sadd.s32 $0x140, s14  }
0x405: {  	[hbm4b:s18+s6] =	stream.strided.scatter [tilespmem:s17], [sflag:$0xD], $0x400, s12, s6, $0x38;
	[tilespmem:$0x18000] =	vst v63  }
0x406: {  	s17 =	sadd.s32 $0x11800, s13;
	s18 =	sadd.s32 $0x180, s14  }
0x407: {  	[hbm4b:s18+s6] =	stream.strided.scatter [tilespmem:s17], [sflag:$0xD], $0x400, s12, s6, $0x38;
	[tilespmem:$0x18000] =	vst v63  }
0x408: {  	s17 =	sadd.s32 $0x11C00, s13;
	s18 =	sadd.s32 $0x1C0, s14  }
0x409: {  	[hbm4b:s18+s6] =	stream.strided.scatter [tilespmem:s17], [sflag:$0xD], $0x400, s12, s6, $0x38;
	[tilespmem:$0x18000] =	vst v63  }
0x40a: {  	s14 =	simm.s32 $0x10000  }
0x40b: {  	[hbm4b:s2+s6] =	stream.strided.scatter [tilespmem:s14], [sflag:$0xE], $0x400, s12, s6, $0x38;
	[tilespmem:$0x18000] =	vst v63  }
0x40c: {  	s16 =	sadd.s32 $0x40, s2;
	s15 =	simm.s32 $0x10400  }
0x40d: {  	[hbm4b:s16+s6] =	stream.strided.scatter [tilespmem:s15], [sflag:$0xE], $0x400, s12, s6, $0x38;
	[tilespmem:$0x18000] =	vst v63  }
0x40e: {  	s17 =	simm.s32 $0x10800;
	s18 =	sadd.s32 $0x80, s2  }
0x40f: {  	[hbm4b:s18+s6] =	stream.strided.scatter [tilespmem:s17], [sflag:$0xE], $0x400, s12, s6, $0x38;
	[tilespmem:$0x18000] =	vst v63  }
0x410: {  	s15 =	simm.s32 $0x10C00;
	s16 =	sadd.s32 $0xC0, s2  }
0x411: {  	[hbm4b:s16+s6] =	stream.strided.scatter [tilespmem:s15], [sflag:$0xE], $0x400, s12, s6, $0x38;
	[tilespmem:$0x18000] =	vst v63  }
0x412: {  	s17 =	simm.s32 $0x11000;
	s18 =	sadd.s32 $0x100, s2  }
0x413: {  	[hbm4b:s18+s6] =	stream.strided.scatter [tilespmem:s17], [sflag:$0xE], $0x400, s12, s6, $0x38;
	[tilespmem:$0x18000] =	vst v63  }
0x414: {  	s13 =	simm.s32 $0x2000;
	s15 =	simm.s32 $0x11400;
	s16 =	sadd.s32 $0x140, s2  }
0x415: {  	[hbm4b:s16+s6] =	stream.strided.scatter [tilespmem:s15], [sflag:$0xE], $0x400, s12, s6, $0x38;
	[tilespmem:$0x18000] =	vst v63  }
0x416: {  	s14 =	sadd.s32 $0x1000, s2;
	s17 =	simm.s32 $0x11800;
	s18 =	sadd.s32 $0x180, s2  }
0x417: {  	[hbm4b:s18+s6] =	stream.strided.scatter [tilespmem:s17], [sflag:$0xE], $0x400, s12, s6, $0x38;
	[tilespmem:$0x18000] =	vst v63  }
0x418: {  	s15 =	simm.s32 $0x10000;
	s16 =	simm.s32 $0x11C00;
	s17 =	sadd.s32 $0x1C0, s2  }
.LBB2_46:
0x419: {  	[hbm4b:s17+s6] =	stream.strided.scatter [tilespmem:s16], [sflag:$0xE], $0x400, s12, s6, $0x38;
	[tilespmem:$0x18000] =	vst v63  }
0x41a: {  	s16 =	smov.u32 s13;
	s13 =	smov.u32 s15  }
0x41b: {  	s18 =	sadd.s32 $0x8000, s15;
	s13 =	sshra.s32 s13, $0x2;
	s17 =	sadd.s32 $0x10000, s16  }
0x41c: {  	[hbm4b:s14+s6] =	stream.strided.scatter [tilespmem:s17], [sflag:$0xE], $0x400, s12, s6, $0x38;
	[tilespmem:$0x18000] =	vst v63  }
0x41d: {  	p0 =	sne.s32 s15, $0x18000;
	s15 =	sadd.s32 $0x10400, s16;
	s17 =	sadd.s32 $0x40, s14  }
0x41e: {  	[hbm4b:s17+s6] =	stream.strided.scatter [tilespmem:s15], [sflag:$0xE], $0x400, s12, s6, $0x38;
	[tilespmem:$0x18000] =	vst v63  }
0x41f: {  	s15 =	sadd.s32 $0x10800, s16;
	s17 =	sadd.s32 $0x80, s14  }
0x420: {  	[hbm4b:s17+s6] =	stream.strided.scatter [tilespmem:s15], [sflag:$0xE], $0x400, s12, s6, $0x38;
	[tilespmem:$0x18000] =	vst v63  }
0x421: {  	s15 =	sadd.s32 $0x10C00, s16;
	s17 =	sadd.s32 $0xC0, s14  }
0x422: {  	[hbm4b:s17+s6] =	stream.strided.scatter [tilespmem:s15], [sflag:$0xE], $0x400, s12, s6, $0x38;
	[tilespmem:$0x18000] =	vst v63  }
0x423: {  	s15 =	sadd.s32 $0x11000, s16;
	s17 =	sadd.s32 $0x100, s14  }
0x424: {  	[hbm4b:s17+s6] =	stream.strided.scatter [tilespmem:s15], [sflag:$0xE], $0x400, s12, s6, $0x38;
	[tilespmem:$0x18000] =	vst v63  }
.Ltmp22:
0x425: {  	s15 =	sadd.s32 $0x11400, s16;
	s17 =	sadd.s32 $0x140, s14;
	(pc) =	sbr.rel @p0 .LBB2_46-.Ltmp22, $4  }
0x426: {  	[hbm4b:s17+s6] =	stream.strided.scatter [tilespmem:s15], [sflag:$0xE], $0x400, s12, s6, $0x38;
	[tilespmem:$0x18000] =	vst v63  }
0x427: {  	s15 =	sadd.s32 $0x11800, s16;
	s17 =	sadd.s32 $0x180, s14;
	s16 =	sadd.s32 $0x11C00, s16  }
0x428: {  	[hbm4b:s17+s6] =	stream.strided.scatter [tilespmem:s15], [sflag:$0xE], $0x400, s12, s6, $0x38;
	[tilespmem:$0x18000] =	vst v63  }
0x429: {  	s17 =	sadd.s32 $0x1C0, s14;
	s14 =	sadd.s32 $0x1000, s14;
	s15 =	smov.u32 s18  }
0x42a: {  	[hbm4b:s17+s6] =	stream.strided.scatter [tilespmem:s16], [sflag:$0xE], $0x400, s12, s6, $0x38;
	[tilespmem:$0x18000] =	vst v63  }
0x42b: {  	s15 =	sadd.s32 $0x10000, s13  }
0x42c: {  	[hbm4b:s14+s6] =	stream.strided.scatter [tilespmem:s15], [sflag:$0xE], $0x400, s12, s6, $0x38;
	[tilespmem:$0x18000] =	vst v63  }
0x42d: {  	s17 =	sadd.s32 $0x10400, s13;
	s18 =	sadd.s32 $0x40, s14  }
0x42e: {  	[hbm4b:s18+s6] =	stream.strided.scatter [tilespmem:s17], [sflag:$0xE], $0x400, s12, s6, $0x38;
	[tilespmem:$0x18000] =	vst v63  }
0x42f: {  	s17 =	sadd.s32 $0x10800, s13;
	s18 =	sadd.s32 $0x80, s14  }
0x430: {  	[hbm4b:s18+s6] =	stream.strided.scatter [tilespmem:s17], [sflag:$0xE], $0x400, s12, s6, $0x38;
	[tilespmem:$0x18000] =	vst v63  }
0x431: {  	s17 =	sadd.s32 $0x10C00, s13;
	s18 =	sadd.s32 $0xC0, s14  }
0x432: {  	[hbm4b:s18+s6] =	stream.strided.scatter [tilespmem:s17], [sflag:$0xE], $0x400, s12, s6, $0x38;
	[tilespmem:$0x18000] =	vst v63  }
0x433: {  	s17 =	sadd.s32 $0x11000, s13;
	s18 =	sadd.s32 $0x100, s14  }
0x434: {  	[hbm4b:s18+s6] =	stream.strided.scatter [tilespmem:s17], [sflag:$0xE], $0x400, s12, s6, $0x38;
	[tilespmem:$0x18000] =	vst v63  }
0x435: {  	s17 =	sadd.s32 $0x11400, s13;
	s18 =	sadd.s32 $0x140, s14  }
0x436: {  	[hbm4b:s18+s6] =	stream.strided.scatter [tilespmem:s17], [sflag:$0xE], $0x400, s12, s6, $0x38;
	[tilespmem:$0x18000] =	vst v63  }
0x437: {  	s17 =	sadd.s32 $0x11800, s13;
	s18 =	sadd.s32 $0x180, s14  }
0x438: {  	[hbm4b:s18+s6] =	stream.strided.scatter [tilespmem:s17], [sflag:$0xE], $0x400, s12, s6, $0x38;
	[tilespmem:$0x18000] =	vst v63  }
0x439: {  	s17 =	sadd.s32 $0x11C00, s13;
	s18 =	sadd.s32 $0x1C0, s14  }
0x43a: {  	[hbm4b:s18+s6] =	stream.strided.scatter [tilespmem:s17], [sflag:$0xE], $0x400, s12, s6, $0x38;
	[tilespmem:$0x18000] =	vst v63  }
0x43b: {  	s14 =	simm.s32 $0x10000  }
0x43c: {  	[hbm4b:s3+s6] =	stream.strided.scatter [tilespmem:s14], [sflag:$0xF], $0x400, s12, s6, $0x38;
	[tilespmem:$0x18000] =	vst v63  }
0x43d: {  	s16 =	sadd.s32 $0x40, s3;
	s15 =	simm.s32 $0x10400  }
0x43e: {  	[hbm4b:s16+s6] =	stream.strided.scatter [tilespmem:s15], [sflag:$0xF], $0x400, s12, s6, $0x38;
	[tilespmem:$0x18000] =	vst v63  }
0x43f: {  	s17 =	simm.s32 $0x10800;
	s18 =	sadd.s32 $0x80, s3  }
0x440: {  	[hbm4b:s18+s6] =	stream.strided.scatter [tilespmem:s17], [sflag:$0xF], $0x400, s12, s6, $0x38;
	[tilespmem:$0x18000] =	vst v63  }
0x441: {  	s15 =	simm.s32 $0x10C00;
	s16 =	sadd.s32 $0xC0, s3  }
0x442: {  	[hbm4b:s16+s6] =	stream.strided.scatter [tilespmem:s15], [sflag:$0xF], $0x400, s12, s6, $0x38;
	[tilespmem:$0x18000] =	vst v63  }
0x443: {  	s17 =	simm.s32 $0x11000;
	s18 =	sadd.s32 $0x100, s3  }
0x444: {  	[hbm4b:s18+s6] =	stream.strided.scatter [tilespmem:s17], [sflag:$0xF], $0x400, s12, s6, $0x38;
	[tilespmem:$0x18000] =	vst v63  }
0x445: {  	s13 =	simm.s32 $0x2000;
	s15 =	simm.s32 $0x11400;
	s16 =	sadd.s32 $0x140, s3  }
0x446: {  	[hbm4b:s16+s6] =	stream.strided.scatter [tilespmem:s15], [sflag:$0xF], $0x400, s12, s6, $0x38;
	[tilespmem:$0x18000] =	vst v63  }
0x447: {  	s14 =	sadd.s32 $0x1000, s3;
	s17 =	simm.s32 $0x11800;
	s18 =	sadd.s32 $0x180, s3  }
0x448: {  	[hbm4b:s18+s6] =	stream.strided.scatter [tilespmem:s17], [sflag:$0xF], $0x400, s12, s6, $0x38;
	[tilespmem:$0x18000] =	vst v63  }
0x449: {  	s15 =	simm.s32 $0x10000;
	s16 =	simm.s32 $0x11C00;
	s17 =	sadd.s32 $0x1C0, s3  }
.LBB2_48:
0x44a: {  	[hbm4b:s17+s6] =	stream.strided.scatter [tilespmem:s16], [sflag:$0xF], $0x400, s12, s6, $0x38;
	[tilespmem:$0x18000] =	vst v63  }
0x44b: {  	s16 =	smov.u32 s13;
	s13 =	smov.u32 s15  }
0x44c: {  	s18 =	sadd.s32 $0x8000, s15;
	s13 =	sshra.s32 s13, $0x2;
	s17 =	sadd.s32 $0x10000, s16  }
0x44d: {  	[hbm4b:s14+s6] =	stream.strided.scatter [tilespmem:s17], [sflag:$0xF], $0x400, s12, s6, $0x38;
	[tilespmem:$0x18000] =	vst v63  }
0x44e: {  	p0 =	sne.s32 s15, $0x18000;
	s15 =	sadd.s32 $0x10400, s16;
	s17 =	sadd.s32 $0x40, s14  }
0x44f: {  	[hbm4b:s17+s6] =	stream.strided.scatter [tilespmem:s15], [sflag:$0xF], $0x400, s12, s6, $0x38;
	[tilespmem:$0x18000] =	vst v63  }
0x450: {  	s15 =	sadd.s32 $0x10800, s16;
	s17 =	sadd.s32 $0x80, s14  }
0x451: {  	[hbm4b:s17+s6] =	stream.strided.scatter [tilespmem:s15], [sflag:$0xF], $0x400, s12, s6, $0x38;
	[tilespmem:$0x18000] =	vst v63  }
0x452: {  	s15 =	sadd.s32 $0x10C00, s16;
	s17 =	sadd.s32 $0xC0, s14  }
0x453: {  	[hbm4b:s17+s6] =	stream.strided.scatter [tilespmem:s15], [sflag:$0xF], $0x400, s12, s6, $0x38;
	[tilespmem:$0x18000] =	vst v63  }
0x454: {  	s15 =	sadd.s32 $0x11000, s16;
	s17 =	sadd.s32 $0x100, s14  }
0x455: {  	[hbm4b:s17+s6] =	stream.strided.scatter [tilespmem:s15], [sflag:$0xF], $0x400, s12, s6, $0x38;
	[tilespmem:$0x18000] =	vst v63  }
.Ltmp23:
0x456: {  	s15 =	sadd.s32 $0x11400, s16;
	s17 =	sadd.s32 $0x140, s14;
	(pc) =	sbr.rel @p0 .LBB2_48-.Ltmp23, $4  }
0x457: {  	[hbm4b:s17+s6] =	stream.strided.scatter [tilespmem:s15], [sflag:$0xF], $0x400, s12, s6, $0x38;
	[tilespmem:$0x18000] =	vst v63  }
0x458: {  	s15 =	sadd.s32 $0x11800, s16;
	s17 =	sadd.s32 $0x180, s14;
	s16 =	sadd.s32 $0x11C00, s16  }
0x459: {  	[hbm4b:s17+s6] =	stream.strided.scatter [tilespmem:s15], [sflag:$0xF], $0x400, s12, s6, $0x38;
	[tilespmem:$0x18000] =	vst v63  }
0x45a: {  	s17 =	sadd.s32 $0x1C0, s14;
	s14 =	sadd.s32 $0x1000, s14;
	s15 =	smov.u32 s18  }
0x45b: {  	[hbm4b:s17+s6] =	stream.strided.scatter [tilespmem:s16], [sflag:$0xF], $0x400, s12, s6, $0x38;
	[tilespmem:$0x18000] =	vst v63  }
0x45c: {  	s15 =	sadd.s32 $0x10000, s13  }
0x45d: {  	[hbm4b:s14+s6] =	stream.strided.scatter [tilespmem:s15], [sflag:$0xF], $0x400, s12, s6, $0x38;
	[tilespmem:$0x18000] =	vst v63  }
0x45e: {  	s17 =	sadd.s32 $0x10400, s13;
	s18 =	sadd.s32 $0x40, s14  }
0x45f: {  	[hbm4b:s18+s6] =	stream.strided.scatter [tilespmem:s17], [sflag:$0xF], $0x400, s12, s6, $0x38;
	[tilespmem:$0x18000] =	vst v63  }
0x460: {  	s17 =	sadd.s32 $0x10800, s13;
	s18 =	sadd.s32 $0x80, s14  }
0x461: {  	[hbm4b:s18+s6] =	stream.strided.scatter [tilespmem:s17], [sflag:$0xF], $0x400, s12, s6, $0x38;
	[tilespmem:$0x18000] =	vst v63  }
0x462: {  	s17 =	sadd.s32 $0x10C00, s13;
	s18 =	sadd.s32 $0xC0, s14  }
0x463: {  	[hbm4b:s18+s6] =	stream.strided.scatter [tilespmem:s17], [sflag:$0xF], $0x400, s12, s6, $0x38;
	[tilespmem:$0x18000] =	vst v63  }
0x464: {  	s17 =	sadd.s32 $0x11000, s13;
	s18 =	sadd.s32 $0x100, s14  }
0x465: {  	[hbm4b:s18+s6] =	stream.strided.scatter [tilespmem:s17], [sflag:$0xF], $0x400, s12, s6, $0x38;
	[tilespmem:$0x18000] =	vst v63  }
0x466: {  	s17 =	sadd.s32 $0x11400, s13;
	s18 =	sadd.s32 $0x140, s14  }
0x467: {  	[hbm4b:s18+s6] =	stream.strided.scatter [tilespmem:s17], [sflag:$0xF], $0x400, s12, s6, $0x38;
	[tilespmem:$0x18000] =	vst v63  }
0x468: {  	s17 =	sadd.s32 $0x11800, s13;
	s18 =	sadd.s32 $0x180, s14  }
0x469: {  	[hbm4b:s18+s6] =	stream.strided.scatter [tilespmem:s17], [sflag:$0xF], $0x400, s12, s6, $0x38;
	[tilespmem:$0x18000] =	vst v63  }
0x46a: {  	s16 =	sadd.s32 $0x1C0, s14;
	s15 =	sadd.s32 $0x11C00, s13;
	s17 =	simm.s32 $0x4  }
0x46b: {  	[hbm4b:s16+s6] =	stream.strided.scatter [tilespmem:s15], [sflag:$0xF], $0x400, s12, s6, $0x38;
	[tilespmem:$0x18000] =	vst v63  }
0x46c: {  	_ =	swait.ge [sflag:s17], $0x8000  }
0x46d: {  	[sflag:s17] =	ssyncset.done $0x0  }
0x46e: {  	s18 =	simm.s32 $0x5;
	[sflag:s17] =	ssyncadd.s32 $0xFFFF8000  }
0x46f: {  	_ =	swait.ge [sflag:s18], $0x8000  }
0x470: {  	[sflag:s18] =	ssyncset.done $0x0  }
0x471: {  	s14 =	simm.s32 $0x6;
	[sflag:s18] =	ssyncadd.s32 $0xFFFF8000  }
0x472: {  	_ =	swait.ge [sflag:s14], $0x8000  }
0x473: {  	[sflag:s14] =	ssyncset.done $0x0  }
0x474: {  	s15 =	simm.s32 $0x7;
	[sflag:s14] =	ssyncadd.s32 $0xFFFF8000  }
0x475: {  	_ =	swait.ge [sflag:s15], $0x8000  }
0x476: {  	s16 =	simm.s32 $0x0;
	[sflag:s15] =	ssyncset.done $0x0  }
0x477: {  	s18 =	simm.s32 $0x1;
	s17 =	rddreg [dreg:$0xb];
	[sflag:s15] =	ssyncadd.s32 $0xFFFF8000  }
0x478: {  	[tilespmem:s16], [sflag:$0x1] =	stream.linear.gather [hbm4b:s17+s16], $0x8000, $0x38;
	[tilespmem:$0x18000] =	vst v63  }
0x479: {  	_ =	swait.ge [sflag:s18], $0x8000  }
0x47a: {  	[sflag:s18] =	ssyncset.done $0x0  }
0x47b: {  	s14 =	simm.s32 $0x0;
	[sflag:s18] =	ssyncadd.s32 $0xFFFF8000  }
0x47c: {  	[hbm4b:s4+s6] =	stream.strided.scatter [tilespmem:s14], [sflag:$0x4], $0x400, s12, s6, $0x38;
	[tilespmem:$0x18000] =	vst v63  }
0x47d: {  	s15 =	simm.s32 $0x400;
	s16 =	sadd.s32 $0x40, s4  }
0x47e: {  	[hbm4b:s16+s6] =	stream.strided.scatter [tilespmem:s15], [sflag:$0x4], $0x400, s12, s6, $0x38;
	[tilespmem:$0x18000] =	vst v63  }
0x47f: {  	s17 =	simm.s32 $0x800;
	s18 =	sadd.s32 $0x80, s4  }
0x480: {  	[hbm4b:s18+s6] =	stream.strided.scatter [tilespmem:s17], [sflag:$0x4], $0x400, s12, s6, $0x38;
	[tilespmem:$0x18000] =	vst v63  }
0x481: {  	s13 =	simm.s32 $0x8000;
	s15 =	simm.s32 $0xC00;
	s16 =	sadd.s32 $0xC0, s4  }
0x482: {  	[hbm4b:s16+s6] =	stream.strided.scatter [tilespmem:s15], [sflag:$0x4], $0x400, s12, s6, $0x38;
	[tilespmem:$0x18000] =	vst v63  }
0x483: {  	s14 =	sadd.s32 $0x1000, s4;
	s17 =	simm.s32 $0x1000;
	s18 =	sadd.s32 $0x100, s4  }
0x484: {  	[hbm4b:s18+s6] =	stream.strided.scatter [tilespmem:s17], [sflag:$0x4], $0x400, s12, s6, $0x38;
	[tilespmem:$0x18000] =	vst v63  }
0x485: {  	s15 =	simm.s32 $0x1400;
	s16 =	sadd.s32 $0x140, s4;
	s17 =	simm.s32 $0x1800  }
0x486: {  	[hbm4b:s16+s6] =	stream.strided.scatter [tilespmem:s15], [sflag:$0x4], $0x400, s12, s6, $0x38;
	[tilespmem:$0x18000] =	vst v63  }
0x487: {  	s18 =	sadd.s32 $0x180, s4;
	s15 =	simm.s32 $0x1C00;
	s16 =	sadd.s32 $0x1C0, s4  }
0x488: {  	[hbm4b:s18+s6] =	stream.strided.scatter [tilespmem:s17], [sflag:$0x4], $0x400, s12, s6, $0x38;
	[tilespmem:$0x18000] =	vst v63  }
.LBB2_50:
0x489: {  	[hbm4b:s16+s6] =	stream.strided.scatter [tilespmem:s15], [sflag:$0x4], $0x400, s12, s6, $0x38;
	[tilespmem:$0x18000] =	vst v63  }
0x48a: {  	s15 =	sshra.s32 s13, $0x2;
	p0 =	sne.s32 s13, $0x18000;
	s13 =	sadd.s32 $0x8000, s13  }
0x48b: {  	[hbm4b:s14+s6] =	stream.strided.scatter [tilespmem:s15], [sflag:$0x4], $0x400, s12, s6, $0x38;
	[tilespmem:$0x18000] =	vst v63  }
0x48c: {  	s17 =	sadd.s32 $0x40, s14;
	s16 =	sadd.s32 $0x400, s15  }
0x48d: {  	[hbm4b:s17+s6] =	stream.strided.scatter [tilespmem:s16], [sflag:$0x4], $0x400, s12, s6, $0x38;
	[tilespmem:$0x18000] =	vst v63  }
0x48e: {  	s16 =	sadd.s32 $0x800, s15;
	s17 =	sadd.s32 $0x80, s14  }
0x48f: {  	[hbm4b:s17+s6] =	stream.strided.scatter [tilespmem:s16], [sflag:$0x4], $0x400, s12, s6, $0x38;
	[tilespmem:$0x18000] =	vst v63  }
0x490: {  	s16 =	sadd.s32 $0xC00, s15;
	s17 =	sadd.s32 $0xC0, s14  }
0x491: {  	[hbm4b:s17+s6] =	stream.strided.scatter [tilespmem:s16], [sflag:$0x4], $0x400, s12, s6, $0x38;
	[tilespmem:$0x18000] =	vst v63  }
0x492: {  	s16 =	sadd.s32 $0x1000, s15;
	s17 =	sadd.s32 $0x100, s14  }
0x493: {  	[hbm4b:s17+s6] =	stream.strided.scatter [tilespmem:s16], [sflag:$0x4], $0x400, s12, s6, $0x38;
	[tilespmem:$0x18000] =	vst v63  }
.Ltmp24:
0x494: {  	s16 =	sadd.s32 $0x1400, s15;
	s17 =	sadd.s32 $0x140, s14;
	(pc) =	sbr.rel @p0 .LBB2_50-.Ltmp24, $4  }
0x495: {  	[hbm4b:s17+s6] =	stream.strided.scatter [tilespmem:s16], [sflag:$0x4], $0x400, s12, s6, $0x38;
	[tilespmem:$0x18000] =	vst v63  }
0x496: {  	s16 =	sadd.s32 $0x1800, s15;
	s17 =	sadd.s32 $0x180, s14  }
0x497: {  	[hbm4b:s17+s6] =	stream.strided.scatter [tilespmem:s16], [sflag:$0x4], $0x400, s12, s6, $0x38;
	[tilespmem:$0x18000] =	vst v63  }
0x498: {  	s15 =	sadd.s32 $0x1C00, s15;
	s16 =	sadd.s32 $0x1C0, s14;
	s14 =	sadd.s32 $0x1000, s14  }
0x499: {  	[hbm4b:s16+s6] =	stream.strided.scatter [tilespmem:s15], [sflag:$0x4], $0x400, s12, s6, $0x38;
	[tilespmem:$0x18000] =	vst v63  }
0x49a: {  	s13 =	simm.s32 $0x0  }
0x49b: {  	[hbm4b:s7+s6] =	stream.strided.scatter [tilespmem:s13], [sflag:$0x5], $0x400, s12, s6, $0x38;
	[tilespmem:$0x18000] =	vst v63  }
0x49c: {  	s16 =	simm.s32 $0x400;
	s14 =	sadd.s32 $0x40, s7  }
0x49d: {  	[hbm4b:s14+s6] =	stream.strided.scatter [tilespmem:s16], [sflag:$0x5], $0x400, s12, s6, $0x38;
	[tilespmem:$0x18000] =	vst v63  }
0x49e: {  	s17 =	simm.s32 $0x800;
	s18 =	sadd.s32 $0x80, s7  }
0x49f: {  	[hbm4b:s18+s6] =	stream.strided.scatter [tilespmem:s17], [sflag:$0x5], $0x400, s12, s6, $0x38;
	[tilespmem:$0x18000] =	vst v63  }
0x4a0: {  	s15 =	simm.s32 $0xC00;
	s13 =	simm.s32 $0x8000;
	s16 =	sadd.s32 $0xC0, s7  }
0x4a1: {  	[hbm4b:s16+s6] =	stream.strided.scatter [tilespmem:s15], [sflag:$0x5], $0x400, s12, s6, $0x38;
	[tilespmem:$0x18000] =	vst v63  }
0x4a2: {  	s14 =	sadd.s32 $0x1000, s7;
	s17 =	simm.s32 $0x1000;
	s18 =	sadd.s32 $0x100, s7  }
0x4a3: {  	[hbm4b:s18+s6] =	stream.strided.scatter [tilespmem:s17], [sflag:$0x5], $0x400, s12, s6, $0x38;
	[tilespmem:$0x18000] =	vst v63  }
0x4a4: {  	s15 =	simm.s32 $0x1400;
	s16 =	sadd.s32 $0x140, s7;
	s17 =	simm.s32 $0x1800  }
0x4a5: {  	[hbm4b:s16+s6] =	stream.strided.scatter [tilespmem:s15], [sflag:$0x5], $0x400, s12, s6, $0x38;
	[tilespmem:$0x18000] =	vst v63  }
0x4a6: {  	s18 =	sadd.s32 $0x180, s7;
	s15 =	simm.s32 $0x1C00;
	s16 =	sadd.s32 $0x1C0, s7  }
0x4a7: {  	[hbm4b:s18+s6] =	stream.strided.scatter [tilespmem:s17], [sflag:$0x5], $0x400, s12, s6, $0x38;
	[tilespmem:$0x18000] =	vst v63  }
.LBB2_52:
0x4a8: {  	[hbm4b:s16+s6] =	stream.strided.scatter [tilespmem:s15], [sflag:$0x5], $0x400, s12, s6, $0x38;
	[tilespmem:$0x18000] =	vst v63  }
0x4a9: {  	s15 =	sshra.s32 s13, $0x2;
	p0 =	sne.s32 s13, $0x18000;
	s13 =	sadd.s32 $0x8000, s13  }
0x4aa: {  	[hbm4b:s14+s6] =	stream.strided.scatter [tilespmem:s15], [sflag:$0x5], $0x400, s12, s6, $0x38;
	[tilespmem:$0x18000] =	vst v63  }
0x4ab: {  	s17 =	sadd.s32 $0x40, s14;
	s16 =	sadd.s32 $0x400, s15  }
0x4ac: {  	[hbm4b:s17+s6] =	stream.strided.scatter [tilespmem:s16], [sflag:$0x5], $0x400, s12, s6, $0x38;
	[tilespmem:$0x18000] =	vst v63  }
0x4ad: {  	s16 =	sadd.s32 $0x800, s15;
	s17 =	sadd.s32 $0x80, s14  }
0x4ae: {  	[hbm4b:s17+s6] =	stream.strided.scatter [tilespmem:s16], [sflag:$0x5], $0x400, s12, s6, $0x38;
	[tilespmem:$0x18000] =	vst v63  }
0x4af: {  	s16 =	sadd.s32 $0xC00, s15;
	s17 =	sadd.s32 $0xC0, s14  }
0x4b0: {  	[hbm4b:s17+s6] =	stream.strided.scatter [tilespmem:s16], [sflag:$0x5], $0x400, s12, s6, $0x38;
	[tilespmem:$0x18000] =	vst v63  }
0x4b1: {  	s16 =	sadd.s32 $0x1000, s15;
	s17 =	sadd.s32 $0x100, s14  }
0x4b2: {  	[hbm4b:s17+s6] =	stream.strided.scatter [tilespmem:s16], [sflag:$0x5], $0x400, s12, s6, $0x38;
	[tilespmem:$0x18000] =	vst v63  }
.Ltmp25:
0x4b3: {  	s16 =	sadd.s32 $0x1400, s15;
	s17 =	sadd.s32 $0x140, s14;
	(pc) =	sbr.rel @p0 .LBB2_52-.Ltmp25, $4  }
0x4b4: {  	[hbm4b:s17+s6] =	stream.strided.scatter [tilespmem:s16], [sflag:$0x5], $0x400, s12, s6, $0x38;
	[tilespmem:$0x18000] =	vst v63  }
0x4b5: {  	s16 =	sadd.s32 $0x1800, s15;
	s17 =	sadd.s32 $0x180, s14  }
0x4b6: {  	[hbm4b:s17+s6] =	stream.strided.scatter [tilespmem:s16], [sflag:$0x5], $0x400, s12, s6, $0x38;
	[tilespmem:$0x18000] =	vst v63  }
0x4b7: {  	s15 =	sadd.s32 $0x1C00, s15;
	s16 =	sadd.s32 $0x1C0, s14;
	s14 =	sadd.s32 $0x1000, s14  }
0x4b8: {  	[hbm4b:s16+s6] =	stream.strided.scatter [tilespmem:s15], [sflag:$0x5], $0x400, s12, s6, $0x38;
	[tilespmem:$0x18000] =	vst v63  }
0x4b9: {  	s13 =	simm.s32 $0x0  }
0x4ba: {  	[hbm4b:s8+s6] =	stream.strided.scatter [tilespmem:s13], [sflag:$0x6], $0x400, s12, s6, $0x38;
	[tilespmem:$0x18000] =	vst v63  }
0x4bb: {  	s16 =	simm.s32 $0x400;
	s14 =	sadd.s32 $0x40, s8  }
0x4bc: {  	[hbm4b:s14+s6] =	stream.strided.scatter [tilespmem:s16], [sflag:$0x6], $0x400, s12, s6, $0x38;
	[tilespmem:$0x18000] =	vst v63  }
0x4bd: {  	s17 =	simm.s32 $0x800;
	s18 =	sadd.s32 $0x80, s8  }
0x4be: {  	[hbm4b:s18+s6] =	stream.strided.scatter [tilespmem:s17], [sflag:$0x6], $0x400, s12, s6, $0x38;
	[tilespmem:$0x18000] =	vst v63  }
0x4bf: {  	s15 =	simm.s32 $0xC00;
	s13 =	simm.s32 $0x8000;
	s16 =	sadd.s32 $0xC0, s8  }
0x4c0: {  	[hbm4b:s16+s6] =	stream.strided.scatter [tilespmem:s15], [sflag:$0x6], $0x400, s12, s6, $0x38;
	[tilespmem:$0x18000] =	vst v63  }
0x4c1: {  	s14 =	sadd.s32 $0x1000, s8;
	s17 =	simm.s32 $0x1000;
	s18 =	sadd.s32 $0x100, s8  }
0x4c2: {  	[hbm4b:s18+s6] =	stream.strided.scatter [tilespmem:s17], [sflag:$0x6], $0x400, s12, s6, $0x38;
	[tilespmem:$0x18000] =	vst v63  }
0x4c3: {  	s15 =	simm.s32 $0x1400;
	s16 =	sadd.s32 $0x140, s8;
	s17 =	simm.s32 $0x1800  }
0x4c4: {  	[hbm4b:s16+s6] =	stream.strided.scatter [tilespmem:s15], [sflag:$0x6], $0x400, s12, s6, $0x38;
	[tilespmem:$0x18000] =	vst v63  }
0x4c5: {  	s18 =	sadd.s32 $0x180, s8;
	s15 =	simm.s32 $0x1C00;
	s16 =	sadd.s32 $0x1C0, s8  }
0x4c6: {  	[hbm4b:s18+s6] =	stream.strided.scatter [tilespmem:s17], [sflag:$0x6], $0x400, s12, s6, $0x38;
	[tilespmem:$0x18000] =	vst v63  }
.LBB2_54:
0x4c7: {  	[hbm4b:s16+s6] =	stream.strided.scatter [tilespmem:s15], [sflag:$0x6], $0x400, s12, s6, $0x38;
	[tilespmem:$0x18000] =	vst v63  }
0x4c8: {  	s15 =	sshra.s32 s13, $0x2;
	p0 =	sne.s32 s13, $0x18000;
	s13 =	sadd.s32 $0x8000, s13  }
0x4c9: {  	[hbm4b:s14+s6] =	stream.strided.scatter [tilespmem:s15], [sflag:$0x6], $0x400, s12, s6, $0x38;
	[tilespmem:$0x18000] =	vst v63  }
0x4ca: {  	s17 =	sadd.s32 $0x40, s14;
	s16 =	sadd.s32 $0x400, s15  }
0x4cb: {  	[hbm4b:s17+s6] =	stream.strided.scatter [tilespmem:s16], [sflag:$0x6], $0x400, s12, s6, $0x38;
	[tilespmem:$0x18000] =	vst v63  }
0x4cc: {  	s16 =	sadd.s32 $0x800, s15;
	s17 =	sadd.s32 $0x80, s14  }
0x4cd: {  	[hbm4b:s17+s6] =	stream.strided.scatter [tilespmem:s16], [sflag:$0x6], $0x400, s12, s6, $0x38;
	[tilespmem:$0x18000] =	vst v63  }
0x4ce: {  	s16 =	sadd.s32 $0xC00, s15;
	s17 =	sadd.s32 $0xC0, s14  }
0x4cf: {  	[hbm4b:s17+s6] =	stream.strided.scatter [tilespmem:s16], [sflag:$0x6], $0x400, s12, s6, $0x38;
	[tilespmem:$0x18000] =	vst v63  }
0x4d0: {  	s16 =	sadd.s32 $0x1000, s15;
	s17 =	sadd.s32 $0x100, s14  }
0x4d1: {  	[hbm4b:s17+s6] =	stream.strided.scatter [tilespmem:s16], [sflag:$0x6], $0x400, s12, s6, $0x38;
	[tilespmem:$0x18000] =	vst v63  }
.Ltmp26:
0x4d2: {  	s16 =	sadd.s32 $0x1400, s15;
	s17 =	sadd.s32 $0x140, s14;
	(pc) =	sbr.rel @p0 .LBB2_54-.Ltmp26, $4  }
0x4d3: {  	[hbm4b:s17+s6] =	stream.strided.scatter [tilespmem:s16], [sflag:$0x6], $0x400, s12, s6, $0x38;
	[tilespmem:$0x18000] =	vst v63  }
0x4d4: {  	s16 =	sadd.s32 $0x1800, s15;
	s17 =	sadd.s32 $0x180, s14  }
0x4d5: {  	[hbm4b:s17+s6] =	stream.strided.scatter [tilespmem:s16], [sflag:$0x6], $0x400, s12, s6, $0x38;
	[tilespmem:$0x18000] =	vst v63  }
0x4d6: {  	s15 =	sadd.s32 $0x1C00, s15;
	s16 =	sadd.s32 $0x1C0, s14;
	s14 =	sadd.s32 $0x1000, s14  }
0x4d7: {  	[hbm4b:s16+s6] =	stream.strided.scatter [tilespmem:s15], [sflag:$0x6], $0x400, s12, s6, $0x38;
	[tilespmem:$0x18000] =	vst v63  }
0x4d8: {  	s13 =	simm.s32 $0x0  }
0x4d9: {  	[hbm4b:s9+s6] =	stream.strided.scatter [tilespmem:s13], [sflag:$0x7], $0x400, s12, s6, $0x38;
	[tilespmem:$0x18000] =	vst v63  }
0x4da: {  	s16 =	simm.s32 $0x400;
	s14 =	sadd.s32 $0x40, s9  }
0x4db: {  	[hbm4b:s14+s6] =	stream.strided.scatter [tilespmem:s16], [sflag:$0x7], $0x400, s12, s6, $0x38;
	[tilespmem:$0x18000] =	vst v63  }
0x4dc: {  	s17 =	simm.s32 $0x800;
	s18 =	sadd.s32 $0x80, s9  }
0x4dd: {  	[hbm4b:s18+s6] =	stream.strided.scatter [tilespmem:s17], [sflag:$0x7], $0x400, s12, s6, $0x38;
	[tilespmem:$0x18000] =	vst v63  }
0x4de: {  	s15 =	simm.s32 $0xC00;
	s13 =	simm.s32 $0x8000;
	s16 =	sadd.s32 $0xC0, s9  }
0x4df: {  	[hbm4b:s16+s6] =	stream.strided.scatter [tilespmem:s15], [sflag:$0x7], $0x400, s12, s6, $0x38;
	[tilespmem:$0x18000] =	vst v63  }
0x4e0: {  	s14 =	sadd.s32 $0x1000, s9;
	s17 =	simm.s32 $0x1000;
	s18 =	sadd.s32 $0x100, s9  }
0x4e1: {  	[hbm4b:s18+s6] =	stream.strided.scatter [tilespmem:s17], [sflag:$0x7], $0x400, s12, s6, $0x38;
	[tilespmem:$0x18000] =	vst v63  }
0x4e2: {  	s15 =	simm.s32 $0x1400;
	s16 =	sadd.s32 $0x140, s9;
	s17 =	simm.s32 $0x1800  }
0x4e3: {  	[hbm4b:s16+s6] =	stream.strided.scatter [tilespmem:s15], [sflag:$0x7], $0x400, s12, s6, $0x38;
	[tilespmem:$0x18000] =	vst v63  }
0x4e4: {  	s18 =	sadd.s32 $0x180, s9;
	s15 =	simm.s32 $0x1C00;
	s16 =	sadd.s32 $0x1C0, s9  }
0x4e5: {  	[hbm4b:s18+s6] =	stream.strided.scatter [tilespmem:s17], [sflag:$0x7], $0x400, s12, s6, $0x38;
	[tilespmem:$0x18000] =	vst v63  }
.LBB2_56:
0x4e6: {  	[hbm4b:s16+s6] =	stream.strided.scatter [tilespmem:s15], [sflag:$0x7], $0x400, s12, s6, $0x38;
	[tilespmem:$0x18000] =	vst v63  }
0x4e7: {  	s15 =	sshra.s32 s13, $0x2;
	p0 =	sne.s32 s13, $0x18000;
	s13 =	sadd.s32 $0x8000, s13  }
0x4e8: {  	[hbm4b:s14+s6] =	stream.strided.scatter [tilespmem:s15], [sflag:$0x7], $0x400, s12, s6, $0x38;
	[tilespmem:$0x18000] =	vst v63  }
0x4e9: {  	s17 =	sadd.s32 $0x40, s14;
	s16 =	sadd.s32 $0x400, s15  }
0x4ea: {  	[hbm4b:s17+s6] =	stream.strided.scatter [tilespmem:s16], [sflag:$0x7], $0x400, s12, s6, $0x38;
	[tilespmem:$0x18000] =	vst v63  }
0x4eb: {  	s16 =	sadd.s32 $0x800, s15;
	s17 =	sadd.s32 $0x80, s14  }
0x4ec: {  	[hbm4b:s17+s6] =	stream.strided.scatter [tilespmem:s16], [sflag:$0x7], $0x400, s12, s6, $0x38;
	[tilespmem:$0x18000] =	vst v63  }
0x4ed: {  	s16 =	sadd.s32 $0xC00, s15;
	s17 =	sadd.s32 $0xC0, s14  }
0x4ee: {  	[hbm4b:s17+s6] =	stream.strided.scatter [tilespmem:s16], [sflag:$0x7], $0x400, s12, s6, $0x38;
	[tilespmem:$0x18000] =	vst v63  }
0x4ef: {  	s16 =	sadd.s32 $0x1000, s15;
	s17 =	sadd.s32 $0x100, s14  }
0x4f0: {  	[hbm4b:s17+s6] =	stream.strided.scatter [tilespmem:s16], [sflag:$0x7], $0x400, s12, s6, $0x38;
	[tilespmem:$0x18000] =	vst v63  }
.Ltmp27:
0x4f1: {  	s16 =	sadd.s32 $0x1400, s15;
	s17 =	sadd.s32 $0x140, s14;
	(pc) =	sbr.rel @p0 .LBB2_56-.Ltmp27, $4  }
0x4f2: {  	[hbm4b:s17+s6] =	stream.strided.scatter [tilespmem:s16], [sflag:$0x7], $0x400, s12, s6, $0x38;
	[tilespmem:$0x18000] =	vst v63  }
0x4f3: {  	s16 =	sadd.s32 $0x1800, s15;
	s17 =	sadd.s32 $0x180, s14  }
0x4f4: {  	[hbm4b:s17+s6] =	stream.strided.scatter [tilespmem:s16], [sflag:$0x7], $0x400, s12, s6, $0x38;
	[tilespmem:$0x18000] =	vst v63  }
0x4f5: {  	s15 =	sadd.s32 $0x1C00, s15;
	s16 =	sadd.s32 $0x1C0, s14;
	s14 =	sadd.s32 $0x1000, s14  }
0x4f6: {  	[hbm4b:s16+s6] =	stream.strided.scatter [tilespmem:s15], [sflag:$0x7], $0x400, s12, s6, $0x38;
	[tilespmem:$0x18000] =	vst v63  }
0x4f7: {  	s13 =	simm.s32 $0x8  }
0x4f8: {  	_ =	swait.ge [sflag:s13], $0x8000  }
0x4f9: {  	[sflag:s13] =	ssyncset.done $0x0  }
0x4fa: {  	s18 =	simm.s32 $0x9;
	[sflag:s13] =	ssyncadd.s32 $0xFFFF8000  }
0x4fb: {  	_ =	swait.ge [sflag:s18], $0x8000  }
0x4fc: {  	[sflag:s18] =	ssyncset.done $0x0  }
0x4fd: {  	s14 =	simm.s32 $0xA;
	[sflag:s18] =	ssyncadd.s32 $0xFFFF8000  }
0x4fe: {  	_ =	swait.ge [sflag:s14], $0x8000  }
0x4ff: {  	[sflag:s14] =	ssyncset.done $0x0  }
0x500: {  	s15 =	simm.s32 $0xB;
	[sflag:s14] =	ssyncadd.s32 $0xFFFF8000  }
0x501: {  	_ =	swait.ge [sflag:s15], $0x8000  }
0x502: {  	s16 =	simm.s32 $0x0;
	s17 =	simm.s32 $0x8000;
	[sflag:s15] =	ssyncset.done $0x0  }
0x503: {  	s18 =	simm.s32 $0x2;
	s14 =	rddreg [dreg:$0xc];
	[sflag:s15] =	ssyncadd.s32 $0xFFFF8000  }
0x504: {  	[tilespmem:s17], [sflag:$0x2] =	stream.linear.gather [hbm4b:s14+s16], $0x8000, $0x38;
	[tilespmem:$0x18000] =	vst v63  }
0x505: {  	_ =	swait.ge [sflag:s18], $0x8000  }
0x506: {  	[sflag:s18] =	ssyncset.done $0x0  }
0x507: {  	s14 =	simm.s32 $0x8000;
	[sflag:s18] =	ssyncadd.s32 $0xFFFF8000  }
0x508: {  	[hbm4b:s10+s6] =	stream.strided.scatter [tilespmem:s14], [sflag:$0x8], $0x400, s12, s6, $0x38;
	[tilespmem:$0x18000] =	vst v63  }
0x509: {  	s15 =	simm.s32 $0x8400;
	s16 =	sadd.s32 $0x40, s10  }
0x50a: {  	[hbm4b:s16+s6] =	stream.strided.scatter [tilespmem:s15], [sflag:$0x8], $0x400, s12, s6, $0x38;
	[tilespmem:$0x18000] =	vst v63  }
0x50b: {  	s17 =	simm.s32 $0x8800;
	s18 =	sadd.s32 $0x80, s10  }
0x50c: {  	[hbm4b:s18+s6] =	stream.strided.scatter [tilespmem:s17], [sflag:$0x8], $0x400, s12, s6, $0x38;
	[tilespmem:$0x18000] =	vst v63  }
0x50d: {  	s15 =	simm.s32 $0x8C00;
	s16 =	sadd.s32 $0xC0, s10  }
0x50e: {  	[hbm4b:s16+s6] =	stream.strided.scatter [tilespmem:s15], [sflag:$0x8], $0x400, s12, s6, $0x38;
	[tilespmem:$0x18000] =	vst v63  }
0x50f: {  	s17 =	simm.s32 $0x9000;
	s18 =	sadd.s32 $0x100, s10  }
0x510: {  	[hbm4b:s18+s6] =	stream.strided.scatter [tilespmem:s17], [sflag:$0x8], $0x400, s12, s6, $0x38;
	[tilespmem:$0x18000] =	vst v63  }
0x511: {  	s13 =	simm.s32 $0x2000;
	s15 =	simm.s32 $0x9400;
	s16 =	sadd.s32 $0x140, s10  }
0x512: {  	[hbm4b:s16+s6] =	stream.strided.scatter [tilespmem:s15], [sflag:$0x8], $0x400, s12, s6, $0x38;
	[tilespmem:$0x18000] =	vst v63  }
0x513: {  	s14 =	sadd.s32 $0x1000, s10;
	s17 =	simm.s32 $0x9800;
	s18 =	sadd.s32 $0x180, s10  }
0x514: {  	[hbm4b:s18+s6] =	stream.strided.scatter [tilespmem:s17], [sflag:$0x8], $0x400, s12, s6, $0x38;
	[tilespmem:$0x18000] =	vst v63  }
0x515: {  	s15 =	simm.s32 $0x10000;
	s16 =	simm.s32 $0x9C00;
	s17 =	sadd.s32 $0x1C0, s10  }
.LBB2_58:
0x516: {  	[hbm4b:s17+s6] =	stream.strided.scatter [tilespmem:s16], [sflag:$0x8], $0x400, s12, s6, $0x38;
	[tilespmem:$0x18000] =	vst v63  }
0x517: {  	s16 =	smov.u32 s13;
	s13 =	smov.u32 s15  }
0x518: {  	s18 =	sadd.s32 $0x8000, s15;
	s13 =	sshra.s32 s13, $0x2;
	s17 =	sadd.s32 $0x8000, s16  }
0x519: {  	[hbm4b:s14+s6] =	stream.strided.scatter [tilespmem:s17], [sflag:$0x8], $0x400, s12, s6, $0x38;
	[tilespmem:$0x18000] =	vst v63  }
0x51a: {  	p0 =	sne.s32 s15, $0x18000;
	s15 =	sadd.s32 $0x8400, s16;
	s17 =	sadd.s32 $0x40, s14  }
0x51b: {  	[hbm4b:s17+s6] =	stream.strided.scatter [tilespmem:s15], [sflag:$0x8], $0x400, s12, s6, $0x38;
	[tilespmem:$0x18000] =	vst v63  }
0x51c: {  	s15 =	sadd.s32 $0x8800, s16;
	s17 =	sadd.s32 $0x80, s14  }
0x51d: {  	[hbm4b:s17+s6] =	stream.strided.scatter [tilespmem:s15], [sflag:$0x8], $0x400, s12, s6, $0x38;
	[tilespmem:$0x18000] =	vst v63  }
0x51e: {  	s15 =	sadd.s32 $0x8C00, s16;
	s17 =	sadd.s32 $0xC0, s14  }
0x51f: {  	[hbm4b:s17+s6] =	stream.strided.scatter [tilespmem:s15], [sflag:$0x8], $0x400, s12, s6, $0x38;
	[tilespmem:$0x18000] =	vst v63  }
0x520: {  	s15 =	sadd.s32 $0x9000, s16;
	s17 =	sadd.s32 $0x100, s14  }
0x521: {  	[hbm4b:s17+s6] =	stream.strided.scatter [tilespmem:s15], [sflag:$0x8], $0x400, s12, s6, $0x38;
	[tilespmem:$0x18000] =	vst v63  }
.Ltmp28:
0x522: {  	s15 =	sadd.s32 $0x9400, s16;
	s17 =	sadd.s32 $0x140, s14;
	(pc) =	sbr.rel @p0 .LBB2_58-.Ltmp28, $4  }
0x523: {  	[hbm4b:s17+s6] =	stream.strided.scatter [tilespmem:s15], [sflag:$0x8], $0x400, s12, s6, $0x38;
	[tilespmem:$0x18000] =	vst v63  }
0x524: {  	s15 =	sadd.s32 $0x9800, s16;
	s17 =	sadd.s32 $0x180, s14;
	s16 =	sadd.s32 $0x9C00, s16  }
0x525: {  	[hbm4b:s17+s6] =	stream.strided.scatter [tilespmem:s15], [sflag:$0x8], $0x400, s12, s6, $0x38;
	[tilespmem:$0x18000] =	vst v63  }
0x526: {  	s17 =	sadd.s32 $0x1C0, s14;
	s14 =	sadd.s32 $0x1000, s14;
	s15 =	smov.u32 s18  }
0x527: {  	[hbm4b:s17+s6] =	stream.strided.scatter [tilespmem:s16], [sflag:$0x8], $0x400, s12, s6, $0x38;
	[tilespmem:$0x18000] =	vst v63  }
0x528: {  	s15 =	sadd.s32 $0x8000, s13  }
0x529: {  	[hbm4b:s14+s6] =	stream.strided.scatter [tilespmem:s15], [sflag:$0x8], $0x400, s12, s6, $0x38;
	[tilespmem:$0x18000] =	vst v63  }
0x52a: {  	s17 =	sadd.s32 $0x8400, s13;
	s18 =	sadd.s32 $0x40, s14  }
0x52b: {  	[hbm4b:s18+s6] =	stream.strided.scatter [tilespmem:s17], [sflag:$0x8], $0x400, s12, s6, $0x38;
	[tilespmem:$0x18000] =	vst v63  }
0x52c: {  	s17 =	sadd.s32 $0x8800, s13;
	s18 =	sadd.s32 $0x80, s14  }
0x52d: {  	[hbm4b:s18+s6] =	stream.strided.scatter [tilespmem:s17], [sflag:$0x8], $0x400, s12, s6, $0x38;
	[tilespmem:$0x18000] =	vst v63  }
0x52e: {  	s17 =	sadd.s32 $0x8C00, s13;
	s18 =	sadd.s32 $0xC0, s14  }
0x52f: {  	[hbm4b:s18+s6] =	stream.strided.scatter [tilespmem:s17], [sflag:$0x8], $0x400, s12, s6, $0x38;
	[tilespmem:$0x18000] =	vst v63  }
0x530: {  	s17 =	sadd.s32 $0x9000, s13;
	s18 =	sadd.s32 $0x100, s14  }
0x531: {  	[hbm4b:s18+s6] =	stream.strided.scatter [tilespmem:s17], [sflag:$0x8], $0x400, s12, s6, $0x38;
	[tilespmem:$0x18000] =	vst v63  }
0x532: {  	s17 =	sadd.s32 $0x9400, s13;
	s18 =	sadd.s32 $0x140, s14  }
0x533: {  	[hbm4b:s18+s6] =	stream.strided.scatter [tilespmem:s17], [sflag:$0x8], $0x400, s12, s6, $0x38;
	[tilespmem:$0x18000] =	vst v63  }
0x534: {  	s17 =	sadd.s32 $0x9800, s13;
	s18 =	sadd.s32 $0x180, s14  }
0x535: {  	[hbm4b:s18+s6] =	stream.strided.scatter [tilespmem:s17], [sflag:$0x8], $0x400, s12, s6, $0x38;
	[tilespmem:$0x18000] =	vst v63  }
0x536: {  	s17 =	sadd.s32 $0x9C00, s13;
	s18 =	sadd.s32 $0x1C0, s14  }
0x537: {  	[hbm4b:s18+s6] =	stream.strided.scatter [tilespmem:s17], [sflag:$0x8], $0x400, s12, s6, $0x38;
	[tilespmem:$0x18000] =	vst v63  }
0x538: {  	s14 =	simm.s32 $0x8000  }
0x539: {  	[hbm4b:s11+s6] =	stream.strided.scatter [tilespmem:s14], [sflag:$0x9], $0x400, s12, s6, $0x38;
	[tilespmem:$0x18000] =	vst v63  }
0x53a: {  	s16 =	sadd.s32 $0x40, s11;
	s15 =	simm.s32 $0x8400  }
0x53b: {  	[hbm4b:s16+s6] =	stream.strided.scatter [tilespmem:s15], [sflag:$0x9], $0x400, s12, s6, $0x38;
	[tilespmem:$0x18000] =	vst v63  }
0x53c: {  	s17 =	simm.s32 $0x8800;
	s18 =	sadd.s32 $0x80, s11  }
0x53d: {  	[hbm4b:s18+s6] =	stream.strided.scatter [tilespmem:s17], [sflag:$0x9], $0x400, s12, s6, $0x38;
	[tilespmem:$0x18000] =	vst v63  }
0x53e: {  	s15 =	simm.s32 $0x8C00;
	s16 =	sadd.s32 $0xC0, s11  }
0x53f: {  	[hbm4b:s16+s6] =	stream.strided.scatter [tilespmem:s15], [sflag:$0x9], $0x400, s12, s6, $0x38;
	[tilespmem:$0x18000] =	vst v63  }
0x540: {  	s17 =	simm.s32 $0x9000;
	s18 =	sadd.s32 $0x100, s11  }
0x541: {  	[hbm4b:s18+s6] =	stream.strided.scatter [tilespmem:s17], [sflag:$0x9], $0x400, s12, s6, $0x38;
	[tilespmem:$0x18000] =	vst v63  }
0x542: {  	s13 =	simm.s32 $0x2000;
	s15 =	simm.s32 $0x9400;
	s16 =	sadd.s32 $0x140, s11  }
0x543: {  	[hbm4b:s16+s6] =	stream.strided.scatter [tilespmem:s15], [sflag:$0x9], $0x400, s12, s6, $0x38;
	[tilespmem:$0x18000] =	vst v63  }
0x544: {  	s14 =	sadd.s32 $0x1000, s11;
	s17 =	simm.s32 $0x9800;
	s18 =	sadd.s32 $0x180, s11  }
0x545: {  	[hbm4b:s18+s6] =	stream.strided.scatter [tilespmem:s17], [sflag:$0x9], $0x400, s12, s6, $0x38;
	[tilespmem:$0x18000] =	vst v63  }
0x546: {  	s15 =	simm.s32 $0x10000;
	s16 =	simm.s32 $0x9C00;
	s17 =	sadd.s32 $0x1C0, s11  }
.LBB2_60:
0x547: {  	[hbm4b:s17+s6] =	stream.strided.scatter [tilespmem:s16], [sflag:$0x9], $0x400, s12, s6, $0x38;
	[tilespmem:$0x18000] =	vst v63  }
0x548: {  	s16 =	smov.u32 s13;
	s13 =	smov.u32 s15  }
0x549: {  	s18 =	sadd.s32 $0x8000, s15;
	s13 =	sshra.s32 s13, $0x2;
	s17 =	sadd.s32 $0x8000, s16  }
0x54a: {  	[hbm4b:s14+s6] =	stream.strided.scatter [tilespmem:s17], [sflag:$0x9], $0x400, s12, s6, $0x38;
	[tilespmem:$0x18000] =	vst v63  }
0x54b: {  	p0 =	sne.s32 s15, $0x18000;
	s15 =	sadd.s32 $0x8400, s16;
	s17 =	sadd.s32 $0x40, s14  }
0x54c: {  	[hbm4b:s17+s6] =	stream.strided.scatter [tilespmem:s15], [sflag:$0x9], $0x400, s12, s6, $0x38;
	[tilespmem:$0x18000] =	vst v63  }
0x54d: {  	s15 =	sadd.s32 $0x8800, s16;
	s17 =	sadd.s32 $0x80, s14  }
0x54e: {  	[hbm4b:s17+s6] =	stream.strided.scatter [tilespmem:s15], [sflag:$0x9], $0x400, s12, s6, $0x38;
	[tilespmem:$0x18000] =	vst v63  }
0x54f: {  	s15 =	sadd.s32 $0x8C00, s16;
	s17 =	sadd.s32 $0xC0, s14  }
0x550: {  	[hbm4b:s17+s6] =	stream.strided.scatter [tilespmem:s15], [sflag:$0x9], $0x400, s12, s6, $0x38;
	[tilespmem:$0x18000] =	vst v63  }
0x551: {  	s15 =	sadd.s32 $0x9000, s16;
	s17 =	sadd.s32 $0x100, s14  }
0x552: {  	[hbm4b:s17+s6] =	stream.strided.scatter [tilespmem:s15], [sflag:$0x9], $0x400, s12, s6, $0x38;
	[tilespmem:$0x18000] =	vst v63  }
.Ltmp29:
0x553: {  	s15 =	sadd.s32 $0x9400, s16;
	s17 =	sadd.s32 $0x140, s14;
	(pc) =	sbr.rel @p0 .LBB2_60-.Ltmp29, $4  }
0x554: {  	[hbm4b:s17+s6] =	stream.strided.scatter [tilespmem:s15], [sflag:$0x9], $0x400, s12, s6, $0x38;
	[tilespmem:$0x18000] =	vst v63  }
0x555: {  	s15 =	sadd.s32 $0x9800, s16;
	s17 =	sadd.s32 $0x180, s14;
	s16 =	sadd.s32 $0x9C00, s16  }
0x556: {  	[hbm4b:s17+s6] =	stream.strided.scatter [tilespmem:s15], [sflag:$0x9], $0x400, s12, s6, $0x38;
	[tilespmem:$0x18000] =	vst v63  }
0x557: {  	s17 =	sadd.s32 $0x1C0, s14;
	s14 =	sadd.s32 $0x1000, s14;
	s15 =	smov.u32 s18  }
0x558: {  	[hbm4b:s17+s6] =	stream.strided.scatter [tilespmem:s16], [sflag:$0x9], $0x400, s12, s6, $0x38;
	[tilespmem:$0x18000] =	vst v63  }
0x559: {  	s15 =	sadd.s32 $0x8000, s13  }
0x55a: {  	[hbm4b:s14+s6] =	stream.strided.scatter [tilespmem:s15], [sflag:$0x9], $0x400, s12, s6, $0x38;
	[tilespmem:$0x18000] =	vst v63  }
0x55b: {  	s17 =	sadd.s32 $0x8400, s13;
	s18 =	sadd.s32 $0x40, s14  }
0x55c: {  	[hbm4b:s18+s6] =	stream.strided.scatter [tilespmem:s17], [sflag:$0x9], $0x400, s12, s6, $0x38;
	[tilespmem:$0x18000] =	vst v63  }
0x55d: {  	s17 =	sadd.s32 $0x8800, s13;
	s18 =	sadd.s32 $0x80, s14  }
0x55e: {  	[hbm4b:s18+s6] =	stream.strided.scatter [tilespmem:s17], [sflag:$0x9], $0x400, s12, s6, $0x38;
	[tilespmem:$0x18000] =	vst v63  }
0x55f: {  	s17 =	sadd.s32 $0x8C00, s13;
	s18 =	sadd.s32 $0xC0, s14  }
0x560: {  	[hbm4b:s18+s6] =	stream.strided.scatter [tilespmem:s17], [sflag:$0x9], $0x400, s12, s6, $0x38;
	[tilespmem:$0x18000] =	vst v63  }
0x561: {  	s17 =	sadd.s32 $0x9000, s13;
	s18 =	sadd.s32 $0x100, s14  }
0x562: {  	[hbm4b:s18+s6] =	stream.strided.scatter [tilespmem:s17], [sflag:$0x9], $0x400, s12, s6, $0x38;
	[tilespmem:$0x18000] =	vst v63  }
0x563: {  	s17 =	sadd.s32 $0x9400, s13;
	s18 =	sadd.s32 $0x140, s14  }
0x564: {  	[hbm4b:s18+s6] =	stream.strided.scatter [tilespmem:s17], [sflag:$0x9], $0x400, s12, s6, $0x38;
	[tilespmem:$0x18000] =	vst v63  }
0x565: {  	s17 =	sadd.s32 $0x9800, s13;
	s18 =	sadd.s32 $0x180, s14  }
0x566: {  	[hbm4b:s18+s6] =	stream.strided.scatter [tilespmem:s17], [sflag:$0x9], $0x400, s12, s6, $0x38;
	[tilespmem:$0x18000] =	vst v63  }
0x567: {  	s17 =	sadd.s32 $0x9C00, s13;
	s18 =	sadd.s32 $0x1C0, s14  }
0x568: {  	[hbm4b:s18+s6] =	stream.strided.scatter [tilespmem:s17], [sflag:$0x9], $0x400, s12, s6, $0x38;
	[tilespmem:$0x18000] =	vst v63  }
0x569: {  	s14 =	simm.s32 $0x8000  }
0x56a: {  	[hbm4b:s1+s6] =	stream.strided.scatter [tilespmem:s14], [sflag:$0xA], $0x400, s12, s6, $0x38;
	[tilespmem:$0x18000] =	vst v63  }
0x56b: {  	s16 =	sadd.s32 $0x40, s1;
	s15 =	simm.s32 $0x8400  }
0x56c: {  	[hbm4b:s16+s6] =	stream.strided.scatter [tilespmem:s15], [sflag:$0xA], $0x400, s12, s6, $0x38;
	[tilespmem:$0x18000] =	vst v63  }
0x56d: {  	s17 =	simm.s32 $0x8800;
	s18 =	sadd.s32 $0x80, s1  }
0x56e: {  	[hbm4b:s18+s6] =	stream.strided.scatter [tilespmem:s17], [sflag:$0xA], $0x400, s12, s6, $0x38;
	[tilespmem:$0x18000] =	vst v63  }
0x56f: {  	s15 =	simm.s32 $0x8C00;
	s16 =	sadd.s32 $0xC0, s1  }
0x570: {  	[hbm4b:s16+s6] =	stream.strided.scatter [tilespmem:s15], [sflag:$0xA], $0x400, s12, s6, $0x38;
	[tilespmem:$0x18000] =	vst v63  }
0x571: {  	s17 =	simm.s32 $0x9000;
	s18 =	sadd.s32 $0x100, s1  }
0x572: {  	[hbm4b:s18+s6] =	stream.strided.scatter [tilespmem:s17], [sflag:$0xA], $0x400, s12, s6, $0x38;
	[tilespmem:$0x18000] =	vst v63  }
0x573: {  	s13 =	simm.s32 $0x2000;
	s15 =	simm.s32 $0x9400;
	s16 =	sadd.s32 $0x140, s1  }
0x574: {  	[hbm4b:s16+s6] =	stream.strided.scatter [tilespmem:s15], [sflag:$0xA], $0x400, s12, s6, $0x38;
	[tilespmem:$0x18000] =	vst v63  }
0x575: {  	s14 =	sadd.s32 $0x1000, s1;
	s17 =	simm.s32 $0x9800;
	s18 =	sadd.s32 $0x180, s1  }
0x576: {  	[hbm4b:s18+s6] =	stream.strided.scatter [tilespmem:s17], [sflag:$0xA], $0x400, s12, s6, $0x38;
	[tilespmem:$0x18000] =	vst v63  }
0x577: {  	s15 =	simm.s32 $0x10000;
	s16 =	simm.s32 $0x9C00;
	s17 =	sadd.s32 $0x1C0, s1  }
.LBB2_62:
0x578: {  	[hbm4b:s17+s6] =	stream.strided.scatter [tilespmem:s16], [sflag:$0xA], $0x400, s12, s6, $0x38;
	[tilespmem:$0x18000] =	vst v63  }
0x579: {  	s16 =	smov.u32 s13;
	s13 =	smov.u32 s15  }
0x57a: {  	s18 =	sadd.s32 $0x8000, s15;
	s13 =	sshra.s32 s13, $0x2;
	s17 =	sadd.s32 $0x8000, s16  }
0x57b: {  	[hbm4b:s14+s6] =	stream.strided.scatter [tilespmem:s17], [sflag:$0xA], $0x400, s12, s6, $0x38;
	[tilespmem:$0x18000] =	vst v63  }
0x57c: {  	p0 =	sne.s32 s15, $0x18000;
	s15 =	sadd.s32 $0x8400, s16;
	s17 =	sadd.s32 $0x40, s14  }
0x57d: {  	[hbm4b:s17+s6] =	stream.strided.scatter [tilespmem:s15], [sflag:$0xA], $0x400, s12, s6, $0x38;
	[tilespmem:$0x18000] =	vst v63  }
0x57e: {  	s15 =	sadd.s32 $0x8800, s16;
	s17 =	sadd.s32 $0x80, s14  }
0x57f: {  	[hbm4b:s17+s6] =	stream.strided.scatter [tilespmem:s15], [sflag:$0xA], $0x400, s12, s6, $0x38;
	[tilespmem:$0x18000] =	vst v63  }
0x580: {  	s15 =	sadd.s32 $0x8C00, s16;
	s17 =	sadd.s32 $0xC0, s14  }
0x581: {  	[hbm4b:s17+s6] =	stream.strided.scatter [tilespmem:s15], [sflag:$0xA], $0x400, s12, s6, $0x38;
	[tilespmem:$0x18000] =	vst v63  }
0x582: {  	s15 =	sadd.s32 $0x9000, s16;
	s17 =	sadd.s32 $0x100, s14  }
0x583: {  	[hbm4b:s17+s6] =	stream.strided.scatter [tilespmem:s15], [sflag:$0xA], $0x400, s12, s6, $0x38;
	[tilespmem:$0x18000] =	vst v63  }
.Ltmp30:
0x584: {  	s15 =	sadd.s32 $0x9400, s16;
	s17 =	sadd.s32 $0x140, s14;
	(pc) =	sbr.rel @p0 .LBB2_62-.Ltmp30, $4  }
0x585: {  	[hbm4b:s17+s6] =	stream.strided.scatter [tilespmem:s15], [sflag:$0xA], $0x400, s12, s6, $0x38;
	[tilespmem:$0x18000] =	vst v63  }
0x586: {  	s15 =	sadd.s32 $0x9800, s16;
	s17 =	sadd.s32 $0x180, s14;
	s16 =	sadd.s32 $0x9C00, s16  }
0x587: {  	[hbm4b:s17+s6] =	stream.strided.scatter [tilespmem:s15], [sflag:$0xA], $0x400, s12, s6, $0x38;
	[tilespmem:$0x18000] =	vst v63  }
0x588: {  	s17 =	sadd.s32 $0x1C0, s14;
	s14 =	sadd.s32 $0x1000, s14;
	s15 =	smov.u32 s18  }
0x589: {  	[hbm4b:s17+s6] =	stream.strided.scatter [tilespmem:s16], [sflag:$0xA], $0x400, s12, s6, $0x38;
	[tilespmem:$0x18000] =	vst v63  }
0x58a: {  	s15 =	sadd.s32 $0x8000, s13  }
0x58b: {  	[hbm4b:s14+s6] =	stream.strided.scatter [tilespmem:s15], [sflag:$0xA], $0x400, s12, s6, $0x38;
	[tilespmem:$0x18000] =	vst v63  }
0x58c: {  	s17 =	sadd.s32 $0x8400, s13;
	s18 =	sadd.s32 $0x40, s14  }
0x58d: {  	[hbm4b:s18+s6] =	stream.strided.scatter [tilespmem:s17], [sflag:$0xA], $0x400, s12, s6, $0x38;
	[tilespmem:$0x18000] =	vst v63  }
0x58e: {  	s17 =	sadd.s32 $0x8800, s13;
	s18 =	sadd.s32 $0x80, s14  }
0x58f: {  	[hbm4b:s18+s6] =	stream.strided.scatter [tilespmem:s17], [sflag:$0xA], $0x400, s12, s6, $0x38;
	[tilespmem:$0x18000] =	vst v63  }
0x590: {  	s17 =	sadd.s32 $0x8C00, s13;
	s18 =	sadd.s32 $0xC0, s14  }
0x591: {  	[hbm4b:s18+s6] =	stream.strided.scatter [tilespmem:s17], [sflag:$0xA], $0x400, s12, s6, $0x38;
	[tilespmem:$0x18000] =	vst v63  }
0x592: {  	s17 =	sadd.s32 $0x9000, s13;
	s18 =	sadd.s32 $0x100, s14  }
0x593: {  	[hbm4b:s18+s6] =	stream.strided.scatter [tilespmem:s17], [sflag:$0xA], $0x400, s12, s6, $0x38;
	[tilespmem:$0x18000] =	vst v63  }
0x594: {  	s17 =	sadd.s32 $0x9400, s13;
	s18 =	sadd.s32 $0x140, s14  }
0x595: {  	[hbm4b:s18+s6] =	stream.strided.scatter [tilespmem:s17], [sflag:$0xA], $0x400, s12, s6, $0x38;
	[tilespmem:$0x18000] =	vst v63  }
0x596: {  	s17 =	sadd.s32 $0x9800, s13;
	s18 =	sadd.s32 $0x180, s14  }
0x597: {  	[hbm4b:s18+s6] =	stream.strided.scatter [tilespmem:s17], [sflag:$0xA], $0x400, s12, s6, $0x38;
	[tilespmem:$0x18000] =	vst v63  }
0x598: {  	s17 =	sadd.s32 $0x9C00, s13;
	s18 =	sadd.s32 $0x1C0, s14  }
0x599: {  	[hbm4b:s18+s6] =	stream.strided.scatter [tilespmem:s17], [sflag:$0xA], $0x400, s12, s6, $0x38;
	[tilespmem:$0x18000] =	vst v63  }
0x59a: {  	s14 =	simm.s32 $0x8000  }
0x59b: {  	[hbm4b:s5+s6] =	stream.strided.scatter [tilespmem:s14], [sflag:$0xB], $0x400, s12, s6, $0x38;
	[tilespmem:$0x18000] =	vst v63  }
0x59c: {  	s16 =	sadd.s32 $0x40, s5;
	s15 =	simm.s32 $0x8400  }
0x59d: {  	[hbm4b:s16+s6] =	stream.strided.scatter [tilespmem:s15], [sflag:$0xB], $0x400, s12, s6, $0x38;
	[tilespmem:$0x18000] =	vst v63  }
0x59e: {  	s17 =	simm.s32 $0x8800;
	s18 =	sadd.s32 $0x80, s5  }
0x59f: {  	[hbm4b:s18+s6] =	stream.strided.scatter [tilespmem:s17], [sflag:$0xB], $0x400, s12, s6, $0x38;
	[tilespmem:$0x18000] =	vst v63  }
0x5a0: {  	s15 =	simm.s32 $0x8C00;
	s16 =	sadd.s32 $0xC0, s5  }
0x5a1: {  	[hbm4b:s16+s6] =	stream.strided.scatter [tilespmem:s15], [sflag:$0xB], $0x400, s12, s6, $0x38;
	[tilespmem:$0x18000] =	vst v63  }
0x5a2: {  	s17 =	simm.s32 $0x9000;
	s18 =	sadd.s32 $0x100, s5  }
0x5a3: {  	[hbm4b:s18+s6] =	stream.strided.scatter [tilespmem:s17], [sflag:$0xB], $0x400, s12, s6, $0x38;
	[tilespmem:$0x18000] =	vst v63  }
0x5a4: {  	s13 =	simm.s32 $0x2000;
	s15 =	simm.s32 $0x9400;
	s16 =	sadd.s32 $0x140, s5  }
0x5a5: {  	[hbm4b:s16+s6] =	stream.strided.scatter [tilespmem:s15], [sflag:$0xB], $0x400, s12, s6, $0x38;
	[tilespmem:$0x18000] =	vst v63  }
0x5a6: {  	s14 =	sadd.s32 $0x1000, s5;
	s17 =	simm.s32 $0x9800;
	s18 =	sadd.s32 $0x180, s5  }
0x5a7: {  	[hbm4b:s18+s6] =	stream.strided.scatter [tilespmem:s17], [sflag:$0xB], $0x400, s12, s6, $0x38;
	[tilespmem:$0x18000] =	vst v63  }
0x5a8: {  	s15 =	simm.s32 $0x10000;
	s16 =	simm.s32 $0x9C00;
	s17 =	sadd.s32 $0x1C0, s5  }
.LBB2_64:
0x5a9: {  	[hbm4b:s17+s6] =	stream.strided.scatter [tilespmem:s16], [sflag:$0xB], $0x400, s12, s6, $0x38;
	[tilespmem:$0x18000] =	vst v63  }
0x5aa: {  	s16 =	smov.u32 s13;
	s13 =	smov.u32 s15  }
0x5ab: {  	s18 =	sadd.s32 $0x8000, s15;
	s13 =	sshra.s32 s13, $0x2;
	s17 =	sadd.s32 $0x8000, s16  }
0x5ac: {  	[hbm4b:s14+s6] =	stream.strided.scatter [tilespmem:s17], [sflag:$0xB], $0x400, s12, s6, $0x38;
	[tilespmem:$0x18000] =	vst v63  }
0x5ad: {  	p0 =	sne.s32 s15, $0x18000;
	s15 =	sadd.s32 $0x8400, s16;
	s17 =	sadd.s32 $0x40, s14  }
0x5ae: {  	[hbm4b:s17+s6] =	stream.strided.scatter [tilespmem:s15], [sflag:$0xB], $0x400, s12, s6, $0x38;
	[tilespmem:$0x18000] =	vst v63  }
0x5af: {  	s15 =	sadd.s32 $0x8800, s16;
	s17 =	sadd.s32 $0x80, s14  }
0x5b0: {  	[hbm4b:s17+s6] =	stream.strided.scatter [tilespmem:s15], [sflag:$0xB], $0x400, s12, s6, $0x38;
	[tilespmem:$0x18000] =	vst v63  }
0x5b1: {  	s15 =	sadd.s32 $0x8C00, s16;
	s17 =	sadd.s32 $0xC0, s14  }
0x5b2: {  	[hbm4b:s17+s6] =	stream.strided.scatter [tilespmem:s15], [sflag:$0xB], $0x400, s12, s6, $0x38;
	[tilespmem:$0x18000] =	vst v63  }
0x5b3: {  	s15 =	sadd.s32 $0x9000, s16;
	s17 =	sadd.s32 $0x100, s14  }
0x5b4: {  	[hbm4b:s17+s6] =	stream.strided.scatter [tilespmem:s15], [sflag:$0xB], $0x400, s12, s6, $0x38;
	[tilespmem:$0x18000] =	vst v63  }
.Ltmp31:
0x5b5: {  	s15 =	sadd.s32 $0x9400, s16;
	s17 =	sadd.s32 $0x140, s14;
	(pc) =	sbr.rel @p0 .LBB2_64-.Ltmp31, $4  }
0x5b6: {  	[hbm4b:s17+s6] =	stream.strided.scatter [tilespmem:s15], [sflag:$0xB], $0x400, s12, s6, $0x38;
	[tilespmem:$0x18000] =	vst v63  }
0x5b7: {  	s15 =	sadd.s32 $0x9800, s16;
	s17 =	sadd.s32 $0x180, s14;
	s16 =	sadd.s32 $0x9C00, s16  }
0x5b8: {  	[hbm4b:s17+s6] =	stream.strided.scatter [tilespmem:s15], [sflag:$0xB], $0x400, s12, s6, $0x38;
	[tilespmem:$0x18000] =	vst v63  }
0x5b9: {  	s17 =	sadd.s32 $0x1C0, s14;
	s14 =	sadd.s32 $0x1000, s14;
	s15 =	smov.u32 s18  }
0x5ba: {  	[hbm4b:s17+s6] =	stream.strided.scatter [tilespmem:s16], [sflag:$0xB], $0x400, s12, s6, $0x38;
	[tilespmem:$0x18000] =	vst v63  }
0x5bb: {  	s15 =	sadd.s32 $0x8000, s13  }
0x5bc: {  	[hbm4b:s14+s6] =	stream.strided.scatter [tilespmem:s15], [sflag:$0xB], $0x400, s12, s6, $0x38;
	[tilespmem:$0x18000] =	vst v63  }
0x5bd: {  	s17 =	sadd.s32 $0x8400, s13;
	s18 =	sadd.s32 $0x40, s14  }
0x5be: {  	[hbm4b:s18+s6] =	stream.strided.scatter [tilespmem:s17], [sflag:$0xB], $0x400, s12, s6, $0x38;
	[tilespmem:$0x18000] =	vst v63  }
0x5bf: {  	s17 =	sadd.s32 $0x8800, s13;
	s18 =	sadd.s32 $0x80, s14  }
0x5c0: {  	[hbm4b:s18+s6] =	stream.strided.scatter [tilespmem:s17], [sflag:$0xB], $0x400, s12, s6, $0x38;
	[tilespmem:$0x18000] =	vst v63  }
0x5c1: {  	s17 =	sadd.s32 $0x8C00, s13;
	s18 =	sadd.s32 $0xC0, s14  }
0x5c2: {  	[hbm4b:s18+s6] =	stream.strided.scatter [tilespmem:s17], [sflag:$0xB], $0x400, s12, s6, $0x38;
	[tilespmem:$0x18000] =	vst v63  }
0x5c3: {  	s17 =	sadd.s32 $0x9000, s13;
	s18 =	sadd.s32 $0x100, s14  }
0x5c4: {  	[hbm4b:s18+s6] =	stream.strided.scatter [tilespmem:s17], [sflag:$0xB], $0x400, s12, s6, $0x38;
	[tilespmem:$0x18000] =	vst v63  }
0x5c5: {  	s17 =	sadd.s32 $0x9400, s13;
	s18 =	sadd.s32 $0x140, s14  }
0x5c6: {  	[hbm4b:s18+s6] =	stream.strided.scatter [tilespmem:s17], [sflag:$0xB], $0x400, s12, s6, $0x38;
	[tilespmem:$0x18000] =	vst v63  }
0x5c7: {  	s17 =	sadd.s32 $0x9800, s13;
	s18 =	sadd.s32 $0x180, s14  }
0x5c8: {  	[hbm4b:s18+s6] =	stream.strided.scatter [tilespmem:s17], [sflag:$0xB], $0x400, s12, s6, $0x38;
	[tilespmem:$0x18000] =	vst v63  }
0x5c9: {  	s15 =	simm.s32 $0xC;
	s17 =	sadd.s32 $0x9C00, s13;
	s18 =	sadd.s32 $0x1C0, s14  }
0x5ca: {  	[hbm4b:s18+s6] =	stream.strided.scatter [tilespmem:s17], [sflag:$0xB], $0x400, s12, s6, $0x38;
	[tilespmem:$0x18000] =	vst v63  }
0x5cb: {  	_ =	swait.ge [sflag:s15], $0x8000  }
0x5cc: {  	[sflag:s15] =	ssyncset.done $0x0  }
0x5cd: {  	s16 =	simm.s32 $0xD;
	[sflag:s15] =	ssyncadd.s32 $0xFFFF8000  }
0x5ce: {  	_ =	swait.ge [sflag:s16], $0x8000  }
0x5cf: {  	[sflag:s16] =	ssyncset.done $0x0  }
0x5d0: {  	s17 =	simm.s32 $0xE;
	[sflag:s16] =	ssyncadd.s32 $0xFFFF8000  }
0x5d1: {  	_ =	swait.ge [sflag:s17], $0x8000  }
0x5d2: {  	[sflag:s17] =	ssyncset.done $0x0  }
0x5d3: {  	s18 =	simm.s32 $0xF;
	[sflag:s17] =	ssyncadd.s32 $0xFFFF8000  }
0x5d4: {  	_ =	swait.ge [sflag:s18], $0x8000  }
0x5d5: {  	[sflag:s18] =	ssyncset.done $0x0  }
0x5d6: {  	s14 =	simm.s32 $0x4;
	[sflag:s18] =	ssyncadd.s32 $0xFFFF8000  }
0x5d7: {  	_ =	swait.ge [sflag:s14], $0x8000  }
0x5d8: {  	[sflag:s14] =	ssyncset.done $0x0  }
0x5d9: {  	s15 =	simm.s32 $0x5;
	[sflag:s14] =	ssyncadd.s32 $0xFFFF8000  }
0x5da: {  	_ =	swait.ge [sflag:s15], $0x8000  }
0x5db: {  	[sflag:s15] =	ssyncset.done $0x0  }
0x5dc: {  	s16 =	simm.s32 $0x6;
	[sflag:s15] =	ssyncadd.s32 $0xFFFF8000  }
0x5dd: {  	_ =	swait.ge [sflag:s16], $0x8000  }
0x5de: {  	[sflag:s16] =	ssyncset.done $0x0  }
0x5df: {  	s17 =	simm.s32 $0x7;
	[sflag:s16] =	ssyncadd.s32 $0xFFFF8000  }
0x5e0: {  	_ =	swait.ge [sflag:s17], $0x8000  }
0x5e1: {  	[sflag:s17] =	ssyncset.done $0x0  }
0x5e2: {  	s18 =	simm.s32 $0x8;
	[sflag:s17] =	ssyncadd.s32 $0xFFFF8000  }
0x5e3: {  	_ =	swait.ge [sflag:s18], $0x8000  }
0x5e4: {  	[sflag:s18] =	ssyncset.done $0x0  }
0x5e5: {  	s14 =	simm.s32 $0x9;
	[sflag:s18] =	ssyncadd.s32 $0xFFFF8000  }
0x5e6: {  	_ =	swait.ge [sflag:s14], $0x8000  }
0x5e7: {  	[sflag:s14] =	ssyncset.done $0x0  }
0x5e8: {  	s15 =	simm.s32 $0xA;
	[sflag:s14] =	ssyncadd.s32 $0xFFFF8000  }
0x5e9: {  	_ =	swait.ge [sflag:s15], $0x8000  }
0x5ea: {  	[sflag:s15] =	ssyncset.done $0x0  }
0x5eb: {  	s16 =	simm.s32 $0xB;
	[sflag:s15] =	ssyncadd.s32 $0xFFFF8000  }
0x5ec: {  	_ =	swait.ge [sflag:s16], $0x8000  }
0x5ed: {  	s17 =	rddreg [dreg:$0x15]  }
0x5ee: {  	s18 =	rddreg [dreg:$0x14];
	s15 =	sadd.s32 $0x1, s17  }
0x5ef: {  	p0 =	sne.s32 s15, s18  }
.Ltmp32:
0x5f0: {  	_ = 	snop;
	(pc) =	sbr.rel @p0 .LBB2_1-.Ltmp32, $3  }
0x5f1: {  	_ =	sdelay $0x1  }
0x5f2: {  	[sflag:s16] =	ssyncset.done $0x0  }
0x5f3: {  	[sflag:s16] =	ssyncadd.s32 $0xFFFF8000  }
0x5f4: {  	_ =	sfence.sel $0x180000  }
0x5f5: {  	[bflag:$0x0] =	sbarrier.arrive $0xFFFF  }
0x5f6: {  	_ =	strace $0x90000047  }
0x5f7: {  	s0 =	stileid.u32;
	[bflag:$0x2] =	sbarrier.arrive $0xFFFF  }
0x5f8: {  	p0 =	sne.s32 s0, $0x0;
	s0 =	rddreg [dreg:$0x2]  }
0x5f9: {  	s0 =	sadd.s32 @!p0 $0x100000, s0  }
0x5fa: {  	[sflag:s0] =	ssyncadd.tile.s32 @!p0 $0x1;
	_ =	shalt  }
.Lfunc_end2:
_tile_overlayer_lowered:
.L_overlay_start_2:
0x5fb: {  	(tag) =	ssettag $0x2  }
0x5fc: {  	s0 =	rddreg [dreg:$0x0];
	s2 =	stileid.u32  }
0x5fd: {  	s1 =	rddreg [dreg:$0x1];
	p0 =	sne.s32 s2, $0x0  }
0x5fe: {  	s3 =	rddreg [dreg:$0x2];
	[bflag:$0x3] =	sbarrier.arrive $0xFFFF;
	s2 =	simm.s32 @!p0 $0x1C10  }
0x5ff: {  	[timem:s3], [sflag:s2] =	dma.local @!p0 [hbm:s0], s1  }
0x600: {  	s0 =	simm.s32 @!p0 $0x10  }
0x601: {  	_ =	swait.ge @!p0 [sflag:s0], s1  }
0x602: {  	s1 =	ssub.s32 @!p0 $0x0, s1;
	[sflag:s0] =	ssyncset.done @!p0 $0x0  }
0x603: {  	[sflag:s0] =	ssyncadd.s32 @!p0 s1  }
0x604: {  	[bflag:$0x3] =	sbarrier.arrive $0xFFFF  }
0x605: {  	_ =	shalt  }

</sc_bundles>
